<compile_context>
chip_gen: v7x
topology: tpu7x:2x2x1
jax: 0.10.2.dev20260603
libtpu: 0.0.44.dev20260713+nightly
codegen_flags: <defaults>
</compile_context>

<pallas_src>
import functools

import jax
import jax.numpy as jnp
from jax import lax
from jax.experimental import pallas as pl
from jax.experimental.pallas import tpu as pltpu
from jax.experimental.pallas import tpu_sc as plsc

_H = 32
_W = 32
_D = 768
_LANES = 16
_NSC = 4
_BB = 4

_info = plsc.get_sparse_core_info()
_NC = _info.num_cores
_NS = _info.num_subcores


def _sc_body(x_hbm, row_hbm, col_hbm, out_hbm,
             pe_v, row_v, x_v0, x_v1, si0, si1, so0, so1):
    w = lax.axis_index("s") * _NC + lax.axis_index("c")
    pltpu.sync_copy(col_hbm.at[pl.ds(0, _W)], pe_v)
    pltpu.sync_copy(row_hbm.at[pl.ds(w, 1)], row_v)

    def pe_body(c, carry):
        for k in range(_D // _LANES):
            sl = pl.ds(k * _LANES, _LANES)
            plsc.addupdate(pe_v.at[c, sl], row_v[0, sl])
        return carry

    lax.fori_loop(0, _W, pe_body, 0)

    bufs = (x_v0, x_v1)
    in_sems = (si0, si1)
    out_sems = (so0, so1)
    in_h = [None] * _NSC
    out_h = [None] * _NSC
    in_h[0] = pltpu.async_copy(x_hbm.at[0, pl.ds(w * _W, _W)], bufs[0], in_sems[0])
    for b in range(_NSC):
        cur = bufs[b % 2]
        in_h[b].wait()
        if b + 1 < _NSC:
            if b - 1 >= 0:
                out_h[b - 1].wait()
            in_h[b + 1] = pltpu.async_copy(
                x_hbm.at[b + 1, pl.ds(w * _W, _W)],
                bufs[(b + 1) % 2], in_sems[(b + 1) % 2])

        def add_body(c, carry, cur=cur):
            for k in range(_D // _LANES):
                sl = pl.ds(k * _LANES, _LANES)
                plsc.addupdate(cur.at[c, sl], pe_v[c, sl])
            return carry

        lax.fori_loop(0, _W, add_body, 0)
        out_h[b] = pltpu.async_copy(
            cur, out_hbm.at[b, pl.ds(w * _W, _W)], out_sems[b % 2])
    if _NSC >= 2:
        out_h[_NSC - 2].wait()
    out_h[_NSC - 1].wait()


_sc_add = functools.partial(
    pl.kernel,
    mesh=plsc.VectorSubcoreMesh(core_axis_name="c", subcore_axis_name="s"),
    out_type=jax.ShapeDtypeStruct((_NSC, _H * _W, _D), jnp.float32),
    scratch_types=[
        pltpu.VMEM((_W, _D), jnp.float32),
        pltpu.VMEM((1, _D), jnp.float32),
        pltpu.VMEM((_W, _D), jnp.float32),
        pltpu.VMEM((_W, _D), jnp.float32),
        pltpu.SemaphoreType.DMA,
        pltpu.SemaphoreType.DMA,
        pltpu.SemaphoreType.DMA,
        pltpu.SemaphoreType.DMA,
    ],
)(_sc_body)


def _tc_body(x_ref, row_ref, col_ref, o_ref):
    row = row_ref[...]
    col = col_ref[...]
    pe = (row[:, None, :] + col[None, :, :]).reshape(1, -1, row.shape[-1])
    o_ref[...] = x_ref[...] + pe


def kernel(x, H, W, row_embed, col_embed):
    B, HW, d = x.shape
    return _sc_add(x, row_embed, col_embed)
    tc_out = pl.pallas_call(
        _tc_body,
        grid=((B - _NSC) // _BB,),
        in_specs=[
            pl.BlockSpec((_BB, HW, d), lambda b: (b + _NSC // _BB, 0, 0)),
            pl.BlockSpec((_H, d), lambda b: (0, 0)),
            pl.BlockSpec((_W, d), lambda b: (0, 0)),
        ],
        out_specs=pl.BlockSpec((_BB, HW, d), lambda b: (b + _NSC // _BB, 0, 0)),
        out_shape=jax.ShapeDtypeStruct(x.shape, x.dtype),
        compiler_params=pltpu.CompilerParams(
            dimension_semantics=("arbitrary",),
        ),
    )(x, row_embed, col_embed)
    return lax.dynamic_update_slice(tc_out, sc_out, (0, 0, 0))

# --- scband reference (transcript-rebuilt; emitter-appended) ---
"""Pipeline reference for scband-positional-encoding2-d-54245436948559 (READ-ONLY COPY).

The authoritative reference and input builder live on the scoring server;
editing this copy changes nothing except your own understanding.
"""

import jax, jax.numpy as jnp
import numpy as np


def setup_inputs(seed: int = 0) -> dict:
    key = jax.random.key(seed)
    k1, k2, k3 = jax.random.split(key, 3)
    B, H, W, d_model = 32, 32, 32, 768
    max_h, max_w = 64, 64
    x = jax.random.normal(k1, (B, H * W, d_model), dtype=jnp.float32)
    # trunc_normal_(std=0.02) equivalent: truncated normal in [-2, 2] scaled by std
    row_embed = jax.random.truncated_normal(k2, -2.0, 2.0, (max_h, d_model), dtype=jnp.float32) * 0.02
    col_embed = jax.random.truncated_normal(k3, -2.0, 2.0, (max_w, d_model), dtype=jnp.float32) * 0.02
    return {"x": x, "H": H, "W": W, "row_embed": row_embed, "col_embed": col_embed}


def reference(x, H, W, row_embed, col_embed):
    H_static = 32
    W_static = x.shape[1] // H_static
    hw_dep = (jnp.asarray(H) * 0 + jnp.asarray(W) * 0).astype(jnp.int32)
    # row_indices: [H*W] where token (r, c) -> r
    row_indices = jnp.repeat(jnp.arange(H_static), W_static) + hw_dep
    # col_indices: [H*W] where token (r, c) -> c
    col_indices = jnp.tile(jnp.arange(W_static), H_static) + hw_dep
    row_emb = jnp.take(row_embed, row_indices, axis=0)  # [H*W, d_model]
    col_emb = jnp.take(col_embed, col_indices, axis=0)  # [H*W, d_model]
    pe_2d = row_emb + col_emb                            # [H*W, d_model]
    pe_2d = jnp.broadcast_to(pe_2d[None, :, :], x.shape)  # [B, H*W, d_model]
    return x + pe_2d

if __name__ == "__main__":
    import jax
    _d = setup_inputs()
    print(jax.jit(kernel)(*tuple(_d.values())))

</pallas_src>

<mosaic_0001>
#map = affine_map<(d0, d1) -> (0, 0, 0)>
#map1 = affine_map<(d0, d1) -> (0, 0)>
module attributes {stable_mosaic.version = 14 : i64} {
  func.func @_sc_body(%arg0: i32, %arg1: i32, %arg2: memref<32x1024x768xf32, #tpu.memory_space<hbm>>, %arg3: memref<64x768xf32, #tpu.memory_space<hbm>>, %arg4: memref<64x768xf32, #tpu.memory_space<hbm>>, %arg5: memref<4x1024x768xf32, #tpu.memory_space<hbm>>, %arg6: memref<32x768xf32, #tpu.memory_space<vmem>>, %arg7: memref<1x768xf32, #tpu.memory_space<vmem>>, %arg8: memref<32x768xf32, #tpu.memory_space<vmem>>, %arg9: memref<32x768xf32, #tpu.memory_space<vmem>>, %arg10: memref<!tpu.dma_semaphore, #tpu.memory_space<semaphore_mem>>, %arg11: memref<!tpu.dma_semaphore, #tpu.memory_space<semaphore_mem>>, %arg12: memref<!tpu.dma_semaphore, #tpu.memory_space<semaphore_mem>>, %arg13: memref<!tpu.dma_semaphore, #tpu.memory_space<semaphore_mem>>) attributes {dimension_semantics = [#tpu.dimension_semantics<core_parallel>, #tpu.dimension_semantics<subcore_parallel>], iteration_bounds = array<i64: 2, 16>, scalar_prefetch = 0 : i64, scratch_operands = 8 : i64, tpu.core_type = #tpu.core_type<sc_vector_subcore>, window_params = [{transform_indices = #map}, {transform_indices = #map1}, {transform_indices = #map1}, {transform_indices = #map}]} {
    %mul3A = arith.constant 2 : i32
    %mul3A_0 = arith.muli %arg1, %mul3A : i32
    %add3A = arith.addi %mul3A_0, %arg0 : i32
    "tpu.region"() ({
      %run_scoped3A = tpu.sem_alloc : memref<!tpu.dma_semaphore, #tpu.memory_space<semaphore_mem>>
      %dma_start3A_156 = arith.constant 0 : i32
      %dma_start3A_157 = arith.constant 0 : i32
      %dma_start3A_158 = tpu.memref_slice %arg4[%dma_start3A_156, %dma_start3A_157] : memref<64x768xf32, #tpu.memory_space<hbm>> -> memref<32x768xf32, #tpu.memory_space<hbm>>
      %dma_start3A_159 = arith.constant 0 : i32
      %dma_start3A_160 = arith.constant 0 : i32
      %dma_start3A_161 = tpu.memref_slice %arg4[%dma_start3A_159, %dma_start3A_160] : memref<64x768xf32, #tpu.memory_space<hbm>> -> memref<32x768xf32, #tpu.memory_space<hbm>>
      tpu.enqueue_dma source(%dma_start3A_161 : memref<32x768xf32, #tpu.memory_space<hbm>>) target(%arg6 : memref<32x768xf32, #tpu.memory_space<vmem>>) target_semaphore(%run_scoped3A : memref<!tpu.dma_semaphore, #tpu.memory_space<semaphore_mem>>)
      %dma_wait3A_162 = arith.constant 0 : i32
      %dma_wait3A_163 = arith.constant 0 : i32
      %dma_wait3A_164 = tpu.memref_slice %arg4[%dma_wait3A_162, %dma_wait3A_163] : memref<64x768xf32, #tpu.memory_space<hbm>> -> memref<32x768xf32, #tpu.memory_space<hbm>>
      %dma_wait3A_165 = arith.constant 0 : i32
      %dma_wait3A_166 = arith.constant 0 : i32
      %dma_wait3A_167 = tpu.memref_slice %arg4[%dma_wait3A_165, %dma_wait3A_166] : memref<64x768xf32, #tpu.memory_space<hbm>> -> memref<32x768xf32, #tpu.memory_space<hbm>>
      tpu.wait_dma2 semaphore(%run_scoped3A : memref<!tpu.dma_semaphore, #tpu.memory_space<semaphore_mem>>) src(%dma_wait3A_167 : memref<32x768xf32, #tpu.memory_space<hbm>>) dst(%arg6 : memref<32x768xf32, #tpu.memory_space<vmem>>)
      tpu.yield
    }) : () -> ()
    "tpu.region"() ({
      %run_scoped3A = tpu.sem_alloc : memref<!tpu.dma_semaphore, #tpu.memory_space<semaphore_mem>>
      %dma_start3A_156 = arith.constant 0 : i32
      %dma_start3A_157 = tpu.memref_slice %arg3[%add3A, %dma_start3A_156] : memref<64x768xf32, #tpu.memory_space<hbm>> -> memref<1x768xf32, #tpu.memory_space<hbm>>
      %dma_start3A_158 = arith.constant 0 : i32
      %dma_start3A_159 = tpu.memref_slice %arg3[%add3A, %dma_start3A_158] : memref<64x768xf32, #tpu.memory_space<hbm>> -> memref<1x768xf32, #tpu.memory_space<hbm>>
      tpu.enqueue_dma source(%dma_start3A_159 : memref<1x768xf32, #tpu.memory_space<hbm>>) target(%arg7 : memref<1x768xf32, #tpu.memory_space<vmem>>) target_semaphore(%run_scoped3A : memref<!tpu.dma_semaphore, #tpu.memory_space<semaphore_mem>>)
      %dma_wait3A_160 = arith.constant 0 : i32
      %dma_wait3A_161 = tpu.memref_slice %arg3[%add3A, %dma_wait3A_160] : memref<64x768xf32, #tpu.memory_space<hbm>> -> memref<1x768xf32, #tpu.memory_space<hbm>>
      %dma_wait3A_162 = arith.constant 0 : i32
      %dma_wait3A_163 = tpu.memref_slice %arg3[%add3A, %dma_wait3A_162] : memref<64x768xf32, #tpu.memory_space<hbm>> -> memref<1x768xf32, #tpu.memory_space<hbm>>
      tpu.wait_dma2 semaphore(%run_scoped3A : memref<!tpu.dma_semaphore, #tpu.memory_space<semaphore_mem>>) src(%dma_wait3A_163 : memref<1x768xf32, #tpu.memory_space<hbm>>) dst(%arg7 : memref<1x768xf32, #tpu.memory_space<vmem>>)
      tpu.yield
    }) : () -> ()
    %scan3A = arith.constant 0 : i32
    %scan3A_1 = arith.constant 0 : i32
    %scan3A_2 = arith.constant 32 : i32
    %scan3A_3 = arith.addi %scan3A_1, %scan3A_2 : i32
    %scan3A_4 = arith.constant 1 : i32
    scf.for %scan3A_156 = %scan3A_1 to %scan3A_3 step %scan3A_4  : i32 {
      %get3A = arith.constant 0 : i32
      %get3A_157 = arith.index_cast %get3A : i32 to index
      %get3A_158 = arith.constant 0 : index
      %get3A_159 = tpu.vector_load %arg7[%get3A_157, %get3A_158] {strides = array<i32>} : memref<1x768xf32, #tpu.memory_space<vmem>>, vector<1x16xf32>,
      %get3A_160 = vector.shape_cast %get3A_159 : vector<1x16xf32> to vector<16xf32>
      %swap3A = arith.index_cast %scan3A_156 : i32 to index
      %swap3A_161 = arith.constant 0 : index
      %swap3A_162 = tpu.vector_load %arg6[%swap3A, %swap3A_161] {strides = array<i32>} : memref<32x768xf32, #tpu.memory_space<vmem>>, vector<1x16xf32>,
      %swap3A_163 = vector.shape_cast %swap3A_162 : vector<1x16xf32> to vector<16xf32>
      %swap3A_164 = vector.shape_cast %get3A_160 : vector<16xf32> to vector<1x16xf32>
      tpu.vector_store %arg6[%swap3A, %swap3A_161], %swap3A_164 {add = true, strides = array<i32>} : memref<32x768xf32, #tpu.memory_space<vmem>>, vector<1x16xf32>,
      %get3A_165 = arith.constant 0 : i32
      %get3A_166 = arith.index_cast %get3A_165 : i32 to index
      %get3A_167 = arith.constant 16 : index
      %get3A_168 = tpu.vector_load %arg7[%get3A_166, %get3A_167] {strides = array<i32>} : memref<1x768xf32, #tpu.memory_space<vmem>>, vector<1x16xf32>,
      %get3A_169 = vector.shape_cast %get3A_168 : vector<1x16xf32> to vector<16xf32>
      %swap3A_170 = arith.index_cast %scan3A_156 : i32 to index
      %swap3A_171 = arith.constant 16 : index
      %swap3A_172 = tpu.vector_load %arg6[%swap3A_170, %swap3A_171] {strides = array<i32>} : memref<32x768xf32, #tpu.memory_space<vmem>>, vector<1x16xf32>,
      %swap3A_173 = vector.shape_cast %swap3A_172 : vector<1x16xf32> to vector<16xf32>
      %swap3A_174 = vector.shape_cast %get3A_169 : vector<16xf32> to vector<1x16xf32>
      tpu.vector_store %arg6[%swap3A_170, %swap3A_171], %swap3A_174 {add = true, strides = array<i32>} : memref<32x768xf32, #tpu.memory_space<vmem>>, vector<1x16xf32>,
      %get3A_175 = arith.constant 0 : i32
      %get3A_176 = arith.index_cast %get3A_175 : i32 to index
      %get3A_177 = arith.constant 32 : index
      %get3A_178 = tpu.vector_load %arg7[%get3A_176, %get3A_177] {strides = array<i32>} : memref<1x768xf32, #tpu.memory_space<vmem>>, vector<1x16xf32>,
      %get3A_179 = vector.shape_cast %get3A_178 : vector<1x16xf32> to vector<16xf32>
      %swap3A_180 = arith.index_cast %scan3A_156 : i32 to index
      %swap3A_181 = arith.constant 32 : index
      %swap3A_182 = tpu.vector_load %arg6[%swap3A_180, %swap3A_181] {strides = array<i32>} : memref<32x768xf32, #tpu.memory_space<vmem>>, vector<1x16xf32>,
      %swap3A_183 = vector.shape_cast %swap3A_182 : vector<1x16xf32> to vector<16xf32>
      %swap3A_184 = vector.shape_cast %get3A_179 : vector<16xf32> to vector<1x16xf32>
      tpu.vector_store %arg6[%swap3A_180, %swap3A_181], %swap3A_184 {add = true, strides = array<i32>} : memref<32x768xf32, #tpu.memory_space<vmem>>, vector<1x16xf32>,
      %get3A_185 = arith.constant 0 : i32
      %get3A_186 = arith.index_cast %get3A_185 : i32 to index
      %get3A_187 = arith.constant 48 : index
      %get3A_188 = tpu.vector_load %arg7[%get3A_186, %get3A_187] {strides = array<i32>} : memref<1x768xf32, #tpu.memory_space<vmem>>, vector<1x16xf32>,
      %get3A_189 = vector.shape_cast %get3A_188 : vector<1x16xf32> to vector<16xf32>
      %swap3A_190 = arith.index_cast %scan3A_156 : i32 to index
      %swap3A_191 = arith.constant 48 : index
      %swap3A_192 = tpu.vector_load %arg6[%swap3A_190, %swap3A_191] {strides = array<i32>} : memref<32x768xf32, #tpu.memory_space<vmem>>, vector<1x16xf32>,
      %swap3A_193 = vector.shape_cast %swap3A_192 : vector<1x16xf32> to vector<16xf32>
      %swap3A_194 = vector.shape_cast %get3A_189 : vector<16xf32> to vector<1x16xf32>
      tpu.vector_store %arg6[%swap3A_190, %swap3A_191], %swap3A_194 {add = true, strides = array<i32>} : memref<32x768xf32, #tpu.memory_space<vmem>>, vector<1x16xf32>,
      %get3A_195 = arith.constant 0 : i32
      %get3A_196 = arith.index_cast %get3A_195 : i32 to index
      %get3A_197 = arith.constant 64 : index
      %get3A_198 = tpu.vector_load %arg7[%get3A_196, %get3A_197] {strides = array<i32>} : memref<1x768xf32, #tpu.memory_space<vmem>>, vector<1x16xf32>,
      %get3A_199 = vector.shape_cast %get3A_198 : vector<1x16xf32> to vector<16xf32>
      %swap3A_200 = arith.index_cast %scan3A_156 : i32 to index
      %swap3A_201 = arith.constant 64 : index
      %swap3A_202 = tpu.vector_load %arg6[%swap3A_200, %swap3A_201] {strides = array<i32>} : memref<32x768xf32, #tpu.memory_space<vmem>>, vector<1x16xf32>,
      %swap3A_203 = vector.shape_cast %swap3A_202 : vector<1x16xf32> to vector<16xf32>
      %swap3A_204 = vector.shape_cast %get3A_199 : vector<16xf32> to vector<1x16xf32>
      tpu.vector_store %arg6[%swap3A_200, %swap3A_201], %swap3A_204 {add = true, strides = array<i32>} : memref<32x768xf32, #tpu.memory_space<vmem>>, vector<1x16xf32>,
      %get3A_205 = arith.constant 0 : i32
      %get3A_206 = arith.index_cast %get3A_205 : i32 to index
      %get3A_207 = arith.constant 80 : index
      %get3A_208 = tpu.vector_load %arg7[%get3A_206, %get3A_207] {strides = array<i32>} : memref<1x768xf32, #tpu.memory_space<vmem>>, vector<1x16xf32>,
      %get3A_209 = vector.shape_cast %get3A_208 : vector<1x16xf32> to vector<16xf32>
      %swap3A_210 = arith.index_cast %scan3A_156 : i32 to index
      %swap3A_211 = arith.constant 80 : index
      %swap3A_212 = tpu.vector_load %arg6[%swap3A_210, %swap3A_211] {strides = array<i32>} : memref<32x768xf32, #tpu.memory_space<vmem>>, vector<1x16xf32>,
      %swap3A_213 = vector.shape_cast %swap3A_212 : vector<1x16xf32> to vector<16xf32>
      %swap3A_214 = vector.shape_cast %get3A_209 : vector<16xf32> to vector<1x16xf32>
      tpu.vector_store %arg6[%swap3A_210, %swap3A_211], %swap3A_214 {add = true, strides = array<i32>} : memref<32x768xf32, #tpu.memory_space<vmem>>, vector<1x16xf32>,
      %get3A_215 = arith.constant 0 : i32
      %get3A_216 = arith.index_cast %get3A_215 : i32 to index
      %get3A_217 = arith.constant 96 : index
      %get3A_218 = tpu.vector_load %arg7[%get3A_216, %get3A_217] {strides = array<i32>} : memref<1x768xf32, #tpu.memory_space<vmem>>, vector<1x16xf32>,
      %get3A_219 = vector.shape_cast %get3A_218 : vector<1x16xf32> to vector<16xf32>
      %swap3A_220 = arith.index_cast %scan3A_156 : i32 to index
      %swap3A_221 = arith.constant 96 : index
      %swap3A_222 = tpu.vector_load %arg6[%swap3A_220, %swap3A_221] {strides = array<i32>} : memref<32x768xf32, #tpu.memory_space<vmem>>, vector<1x16xf32>,
      %swap3A_223 = vector.shape_cast %swap3A_222 : vector<1x16xf32> to vector<16xf32>
      %swap3A_224 = vector.shape_cast %get3A_219 : vector<16xf32> to vector<1x16xf32>
      tpu.vector_store %arg6[%swap3A_220, %swap3A_221], %swap3A_224 {add = true, strides = array<i32>} : memref<32x768xf32, #tpu.memory_space<vmem>>, vector<1x16xf32>,
      %get3A_225 = arith.constant 0 : i32
      %get3A_226 = arith.index_cast %get3A_225 : i32 to index
      %get3A_227 = arith.constant 112 : index
      %get3A_228 = tpu.vector_load %arg7[%get3A_226, %get3A_227] {strides = array<i32>} : memref<1x768xf32, #tpu.memory_space<vmem>>, vector<1x16xf32>,
      %get3A_229 = vector.shape_cast %get3A_228 : vector<1x16xf32> to vector<16xf32>
      %swap3A_230 = arith.index_cast %scan3A_156 : i32 to index
      %swap3A_231 = arith.constant 112 : index
      %swap3A_232 = tpu.vector_load %arg6[%swap3A_230, %swap3A_231] {strides = array<i32>} : memref<32x768xf32, #tpu.memory_space<vmem>>, vector<1x16xf32>,
      %swap3A_233 = vector.shape_cast %swap3A_232 : vector<1x16xf32> to vector<16xf32>
      %swap3A_234 = vector.shape_cast %get3A_229 : vector<16xf32> to vector<1x16xf32>
      tpu.vector_store %arg6[%swap3A_230, %swap3A_231], %swap3A_234 {add = true, strides = array<i32>} : memref<32x768xf32, #tpu.memory_space<vmem>>, vector<1x16xf32>,
      %get3A_235 = arith.constant 0 : i32
      %get3A_236 = arith.index_cast %get3A_235 : i32 to index
      %get3A_237 = arith.constant 128 : index
      %get3A_238 = tpu.vector_load %arg7[%get3A_236, %get3A_237] {strides = array<i32>} : memref<1x768xf32, #tpu.memory_space<vmem>>, vector<1x16xf32>,
      %get3A_239 = vector.shape_cast %get3A_238 : vector<1x16xf32> to vector<16xf32>
      %swap3A_240 = arith.index_cast %scan3A_156 : i32 to index
      %swap3A_241 = arith.constant 128 : index
      %swap3A_242 = tpu.vector_load %arg6[%swap3A_240, %swap3A_241] {strides = array<i32>} : memref<32x768xf32, #tpu.memory_space<vmem>>, vector<1x16xf32>,
      %swap3A_243 = vector.shape_cast %swap3A_242 : vector<1x16xf32> to vector<16xf32>
      %swap3A_244 = vector.shape_cast %get3A_239 : vector<16xf32> to vector<1x16xf32>
      tpu.vector_store %arg6[%swap3A_240, %swap3A_241], %swap3A_244 {add = true, strides = array<i32>} : memref<32x768xf32, #tpu.memory_space<vmem>>, vector<1x16xf32>,
      %get3A_245 = arith.constant 0 : i32
      %get3A_246 = arith.index_cast %get3A_245 : i32 to index
      %get3A_247 = arith.constant 144 : index
      %get3A_248 = tpu.vector_load %arg7[%get3A_246, %get3A_247] {strides = array<i32>} : memref<1x768xf32, #tpu.memory_space<vmem>>, vector<1x16xf32>,
      %get3A_249 = vector.shape_cast %get3A_248 : vector<1x16xf32> to vector<16xf32>
      %swap3A_250 = arith.index_cast %scan3A_156 : i32 to index
      %swap3A_251 = arith.constant 144 : index
      %swap3A_252 = tpu.vector_load %arg6[%swap3A_250, %swap3A_251] {strides = array<i32>} : memref<32x768xf32, #tpu.memory_space<vmem>>, vector<1x16xf32>,
      %swap3A_253 = vector.shape_cast %swap3A_252 : vector<1x16xf32> to vector<16xf32>
      %swap3A_254 = vector.shape_cast %get3A_249 : vector<16xf32> to vector<1x16xf32>
      tpu.vector_store %arg6[%swap3A_250, %swap3A_251], %swap3A_254 {add = true, strides = array<i32>} : memref<32x768xf32, #tpu.memory_space<vmem>>, vector<1x16xf32>,
      %get3A_255 = arith.constant 0 : i32
      %get3A_256 = arith.index_cast %get3A_255 : i32 to index
      %get3A_257 = arith.constant 160 : index
      %get3A_258 = tpu.vector_load %arg7[%get3A_256, %get3A_257] {strides = array<i32>} : memref<1x768xf32, #tpu.memory_space<vmem>>, vector<1x16xf32>,
      %get3A_259 = vector.shape_cast %get3A_258 : vector<1x16xf32> to vector<16xf32>
      %swap3A_260 = arith.index_cast %scan3A_156 : i32 to index
      %swap3A_261 = arith.constant 160 : index
      %swap3A_262 = tpu.vector_load %arg6[%swap3A_260, %swap3A_261] {strides = array<i32>} : memref<32x768xf32, #tpu.memory_space<vmem>>, vector<1x16xf32>,
      %swap3A_263 = vector.shape_cast %swap3A_262 : vector<1x16xf32> to vector<16xf32>
      %swap3A_264 = vector.shape_cast %get3A_259 : vector<16xf32> to vector<1x16xf32>
      tpu.vector_store %arg6[%swap3A_260, %swap3A_261], %swap3A_264 {add = true, strides = array<i32>} : memref<32x768xf32, #tpu.memory_space<vmem>>, vector<1x16xf32>,
      %get3A_265 = arith.constant 0 : i32
      %get3A_266 = arith.index_cast %get3A_265 : i32 to index
      %get3A_267 = arith.constant 176 : index
      %get3A_268 = tpu.vector_load %arg7[%get3A_266, %get3A_267] {strides = array<i32>} : memref<1x768xf32, #tpu.memory_space<vmem>>, vector<1x16xf32>,
      %get3A_269 = vector.shape_cast %get3A_268 : vector<1x16xf32> to vector<16xf32>
      %swap3A_270 = arith.index_cast %scan3A_156 : i32 to index
      %swap3A_271 = arith.constant 176 : index
      %swap3A_272 = tpu.vector_load %arg6[%swap3A_270, %swap3A_271] {strides = array<i32>} : memref<32x768xf32, #tpu.memory_space<vmem>>, vector<1x16xf32>,
      %swap3A_273 = vector.shape_cast %swap3A_272 : vector<1x16xf32> to vector<16xf32>
      %swap3A_274 = vector.shape_cast %get3A_269 : vector<16xf32> to vector<1x16xf32>
      tpu.vector_store %arg6[%swap3A_270, %swap3A_271], %swap3A_274 {add = true, strides = array<i32>} : memref<32x768xf32, #tpu.memory_space<vmem>>, vector<1x16xf32>,
      %get3A_275 = arith.constant 0 : i32
      %get3A_276 = arith.index_cast %get3A_275 : i32 to index
      %get3A_277 = arith.constant 192 : index
      %get3A_278 = tpu.vector_load %arg7[%get3A_276, %get3A_277] {strides = array<i32>} : memref<1x768xf32, #tpu.memory_space<vmem>>, vector<1x16xf32>,
      %get3A_279 = vector.shape_cast %get3A_278 : vector<1x16xf32> to vector<16xf32>
      %swap3A_280 = arith.index_cast %scan3A_156 : i32 to index
      %swap3A_281 = arith.constant 192 : index
      %swap3A_282 = tpu.vector_load %arg6[%swap3A_280, %swap3A_281] {strides = array<i32>} : memref<32x768xf32, #tpu.memory_space<vmem>>, vector<1x16xf32>,
      %swap3A_283 = vector.shape_cast %swap3A_282 : vector<1x16xf32> to vector<16xf32>
      %swap3A_284 = vector.shape_cast %get3A_279 : vector<16xf32> to vector<1x16xf32>
      tpu.vector_store %arg6[%swap3A_280, %swap3A_281], %swap3A_284 {add = true, strides = array<i32>} : memref<32x768xf32, #tpu.memory_space<vmem>>, vector<1x16xf32>,
      %get3A_285 = arith.constant 0 : i32
      %get3A_286 = arith.index_cast %get3A_285 : i32 to index
      %get3A_287 = arith.constant 208 : index
      %get3A_288 = tpu.vector_load %arg7[%get3A_286, %get3A_287] {strides = array<i32>} : memref<1x768xf32, #tpu.memory_space<vmem>>, vector<1x16xf32>,
      %get3A_289 = vector.shape_cast %get3A_288 : vector<1x16xf32> to vector<16xf32>
      %swap3A_290 = arith.index_cast %scan3A_156 : i32 to index
      %swap3A_291 = arith.constant 208 : index
      %swap3A_292 = tpu.vector_load %arg6[%swap3A_290, %swap3A_291] {strides = array<i32>} : memref<32x768xf32, #tpu.memory_space<vmem>>, vector<1x16xf32>,
      %swap3A_293 = vector.shape_cast %swap3A_292 : vector<1x16xf32> to vector<16xf32>
      %swap3A_294 = vector.shape_cast %get3A_289 : vector<16xf32> to vector<1x16xf32>
      tpu.vector_store %arg6[%swap3A_290, %swap3A_291], %swap3A_294 {add = true, strides = array<i32>} : memref<32x768xf32, #tpu.memory_space<vmem>>, vector<1x16xf32>,
      %get3A_295 = arith.constant 0 : i32
      %get3A_296 = arith.index_cast %get3A_295 : i32 to index
      %get3A_297 = arith.constant 224 : index
      %get3A_298 = tpu.vector_load %arg7[%get3A_296, %get3A_297] {strides = array<i32>} : memref<1x768xf32, #tpu.memory_space<vmem>>, vector<1x16xf32>,
      %get3A_299 = vector.shape_cast %get3A_298 : vector<1x16xf32> to vector<16xf32>
      %swap3A_300 = arith.index_cast %scan3A_156 : i32 to index
      %swap3A_301 = arith.constant 224 : index
      %swap3A_302 = tpu.vector_load %arg6[%swap3A_300, %swap3A_301] {strides = array<i32>} : memref<32x768xf32, #tpu.memory_space<vmem>>, vector<1x16xf32>,
      %swap3A_303 = vector.shape_cast %swap3A_302 : vector<1x16xf32> to vector<16xf32>
      %swap3A_304 = vector.shape_cast %get3A_299 : vector<16xf32> to vector<1x16xf32>
      tpu.vector_store %arg6[%swap3A_300, %swap3A_301], %swap3A_304 {add = true, strides = array<i32>} : memref<32x768xf32, #tpu.memory_space<vmem>>, vector<1x16xf32>,
      %get3A_305 = arith.constant 0 : i32
      %get3A_306 = arith.index_cast %get3A_305 : i32 to index
      %get3A_307 = arith.constant 240 : index
      %get3A_308 = tpu.vector_load %arg7[%get3A_306, %get3A_307] {strides = array<i32>} : memref<1x768xf32, #tpu.memory_space<vmem>>, vector<1x16xf32>,
      %get3A_309 = vector.shape_cast %get3A_308 : vector<1x16xf32> to vector<16xf32>
      %swap3A_310 = arith.index_cast %scan3A_156 : i32 to index
      %swap3A_311 = arith.constant 240 : index
      %swap3A_312 = tpu.vector_load %arg6[%swap3A_310, %swap3A_311] {strides = array<i32>} : memref<32x768xf32, #tpu.memory_space<vmem>>, vector<1x16xf32>,
      %swap3A_313 = vector.shape_cast %swap3A_312 : vector<1x16xf32> to vector<16xf32>
      %swap3A_314 = vector.shape_cast %get3A_309 : vector<16xf32> to vector<1x16xf32>
      tpu.vector_store %arg6[%swap3A_310, %swap3A_311], %swap3A_314 {add = true, strides = array<i32>} : memref<32x768xf32, #tpu.memory_space<vmem>>, vector<1x16xf32>,
      %get3A_315 = arith.constant 0 : i32
      %get3A_316 = arith.index_cast %get3A_315 : i32 to index
      %get3A_317 = arith.constant 256 : index
      %get3A_318 = tpu.vector_load %arg7[%get3A_316, %get3A_317] {strides = array<i32>} : memref<1x768xf32, #tpu.memory_space<vmem>>, vector<1x16xf32>,
      %get3A_319 = vector.shape_cast %get3A_318 : vector<1x16xf32> to vector<16xf32>
      %swap3A_320 = arith.index_cast %scan3A_156 : i32 to index
      %swap3A_321 = arith.constant 256 : index
      %swap3A_322 = tpu.vector_load %arg6[%swap3A_320, %swap3A_321] {strides = array<i32>} : memref<32x768xf32, #tpu.memory_space<vmem>>, vector<1x16xf32>,
      %swap3A_323 = vector.shape_cast %swap3A_322 : vector<1x16xf32> to vector<16xf32>
      %swap3A_324 = vector.shape_cast %get3A_319 : vector<16xf32> to vector<1x16xf32>
      tpu.vector_store %arg6[%swap3A_320, %swap3A_321], %swap3A_324 {add = true, strides = array<i32>} : memref<32x768xf32, #tpu.memory_space<vmem>>, vector<1x16xf32>,
      %get3A_325 = arith.constant 0 : i32
      %get3A_326 = arith.index_cast %get3A_325 : i32 to index
      %get3A_327 = arith.constant 272 : index
      %get3A_328 = tpu.vector_load %arg7[%get3A_326, %get3A_327] {strides = array<i32>} : memref<1x768xf32, #tpu.memory_space<vmem>>, vector<1x16xf32>,
      %get3A_329 = vector.shape_cast %get3A_328 : vector<1x16xf32> to vector<16xf32>
      %swap3A_330 = arith.index_cast %scan3A_156 : i32 to index
      %swap3A_331 = arith.constant 272 : index
      %swap3A_332 = tpu.vector_load %arg6[%swap3A_330, %swap3A_331] {strides = array<i32>} : memref<32x768xf32, #tpu.memory_space<vmem>>, vector<1x16xf32>,
      %swap3A_333 = vector.shape_cast %swap3A_332 : vector<1x16xf32> to vector<16xf32>
      %swap3A_334 = vector.shape_cast %get3A_329 : vector<16xf32> to vector<1x16xf32>
      tpu.vector_store %arg6[%swap3A_330, %swap3A_331], %swap3A_334 {add = true, strides = array<i32>} : memref<32x768xf32, #tpu.memory_space<vmem>>, vector<1x16xf32>,
      %get3A_335 = arith.constant 0 : i32
      %get3A_336 = arith.index_cast %get3A_335 : i32 to index
      %get3A_337 = arith.constant 288 : index
      %get3A_338 = tpu.vector_load %arg7[%get3A_336, %get3A_337] {strides = array<i32>} : memref<1x768xf32, #tpu.memory_space<vmem>>, vector<1x16xf32>,
      %get3A_339 = vector.shape_cast %get3A_338 : vector<1x16xf32> to vector<16xf32>
      %swap3A_340 = arith.index_cast %scan3A_156 : i32 to index
      %swap3A_341 = arith.constant 288 : index
      %swap3A_342 = tpu.vector_load %arg6[%swap3A_340, %swap3A_341] {strides = array<i32>} : memref<32x768xf32, #tpu.memory_space<vmem>>, vector<1x16xf32>,
      %swap3A_343 = vector.shape_cast %swap3A_342 : vector<1x16xf32> to vector<16xf32>
      %swap3A_344 = vector.shape_cast %get3A_339 : vector<16xf32> to vector<1x16xf32>
      tpu.vector_store %arg6[%swap3A_340, %swap3A_341], %swap3A_344 {add = true, strides = array<i32>} : memref<32x768xf32, #tpu.memory_space<vmem>>, vector<1x16xf32>,
      %get3A_345 = arith.constant 0 : i32
      %get3A_346 = arith.index_cast %get3A_345 : i32 to index
      %get3A_347 = arith.constant 304 : index
      %get3A_348 = tpu.vector_load %arg7[%get3A_346, %get3A_347] {strides = array<i32>} : memref<1x768xf32, #tpu.memory_space<vmem>>, vector<1x16xf32>,
      %get3A_349 = vector.shape_cast %get3A_348 : vector<1x16xf32> to vector<16xf32>
      %swap3A_350 = arith.index_cast %scan3A_156 : i32 to index
      %swap3A_351 = arith.constant 304 : index
      %swap3A_352 = tpu.vector_load %arg6[%swap3A_350, %swap3A_351] {strides = array<i32>} : memref<32x768xf32, #tpu.memory_space<vmem>>, vector<1x16xf32>,
      %swap3A_353 = vector.shape_cast %swap3A_352 : vector<1x16xf32> to vector<16xf32>
      %swap3A_354 = vector.shape_cast %get3A_349 : vector<16xf32> to vector<1x16xf32>
      tpu.vector_store %arg6[%swap3A_350, %swap3A_351], %swap3A_354 {add = true, strides = array<i32>} : memref<32x768xf32, #tpu.memory_space<vmem>>, vector<1x16xf32>,
      %get3A_355 = arith.constant 0 : i32
      %get3A_356 = arith.index_cast %get3A_355 : i32 to index
      %get3A_357 = arith.constant 320 : index
      %get3A_358 = tpu.vector_load %arg7[%get3A_356, %get3A_357] {strides = array<i32>} : memref<1x768xf32, #tpu.memory_space<vmem>>, vector<1x16xf32>,
      %get3A_359 = vector.shape_cast %get3A_358 : vector<1x16xf32> to vector<16xf32>
      %swap3A_360 = arith.index_cast %scan3A_156 : i32 to index
      %swap3A_361 = arith.constant 320 : index
      %swap3A_362 = tpu.vector_load %arg6[%swap3A_360, %swap3A_361] {strides = array<i32>} : memref<32x768xf32, #tpu.memory_space<vmem>>, vector<1x16xf32>,
      %swap3A_363 = vector.shape_cast %swap3A_362 : vector<1x16xf32> to vector<16xf32>
      %swap3A_364 = vector.shape_cast %get3A_359 : vector<16xf32> to vector<1x16xf32>
      tpu.vector_store %arg6[%swap3A_360, %swap3A_361], %swap3A_364 {add = true, strides = array<i32>} : memref<32x768xf32, #tpu.memory_space<vmem>>, vector<1x16xf32>,
      %get3A_365 = arith.constant 0 : i32
      %get3A_366 = arith.index_cast %get3A_365 : i32 to index
      %get3A_367 = arith.constant 336 : index
      %get3A_368 = tpu.vector_load %arg7[%get3A_366, %get3A_367] {strides = array<i32>} : memref<1x768xf32, #tpu.memory_space<vmem>>, vector<1x16xf32>,
      %get3A_369 = vector.shape_cast %get3A_368 : vector<1x16xf32> to vector<16xf32>
      %swap3A_370 = arith.index_cast %scan3A_156 : i32 to index
      %swap3A_371 = arith.constant 336 : index
      %swap3A_372 = tpu.vector_load %arg6[%swap3A_370, %swap3A_371] {strides = array<i32>} : memref<32x768xf32, #tpu.memory_space<vmem>>, vector<1x16xf32>,
      %swap3A_373 = vector.shape_cast %swap3A_372 : vector<1x16xf32> to vector<16xf32>
      %swap3A_374 = vector.shape_cast %get3A_369 : vector<16xf32> to vector<1x16xf32>
      tpu.vector_store %arg6[%swap3A_370, %swap3A_371], %swap3A_374 {add = true, strides = array<i32>} : memref<32x768xf32, #tpu.memory_space<vmem>>, vector<1x16xf32>,
      %get3A_375 = arith.constant 0 : i32
      %get3A_376 = arith.index_cast %get3A_375 : i32 to index
      %get3A_377 = arith.constant 352 : index
      %get3A_378 = tpu.vector_load %arg7[%get3A_376, %get3A_377] {strides = array<i32>} : memref<1x768xf32, #tpu.memory_space<vmem>>, vector<1x16xf32>,
      %get3A_379 = vector.shape_cast %get3A_378 : vector<1x16xf32> to vector<16xf32>
      %swap3A_380 = arith.index_cast %scan3A_156 : i32 to index
      %swap3A_381 = arith.constant 352 : index
      %swap3A_382 = tpu.vector_load %arg6[%swap3A_380, %swap3A_381] {strides = array<i32>} : memref<32x768xf32, #tpu.memory_space<vmem>>, vector<1x16xf32>,
      %swap3A_383 = vector.shape_cast %swap3A_382 : vector<1x16xf32> to vector<16xf32>
      %swap3A_384 = vector.shape_cast %get3A_379 : vector<16xf32> to vector<1x16xf32>
      tpu.vector_store %arg6[%swap3A_380, %swap3A_381], %swap3A_384 {add = true, strides = array<i32>} : memref<32x768xf32, #tpu.memory_space<vmem>>, vector<1x16xf32>,
      %get3A_385 = arith.constant 0 : i32
      %get3A_386 = arith.index_cast %get3A_385 : i32 to index
      %get3A_387 = arith.constant 368 : index
      %get3A_388 = tpu.vector_load %arg7[%get3A_386, %get3A_387] {strides = array<i32>} : memref<1x768xf32, #tpu.memory_space<vmem>>, vector<1x16xf32>,
      %get3A_389 = vector.shape_cast %get3A_388 : vector<1x16xf32> to vector<16xf32>
      %swap3A_390 = arith.index_cast %scan3A_156 : i32 to index
      %swap3A_391 = arith.constant 368 : index
      %swap3A_392 = tpu.vector_load %arg6[%swap3A_390, %swap3A_391] {strides = array<i32>} : memref<32x768xf32, #tpu.memory_space<vmem>>, vector<1x16xf32>,
      %swap3A_393 = vector.shape_cast %swap3A_392 : vector<1x16xf32> to vector<16xf32>
      %swap3A_394 = vector.shape_cast %get3A_389 : vector<16xf32> to vector<1x16xf32>
      tpu.vector_store %arg6[%swap3A_390, %swap3A_391], %swap3A_394 {add = true, strides = array<i32>} : memref<32x768xf32, #tpu.memory_space<vmem>>, vector<1x16xf32>,
      %get3A_395 = arith.constant 0 : i32
      %get3A_396 = arith.index_cast %get3A_395 : i32 to index
      %get3A_397 = arith.constant 384 : index
      %get3A_398 = tpu.vector_load %arg7[%get3A_396, %get3A_397] {strides = array<i32>} : memref<1x768xf32, #tpu.memory_space<vmem>>, vector<1x16xf32>,
      %get3A_399 = vector.shape_cast %get3A_398 : vector<1x16xf32> to vector<16xf32>
      %swap3A_400 = arith.index_cast %scan3A_156 : i32 to index
      %swap3A_401 = arith.constant 384 : index
      %swap3A_402 = tpu.vector_load %arg6[%swap3A_400, %swap3A_401] {strides = array<i32>} : memref<32x768xf32, #tpu.memory_space<vmem>>, vector<1x16xf32>,
      %swap3A_403 = vector.shape_cast %swap3A_402 : vector<1x16xf32> to vector<16xf32>
      %swap3A_404 = vector.shape_cast %get3A_399 : vector<16xf32> to vector<1x16xf32>
      tpu.vector_store %arg6[%swap3A_400, %swap3A_401], %swap3A_404 {add = true, strides = array<i32>} : memref<32x768xf32, #tpu.memory_space<vmem>>, vector<1x16xf32>,
      %get3A_405 = arith.constant 0 : i32
      %get3A_406 = arith.index_cast %get3A_405 : i32 to index
      %get3A_407 = arith.constant 400 : index
      %get3A_408 = tpu.vector_load %arg7[%get3A_406, %get3A_407] {strides = array<i32>} : memref<1x768xf32, #tpu.memory_space<vmem>>, vector<1x16xf32>,
      %get3A_409 = vector.shape_cast %get3A_408 : vector<1x16xf32> to vector<16xf32>
      %swap3A_410 = arith.index_cast %scan3A_156 : i32 to index
      %swap3A_411 = arith.constant 400 : index
      %swap3A_412 = tpu.vector_load %arg6[%swap3A_410, %swap3A_411] {strides = array<i32>} : memref<32x768xf32, #tpu.memory_space<vmem>>, vector<1x16xf32>,
      %swap3A_413 = vector.shape_cast %swap3A_412 : vector<1x16xf32> to vector<16xf32>
      %swap3A_414 = vector.shape_cast %get3A_409 : vector<16xf32> to vector<1x16xf32>
      tpu.vector_store %arg6[%swap3A_410, %swap3A_411], %swap3A_414 {add = true, strides = array<i32>} : memref<32x768xf32, #tpu.memory_space<vmem>>, vector<1x16xf32>,
      %get3A_415 = arith.constant 0 : i32
      %get3A_416 = arith.index_cast %get3A_415 : i32 to index
      %get3A_417 = arith.constant 416 : index
      %get3A_418 = tpu.vector_load %arg7[%get3A_416, %get3A_417] {strides = array<i32>} : memref<1x768xf32, #tpu.memory_space<vmem>>, vector<1x16xf32>,
      %get3A_419 = vector.shape_cast %get3A_418 : vector<1x16xf32> to vector<16xf32>
      %swap3A_420 = arith.index_cast %scan3A_156 : i32 to index
      %swap3A_421 = arith.constant 416 : index
      %swap3A_422 = tpu.vector_load %arg6[%swap3A_420, %swap3A_421] {strides = array<i32>} : memref<32x768xf32, #tpu.memory_space<vmem>>, vector<1x16xf32>,
      %swap3A_423 = vector.shape_cast %swap3A_422 : vector<1x16xf32> to vector<16xf32>
      %swap3A_424 = vector.shape_cast %get3A_419 : vector<16xf32> to vector<1x16xf32>
      tpu.vector_store %arg6[%swap3A_420, %swap3A_421], %swap3A_424 {add = true, strides = array<i32>} : memref<32x768xf32, #tpu.memory_space<vmem>>, vector<1x16xf32>,
      %get3A_425 = arith.constant 0 : i32
      %get3A_426 = arith.index_cast %get3A_425 : i32 to index
      %get3A_427 = arith.constant 432 : index
      %get3A_428 = tpu.vector_load %arg7[%get3A_426, %get3A_427] {strides = array<i32>} : memref<1x768xf32, #tpu.memory_space<vmem>>, vector<1x16xf32>,
      %get3A_429 = vector.shape_cast %get3A_428 : vector<1x16xf32> to vector<16xf32>
      %swap3A_430 = arith.index_cast %scan3A_156 : i32 to index
      %swap3A_431 = arith.constant 432 : index
      %swap3A_432 = tpu.vector_load %arg6[%swap3A_430, %swap3A_431] {strides = array<i32>} : memref<32x768xf32, #tpu.memory_space<vmem>>, vector<1x16xf32>,
      %swap3A_433 = vector.shape_cast %swap3A_432 : vector<1x16xf32> to vector<16xf32>
      %swap3A_434 = vector.shape_cast %get3A_429 : vector<16xf32> to vector<1x16xf32>
      tpu.vector_store %arg6[%swap3A_430, %swap3A_431], %swap3A_434 {add = true, strides = array<i32>} : memref<32x768xf32, #tpu.memory_space<vmem>>, vector<1x16xf32>,
      %get3A_435 = arith.constant 0 : i32
      %get3A_436 = arith.index_cast %get3A_435 : i32 to index
      %get3A_437 = arith.constant 448 : index
      %get3A_438 = tpu.vector_load %arg7[%get3A_436, %get3A_437] {strides = array<i32>} : memref<1x768xf32, #tpu.memory_space<vmem>>, vector<1x16xf32>,
      %get3A_439 = vector.shape_cast %get3A_438 : vector<1x16xf32> to vector<16xf32>
      %swap3A_440 = arith.index_cast %scan3A_156 : i32 to index
      %swap3A_441 = arith.constant 448 : index
      %swap3A_442 = tpu.vector_load %arg6[%swap3A_440, %swap3A_441] {strides = array<i32>} : memref<32x768xf32, #tpu.memory_space<vmem>>, vector<1x16xf32>,
      %swap3A_443 = vector.shape_cast %swap3A_442 : vector<1x16xf32> to vector<16xf32>
      %swap3A_444 = vector.shape_cast %get3A_439 : vector<16xf32> to vector<1x16xf32>
      tpu.vector_store %arg6[%swap3A_440, %swap3A_441], %swap3A_444 {add = true, strides = array<i32>} : memref<32x768xf32, #tpu.memory_space<vmem>>, vector<1x16xf32>,
      %get3A_445 = arith.constant 0 : i32
      %get3A_446 = arith.index_cast %get3A_445 : i32 to index
      %get3A_447 = arith.constant 464 : index
      %get3A_448 = tpu.vector_load %arg7[%get3A_446, %get3A_447] {strides = array<i32>} : memref<1x768xf32, #tpu.memory_space<vmem>>, vector<1x16xf32>,
      %get3A_449 = vector.shape_cast %get3A_448 : vector<1x16xf32> to vector<16xf32>
      %swap3A_450 = arith.index_cast %scan3A_156 : i32 to index
      %swap3A_451 = arith.constant 464 : index
      %swap3A_452 = tpu.vector_load %arg6[%swap3A_450, %swap3A_451] {strides = array<i32>} : memref<32x768xf32, #tpu.memory_space<vmem>>, vector<1x16xf32>,
      %swap3A_453 = vector.shape_cast %swap3A_452 : vector<1x16xf32> to vector<16xf32>
      %swap3A_454 = vector.shape_cast %get3A_449 : vector<16xf32> to vector<1x16xf32>
      tpu.vector_store %arg6[%swap3A_450, %swap3A_451], %swap3A_454 {add = true, strides = array<i32>} : memref<32x768xf32, #tpu.memory_space<vmem>>, vector<1x16xf32>,
      %get3A_455 = arith.constant 0 : i32
      %get3A_456 = arith.index_cast %get3A_455 : i32 to index
      %get3A_457 = arith.constant 480 : index
      %get3A_458 = tpu.vector_load %arg7[%get3A_456, %get3A_457] {strides = array<i32>} : memref<1x768xf32, #tpu.memory_space<vmem>>, vector<1x16xf32>,
      %get3A_459 = vector.shape_cast %get3A_458 : vector<1x16xf32> to vector<16xf32>
      %swap3A_460 = arith.index_cast %scan3A_156 : i32 to index
      %swap3A_461 = arith.constant 480 : index
      %swap3A_462 = tpu.vector_load %arg6[%swap3A_460, %swap3A_461] {strides = array<i32>} : memref<32x768xf32, #tpu.memory_space<vmem>>, vector<1x16xf32>,
      %swap3A_463 = vector.shape_cast %swap3A_462 : vector<1x16xf32> to vector<16xf32>
      %swap3A_464 = vector.shape_cast %get3A_459 : vector<16xf32> to vector<1x16xf32>
      tpu.vector_store %arg6[%swap3A_460, %swap3A_461], %swap3A_464 {add = true, strides = array<i32>} : memref<32x768xf32, #tpu.memory_space<vmem>>, vector<1x16xf32>,
      %get3A_465 = arith.constant 0 : i32
      %get3A_466 = arith.index_cast %get3A_465 : i32 to index
      %get3A_467 = arith.constant 496 : index
      %get3A_468 = tpu.vector_load %arg7[%get3A_466, %get3A_467] {strides = array<i32>} : memref<1x768xf32, #tpu.memory_space<vmem>>, vector<1x16xf32>,
      %get3A_469 = vector.shape_cast %get3A_468 : vector<1x16xf32> to vector<16xf32>
      %swap3A_470 = arith.index_cast %scan3A_156 : i32 to index
      %swap3A_471 = arith.constant 496 : index
      %swap3A_472 = tpu.vector_load %arg6[%swap3A_470, %swap3A_471] {strides = array<i32>} : memref<32x768xf32, #tpu.memory_space<vmem>>, vector<1x16xf32>,
      %swap3A_473 = vector.shape_cast %swap3A_472 : vector<1x16xf32> to vector<16xf32>
      %swap3A_474 = vector.shape_cast %get3A_469 : vector<16xf32> to vector<1x16xf32>
      tpu.vector_store %arg6[%swap3A_470, %swap3A_471], %swap3A_474 {add = true, strides = array<i32>} : memref<32x768xf32, #tpu.memory_space<vmem>>, vector<1x16xf32>,
      %get3A_475 = arith.constant 0 : i32
      %get3A_476 = arith.index_cast %get3A_475 : i32 to index
      %get3A_477 = arith.constant 512 : index
      %get3A_478 = tpu.vector_load %arg7[%get3A_476, %get3A_477] {strides = array<i32>} : memref<1x768xf32, #tpu.memory_space<vmem>>, vector<1x16xf32>,
      %get3A_479 = vector.shape_cast %get3A_478 : vector<1x16xf32> to vector<16xf32>
      %swap3A_480 = arith.index_cast %scan3A_156 : i32 to index
      %swap3A_481 = arith.constant 512 : index
      %swap3A_482 = tpu.vector_load %arg6[%swap3A_480, %swap3A_481] {strides = array<i32>} : memref<32x768xf32, #tpu.memory_space<vmem>>, vector<1x16xf32>,
      %swap3A_483 = vector.shape_cast %swap3A_482 : vector<1x16xf32> to vector<16xf32>
      %swap3A_484 = vector.shape_cast %get3A_479 : vector<16xf32> to vector<1x16xf32>
      tpu.vector_store %arg6[%swap3A_480, %swap3A_481], %swap3A_484 {add = true, strides = array<i32>} : memref<32x768xf32, #tpu.memory_space<vmem>>, vector<1x16xf32>,
      %get3A_485 = arith.constant 0 : i32
      %get3A_486 = arith.index_cast %get3A_485 : i32 to index
      %get3A_487 = arith.constant 528 : index
      %get3A_488 = tpu.vector_load %arg7[%get3A_486, %get3A_487] {strides = array<i32>} : memref<1x768xf32, #tpu.memory_space<vmem>>, vector<1x16xf32>,
      %get3A_489 = vector.shape_cast %get3A_488 : vector<1x16xf32> to vector<16xf32>
      %swap3A_490 = arith.index_cast %scan3A_156 : i32 to index
      %swap3A_491 = arith.constant 528 : index
      %swap3A_492 = tpu.vector_load %arg6[%swap3A_490, %swap3A_491] {strides = array<i32>} : memref<32x768xf32, #tpu.memory_space<vmem>>, vector<1x16xf32>,
      %swap3A_493 = vector.shape_cast %swap3A_492 : vector<1x16xf32> to vector<16xf32>
      %swap3A_494 = vector.shape_cast %get3A_489 : vector<16xf32> to vector<1x16xf32>
      tpu.vector_store %arg6[%swap3A_490, %swap3A_491], %swap3A_494 {add = true, strides = array<i32>} : memref<32x768xf32, #tpu.memory_space<vmem>>, vector<1x16xf32>,
      %get3A_495 = arith.constant 0 : i32
      %get3A_496 = arith.index_cast %get3A_495 : i32 to index
      %get3A_497 = arith.constant 544 : index
      %get3A_498 = tpu.vector_load %arg7[%get3A_496, %get3A_497] {strides = array<i32>} : memref<1x768xf32, #tpu.memory_space<vmem>>, vector<1x16xf32>,
      %get3A_499 = vector.shape_cast %get3A_498 : vector<1x16xf32> to vector<16xf32>
      %swap3A_500 = arith.index_cast %scan3A_156 : i32 to index
      %swap3A_501 = arith.constant 544 : index
      %swap3A_502 = tpu.vector_load %arg6[%swap3A_500, %swap3A_501] {strides = array<i32>} : memref<32x768xf32, #tpu.memory_space<vmem>>, vector<1x16xf32>,
      %swap3A_503 = vector.shape_cast %swap3A_502 : vector<1x16xf32> to vector<16xf32>
      %swap3A_504 = vector.shape_cast %get3A_499 : vector<16xf32> to vector<1x16xf32>
      tpu.vector_store %arg6[%swap3A_500, %swap3A_501], %swap3A_504 {add = true, strides = array<i32>} : memref<32x768xf32, #tpu.memory_space<vmem>>, vector<1x16xf32>,
      %get3A_505 = arith.constant 0 : i32
      %get3A_506 = arith.index_cast %get3A_505 : i32 to index
      %get3A_507 = arith.constant 560 : index
      %get3A_508 = tpu.vector_load %arg7[%get3A_506, %get3A_507] {strides = array<i32>} : memref<1x768xf32, #tpu.memory_space<vmem>>, vector<1x16xf32>,
      %get3A_509 = vector.shape_cast %get3A_508 : vector<1x16xf32> to vector<16xf32>
      %swap3A_510 = arith.index_cast %scan3A_156 : i32 to index
      %swap3A_511 = arith.constant 560 : index
      %swap3A_512 = tpu.vector_load %arg6[%swap3A_510, %swap3A_511] {strides = array<i32>} : memref<32x768xf32, #tpu.memory_space<vmem>>, vector<1x16xf32>,
      %swap3A_513 = vector.shape_cast %swap3A_512 : vector<1x16xf32> to vector<16xf32>
      %swap3A_514 = vector.shape_cast %get3A_509 : vector<16xf32> to vector<1x16xf32>
      tpu.vector_store %arg6[%swap3A_510, %swap3A_511], %swap3A_514 {add = true, strides = array<i32>} : memref<32x768xf32, #tpu.memory_space<vmem>>, vector<1x16xf32>,
      %get3A_515 = arith.constant 0 : i32
      %get3A_516 = arith.index_cast %get3A_515 : i32 to index
      %get3A_517 = arith.constant 576 : index
      %get3A_518 = tpu.vector_load %arg7[%get3A_516, %get3A_517] {strides = array<i32>} : memref<1x768xf32, #tpu.memory_space<vmem>>, vector<1x16xf32>,
      %get3A_519 = vector.shape_cast %get3A_518 : vector<1x16xf32> to vector<16xf32>
      %swap3A_520 = arith.index_cast %scan3A_156 : i32 to index
      %swap3A_521 = arith.constant 576 : index
      %swap3A_522 = tpu.vector_load %arg6[%swap3A_520, %swap3A_521] {strides = array<i32>} : memref<32x768xf32, #tpu.memory_space<vmem>>, vector<1x16xf32>,
      %swap3A_523 = vector.shape_cast %swap3A_522 : vector<1x16xf32> to vector<16xf32>
      %swap3A_524 = vector.shape_cast %get3A_519 : vector<16xf32> to vector<1x16xf32>
      tpu.vector_store %arg6[%swap3A_520, %swap3A_521], %swap3A_524 {add = true, strides = array<i32>} : memref<32x768xf32, #tpu.memory_space<vmem>>, vector<1x16xf32>,
      %get3A_525 = arith.constant 0 : i32
      %get3A_526 = arith.index_cast %get3A_525 : i32 to index
      %get3A_527 = arith.constant 592 : index
      %get3A_528 = tpu.vector_load %arg7[%get3A_526, %get3A_527] {strides = array<i32>} : memref<1x768xf32, #tpu.memory_space<vmem>>, vector<1x16xf32>,
      %get3A_529 = vector.shape_cast %get3A_528 : vector<1x16xf32> to vector<16xf32>
      %swap3A_530 = arith.index_cast %scan3A_156 : i32 to index
      %swap3A_531 = arith.constant 592 : index
      %swap3A_532 = tpu.vector_load %arg6[%swap3A_530, %swap3A_531] {strides = array<i32>} : memref<32x768xf32, #tpu.memory_space<vmem>>, vector<1x16xf32>,
      %swap3A_533 = vector.shape_cast %swap3A_532 : vector<1x16xf32> to vector<16xf32>
      %swap3A_534 = vector.shape_cast %get3A_529 : vector<16xf32> to vector<1x16xf32>
      tpu.vector_store %arg6[%swap3A_530, %swap3A_531], %swap3A_534 {add = true, strides = array<i32>} : memref<32x768xf32, #tpu.memory_space<vmem>>, vector<1x16xf32>,
      %get3A_535 = arith.constant 0 : i32
      %get3A_536 = arith.index_cast %get3A_535 : i32 to index
      %get3A_537 = arith.constant 608 : index
      %get3A_538 = tpu.vector_load %arg7[%get3A_536, %get3A_537] {strides = array<i32>} : memref<1x768xf32, #tpu.memory_space<vmem>>, vector<1x16xf32>,
      %get3A_539 = vector.shape_cast %get3A_538 : vector<1x16xf32> to vector<16xf32>
      %swap3A_540 = arith.index_cast %scan3A_156 : i32 to index
      %swap3A_541 = arith.constant 608 : index
      %swap3A_542 = tpu.vector_load %arg6[%swap3A_540, %swap3A_541] {strides = array<i32>} : memref<32x768xf32, #tpu.memory_space<vmem>>, vector<1x16xf32>,
      %swap3A_543 = vector.shape_cast %swap3A_542 : vector<1x16xf32> to vector<16xf32>
      %swap3A_544 = vector.shape_cast %get3A_539 : vector<16xf32> to vector<1x16xf32>
      tpu.vector_store %arg6[%swap3A_540, %swap3A_541], %swap3A_544 {add = true, strides = array<i32>} : memref<32x768xf32, #tpu.memory_space<vmem>>, vector<1x16xf32>,
      %get3A_545 = arith.constant 0 : i32
      %get3A_546 = arith.index_cast %get3A_545 : i32 to index
      %get3A_547 = arith.constant 624 : index
      %get3A_548 = tpu.vector_load %arg7[%get3A_546, %get3A_547] {strides = array<i32>} : memref<1x768xf32, #tpu.memory_space<vmem>>, vector<1x16xf32>,
      %get3A_549 = vector.shape_cast %get3A_548 : vector<1x16xf32> to vector<16xf32>
      %swap3A_550 = arith.index_cast %scan3A_156 : i32 to index
      %swap3A_551 = arith.constant 624 : index
      %swap3A_552 = tpu.vector_load %arg6[%swap3A_550, %swap3A_551] {strides = array<i32>} : memref<32x768xf32, #tpu.memory_space<vmem>>, vector<1x16xf32>,
      %swap3A_553 = vector.shape_cast %swap3A_552 : vector<1x16xf32> to vector<16xf32>
      %swap3A_554 = vector.shape_cast %get3A_549 : vector<16xf32> to vector<1x16xf32>
      tpu.vector_store %arg6[%swap3A_550, %swap3A_551], %swap3A_554 {add = true, strides = array<i32>} : memref<32x768xf32, #tpu.memory_space<vmem>>, vector<1x16xf32>,
      %get3A_555 = arith.constant 0 : i32
      %get3A_556 = arith.index_cast %get3A_555 : i32 to index
      %get3A_557 = arith.constant 640 : index
      %get3A_558 = tpu.vector_load %arg7[%get3A_556, %get3A_557] {strides = array<i32>} : memref<1x768xf32, #tpu.memory_space<vmem>>, vector<1x16xf32>,
      %get3A_559 = vector.shape_cast %get3A_558 : vector<1x16xf32> to vector<16xf32>
      %swap3A_560 = arith.index_cast %scan3A_156 : i32 to index
      %swap3A_561 = arith.constant 640 : index
      %swap3A_562 = tpu.vector_load %arg6[%swap3A_560, %swap3A_561] {strides = array<i32>} : memref<32x768xf32, #tpu.memory_space<vmem>>, vector<1x16xf32>,
      %swap3A_563 = vector.shape_cast %swap3A_562 : vector<1x16xf32> to vector<16xf32>
      %swap3A_564 = vector.shape_cast %get3A_559 : vector<16xf32> to vector<1x16xf32>
      tpu.vector_store %arg6[%swap3A_560, %swap3A_561], %swap3A_564 {add = true, strides = array<i32>} : memref<32x768xf32, #tpu.memory_space<vmem>>, vector<1x16xf32>,
      %get3A_565 = arith.constant 0 : i32
      %get3A_566 = arith.index_cast %get3A_565 : i32 to index
      %get3A_567 = arith.constant 656 : index
      %get3A_568 = tpu.vector_load %arg7[%get3A_566, %get3A_567] {strides = array<i32>} : memref<1x768xf32, #tpu.memory_space<vmem>>, vector<1x16xf32>,
      %get3A_569 = vector.shape_cast %get3A_568 : vector<1x16xf32> to vector<16xf32>
      %swap3A_570 = arith.index_cast %scan3A_156 : i32 to index
      %swap3A_571 = arith.constant 656 : index
      %swap3A_572 = tpu.vector_load %arg6[%swap3A_570, %swap3A_571] {strides = array<i32>} : memref<32x768xf32, #tpu.memory_space<vmem>>, vector<1x16xf32>,
      %swap3A_573 = vector.shape_cast %swap3A_572 : vector<1x16xf32> to vector<16xf32>
      %swap3A_574 = vector.shape_cast %get3A_569 : vector<16xf32> to vector<1x16xf32>
      tpu.vector_store %arg6[%swap3A_570, %swap3A_571], %swap3A_574 {add = true, strides = array<i32>} : memref<32x768xf32, #tpu.memory_space<vmem>>, vector<1x16xf32>,
      %get3A_575 = arith.constant 0 : i32
      %get3A_576 = arith.index_cast %get3A_575 : i32 to index
      %get3A_577 = arith.constant 672 : index
      %get3A_578 = tpu.vector_load %arg7[%get3A_576, %get3A_577] {strides = array<i32>} : memref<1x768xf32, #tpu.memory_space<vmem>>, vector<1x16xf32>,
      %get3A_579 = vector.shape_cast %get3A_578 : vector<1x16xf32> to vector<16xf32>
      %swap3A_580 = arith.index_cast %scan3A_156 : i32 to index
      %swap3A_581 = arith.constant 672 : index
      %swap3A_582 = tpu.vector_load %arg6[%swap3A_580, %swap3A_581] {strides = array<i32>} : memref<32x768xf32, #tpu.memory_space<vmem>>, vector<1x16xf32>,
      %swap3A_583 = vector.shape_cast %swap3A_582 : vector<1x16xf32> to vector<16xf32>
      %swap3A_584 = vector.shape_cast %get3A_579 : vector<16xf32> to vector<1x16xf32>
      tpu.vector_store %arg6[%swap3A_580, %swap3A_581], %swap3A_584 {add = true, strides = array<i32>} : memref<32x768xf32, #tpu.memory_space<vmem>>, vector<1x16xf32>,
      %get3A_585 = arith.constant 0 : i32
      %get3A_586 = arith.index_cast %get3A_585 : i32 to index
      %get3A_587 = arith.constant 688 : index
      %get3A_588 = tpu.vector_load %arg7[%get3A_586, %get3A_587] {strides = array<i32>} : memref<1x768xf32, #tpu.memory_space<vmem>>, vector<1x16xf32>,
      %get3A_589 = vector.shape_cast %get3A_588 : vector<1x16xf32> to vector<16xf32>
      %swap3A_590 = arith.index_cast %scan3A_156 : i32 to index
      %swap3A_591 = arith.constant 688 : index
      %swap3A_592 = tpu.vector_load %arg6[%swap3A_590, %swap3A_591] {strides = array<i32>} : memref<32x768xf32, #tpu.memory_space<vmem>>, vector<1x16xf32>,
      %swap3A_593 = vector.shape_cast %swap3A_592 : vector<1x16xf32> to vector<16xf32>
      %swap3A_594 = vector.shape_cast %get3A_589 : vector<16xf32> to vector<1x16xf32>
      tpu.vector_store %arg6[%swap3A_590, %swap3A_591], %swap3A_594 {add = true, strides = array<i32>} : memref<32x768xf32, #tpu.memory_space<vmem>>, vector<1x16xf32>,
      %get3A_595 = arith.constant 0 : i32
      %get3A_596 = arith.index_cast %get3A_595 : i32 to index
      %get3A_597 = arith.constant 704 : index
      %get3A_598 = tpu.vector_load %arg7[%get3A_596, %get3A_597] {strides = array<i32>} : memref<1x768xf32, #tpu.memory_space<vmem>>, vector<1x16xf32>,
      %get3A_599 = vector.shape_cast %get3A_598 : vector<1x16xf32> to vector<16xf32>
      %swap3A_600 = arith.index_cast %scan3A_156 : i32 to index
      %swap3A_601 = arith.constant 704 : index
      %swap3A_602 = tpu.vector_load %arg6[%swap3A_600, %swap3A_601] {strides = array<i32>} : memref<32x768xf32, #tpu.memory_space<vmem>>, vector<1x16xf32>,
      %swap3A_603 = vector.shape_cast %swap3A_602 : vector<1x16xf32> to vector<16xf32>
      %swap3A_604 = vector.shape_cast %get3A_599 : vector<16xf32> to vector<1x16xf32>
      tpu.vector_store %arg6[%swap3A_600, %swap3A_601], %swap3A_604 {add = true, strides = array<i32>} : memref<32x768xf32, #tpu.memory_space<vmem>>, vector<1x16xf32>,
      %get3A_605 = arith.constant 0 : i32
      %get3A_606 = arith.index_cast %get3A_605 : i32 to index
      %get3A_607 = arith.constant 720 : index
      %get3A_608 = tpu.vector_load %arg7[%get3A_606, %get3A_607] {strides = array<i32>} : memref<1x768xf32, #tpu.memory_space<vmem>>, vector<1x16xf32>,
      %get3A_609 = vector.shape_cast %get3A_608 : vector<1x16xf32> to vector<16xf32>
      %swap3A_610 = arith.index_cast %scan3A_156 : i32 to index
      %swap3A_611 = arith.constant 720 : index
      %swap3A_612 = tpu.vector_load %arg6[%swap3A_610, %swap3A_611] {strides = array<i32>} : memref<32x768xf32, #tpu.memory_space<vmem>>, vector<1x16xf32>,
      %swap3A_613 = vector.shape_cast %swap3A_612 : vector<1x16xf32> to vector<16xf32>
      %swap3A_614 = vector.shape_cast %get3A_609 : vector<16xf32> to vector<1x16xf32>
      tpu.vector_store %arg6[%swap3A_610, %swap3A_611], %swap3A_614 {add = true, strides = array<i32>} : memref<32x768xf32, #tpu.memory_space<vmem>>, vector<1x16xf32>,
      %get3A_615 = arith.constant 0 : i32
      %get3A_616 = arith.index_cast %get3A_615 : i32 to index
      %get3A_617 = arith.constant 736 : index
      %get3A_618 = tpu.vector_load %arg7[%get3A_616, %get3A_617] {strides = array<i32>} : memref<1x768xf32, #tpu.memory_space<vmem>>, vector<1x16xf32>,
      %get3A_619 = vector.shape_cast %get3A_618 : vector<1x16xf32> to vector<16xf32>
      %swap3A_620 = arith.index_cast %scan3A_156 : i32 to index
      %swap3A_621 = arith.constant 736 : index
      %swap3A_622 = tpu.vector_load %arg6[%swap3A_620, %swap3A_621] {strides = array<i32>} : memref<32x768xf32, #tpu.memory_space<vmem>>, vector<1x16xf32>,
      %swap3A_623 = vector.shape_cast %swap3A_622 : vector<1x16xf32> to vector<16xf32>
      %swap3A_624 = vector.shape_cast %get3A_619 : vector<16xf32> to vector<1x16xf32>
      tpu.vector_store %arg6[%swap3A_620, %swap3A_621], %swap3A_624 {add = true, strides = array<i32>} : memref<32x768xf32, #tpu.memory_space<vmem>>, vector<1x16xf32>,
      %get3A_625 = arith.constant 0 : i32
      %get3A_626 = arith.index_cast %get3A_625 : i32 to index
      %get3A_627 = arith.constant 752 : index
      %get3A_628 = tpu.vector_load %arg7[%get3A_626, %get3A_627] {strides = array<i32>} : memref<1x768xf32, #tpu.memory_space<vmem>>, vector<1x16xf32>,
      %get3A_629 = vector.shape_cast %get3A_628 : vector<1x16xf32> to vector<16xf32>
      %swap3A_630 = arith.index_cast %scan3A_156 : i32 to index
      %swap3A_631 = arith.constant 752 : index
      %swap3A_632 = tpu.vector_load %arg6[%swap3A_630, %swap3A_631] {strides = array<i32>} : memref<32x768xf32, #tpu.memory_space<vmem>>, vector<1x16xf32>,
      %swap3A_633 = vector.shape_cast %swap3A_632 : vector<1x16xf32> to vector<16xf32>
      %swap3A_634 = vector.shape_cast %get3A_629 : vector<16xf32> to vector<1x16xf32>
      tpu.vector_store %arg6[%swap3A_630, %swap3A_631], %swap3A_634 {add = true, strides = array<i32>} : memref<32x768xf32, #tpu.memory_space<vmem>>, vector<1x16xf32>,
    }
    %scan3A_5 = arith.constant 32 : i32
    %mul3A_6 = arith.constant 32 : i32
    %mul3A_7 = arith.muli %add3A, %mul3A_6 : i32
    %dma_start3A = arith.constant 0 : i32
    %dma_start3A_8 = arith.constant 0 : i32
    %dma_start3A_9 = tpu.memref_slice %arg2[%dma_start3A, %mul3A_7, %dma_start3A_8] : memref<32x1024x768xf32, #tpu.memory_space<hbm>> -> memref<1x32x768xf32, #tpu.memory_space<hbm>>
    %dma_start3A_10 = tpu.memref_squeeze %dma_start3A_9 : memref<1x32x768xf32, #tpu.memory_space<hbm>> -> memref<32x768xf32, #tpu.memory_space<hbm>>
    %dma_start3A_11 = arith.constant 0 : i32
    %dma_start3A_12 = tpu.memref_slice %arg2[%dma_start3A, %mul3A_7, %dma_start3A_11] : memref<32x1024x768xf32, #tpu.memory_space<hbm>> -> memref<1x32x768xf32, #tpu.memory_space<hbm>>
    %dma_start3A_13 = tpu.memref_squeeze %dma_start3A_12 : memref<1x32x768xf32, #tpu.memory_space<hbm>> -> memref<32x768xf32, #tpu.memory_space<hbm>>
    tpu.enqueue_dma source(%dma_start3A_13 : memref<32x768xf32, #tpu.memory_space<hbm>>) target(%arg8 : memref<32x768xf32, #tpu.memory_space<vmem>>) target_semaphore(%arg10 : memref<!tpu.dma_semaphore, #tpu.memory_space<semaphore_mem>>)
    %dma_wait3A = arith.constant 0 : i32
    %dma_wait3A_14 = arith.constant 0 : i32
    %dma_wait3A_15 = tpu.memref_slice %arg2[%dma_wait3A, %mul3A_7, %dma_wait3A_14] : memref<32x1024x768xf32, #tpu.memory_space<hbm>> -> memref<1x32x768xf32, #tpu.memory_space<hbm>>
    %dma_wait3A_16 = tpu.memref_squeeze %dma_wait3A_15 : memref<1x32x768xf32, #tpu.memory_space<hbm>> -> memref<32x768xf32, #tpu.memory_space<hbm>>
    %dma_wait3A_17 = arith.constant 0 : i32
    %dma_wait3A_18 = tpu.memref_slice %arg2[%dma_wait3A, %mul3A_7, %dma_wait3A_17] : memref<32x1024x768xf32, #tpu.memory_space<hbm>> -> memref<1x32x768xf32, #tpu.memory_space<hbm>>
    %dma_wait3A_19 = tpu.memref_squeeze %dma_wait3A_18 : memref<1x32x768xf32, #tpu.memory_space<hbm>> -> memref<32x768xf32, #tpu.memory_space<hbm>>
    tpu.wait_dma2 semaphore(%arg10 : memref<!tpu.dma_semaphore, #tpu.memory_space<semaphore_mem>>) src(%dma_wait3A_19 : memref<32x768xf32, #tpu.memory_space<hbm>>) dst(%arg8 : memref<32x768xf32, #tpu.memory_space<vmem>>)
    %mul3A_20 = arith.constant 32 : i32
    %mul3A_21 = arith.muli %add3A, %mul3A_20 : i32
    %dma_start3A_22 = arith.constant 1 : i32
    %dma_start3A_23 = arith.constant 0 : i32
    %dma_start3A_24 = tpu.memref_slice %arg2[%dma_start3A_22, %mul3A_21, %dma_start3A_23] : memref<32x1024x768xf32, #tpu.memory_space<hbm>> -> memref<1x32x768xf32, #tpu.memory_space<hbm>>
    %dma_start3A_25 = tpu.memref_squeeze %dma_start3A_24 : memref<1x32x768xf32, #tpu.memory_space<hbm>> -> memref<32x768xf32, #tpu.memory_space<hbm>>
    %dma_start3A_26 = arith.constant 0 : i32
    %dma_start3A_27 = tpu.memref_slice %arg2[%dma_start3A_22, %mul3A_21, %dma_start3A_26] : memref<32x1024x768xf32, #tpu.memory_space<hbm>> -> memref<1x32x768xf32, #tpu.memory_space<hbm>>
    %dma_start3A_28 = tpu.memref_squeeze %dma_start3A_27 : memref<1x32x768xf32, #tpu.memory_space<hbm>> -> memref<32x768xf32, #tpu.memory_space<hbm>>
    tpu.enqueue_dma source(%dma_start3A_28 : memref<32x768xf32, #tpu.memory_space<hbm>>) target(%arg9 : memref<32x768xf32, #tpu.memory_space<vmem>>) target_semaphore(%arg11 : memref<!tpu.dma_semaphore, #tpu.memory_space<semaphore_mem>>)
    %scan3A_29 = arith.constant 0 : i32
    %scan3A_30 = arith.constant 0 : i32
    %scan3A_31 = arith.constant 32 : i32
    %scan3A_32 = arith.addi %scan3A_30, %scan3A_31 : i32
    %scan3A_33 = arith.constant 1 : i32
    scf.for %scan3A_156 = %scan3A_30 to %scan3A_32 step %scan3A_33  : i32 {
      %get3A = arith.index_cast %scan3A_156 : i32 to index
      %get3A_157 = arith.constant 0 : index
      %get3A_158 = tpu.vector_load %arg6[%get3A, %get3A_157] {strides = array<i32>} : memref<32x768xf32, #tpu.memory_space<vmem>>, vector<1x16xf32>,
      %get3A_159 = vector.shape_cast %get3A_158 : vector<1x16xf32> to vector<16xf32>
      %swap3A = arith.index_cast %scan3A_156 : i32 to index
      %swap3A_160 = arith.constant 0 : index
      %swap3A_161 = tpu.vector_load %arg8[%swap3A, %swap3A_160] {strides = array<i32>} : memref<32x768xf32, #tpu.memory_space<vmem>>, vector<1x16xf32>,
      %swap3A_162 = vector.shape_cast %swap3A_161 : vector<1x16xf32> to vector<16xf32>
      %swap3A_163 = vector.shape_cast %get3A_159 : vector<16xf32> to vector<1x16xf32>
      tpu.vector_store %arg8[%swap3A, %swap3A_160], %swap3A_163 {add = true, strides = array<i32>} : memref<32x768xf32, #tpu.memory_space<vmem>>, vector<1x16xf32>,
      %get3A_164 = arith.index_cast %scan3A_156 : i32 to index
      %get3A_165 = arith.constant 16 : index
      %get3A_166 = tpu.vector_load %arg6[%get3A_164, %get3A_165] {strides = array<i32>} : memref<32x768xf32, #tpu.memory_space<vmem>>, vector<1x16xf32>,
      %get3A_167 = vector.shape_cast %get3A_166 : vector<1x16xf32> to vector<16xf32>
      %swap3A_168 = arith.index_cast %scan3A_156 : i32 to index
      %swap3A_169 = arith.constant 16 : index
      %swap3A_170 = tpu.vector_load %arg8[%swap3A_168, %swap3A_169] {strides = array<i32>} : memref<32x768xf32, #tpu.memory_space<vmem>>, vector<1x16xf32>,
      %swap3A_171 = vector.shape_cast %swap3A_170 : vector<1x16xf32> to vector<16xf32>
      %swap3A_172 = vector.shape_cast %get3A_167 : vector<16xf32> to vector<1x16xf32>
      tpu.vector_store %arg8[%swap3A_168, %swap3A_169], %swap3A_172 {add = true, strides = array<i32>} : memref<32x768xf32, #tpu.memory_space<vmem>>, vector<1x16xf32>,
      %get3A_173 = arith.index_cast %scan3A_156 : i32 to index
      %get3A_174 = arith.constant 32 : index
      %get3A_175 = tpu.vector_load %arg6[%get3A_173, %get3A_174] {strides = array<i32>} : memref<32x768xf32, #tpu.memory_space<vmem>>, vector<1x16xf32>,
      %get3A_176 = vector.shape_cast %get3A_175 : vector<1x16xf32> to vector<16xf32>
      %swap3A_177 = arith.index_cast %scan3A_156 : i32 to index
      %swap3A_178 = arith.constant 32 : index
      %swap3A_179 = tpu.vector_load %arg8[%swap3A_177, %swap3A_178] {strides = array<i32>} : memref<32x768xf32, #tpu.memory_space<vmem>>, vector<1x16xf32>,
      %swap3A_180 = vector.shape_cast %swap3A_179 : vector<1x16xf32> to vector<16xf32>
      %swap3A_181 = vector.shape_cast %get3A_176 : vector<16xf32> to vector<1x16xf32>
      tpu.vector_store %arg8[%swap3A_177, %swap3A_178], %swap3A_181 {add = true, strides = array<i32>} : memref<32x768xf32, #tpu.memory_space<vmem>>, vector<1x16xf32>,
      %get3A_182 = arith.index_cast %scan3A_156 : i32 to index
      %get3A_183 = arith.constant 48 : index
      %get3A_184 = tpu.vector_load %arg6[%get3A_182, %get3A_183] {strides = array<i32>} : memref<32x768xf32, #tpu.memory_space<vmem>>, vector<1x16xf32>,
      %get3A_185 = vector.shape_cast %get3A_184 : vector<1x16xf32> to vector<16xf32>
      %swap3A_186 = arith.index_cast %scan3A_156 : i32 to index
      %swap3A_187 = arith.constant 48 : index
      %swap3A_188 = tpu.vector_load %arg8[%swap3A_186, %swap3A_187] {strides = array<i32>} : memref<32x768xf32, #tpu.memory_space<vmem>>, vector<1x16xf32>,
      %swap3A_189 = vector.shape_cast %swap3A_188 : vector<1x16xf32> to vector<16xf32>
      %swap3A_190 = vector.shape_cast %get3A_185 : vector<16xf32> to vector<1x16xf32>
      tpu.vector_store %arg8[%swap3A_186, %swap3A_187], %swap3A_190 {add = true, strides = array<i32>} : memref<32x768xf32, #tpu.memory_space<vmem>>, vector<1x16xf32>,
      %get3A_191 = arith.index_cast %scan3A_156 : i32 to index
      %get3A_192 = arith.constant 64 : index
      %get3A_193 = tpu.vector_load %arg6[%get3A_191, %get3A_192] {strides = array<i32>} : memref<32x768xf32, #tpu.memory_space<vmem>>, vector<1x16xf32>,
      %get3A_194 = vector.shape_cast %get3A_193 : vector<1x16xf32> to vector<16xf32>
      %swap3A_195 = arith.index_cast %scan3A_156 : i32 to index
      %swap3A_196 = arith.constant 64 : index
      %swap3A_197 = tpu.vector_load %arg8[%swap3A_195, %swap3A_196] {strides = array<i32>} : memref<32x768xf32, #tpu.memory_space<vmem>>, vector<1x16xf32>,
      %swap3A_198 = vector.shape_cast %swap3A_197 : vector<1x16xf32> to vector<16xf32>
      %swap3A_199 = vector.shape_cast %get3A_194 : vector<16xf32> to vector<1x16xf32>
      tpu.vector_store %arg8[%swap3A_195, %swap3A_196], %swap3A_199 {add = true, strides = array<i32>} : memref<32x768xf32, #tpu.memory_space<vmem>>, vector<1x16xf32>,
      %get3A_200 = arith.index_cast %scan3A_156 : i32 to index
      %get3A_201 = arith.constant 80 : index
      %get3A_202 = tpu.vector_load %arg6[%get3A_200, %get3A_201] {strides = array<i32>} : memref<32x768xf32, #tpu.memory_space<vmem>>, vector<1x16xf32>,
      %get3A_203 = vector.shape_cast %get3A_202 : vector<1x16xf32> to vector<16xf32>
      %swap3A_204 = arith.index_cast %scan3A_156 : i32 to index
      %swap3A_205 = arith.constant 80 : index
      %swap3A_206 = tpu.vector_load %arg8[%swap3A_204, %swap3A_205] {strides = array<i32>} : memref<32x768xf32, #tpu.memory_space<vmem>>, vector<1x16xf32>,
      %swap3A_207 = vector.shape_cast %swap3A_206 : vector<1x16xf32> to vector<16xf32>
      %swap3A_208 = vector.shape_cast %get3A_203 : vector<16xf32> to vector<1x16xf32>
      tpu.vector_store %arg8[%swap3A_204, %swap3A_205], %swap3A_208 {add = true, strides = array<i32>} : memref<32x768xf32, #tpu.memory_space<vmem>>, vector<1x16xf32>,
      %get3A_209 = arith.index_cast %scan3A_156 : i32 to index
      %get3A_210 = arith.constant 96 : index
      %get3A_211 = tpu.vector_load %arg6[%get3A_209, %get3A_210] {strides = array<i32>} : memref<32x768xf32, #tpu.memory_space<vmem>>, vector<1x16xf32>,
      %get3A_212 = vector.shape_cast %get3A_211 : vector<1x16xf32> to vector<16xf32>
      %swap3A_213 = arith.index_cast %scan3A_156 : i32 to index
      %swap3A_214 = arith.constant 96 : index
      %swap3A_215 = tpu.vector_load %arg8[%swap3A_213, %swap3A_214] {strides = array<i32>} : memref<32x768xf32, #tpu.memory_space<vmem>>, vector<1x16xf32>,
      %swap3A_216 = vector.shape_cast %swap3A_215 : vector<1x16xf32> to vector<16xf32>
      %swap3A_217 = vector.shape_cast %get3A_212 : vector<16xf32> to vector<1x16xf32>
      tpu.vector_store %arg8[%swap3A_213, %swap3A_214], %swap3A_217 {add = true, strides = array<i32>} : memref<32x768xf32, #tpu.memory_space<vmem>>, vector<1x16xf32>,
      %get3A_218 = arith.index_cast %scan3A_156 : i32 to index
      %get3A_219 = arith.constant 112 : index
      %get3A_220 = tpu.vector_load %arg6[%get3A_218, %get3A_219] {strides = array<i32>} : memref<32x768xf32, #tpu.memory_space<vmem>>, vector<1x16xf32>,
      %get3A_221 = vector.shape_cast %get3A_220 : vector<1x16xf32> to vector<16xf32>
      %swap3A_222 = arith.index_cast %scan3A_156 : i32 to index
      %swap3A_223 = arith.constant 112 : index
      %swap3A_224 = tpu.vector_load %arg8[%swap3A_222, %swap3A_223] {strides = array<i32>} : memref<32x768xf32, #tpu.memory_space<vmem>>, vector<1x16xf32>,
      %swap3A_225 = vector.shape_cast %swap3A_224 : vector<1x16xf32> to vector<16xf32>
      %swap3A_226 = vector.shape_cast %get3A_221 : vector<16xf32> to vector<1x16xf32>
      tpu.vector_store %arg8[%swap3A_222, %swap3A_223], %swap3A_226 {add = true, strides = array<i32>} : memref<32x768xf32, #tpu.memory_space<vmem>>, vector<1x16xf32>,
      %get3A_227 = arith.index_cast %scan3A_156 : i32 to index
      %get3A_228 = arith.constant 128 : index
      %get3A_229 = tpu.vector_load %arg6[%get3A_227, %get3A_228] {strides = array<i32>} : memref<32x768xf32, #tpu.memory_space<vmem>>, vector<1x16xf32>,
      %get3A_230 = vector.shape_cast %get3A_229 : vector<1x16xf32> to vector<16xf32>
      %swap3A_231 = arith.index_cast %scan3A_156 : i32 to index
      %swap3A_232 = arith.constant 128 : index
      %swap3A_233 = tpu.vector_load %arg8[%swap3A_231, %swap3A_232] {strides = array<i32>} : memref<32x768xf32, #tpu.memory_space<vmem>>, vector<1x16xf32>,
      %swap3A_234 = vector.shape_cast %swap3A_233 : vector<1x16xf32> to vector<16xf32>
      %swap3A_235 = vector.shape_cast %get3A_230 : vector<16xf32> to vector<1x16xf32>
      tpu.vector_store %arg8[%swap3A_231, %swap3A_232], %swap3A_235 {add = true, strides = array<i32>} : memref<32x768xf32, #tpu.memory_space<vmem>>, vector<1x16xf32>,
      %get3A_236 = arith.index_cast %scan3A_156 : i32 to index
      %get3A_237 = arith.constant 144 : index
      %get3A_238 = tpu.vector_load %arg6[%get3A_236, %get3A_237] {strides = array<i32>} : memref<32x768xf32, #tpu.memory_space<vmem>>, vector<1x16xf32>,
      %get3A_239 = vector.shape_cast %get3A_238 : vector<1x16xf32> to vector<16xf32>
      %swap3A_240 = arith.index_cast %scan3A_156 : i32 to index
      %swap3A_241 = arith.constant 144 : index
      %swap3A_242 = tpu.vector_load %arg8[%swap3A_240, %swap3A_241] {strides = array<i32>} : memref<32x768xf32, #tpu.memory_space<vmem>>, vector<1x16xf32>,
      %swap3A_243 = vector.shape_cast %swap3A_242 : vector<1x16xf32> to vector<16xf32>
      %swap3A_244 = vector.shape_cast %get3A_239 : vector<16xf32> to vector<1x16xf32>
      tpu.vector_store %arg8[%swap3A_240, %swap3A_241], %swap3A_244 {add = true, strides = array<i32>} : memref<32x768xf32, #tpu.memory_space<vmem>>, vector<1x16xf32>,
      %get3A_245 = arith.index_cast %scan3A_156 : i32 to index
      %get3A_246 = arith.constant 160 : index
      %get3A_247 = tpu.vector_load %arg6[%get3A_245, %get3A_246] {strides = array<i32>} : memref<32x768xf32, #tpu.memory_space<vmem>>, vector<1x16xf32>,
      %get3A_248 = vector.shape_cast %get3A_247 : vector<1x16xf32> to vector<16xf32>
      %swap3A_249 = arith.index_cast %scan3A_156 : i32 to index
      %swap3A_250 = arith.constant 160 : index
      %swap3A_251 = tpu.vector_load %arg8[%swap3A_249, %swap3A_250] {strides = array<i32>} : memref<32x768xf32, #tpu.memory_space<vmem>>, vector<1x16xf32>,
      %swap3A_252 = vector.shape_cast %swap3A_251 : vector<1x16xf32> to vector<16xf32>
      %swap3A_253 = vector.shape_cast %get3A_248 : vector<16xf32> to vector<1x16xf32>
      tpu.vector_store %arg8[%swap3A_249, %swap3A_250], %swap3A_253 {add = true, strides = array<i32>} : memref<32x768xf32, #tpu.memory_space<vmem>>, vector<1x16xf32>,
      %get3A_254 = arith.index_cast %scan3A_156 : i32 to index
      %get3A_255 = arith.constant 176 : index
      %get3A_256 = tpu.vector_load %arg6[%get3A_254, %get3A_255] {strides = array<i32>} : memref<32x768xf32, #tpu.memory_space<vmem>>, vector<1x16xf32>,
      %get3A_257 = vector.shape_cast %get3A_256 : vector<1x16xf32> to vector<16xf32>
      %swap3A_258 = arith.index_cast %scan3A_156 : i32 to index
      %swap3A_259 = arith.constant 176 : index
      %swap3A_260 = tpu.vector_load %arg8[%swap3A_258, %swap3A_259] {strides = array<i32>} : memref<32x768xf32, #tpu.memory_space<vmem>>, vector<1x16xf32>,
      %swap3A_261 = vector.shape_cast %swap3A_260 : vector<1x16xf32> to vector<16xf32>
      %swap3A_262 = vector.shape_cast %get3A_257 : vector<16xf32> to vector<1x16xf32>
      tpu.vector_store %arg8[%swap3A_258, %swap3A_259], %swap3A_262 {add = true, strides = array<i32>} : memref<32x768xf32, #tpu.memory_space<vmem>>, vector<1x16xf32>,
      %get3A_263 = arith.index_cast %scan3A_156 : i32 to index
      %get3A_264 = arith.constant 192 : index
      %get3A_265 = tpu.vector_load %arg6[%get3A_263, %get3A_264] {strides = array<i32>} : memref<32x768xf32, #tpu.memory_space<vmem>>, vector<1x16xf32>,
      %get3A_266 = vector.shape_cast %get3A_265 : vector<1x16xf32> to vector<16xf32>
      %swap3A_267 = arith.index_cast %scan3A_156 : i32 to index
      %swap3A_268 = arith.constant 192 : index
      %swap3A_269 = tpu.vector_load %arg8[%swap3A_267, %swap3A_268] {strides = array<i32>} : memref<32x768xf32, #tpu.memory_space<vmem>>, vector<1x16xf32>,
      %swap3A_270 = vector.shape_cast %swap3A_269 : vector<1x16xf32> to vector<16xf32>
      %swap3A_271 = vector.shape_cast %get3A_266 : vector<16xf32> to vector<1x16xf32>
      tpu.vector_store %arg8[%swap3A_267, %swap3A_268], %swap3A_271 {add = true, strides = array<i32>} : memref<32x768xf32, #tpu.memory_space<vmem>>, vector<1x16xf32>,
      %get3A_272 = arith.index_cast %scan3A_156 : i32 to index
      %get3A_273 = arith.constant 208 : index
      %get3A_274 = tpu.vector_load %arg6[%get3A_272, %get3A_273] {strides = array<i32>} : memref<32x768xf32, #tpu.memory_space<vmem>>, vector<1x16xf32>,
      %get3A_275 = vector.shape_cast %get3A_274 : vector<1x16xf32> to vector<16xf32>
      %swap3A_276 = arith.index_cast %scan3A_156 : i32 to index
      %swap3A_277 = arith.constant 208 : index
      %swap3A_278 = tpu.vector_load %arg8[%swap3A_276, %swap3A_277] {strides = array<i32>} : memref<32x768xf32, #tpu.memory_space<vmem>>, vector<1x16xf32>,
      %swap3A_279 = vector.shape_cast %swap3A_278 : vector<1x16xf32> to vector<16xf32>
      %swap3A_280 = vector.shape_cast %get3A_275 : vector<16xf32> to vector<1x16xf32>
      tpu.vector_store %arg8[%swap3A_276, %swap3A_277], %swap3A_280 {add = true, strides = array<i32>} : memref<32x768xf32, #tpu.memory_space<vmem>>, vector<1x16xf32>,
      %get3A_281 = arith.index_cast %scan3A_156 : i32 to index
      %get3A_282 = arith.constant 224 : index
      %get3A_283 = tpu.vector_load %arg6[%get3A_281, %get3A_282] {strides = array<i32>} : memref<32x768xf32, #tpu.memory_space<vmem>>, vector<1x16xf32>,
      %get3A_284 = vector.shape_cast %get3A_283 : vector<1x16xf32> to vector<16xf32>
      %swap3A_285 = arith.index_cast %scan3A_156 : i32 to index
      %swap3A_286 = arith.constant 224 : index
      %swap3A_287 = tpu.vector_load %arg8[%swap3A_285, %swap3A_286] {strides = array<i32>} : memref<32x768xf32, #tpu.memory_space<vmem>>, vector<1x16xf32>,
      %swap3A_288 = vector.shape_cast %swap3A_287 : vector<1x16xf32> to vector<16xf32>
      %swap3A_289 = vector.shape_cast %get3A_284 : vector<16xf32> to vector<1x16xf32>
      tpu.vector_store %arg8[%swap3A_285, %swap3A_286], %swap3A_289 {add = true, strides = array<i32>} : memref<32x768xf32, #tpu.memory_space<vmem>>, vector<1x16xf32>,
      %get3A_290 = arith.index_cast %scan3A_156 : i32 to index
      %get3A_291 = arith.constant 240 : index
      %get3A_292 = tpu.vector_load %arg6[%get3A_290, %get3A_291] {strides = array<i32>} : memref<32x768xf32, #tpu.memory_space<vmem>>, vector<1x16xf32>,
      %get3A_293 = vector.shape_cast %get3A_292 : vector<1x16xf32> to vector<16xf32>
      %swap3A_294 = arith.index_cast %scan3A_156 : i32 to index
      %swap3A_295 = arith.constant 240 : index
      %swap3A_296 = tpu.vector_load %arg8[%swap3A_294, %swap3A_295] {strides = array<i32>} : memref<32x768xf32, #tpu.memory_space<vmem>>, vector<1x16xf32>,
      %swap3A_297 = vector.shape_cast %swap3A_296 : vector<1x16xf32> to vector<16xf32>
      %swap3A_298 = vector.shape_cast %get3A_293 : vector<16xf32> to vector<1x16xf32>
      tpu.vector_store %arg8[%swap3A_294, %swap3A_295], %swap3A_298 {add = true, strides = array<i32>} : memref<32x768xf32, #tpu.memory_space<vmem>>, vector<1x16xf32>,
      %get3A_299 = arith.index_cast %scan3A_156 : i32 to index
      %get3A_300 = arith.constant 256 : index
      %get3A_301 = tpu.vector_load %arg6[%get3A_299, %get3A_300] {strides = array<i32>} : memref<32x768xf32, #tpu.memory_space<vmem>>, vector<1x16xf32>,
      %get3A_302 = vector.shape_cast %get3A_301 : vector<1x16xf32> to vector<16xf32>
      %swap3A_303 = arith.index_cast %scan3A_156 : i32 to index
      %swap3A_304 = arith.constant 256 : index
      %swap3A_305 = tpu.vector_load %arg8[%swap3A_303, %swap3A_304] {strides = array<i32>} : memref<32x768xf32, #tpu.memory_space<vmem>>, vector<1x16xf32>,
      %swap3A_306 = vector.shape_cast %swap3A_305 : vector<1x16xf32> to vector<16xf32>
      %swap3A_307 = vector.shape_cast %get3A_302 : vector<16xf32> to vector<1x16xf32>
      tpu.vector_store %arg8[%swap3A_303, %swap3A_304], %swap3A_307 {add = true, strides = array<i32>} : memref<32x768xf32, #tpu.memory_space<vmem>>, vector<1x16xf32>,
      %get3A_308 = arith.index_cast %scan3A_156 : i32 to index
      %get3A_309 = arith.constant 272 : index
      %get3A_310 = tpu.vector_load %arg6[%get3A_308, %get3A_309] {strides = array<i32>} : memref<32x768xf32, #tpu.memory_space<vmem>>, vector<1x16xf32>,
      %get3A_311 = vector.shape_cast %get3A_310 : vector<1x16xf32> to vector<16xf32>
      %swap3A_312 = arith.index_cast %scan3A_156 : i32 to index
      %swap3A_313 = arith.constant 272 : index
      %swap3A_314 = tpu.vector_load %arg8[%swap3A_312, %swap3A_313] {strides = array<i32>} : memref<32x768xf32, #tpu.memory_space<vmem>>, vector<1x16xf32>,
      %swap3A_315 = vector.shape_cast %swap3A_314 : vector<1x16xf32> to vector<16xf32>
      %swap3A_316 = vector.shape_cast %get3A_311 : vector<16xf32> to vector<1x16xf32>
      tpu.vector_store %arg8[%swap3A_312, %swap3A_313], %swap3A_316 {add = true, strides = array<i32>} : memref<32x768xf32, #tpu.memory_space<vmem>>, vector<1x16xf32>,
      %get3A_317 = arith.index_cast %scan3A_156 : i32 to index
      %get3A_318 = arith.constant 288 : index
      %get3A_319 = tpu.vector_load %arg6[%get3A_317, %get3A_318] {strides = array<i32>} : memref<32x768xf32, #tpu.memory_space<vmem>>, vector<1x16xf32>,
      %get3A_320 = vector.shape_cast %get3A_319 : vector<1x16xf32> to vector<16xf32>
      %swap3A_321 = arith.index_cast %scan3A_156 : i32 to index
      %swap3A_322 = arith.constant 288 : index
      %swap3A_323 = tpu.vector_load %arg8[%swap3A_321, %swap3A_322] {strides = array<i32>} : memref<32x768xf32, #tpu.memory_space<vmem>>, vector<1x16xf32>,
      %swap3A_324 = vector.shape_cast %swap3A_323 : vector<1x16xf32> to vector<16xf32>
      %swap3A_325 = vector.shape_cast %get3A_320 : vector<16xf32> to vector<1x16xf32>
      tpu.vector_store %arg8[%swap3A_321, %swap3A_322], %swap3A_325 {add = true, strides = array<i32>} : memref<32x768xf32, #tpu.memory_space<vmem>>, vector<1x16xf32>,
      %get3A_326 = arith.index_cast %scan3A_156 : i32 to index
      %get3A_327 = arith.constant 304 : index
      %get3A_328 = tpu.vector_load %arg6[%get3A_326, %get3A_327] {strides = array<i32>} : memref<32x768xf32, #tpu.memory_space<vmem>>, vector<1x16xf32>,
      %get3A_329 = vector.shape_cast %get3A_328 : vector<1x16xf32> to vector<16xf32>
      %swap3A_330 = arith.index_cast %scan3A_156 : i32 to index
      %swap3A_331 = arith.constant 304 : index
      %swap3A_332 = tpu.vector_load %arg8[%swap3A_330, %swap3A_331] {strides = array<i32>} : memref<32x768xf32, #tpu.memory_space<vmem>>, vector<1x16xf32>,
      %swap3A_333 = vector.shape_cast %swap3A_332 : vector<1x16xf32> to vector<16xf32>
      %swap3A_334 = vector.shape_cast %get3A_329 : vector<16xf32> to vector<1x16xf32>
      tpu.vector_store %arg8[%swap3A_330, %swap3A_331], %swap3A_334 {add = true, strides = array<i32>} : memref<32x768xf32, #tpu.memory_space<vmem>>, vector<1x16xf32>,
      %get3A_335 = arith.index_cast %scan3A_156 : i32 to index
      %get3A_336 = arith.constant 320 : index
      %get3A_337 = tpu.vector_load %arg6[%get3A_335, %get3A_336] {strides = array<i32>} : memref<32x768xf32, #tpu.memory_space<vmem>>, vector<1x16xf32>,
      %get3A_338 = vector.shape_cast %get3A_337 : vector<1x16xf32> to vector<16xf32>
      %swap3A_339 = arith.index_cast %scan3A_156 : i32 to index
      %swap3A_340 = arith.constant 320 : index
      %swap3A_341 = tpu.vector_load %arg8[%swap3A_339, %swap3A_340] {strides = array<i32>} : memref<32x768xf32, #tpu.memory_space<vmem>>, vector<1x16xf32>,
      %swap3A_342 = vector.shape_cast %swap3A_341 : vector<1x16xf32> to vector<16xf32>
      %swap3A_343 = vector.shape_cast %get3A_338 : vector<16xf32> to vector<1x16xf32>
      tpu.vector_store %arg8[%swap3A_339, %swap3A_340], %swap3A_343 {add = true, strides = array<i32>} : memref<32x768xf32, #tpu.memory_space<vmem>>, vector<1x16xf32>,
      %get3A_344 = arith.index_cast %scan3A_156 : i32 to index
      %get3A_345 = arith.constant 336 : index
      %get3A_346 = tpu.vector_load %arg6[%get3A_344, %get3A_345] {strides = array<i32>} : memref<32x768xf32, #tpu.memory_space<vmem>>, vector<1x16xf32>,
      %get3A_347 = vector.shape_cast %get3A_346 : vector<1x16xf32> to vector<16xf32>
      %swap3A_348 = arith.index_cast %scan3A_156 : i32 to index
      %swap3A_349 = arith.constant 336 : index
      %swap3A_350 = tpu.vector_load %arg8[%swap3A_348, %swap3A_349] {strides = array<i32>} : memref<32x768xf32, #tpu.memory_space<vmem>>, vector<1x16xf32>,
      %swap3A_351 = vector.shape_cast %swap3A_350 : vector<1x16xf32> to vector<16xf32>
      %swap3A_352 = vector.shape_cast %get3A_347 : vector<16xf32> to vector<1x16xf32>
      tpu.vector_store %arg8[%swap3A_348, %swap3A_349], %swap3A_352 {add = true, strides = array<i32>} : memref<32x768xf32, #tpu.memory_space<vmem>>, vector<1x16xf32>,
      %get3A_353 = arith.index_cast %scan3A_156 : i32 to index
      %get3A_354 = arith.constant 352 : index
      %get3A_355 = tpu.vector_load %arg6[%get3A_353, %get3A_354] {strides = array<i32>} : memref<32x768xf32, #tpu.memory_space<vmem>>, vector<1x16xf32>,
      %get3A_356 = vector.shape_cast %get3A_355 : vector<1x16xf32> to vector<16xf32>
      %swap3A_357 = arith.index_cast %scan3A_156 : i32 to index
      %swap3A_358 = arith.constant 352 : index
      %swap3A_359 = tpu.vector_load %arg8[%swap3A_357, %swap3A_358] {strides = array<i32>} : memref<32x768xf32, #tpu.memory_space<vmem>>, vector<1x16xf32>,
      %swap3A_360 = vector.shape_cast %swap3A_359 : vector<1x16xf32> to vector<16xf32>
      %swap3A_361 = vector.shape_cast %get3A_356 : vector<16xf32> to vector<1x16xf32>
      tpu.vector_store %arg8[%swap3A_357, %swap3A_358], %swap3A_361 {add = true, strides = array<i32>} : memref<32x768xf32, #tpu.memory_space<vmem>>, vector<1x16xf32>,
      %get3A_362 = arith.index_cast %scan3A_156 : i32 to index
      %get3A_363 = arith.constant 368 : index
      %get3A_364 = tpu.vector_load %arg6[%get3A_362, %get3A_363] {strides = array<i32>} : memref<32x768xf32, #tpu.memory_space<vmem>>, vector<1x16xf32>,
      %get3A_365 = vector.shape_cast %get3A_364 : vector<1x16xf32> to vector<16xf32>
      %swap3A_366 = arith.index_cast %scan3A_156 : i32 to index
      %swap3A_367 = arith.constant 368 : index
      %swap3A_368 = tpu.vector_load %arg8[%swap3A_366, %swap3A_367] {strides = array<i32>} : memref<32x768xf32, #tpu.memory_space<vmem>>, vector<1x16xf32>,
      %swap3A_369 = vector.shape_cast %swap3A_368 : vector<1x16xf32> to vector<16xf32>
      %swap3A_370 = vector.shape_cast %get3A_365 : vector<16xf32> to vector<1x16xf32>
      tpu.vector_store %arg8[%swap3A_366, %swap3A_367], %swap3A_370 {add = true, strides = array<i32>} : memref<32x768xf32, #tpu.memory_space<vmem>>, vector<1x16xf32>,
      %get3A_371 = arith.index_cast %scan3A_156 : i32 to index
      %get3A_372 = arith.constant 384 : index
      %get3A_373 = tpu.vector_load %arg6[%get3A_371, %get3A_372] {strides = array<i32>} : memref<32x768xf32, #tpu.memory_space<vmem>>, vector<1x16xf32>,
      %get3A_374 = vector.shape_cast %get3A_373 : vector<1x16xf32> to vector<16xf32>
      %swap3A_375 = arith.index_cast %scan3A_156 : i32 to index
      %swap3A_376 = arith.constant 384 : index
      %swap3A_377 = tpu.vector_load %arg8[%swap3A_375, %swap3A_376] {strides = array<i32>} : memref<32x768xf32, #tpu.memory_space<vmem>>, vector<1x16xf32>,
      %swap3A_378 = vector.shape_cast %swap3A_377 : vector<1x16xf32> to vector<16xf32>
      %swap3A_379 = vector.shape_cast %get3A_374 : vector<16xf32> to vector<1x16xf32>
      tpu.vector_store %arg8[%swap3A_375, %swap3A_376], %swap3A_379 {add = true, strides = array<i32>} : memref<32x768xf32, #tpu.memory_space<vmem>>, vector<1x16xf32>,
      %get3A_380 = arith.index_cast %scan3A_156 : i32 to index
      %get3A_381 = arith.constant 400 : index
      %get3A_382 = tpu.vector_load %arg6[%get3A_380, %get3A_381] {strides = array<i32>} : memref<32x768xf32, #tpu.memory_space<vmem>>, vector<1x16xf32>,
      %get3A_383 = vector.shape_cast %get3A_382 : vector<1x16xf32> to vector<16xf32>
      %swap3A_384 = arith.index_cast %scan3A_156 : i32 to index
      %swap3A_385 = arith.constant 400 : index
      %swap3A_386 = tpu.vector_load %arg8[%swap3A_384, %swap3A_385] {strides = array<i32>} : memref<32x768xf32, #tpu.memory_space<vmem>>, vector<1x16xf32>,
      %swap3A_387 = vector.shape_cast %swap3A_386 : vector<1x16xf32> to vector<16xf32>
      %swap3A_388 = vector.shape_cast %get3A_383 : vector<16xf32> to vector<1x16xf32>
      tpu.vector_store %arg8[%swap3A_384, %swap3A_385], %swap3A_388 {add = true, strides = array<i32>} : memref<32x768xf32, #tpu.memory_space<vmem>>, vector<1x16xf32>,
      %get3A_389 = arith.index_cast %scan3A_156 : i32 to index
      %get3A_390 = arith.constant 416 : index
      %get3A_391 = tpu.vector_load %arg6[%get3A_389, %get3A_390] {strides = array<i32>} : memref<32x768xf32, #tpu.memory_space<vmem>>, vector<1x16xf32>,
      %get3A_392 = vector.shape_cast %get3A_391 : vector<1x16xf32> to vector<16xf32>
      %swap3A_393 = arith.index_cast %scan3A_156 : i32 to index
      %swap3A_394 = arith.constant 416 : index
      %swap3A_395 = tpu.vector_load %arg8[%swap3A_393, %swap3A_394] {strides = array<i32>} : memref<32x768xf32, #tpu.memory_space<vmem>>, vector<1x16xf32>,
      %swap3A_396 = vector.shape_cast %swap3A_395 : vector<1x16xf32> to vector<16xf32>
      %swap3A_397 = vector.shape_cast %get3A_392 : vector<16xf32> to vector<1x16xf32>
      tpu.vector_store %arg8[%swap3A_393, %swap3A_394], %swap3A_397 {add = true, strides = array<i32>} : memref<32x768xf32, #tpu.memory_space<vmem>>, vector<1x16xf32>,
      %get3A_398 = arith.index_cast %scan3A_156 : i32 to index
      %get3A_399 = arith.constant 432 : index
      %get3A_400 = tpu.vector_load %arg6[%get3A_398, %get3A_399] {strides = array<i32>} : memref<32x768xf32, #tpu.memory_space<vmem>>, vector<1x16xf32>,
      %get3A_401 = vector.shape_cast %get3A_400 : vector<1x16xf32> to vector<16xf32>
      %swap3A_402 = arith.index_cast %scan3A_156 : i32 to index
      %swap3A_403 = arith.constant 432 : index
      %swap3A_404 = tpu.vector_load %arg8[%swap3A_402, %swap3A_403] {strides = array<i32>} : memref<32x768xf32, #tpu.memory_space<vmem>>, vector<1x16xf32>,
      %swap3A_405 = vector.shape_cast %swap3A_404 : vector<1x16xf32> to vector<16xf32>
      %swap3A_406 = vector.shape_cast %get3A_401 : vector<16xf32> to vector<1x16xf32>
      tpu.vector_store %arg8[%swap3A_402, %swap3A_403], %swap3A_406 {add = true, strides = array<i32>} : memref<32x768xf32, #tpu.memory_space<vmem>>, vector<1x16xf32>,
      %get3A_407 = arith.index_cast %scan3A_156 : i32 to index
      %get3A_408 = arith.constant 448 : index
      %get3A_409 = tpu.vector_load %arg6[%get3A_407, %get3A_408] {strides = array<i32>} : memref<32x768xf32, #tpu.memory_space<vmem>>, vector<1x16xf32>,
      %get3A_410 = vector.shape_cast %get3A_409 : vector<1x16xf32> to vector<16xf32>
      %swap3A_411 = arith.index_cast %scan3A_156 : i32 to index
      %swap3A_412 = arith.constant 448 : index
      %swap3A_413 = tpu.vector_load %arg8[%swap3A_411, %swap3A_412] {strides = array<i32>} : memref<32x768xf32, #tpu.memory_space<vmem>>, vector<1x16xf32>,
      %swap3A_414 = vector.shape_cast %swap3A_413 : vector<1x16xf32> to vector<16xf32>
      %swap3A_415 = vector.shape_cast %get3A_410 : vector<16xf32> to vector<1x16xf32>
      tpu.vector_store %arg8[%swap3A_411, %swap3A_412], %swap3A_415 {add = true, strides = array<i32>} : memref<32x768xf32, #tpu.memory_space<vmem>>, vector<1x16xf32>,
      %get3A_416 = arith.index_cast %scan3A_156 : i32 to index
      %get3A_417 = arith.constant 464 : index
      %get3A_418 = tpu.vector_load %arg6[%get3A_416, %get3A_417] {strides = array<i32>} : memref<32x768xf32, #tpu.memory_space<vmem>>, vector<1x16xf32>,
      %get3A_419 = vector.shape_cast %get3A_418 : vector<1x16xf32> to vector<16xf32>
      %swap3A_420 = arith.index_cast %scan3A_156 : i32 to index
      %swap3A_421 = arith.constant 464 : index
      %swap3A_422 = tpu.vector_load %arg8[%swap3A_420, %swap3A_421] {strides = array<i32>} : memref<32x768xf32, #tpu.memory_space<vmem>>, vector<1x16xf32>,
      %swap3A_423 = vector.shape_cast %swap3A_422 : vector<1x16xf32> to vector<16xf32>
      %swap3A_424 = vector.shape_cast %get3A_419 : vector<16xf32> to vector<1x16xf32>
      tpu.vector_store %arg8[%swap3A_420, %swap3A_421], %swap3A_424 {add = true, strides = array<i32>} : memref<32x768xf32, #tpu.memory_space<vmem>>, vector<1x16xf32>,
      %get3A_425 = arith.index_cast %scan3A_156 : i32 to index
      %get3A_426 = arith.constant 480 : index
      %get3A_427 = tpu.vector_load %arg6[%get3A_425, %get3A_426] {strides = array<i32>} : memref<32x768xf32, #tpu.memory_space<vmem>>, vector<1x16xf32>,
      %get3A_428 = vector.shape_cast %get3A_427 : vector<1x16xf32> to vector<16xf32>
      %swap3A_429 = arith.index_cast %scan3A_156 : i32 to index
      %swap3A_430 = arith.constant 480 : index
      %swap3A_431 = tpu.vector_load %arg8[%swap3A_429, %swap3A_430] {strides = array<i32>} : memref<32x768xf32, #tpu.memory_space<vmem>>, vector<1x16xf32>,
      %swap3A_432 = vector.shape_cast %swap3A_431 : vector<1x16xf32> to vector<16xf32>
      %swap3A_433 = vector.shape_cast %get3A_428 : vector<16xf32> to vector<1x16xf32>
      tpu.vector_store %arg8[%swap3A_429, %swap3A_430], %swap3A_433 {add = true, strides = array<i32>} : memref<32x768xf32, #tpu.memory_space<vmem>>, vector<1x16xf32>,
      %get3A_434 = arith.index_cast %scan3A_156 : i32 to index
      %get3A_435 = arith.constant 496 : index
      %get3A_436 = tpu.vector_load %arg6[%get3A_434, %get3A_435] {strides = array<i32>} : memref<32x768xf32, #tpu.memory_space<vmem>>, vector<1x16xf32>,
      %get3A_437 = vector.shape_cast %get3A_436 : vector<1x16xf32> to vector<16xf32>
      %swap3A_438 = arith.index_cast %scan3A_156 : i32 to index
      %swap3A_439 = arith.constant 496 : index
      %swap3A_440 = tpu.vector_load %arg8[%swap3A_438, %swap3A_439] {strides = array<i32>} : memref<32x768xf32, #tpu.memory_space<vmem>>, vector<1x16xf32>,
      %swap3A_441 = vector.shape_cast %swap3A_440 : vector<1x16xf32> to vector<16xf32>
      %swap3A_442 = vector.shape_cast %get3A_437 : vector<16xf32> to vector<1x16xf32>
      tpu.vector_store %arg8[%swap3A_438, %swap3A_439], %swap3A_442 {add = true, strides = array<i32>} : memref<32x768xf32, #tpu.memory_space<vmem>>, vector<1x16xf32>,
      %get3A_443 = arith.index_cast %scan3A_156 : i32 to index
      %get3A_444 = arith.constant 512 : index
      %get3A_445 = tpu.vector_load %arg6[%get3A_443, %get3A_444] {strides = array<i32>} : memref<32x768xf32, #tpu.memory_space<vmem>>, vector<1x16xf32>,
      %get3A_446 = vector.shape_cast %get3A_445 : vector<1x16xf32> to vector<16xf32>
      %swap3A_447 = arith.index_cast %scan3A_156 : i32 to index
      %swap3A_448 = arith.constant 512 : index
      %swap3A_449 = tpu.vector_load %arg8[%swap3A_447, %swap3A_448] {strides = array<i32>} : memref<32x768xf32, #tpu.memory_space<vmem>>, vector<1x16xf32>,
      %swap3A_450 = vector.shape_cast %swap3A_449 : vector<1x16xf32> to vector<16xf32>
      %swap3A_451 = vector.shape_cast %get3A_446 : vector<16xf32> to vector<1x16xf32>
      tpu.vector_store %arg8[%swap3A_447, %swap3A_448], %swap3A_451 {add = true, strides = array<i32>} : memref<32x768xf32, #tpu.memory_space<vmem>>, vector<1x16xf32>,
      %get3A_452 = arith.index_cast %scan3A_156 : i32 to index
      %get3A_453 = arith.constant 528 : index
      %get3A_454 = tpu.vector_load %arg6[%get3A_452, %get3A_453] {strides = array<i32>} : memref<32x768xf32, #tpu.memory_space<vmem>>, vector<1x16xf32>,
      %get3A_455 = vector.shape_cast %get3A_454 : vector<1x16xf32> to vector<16xf32>
      %swap3A_456 = arith.index_cast %scan3A_156 : i32 to index
      %swap3A_457 = arith.constant 528 : index
      %swap3A_458 = tpu.vector_load %arg8[%swap3A_456, %swap3A_457] {strides = array<i32>} : memref<32x768xf32, #tpu.memory_space<vmem>>, vector<1x16xf32>,
      %swap3A_459 = vector.shape_cast %swap3A_458 : vector<1x16xf32> to vector<16xf32>
      %swap3A_460 = vector.shape_cast %get3A_455 : vector<16xf32> to vector<1x16xf32>
      tpu.vector_store %arg8[%swap3A_456, %swap3A_457], %swap3A_460 {add = true, strides = array<i32>} : memref<32x768xf32, #tpu.memory_space<vmem>>, vector<1x16xf32>,
      %get3A_461 = arith.index_cast %scan3A_156 : i32 to index
      %get3A_462 = arith.constant 544 : index
      %get3A_463 = tpu.vector_load %arg6[%get3A_461, %get3A_462] {strides = array<i32>} : memref<32x768xf32, #tpu.memory_space<vmem>>, vector<1x16xf32>,
      %get3A_464 = vector.shape_cast %get3A_463 : vector<1x16xf32> to vector<16xf32>
      %swap3A_465 = arith.index_cast %scan3A_156 : i32 to index
      %swap3A_466 = arith.constant 544 : index
      %swap3A_467 = tpu.vector_load %arg8[%swap3A_465, %swap3A_466] {strides = array<i32>} : memref<32x768xf32, #tpu.memory_space<vmem>>, vector<1x16xf32>,
      %swap3A_468 = vector.shape_cast %swap3A_467 : vector<1x16xf32> to vector<16xf32>
      %swap3A_469 = vector.shape_cast %get3A_464 : vector<16xf32> to vector<1x16xf32>
      tpu.vector_store %arg8[%swap3A_465, %swap3A_466], %swap3A_469 {add = true, strides = array<i32>} : memref<32x768xf32, #tpu.memory_space<vmem>>, vector<1x16xf32>,
      %get3A_470 = arith.index_cast %scan3A_156 : i32 to index
      %get3A_471 = arith.constant 560 : index
      %get3A_472 = tpu.vector_load %arg6[%get3A_470, %get3A_471] {strides = array<i32>} : memref<32x768xf32, #tpu.memory_space<vmem>>, vector<1x16xf32>,
      %get3A_473 = vector.shape_cast %get3A_472 : vector<1x16xf32> to vector<16xf32>
      %swap3A_474 = arith.index_cast %scan3A_156 : i32 to index
      %swap3A_475 = arith.constant 560 : index
      %swap3A_476 = tpu.vector_load %arg8[%swap3A_474, %swap3A_475] {strides = array<i32>} : memref<32x768xf32, #tpu.memory_space<vmem>>, vector<1x16xf32>,
      %swap3A_477 = vector.shape_cast %swap3A_476 : vector<1x16xf32> to vector<16xf32>
      %swap3A_478 = vector.shape_cast %get3A_473 : vector<16xf32> to vector<1x16xf32>
      tpu.vector_store %arg8[%swap3A_474, %swap3A_475], %swap3A_478 {add = true, strides = array<i32>} : memref<32x768xf32, #tpu.memory_space<vmem>>, vector<1x16xf32>,
      %get3A_479 = arith.index_cast %scan3A_156 : i32 to index
      %get3A_480 = arith.constant 576 : index
      %get3A_481 = tpu.vector_load %arg6[%get3A_479, %get3A_480] {strides = array<i32>} : memref<32x768xf32, #tpu.memory_space<vmem>>, vector<1x16xf32>,
      %get3A_482 = vector.shape_cast %get3A_481 : vector<1x16xf32> to vector<16xf32>
      %swap3A_483 = arith.index_cast %scan3A_156 : i32 to index
      %swap3A_484 = arith.constant 576 : index
      %swap3A_485 = tpu.vector_load %arg8[%swap3A_483, %swap3A_484] {strides = array<i32>} : memref<32x768xf32, #tpu.memory_space<vmem>>, vector<1x16xf32>,
      %swap3A_486 = vector.shape_cast %swap3A_485 : vector<1x16xf32> to vector<16xf32>
      %swap3A_487 = vector.shape_cast %get3A_482 : vector<16xf32> to vector<1x16xf32>
      tpu.vector_store %arg8[%swap3A_483, %swap3A_484], %swap3A_487 {add = true, strides = array<i32>} : memref<32x768xf32, #tpu.memory_space<vmem>>, vector<1x16xf32>,
      %get3A_488 = arith.index_cast %scan3A_156 : i32 to index
      %get3A_489 = arith.constant 592 : index
      %get3A_490 = tpu.vector_load %arg6[%get3A_488, %get3A_489] {strides = array<i32>} : memref<32x768xf32, #tpu.memory_space<vmem>>, vector<1x16xf32>,
      %get3A_491 = vector.shape_cast %get3A_490 : vector<1x16xf32> to vector<16xf32>
      %swap3A_492 = arith.index_cast %scan3A_156 : i32 to index
      %swap3A_493 = arith.constant 592 : index
      %swap3A_494 = tpu.vector_load %arg8[%swap3A_492, %swap3A_493] {strides = array<i32>} : memref<32x768xf32, #tpu.memory_space<vmem>>, vector<1x16xf32>,
      %swap3A_495 = vector.shape_cast %swap3A_494 : vector<1x16xf32> to vector<16xf32>
      %swap3A_496 = vector.shape_cast %get3A_491 : vector<16xf32> to vector<1x16xf32>
      tpu.vector_store %arg8[%swap3A_492, %swap3A_493], %swap3A_496 {add = true, strides = array<i32>} : memref<32x768xf32, #tpu.memory_space<vmem>>, vector<1x16xf32>,
      %get3A_497 = arith.index_cast %scan3A_156 : i32 to index
      %get3A_498 = arith.constant 608 : index
      %get3A_499 = tpu.vector_load %arg6[%get3A_497, %get3A_498] {strides = array<i32>} : memref<32x768xf32, #tpu.memory_space<vmem>>, vector<1x16xf32>,
      %get3A_500 = vector.shape_cast %get3A_499 : vector<1x16xf32> to vector<16xf32>
      %swap3A_501 = arith.index_cast %scan3A_156 : i32 to index
      %swap3A_502 = arith.constant 608 : index
      %swap3A_503 = tpu.vector_load %arg8[%swap3A_501, %swap3A_502] {strides = array<i32>} : memref<32x768xf32, #tpu.memory_space<vmem>>, vector<1x16xf32>,
      %swap3A_504 = vector.shape_cast %swap3A_503 : vector<1x16xf32> to vector<16xf32>
      %swap3A_505 = vector.shape_cast %get3A_500 : vector<16xf32> to vector<1x16xf32>
      tpu.vector_store %arg8[%swap3A_501, %swap3A_502], %swap3A_505 {add = true, strides = array<i32>} : memref<32x768xf32, #tpu.memory_space<vmem>>, vector<1x16xf32>,
      %get3A_506 = arith.index_cast %scan3A_156 : i32 to index
      %get3A_507 = arith.constant 624 : index
      %get3A_508 = tpu.vector_load %arg6[%get3A_506, %get3A_507] {strides = array<i32>} : memref<32x768xf32, #tpu.memory_space<vmem>>, vector<1x16xf32>,
      %get3A_509 = vector.shape_cast %get3A_508 : vector<1x16xf32> to vector<16xf32>
      %swap3A_510 = arith.index_cast %scan3A_156 : i32 to index
      %swap3A_511 = arith.constant 624 : index
      %swap3A_512 = tpu.vector_load %arg8[%swap3A_510, %swap3A_511] {strides = array<i32>} : memref<32x768xf32, #tpu.memory_space<vmem>>, vector<1x16xf32>,
      %swap3A_513 = vector.shape_cast %swap3A_512 : vector<1x16xf32> to vector<16xf32>
      %swap3A_514 = vector.shape_cast %get3A_509 : vector<16xf32> to vector<1x16xf32>
      tpu.vector_store %arg8[%swap3A_510, %swap3A_511], %swap3A_514 {add = true, strides = array<i32>} : memref<32x768xf32, #tpu.memory_space<vmem>>, vector<1x16xf32>,
      %get3A_515 = arith.index_cast %scan3A_156 : i32 to index
      %get3A_516 = arith.constant 640 : index
      %get3A_517 = tpu.vector_load %arg6[%get3A_515, %get3A_516] {strides = array<i32>} : memref<32x768xf32, #tpu.memory_space<vmem>>, vector<1x16xf32>,
      %get3A_518 = vector.shape_cast %get3A_517 : vector<1x16xf32> to vector<16xf32>
      %swap3A_519 = arith.index_cast %scan3A_156 : i32 to index
      %swap3A_520 = arith.constant 640 : index
      %swap3A_521 = tpu.vector_load %arg8[%swap3A_519, %swap3A_520] {strides = array<i32>} : memref<32x768xf32, #tpu.memory_space<vmem>>, vector<1x16xf32>,
      %swap3A_522 = vector.shape_cast %swap3A_521 : vector<1x16xf32> to vector<16xf32>
      %swap3A_523 = vector.shape_cast %get3A_518 : vector<16xf32> to vector<1x16xf32>
      tpu.vector_store %arg8[%swap3A_519, %swap3A_520], %swap3A_523 {add = true, strides = array<i32>} : memref<32x768xf32, #tpu.memory_space<vmem>>, vector<1x16xf32>,
      %get3A_524 = arith.index_cast %scan3A_156 : i32 to index
      %get3A_525 = arith.constant 656 : index
      %get3A_526 = tpu.vector_load %arg6[%get3A_524, %get3A_525] {strides = array<i32>} : memref<32x768xf32, #tpu.memory_space<vmem>>, vector<1x16xf32>,
      %get3A_527 = vector.shape_cast %get3A_526 : vector<1x16xf32> to vector<16xf32>
      %swap3A_528 = arith.index_cast %scan3A_156 : i32 to index
      %swap3A_529 = arith.constant 656 : index
      %swap3A_530 = tpu.vector_load %arg8[%swap3A_528, %swap3A_529] {strides = array<i32>} : memref<32x768xf32, #tpu.memory_space<vmem>>, vector<1x16xf32>,
      %swap3A_531 = vector.shape_cast %swap3A_530 : vector<1x16xf32> to vector<16xf32>
      %swap3A_532 = vector.shape_cast %get3A_527 : vector<16xf32> to vector<1x16xf32>
      tpu.vector_store %arg8[%swap3A_528, %swap3A_529], %swap3A_532 {add = true, strides = array<i32>} : memref<32x768xf32, #tpu.memory_space<vmem>>, vector<1x16xf32>,
      %get3A_533 = arith.index_cast %scan3A_156 : i32 to index
      %get3A_534 = arith.constant 672 : index
      %get3A_535 = tpu.vector_load %arg6[%get3A_533, %get3A_534] {strides = array<i32>} : memref<32x768xf32, #tpu.memory_space<vmem>>, vector<1x16xf32>,
      %get3A_536 = vector.shape_cast %get3A_535 : vector<1x16xf32> to vector<16xf32>
      %swap3A_537 = arith.index_cast %scan3A_156 : i32 to index
      %swap3A_538 = arith.constant 672 : index
      %swap3A_539 = tpu.vector_load %arg8[%swap3A_537, %swap3A_538] {strides = array<i32>} : memref<32x768xf32, #tpu.memory_space<vmem>>, vector<1x16xf32>,
      %swap3A_540 = vector.shape_cast %swap3A_539 : vector<1x16xf32> to vector<16xf32>
      %swap3A_541 = vector.shape_cast %get3A_536 : vector<16xf32> to vector<1x16xf32>
      tpu.vector_store %arg8[%swap3A_537, %swap3A_538], %swap3A_541 {add = true, strides = array<i32>} : memref<32x768xf32, #tpu.memory_space<vmem>>, vector<1x16xf32>,
      %get3A_542 = arith.index_cast %scan3A_156 : i32 to index
      %get3A_543 = arith.constant 688 : index
      %get3A_544 = tpu.vector_load %arg6[%get3A_542, %get3A_543] {strides = array<i32>} : memref<32x768xf32, #tpu.memory_space<vmem>>, vector<1x16xf32>,
      %get3A_545 = vector.shape_cast %get3A_544 : vector<1x16xf32> to vector<16xf32>
      %swap3A_546 = arith.index_cast %scan3A_156 : i32 to index
      %swap3A_547 = arith.constant 688 : index
      %swap3A_548 = tpu.vector_load %arg8[%swap3A_546, %swap3A_547] {strides = array<i32>} : memref<32x768xf32, #tpu.memory_space<vmem>>, vector<1x16xf32>,
      %swap3A_549 = vector.shape_cast %swap3A_548 : vector<1x16xf32> to vector<16xf32>
      %swap3A_550 = vector.shape_cast %get3A_545 : vector<16xf32> to vector<1x16xf32>
      tpu.vector_store %arg8[%swap3A_546, %swap3A_547], %swap3A_550 {add = true, strides = array<i32>} : memref<32x768xf32, #tpu.memory_space<vmem>>, vector<1x16xf32>,
      %get3A_551 = arith.index_cast %scan3A_156 : i32 to index
      %get3A_552 = arith.constant 704 : index
      %get3A_553 = tpu.vector_load %arg6[%get3A_551, %get3A_552] {strides = array<i32>} : memref<32x768xf32, #tpu.memory_space<vmem>>, vector<1x16xf32>,
      %get3A_554 = vector.shape_cast %get3A_553 : vector<1x16xf32> to vector<16xf32>
      %swap3A_555 = arith.index_cast %scan3A_156 : i32 to index
      %swap3A_556 = arith.constant 704 : index
      %swap3A_557 = tpu.vector_load %arg8[%swap3A_555, %swap3A_556] {strides = array<i32>} : memref<32x768xf32, #tpu.memory_space<vmem>>, vector<1x16xf32>,
      %swap3A_558 = vector.shape_cast %swap3A_557 : vector<1x16xf32> to vector<16xf32>
      %swap3A_559 = vector.shape_cast %get3A_554 : vector<16xf32> to vector<1x16xf32>
      tpu.vector_store %arg8[%swap3A_555, %swap3A_556], %swap3A_559 {add = true, strides = array<i32>} : memref<32x768xf32, #tpu.memory_space<vmem>>, vector<1x16xf32>,
      %get3A_560 = arith.index_cast %scan3A_156 : i32 to index
      %get3A_561 = arith.constant 720 : index
      %get3A_562 = tpu.vector_load %arg6[%get3A_560, %get3A_561] {strides = array<i32>} : memref<32x768xf32, #tpu.memory_space<vmem>>, vector<1x16xf32>,
      %get3A_563 = vector.shape_cast %get3A_562 : vector<1x16xf32> to vector<16xf32>
      %swap3A_564 = arith.index_cast %scan3A_156 : i32 to index
      %swap3A_565 = arith.constant 720 : index
      %swap3A_566 = tpu.vector_load %arg8[%swap3A_564, %swap3A_565] {strides = array<i32>} : memref<32x768xf32, #tpu.memory_space<vmem>>, vector<1x16xf32>,
      %swap3A_567 = vector.shape_cast %swap3A_566 : vector<1x16xf32> to vector<16xf32>
      %swap3A_568 = vector.shape_cast %get3A_563 : vector<16xf32> to vector<1x16xf32>
      tpu.vector_store %arg8[%swap3A_564, %swap3A_565], %swap3A_568 {add = true, strides = array<i32>} : memref<32x768xf32, #tpu.memory_space<vmem>>, vector<1x16xf32>,
      %get3A_569 = arith.index_cast %scan3A_156 : i32 to index
      %get3A_570 = arith.constant 736 : index
      %get3A_571 = tpu.vector_load %arg6[%get3A_569, %get3A_570] {strides = array<i32>} : memref<32x768xf32, #tpu.memory_space<vmem>>, vector<1x16xf32>,
      %get3A_572 = vector.shape_cast %get3A_571 : vector<1x16xf32> to vector<16xf32>
      %swap3A_573 = arith.index_cast %scan3A_156 : i32 to index
      %swap3A_574 = arith.constant 736 : index
      %swap3A_575 = tpu.vector_load %arg8[%swap3A_573, %swap3A_574] {strides = array<i32>} : memref<32x768xf32, #tpu.memory_space<vmem>>, vector<1x16xf32>,
      %swap3A_576 = vector.shape_cast %swap3A_575 : vector<1x16xf32> to vector<16xf32>
      %swap3A_577 = vector.shape_cast %get3A_572 : vector<16xf32> to vector<1x16xf32>
      tpu.vector_store %arg8[%swap3A_573, %swap3A_574], %swap3A_577 {add = true, strides = array<i32>} : memref<32x768xf32, #tpu.memory_space<vmem>>, vector<1x16xf32>,
      %get3A_578 = arith.index_cast %scan3A_156 : i32 to index
      %get3A_579 = arith.constant 752 : index
      %get3A_580 = tpu.vector_load %arg6[%get3A_578, %get3A_579] {strides = array<i32>} : memref<32x768xf32, #tpu.memory_space<vmem>>, vector<1x16xf32>,
      %get3A_581 = vector.shape_cast %get3A_580 : vector<1x16xf32> to vector<16xf32>
      %swap3A_582 = arith.index_cast %scan3A_156 : i32 to index
      %swap3A_583 = arith.constant 752 : index
      %swap3A_584 = tpu.vector_load %arg8[%swap3A_582, %swap3A_583] {strides = array<i32>} : memref<32x768xf32, #tpu.memory_space<vmem>>, vector<1x16xf32>,
      %swap3A_585 = vector.shape_cast %swap3A_584 : vector<1x16xf32> to vector<16xf32>
      %swap3A_586 = vector.shape_cast %get3A_581 : vector<16xf32> to vector<1x16xf32>
      tpu.vector_store %arg8[%swap3A_582, %swap3A_583], %swap3A_586 {add = true, strides = array<i32>} : memref<32x768xf32, #tpu.memory_space<vmem>>, vector<1x16xf32>,
    }
    %scan3A_34 = arith.constant 32 : i32
    %mul3A_35 = arith.constant 32 : i32
    %mul3A_36 = arith.muli %add3A, %mul3A_35 : i32
    %dma_start3A_37 = arith.constant 0 : i32
    %dma_start3A_38 = arith.constant 0 : i32
    %dma_start3A_39 = tpu.memref_slice %arg5[%dma_start3A_37, %mul3A_36, %dma_start3A_38] : memref<4x1024x768xf32, #tpu.memory_space<hbm>> -> memref<1x32x768xf32, #tpu.memory_space<hbm>>
    %dma_start3A_40 = tpu.memref_squeeze %dma_start3A_39 : memref<1x32x768xf32, #tpu.memory_space<hbm>> -> memref<32x768xf32, #tpu.memory_space<hbm>>
    %dma_start3A_41 = arith.constant 0 : i32
    %dma_start3A_42 = tpu.memref_slice %arg5[%dma_start3A_37, %mul3A_36, %dma_start3A_41] : memref<4x1024x768xf32, #tpu.memory_space<hbm>> -> memref<1x32x768xf32, #tpu.memory_space<hbm>>
    %dma_start3A_43 = tpu.memref_squeeze %dma_start3A_42 : memref<1x32x768xf32, #tpu.memory_space<hbm>> -> memref<32x768xf32, #tpu.memory_space<hbm>>
    tpu.enqueue_dma source(%arg8 : memref<32x768xf32, #tpu.memory_space<vmem>>) target(%dma_start3A_43 : memref<32x768xf32, #tpu.memory_space<hbm>>) target_semaphore(%arg12 : memref<!tpu.dma_semaphore, #tpu.memory_space<semaphore_mem>>)
    %dma_wait3A_44 = arith.constant 1 : i32
    %dma_wait3A_45 = arith.constant 0 : i32
    %dma_wait3A_46 = tpu.memref_slice %arg2[%dma_wait3A_44, %mul3A_21, %dma_wait3A_45] : memref<32x1024x768xf32, #tpu.memory_space<hbm>> -> memref<1x32x768xf32, #tpu.memory_space<hbm>>
    %dma_wait3A_47 = tpu.memref_squeeze %dma_wait3A_46 : memref<1x32x768xf32, #tpu.memory_space<hbm>> -> memref<32x768xf32, #tpu.memory_space<hbm>>
    %dma_wait3A_48 = arith.constant 0 : i32
    %dma_wait3A_49 = tpu.memref_slice %arg2[%dma_wait3A_44, %mul3A_21, %dma_wait3A_48] : memref<32x1024x768xf32, #tpu.memory_space<hbm>> -> memref<1x32x768xf32, #tpu.memory_space<hbm>>
    %dma_wait3A_50 = tpu.memref_squeeze %dma_wait3A_49 : memref<1x32x768xf32, #tpu.memory_space<hbm>> -> memref<32x768xf32, #tpu.memory_space<hbm>>
    tpu.wait_dma2 semaphore(%arg11 : memref<!tpu.dma_semaphore, #tpu.memory_space<semaphore_mem>>) src(%dma_wait3A_50 : memref<32x768xf32, #tpu.memory_space<hbm>>) dst(%arg9 : memref<32x768xf32, #tpu.memory_space<vmem>>)
    %dma_wait3A_51 = arith.constant 0 : i32
    %dma_wait3A_52 = arith.constant 0 : i32
    %dma_wait3A_53 = tpu.memref_slice %arg5[%dma_wait3A_51, %mul3A_36, %dma_wait3A_52] : memref<4x1024x768xf32, #tpu.memory_space<hbm>> -> memref<1x32x768xf32, #tpu.memory_space<hbm>>
    %dma_wait3A_54 = tpu.memref_squeeze %dma_wait3A_53 : memref<1x32x768xf32, #tpu.memory_space<hbm>> -> memref<32x768xf32, #tpu.memory_space<hbm>>
    %dma_wait3A_55 = arith.constant 0 : i32
    %dma_wait3A_56 = tpu.memref_slice %arg5[%dma_wait3A_51, %mul3A_36, %dma_wait3A_55] : memref<4x1024x768xf32, #tpu.memory_space<hbm>> -> memref<1x32x768xf32, #tpu.memory_space<hbm>>
    %dma_wait3A_57 = tpu.memref_squeeze %dma_wait3A_56 : memref<1x32x768xf32, #tpu.memory_space<hbm>> -> memref<32x768xf32, #tpu.memory_space<hbm>>
    tpu.wait_dma2 semaphore(%arg12 : memref<!tpu.dma_semaphore, #tpu.memory_space<semaphore_mem>>) src(%arg8 : memref<32x768xf32, #tpu.memory_space<vmem>>) dst(%dma_wait3A_57 : memref<32x768xf32, #tpu.memory_space<hbm>>)
    %mul3A_58 = arith.constant 32 : i32
    %mul3A_59 = arith.muli %add3A, %mul3A_58 : i32
    %dma_start3A_60 = arith.constant 2 : i32
    %dma_start3A_61 = arith.constant 0 : i32
    %dma_start3A_62 = tpu.memref_slice %arg2[%dma_start3A_60, %mul3A_59, %dma_start3A_61] : memref<32x1024x768xf32, #tpu.memory_space<hbm>> -> memref<1x32x768xf32, #tpu.memory_space<hbm>>
    %dma_start3A_63 = tpu.memref_squeeze %dma_start3A_62 : memref<1x32x768xf32, #tpu.memory_space<hbm>> -> memref<32x768xf32, #tpu.memory_space<hbm>>
    %dma_start3A_64 = arith.constant 0 : i32
    %dma_start3A_65 = tpu.memref_slice %arg2[%dma_start3A_60, %mul3A_59, %dma_start3A_64] : memref<32x1024x768xf32, #tpu.memory_space<hbm>> -> memref<1x32x768xf32, #tpu.memory_space<hbm>>
    %dma_start3A_66 = tpu.memref_squeeze %dma_start3A_65 : memref<1x32x768xf32, #tpu.memory_space<hbm>> -> memref<32x768xf32, #tpu.memory_space<hbm>>
    tpu.enqueue_dma source(%dma_start3A_66 : memref<32x768xf32, #tpu.memory_space<hbm>>) target(%arg8 : memref<32x768xf32, #tpu.memory_space<vmem>>) target_semaphore(%arg10 : memref<!tpu.dma_semaphore, #tpu.memory_space<semaphore_mem>>)
    %scan3A_67 = arith.constant 0 : i32
    %scan3A_68 = arith.constant 0 : i32
    %scan3A_69 = arith.constant 32 : i32
    %scan3A_70 = arith.addi %scan3A_68, %scan3A_69 : i32
    %scan3A_71 = arith.constant 1 : i32
    scf.for %scan3A_156 = %scan3A_68 to %scan3A_70 step %scan3A_71  : i32 {
      %get3A = arith.index_cast %scan3A_156 : i32 to index
      %get3A_157 = arith.constant 0 : index
      %get3A_158 = tpu.vector_load %arg6[%get3A, %get3A_157] {strides = array<i32>} : memref<32x768xf32, #tpu.memory_space<vmem>>, vector<1x16xf32>,
      %get3A_159 = vector.shape_cast %get3A_158 : vector<1x16xf32> to vector<16xf32>
      %swap3A = arith.index_cast %scan3A_156 : i32 to index
      %swap3A_160 = arith.constant 0 : index
      %swap3A_161 = tpu.vector_load %arg9[%swap3A, %swap3A_160] {strides = array<i32>} : memref<32x768xf32, #tpu.memory_space<vmem>>, vector<1x16xf32>,
      %swap3A_162 = vector.shape_cast %swap3A_161 : vector<1x16xf32> to vector<16xf32>
      %swap3A_163 = vector.shape_cast %get3A_159 : vector<16xf32> to vector<1x16xf32>
      tpu.vector_store %arg9[%swap3A, %swap3A_160], %swap3A_163 {add = true, strides = array<i32>} : memref<32x768xf32, #tpu.memory_space<vmem>>, vector<1x16xf32>,
      %get3A_164 = arith.index_cast %scan3A_156 : i32 to index
      %get3A_165 = arith.constant 16 : index
      %get3A_166 = tpu.vector_load %arg6[%get3A_164, %get3A_165] {strides = array<i32>} : memref<32x768xf32, #tpu.memory_space<vmem>>, vector<1x16xf32>,
      %get3A_167 = vector.shape_cast %get3A_166 : vector<1x16xf32> to vector<16xf32>
      %swap3A_168 = arith.index_cast %scan3A_156 : i32 to index
      %swap3A_169 = arith.constant 16 : index
      %swap3A_170 = tpu.vector_load %arg9[%swap3A_168, %swap3A_169] {strides = array<i32>} : memref<32x768xf32, #tpu.memory_space<vmem>>, vector<1x16xf32>,
      %swap3A_171 = vector.shape_cast %swap3A_170 : vector<1x16xf32> to vector<16xf32>
      %swap3A_172 = vector.shape_cast %get3A_167 : vector<16xf32> to vector<1x16xf32>
      tpu.vector_store %arg9[%swap3A_168, %swap3A_169], %swap3A_172 {add = true, strides = array<i32>} : memref<32x768xf32, #tpu.memory_space<vmem>>, vector<1x16xf32>,
      %get3A_173 = arith.index_cast %scan3A_156 : i32 to index
      %get3A_174 = arith.constant 32 : index
      %get3A_175 = tpu.vector_load %arg6[%get3A_173, %get3A_174] {strides = array<i32>} : memref<32x768xf32, #tpu.memory_space<vmem>>, vector<1x16xf32>,
      %get3A_176 = vector.shape_cast %get3A_175 : vector<1x16xf32> to vector<16xf32>
      %swap3A_177 = arith.index_cast %scan3A_156 : i32 to index
      %swap3A_178 = arith.constant 32 : index
      %swap3A_179 = tpu.vector_load %arg9[%swap3A_177, %swap3A_178] {strides = array<i32>} : memref<32x768xf32, #tpu.memory_space<vmem>>, vector<1x16xf32>,
      %swap3A_180 = vector.shape_cast %swap3A_179 : vector<1x16xf32> to vector<16xf32>
      %swap3A_181 = vector.shape_cast %get3A_176 : vector<16xf32> to vector<1x16xf32>
      tpu.vector_store %arg9[%swap3A_177, %swap3A_178], %swap3A_181 {add = true, strides = array<i32>} : memref<32x768xf32, #tpu.memory_space<vmem>>, vector<1x16xf32>,
      %get3A_182 = arith.index_cast %scan3A_156 : i32 to index
      %get3A_183 = arith.constant 48 : index
      %get3A_184 = tpu.vector_load %arg6[%get3A_182, %get3A_183] {strides = array<i32>} : memref<32x768xf32, #tpu.memory_space<vmem>>, vector<1x16xf32>,
      %get3A_185 = vector.shape_cast %get3A_184 : vector<1x16xf32> to vector<16xf32>
      %swap3A_186 = arith.index_cast %scan3A_156 : i32 to index
      %swap3A_187 = arith.constant 48 : index
      %swap3A_188 = tpu.vector_load %arg9[%swap3A_186, %swap3A_187] {strides = array<i32>} : memref<32x768xf32, #tpu.memory_space<vmem>>, vector<1x16xf32>,
      %swap3A_189 = vector.shape_cast %swap3A_188 : vector<1x16xf32> to vector<16xf32>
      %swap3A_190 = vector.shape_cast %get3A_185 : vector<16xf32> to vector<1x16xf32>
      tpu.vector_store %arg9[%swap3A_186, %swap3A_187], %swap3A_190 {add = true, strides = array<i32>} : memref<32x768xf32, #tpu.memory_space<vmem>>, vector<1x16xf32>,
      %get3A_191 = arith.index_cast %scan3A_156 : i32 to index
      %get3A_192 = arith.constant 64 : index
      %get3A_193 = tpu.vector_load %arg6[%get3A_191, %get3A_192] {strides = array<i32>} : memref<32x768xf32, #tpu.memory_space<vmem>>, vector<1x16xf32>,
      %get3A_194 = vector.shape_cast %get3A_193 : vector<1x16xf32> to vector<16xf32>
      %swap3A_195 = arith.index_cast %scan3A_156 : i32 to index
      %swap3A_196 = arith.constant 64 : index
      %swap3A_197 = tpu.vector_load %arg9[%swap3A_195, %swap3A_196] {strides = array<i32>} : memref<32x768xf32, #tpu.memory_space<vmem>>, vector<1x16xf32>,
      %swap3A_198 = vector.shape_cast %swap3A_197 : vector<1x16xf32> to vector<16xf32>
      %swap3A_199 = vector.shape_cast %get3A_194 : vector<16xf32> to vector<1x16xf32>
      tpu.vector_store %arg9[%swap3A_195, %swap3A_196], %swap3A_199 {add = true, strides = array<i32>} : memref<32x768xf32, #tpu.memory_space<vmem>>, vector<1x16xf32>,
      %get3A_200 = arith.index_cast %scan3A_156 : i32 to index
      %get3A_201 = arith.constant 80 : index
      %get3A_202 = tpu.vector_load %arg6[%get3A_200, %get3A_201] {strides = array<i32>} : memref<32x768xf32, #tpu.memory_space<vmem>>, vector<1x16xf32>,
      %get3A_203 = vector.shape_cast %get3A_202 : vector<1x16xf32> to vector<16xf32>
      %swap3A_204 = arith.index_cast %scan3A_156 : i32 to index
      %swap3A_205 = arith.constant 80 : index
      %swap3A_206 = tpu.vector_load %arg9[%swap3A_204, %swap3A_205] {strides = array<i32>} : memref<32x768xf32, #tpu.memory_space<vmem>>, vector<1x16xf32>,
      %swap3A_207 = vector.shape_cast %swap3A_206 : vector<1x16xf32> to vector<16xf32>
      %swap3A_208 = vector.shape_cast %get3A_203 : vector<16xf32> to vector<1x16xf32>
      tpu.vector_store %arg9[%swap3A_204, %swap3A_205], %swap3A_208 {add = true, strides = array<i32>} : memref<32x768xf32, #tpu.memory_space<vmem>>, vector<1x16xf32>,
      %get3A_209 = arith.index_cast %scan3A_156 : i32 to index
      %get3A_210 = arith.constant 96 : index
      %get3A_211 = tpu.vector_load %arg6[%get3A_209, %get3A_210] {strides = array<i32>} : memref<32x768xf32, #tpu.memory_space<vmem>>, vector<1x16xf32>,
      %get3A_212 = vector.shape_cast %get3A_211 : vector<1x16xf32> to vector<16xf32>
      %swap3A_213 = arith.index_cast %scan3A_156 : i32 to index
      %swap3A_214 = arith.constant 96 : index
      %swap3A_215 = tpu.vector_load %arg9[%swap3A_213, %swap3A_214] {strides = array<i32>} : memref<32x768xf32, #tpu.memory_space<vmem>>, vector<1x16xf32>,
      %swap3A_216 = vector.shape_cast %swap3A_215 : vector<1x16xf32> to vector<16xf32>
      %swap3A_217 = vector.shape_cast %get3A_212 : vector<16xf32> to vector<1x16xf32>
      tpu.vector_store %arg9[%swap3A_213, %swap3A_214], %swap3A_217 {add = true, strides = array<i32>} : memref<32x768xf32, #tpu.memory_space<vmem>>, vector<1x16xf32>,
      %get3A_218 = arith.index_cast %scan3A_156 : i32 to index
      %get3A_219 = arith.constant 112 : index
      %get3A_220 = tpu.vector_load %arg6[%get3A_218, %get3A_219] {strides = array<i32>} : memref<32x768xf32, #tpu.memory_space<vmem>>, vector<1x16xf32>,
      %get3A_221 = vector.shape_cast %get3A_220 : vector<1x16xf32> to vector<16xf32>
      %swap3A_222 = arith.index_cast %scan3A_156 : i32 to index
      %swap3A_223 = arith.constant 112 : index
      %swap3A_224 = tpu.vector_load %arg9[%swap3A_222, %swap3A_223] {strides = array<i32>} : memref<32x768xf32, #tpu.memory_space<vmem>>, vector<1x16xf32>,
      %swap3A_225 = vector.shape_cast %swap3A_224 : vector<1x16xf32> to vector<16xf32>
      %swap3A_226 = vector.shape_cast %get3A_221 : vector<16xf32> to vector<1x16xf32>
      tpu.vector_store %arg9[%swap3A_222, %swap3A_223], %swap3A_226 {add = true, strides = array<i32>} : memref<32x768xf32, #tpu.memory_space<vmem>>, vector<1x16xf32>,
      %get3A_227 = arith.index_cast %scan3A_156 : i32 to index
      %get3A_228 = arith.constant 128 : index
      %get3A_229 = tpu.vector_load %arg6[%get3A_227, %get3A_228] {strides = array<i32>} : memref<32x768xf32, #tpu.memory_space<vmem>>, vector<1x16xf32>,
      %get3A_230 = vector.shape_cast %get3A_229 : vector<1x16xf32> to vector<16xf32>
      %swap3A_231 = arith.index_cast %scan3A_156 : i32 to index
      %swap3A_232 = arith.constant 128 : index
      %swap3A_233 = tpu.vector_load %arg9[%swap3A_231, %swap3A_232] {strides = array<i32>} : memref<32x768xf32, #tpu.memory_space<vmem>>, vector<1x16xf32>,
      %swap3A_234 = vector.shape_cast %swap3A_233 : vector<1x16xf32> to vector<16xf32>
      %swap3A_235 = vector.shape_cast %get3A_230 : vector<16xf32> to vector<1x16xf32>
      tpu.vector_store %arg9[%swap3A_231, %swap3A_232], %swap3A_235 {add = true, strides = array<i32>} : memref<32x768xf32, #tpu.memory_space<vmem>>, vector<1x16xf32>,
      %get3A_236 = arith.index_cast %scan3A_156 : i32 to index
      %get3A_237 = arith.constant 144 : index
      %get3A_238 = tpu.vector_load %arg6[%get3A_236, %get3A_237] {strides = array<i32>} : memref<32x768xf32, #tpu.memory_space<vmem>>, vector<1x16xf32>,
      %get3A_239 = vector.shape_cast %get3A_238 : vector<1x16xf32> to vector<16xf32>
      %swap3A_240 = arith.index_cast %scan3A_156 : i32 to index
      %swap3A_241 = arith.constant 144 : index
      %swap3A_242 = tpu.vector_load %arg9[%swap3A_240, %swap3A_241] {strides = array<i32>} : memref<32x768xf32, #tpu.memory_space<vmem>>, vector<1x16xf32>,
      %swap3A_243 = vector.shape_cast %swap3A_242 : vector<1x16xf32> to vector<16xf32>
      %swap3A_244 = vector.shape_cast %get3A_239 : vector<16xf32> to vector<1x16xf32>
      tpu.vector_store %arg9[%swap3A_240, %swap3A_241], %swap3A_244 {add = true, strides = array<i32>} : memref<32x768xf32, #tpu.memory_space<vmem>>, vector<1x16xf32>,
      %get3A_245 = arith.index_cast %scan3A_156 : i32 to index
      %get3A_246 = arith.constant 160 : index
      %get3A_247 = tpu.vector_load %arg6[%get3A_245, %get3A_246] {strides = array<i32>} : memref<32x768xf32, #tpu.memory_space<vmem>>, vector<1x16xf32>,
      %get3A_248 = vector.shape_cast %get3A_247 : vector<1x16xf32> to vector<16xf32>
      %swap3A_249 = arith.index_cast %scan3A_156 : i32 to index
      %swap3A_250 = arith.constant 160 : index
      %swap3A_251 = tpu.vector_load %arg9[%swap3A_249, %swap3A_250] {strides = array<i32>} : memref<32x768xf32, #tpu.memory_space<vmem>>, vector<1x16xf32>,
      %swap3A_252 = vector.shape_cast %swap3A_251 : vector<1x16xf32> to vector<16xf32>
      %swap3A_253 = vector.shape_cast %get3A_248 : vector<16xf32> to vector<1x16xf32>
      tpu.vector_store %arg9[%swap3A_249, %swap3A_250], %swap3A_253 {add = true, strides = array<i32>} : memref<32x768xf32, #tpu.memory_space<vmem>>, vector<1x16xf32>,
      %get3A_254 = arith.index_cast %scan3A_156 : i32 to index
      %get3A_255 = arith.constant 176 : index
      %get3A_256 = tpu.vector_load %arg6[%get3A_254, %get3A_255] {strides = array<i32>} : memref<32x768xf32, #tpu.memory_space<vmem>>, vector<1x16xf32>,
      %get3A_257 = vector.shape_cast %get3A_256 : vector<1x16xf32> to vector<16xf32>
      %swap3A_258 = arith.index_cast %scan3A_156 : i32 to index
      %swap3A_259 = arith.constant 176 : index
      %swap3A_260 = tpu.vector_load %arg9[%swap3A_258, %swap3A_259] {strides = array<i32>} : memref<32x768xf32, #tpu.memory_space<vmem>>, vector<1x16xf32>,
      %swap3A_261 = vector.shape_cast %swap3A_260 : vector<1x16xf32> to vector<16xf32>
      %swap3A_262 = vector.shape_cast %get3A_257 : vector<16xf32> to vector<1x16xf32>
      tpu.vector_store %arg9[%swap3A_258, %swap3A_259], %swap3A_262 {add = true, strides = array<i32>} : memref<32x768xf32, #tpu.memory_space<vmem>>, vector<1x16xf32>,
      %get3A_263 = arith.index_cast %scan3A_156 : i32 to index
      %get3A_264 = arith.constant 192 : index
      %get3A_265 = tpu.vector_load %arg6[%get3A_263, %get3A_264] {strides = array<i32>} : memref<32x768xf32, #tpu.memory_space<vmem>>, vector<1x16xf32>,
      %get3A_266 = vector.shape_cast %get3A_265 : vector<1x16xf32> to vector<16xf32>
      %swap3A_267 = arith.index_cast %scan3A_156 : i32 to index
      %swap3A_268 = arith.constant 192 : index
      %swap3A_269 = tpu.vector_load %arg9[%swap3A_267, %swap3A_268] {strides = array<i32>} : memref<32x768xf32, #tpu.memory_space<vmem>>, vector<1x16xf32>,
      %swap3A_270 = vector.shape_cast %swap3A_269 : vector<1x16xf32> to vector<16xf32>
      %swap3A_271 = vector.shape_cast %get3A_266 : vector<16xf32> to vector<1x16xf32>
      tpu.vector_store %arg9[%swap3A_267, %swap3A_268], %swap3A_271 {add = true, strides = array<i32>} : memref<32x768xf32, #tpu.memory_space<vmem>>, vector<1x16xf32>,
      %get3A_272 = arith.index_cast %scan3A_156 : i32 to index
      %get3A_273 = arith.constant 208 : index
      %get3A_274 = tpu.vector_load %arg6[%get3A_272, %get3A_273] {strides = array<i32>} : memref<32x768xf32, #tpu.memory_space<vmem>>, vector<1x16xf32>,
      %get3A_275 = vector.shape_cast %get3A_274 : vector<1x16xf32> to vector<16xf32>
      %swap3A_276 = arith.index_cast %scan3A_156 : i32 to index
      %swap3A_277 = arith.constant 208 : index
      %swap3A_278 = tpu.vector_load %arg9[%swap3A_276, %swap3A_277] {strides = array<i32>} : memref<32x768xf32, #tpu.memory_space<vmem>>, vector<1x16xf32>,
      %swap3A_279 = vector.shape_cast %swap3A_278 : vector<1x16xf32> to vector<16xf32>
      %swap3A_280 = vector.shape_cast %get3A_275 : vector<16xf32> to vector<1x16xf32>
      tpu.vector_store %arg9[%swap3A_276, %swap3A_277], %swap3A_280 {add = true, strides = array<i32>} : memref<32x768xf32, #tpu.memory_space<vmem>>, vector<1x16xf32>,
      %get3A_281 = arith.index_cast %scan3A_156 : i32 to index
      %get3A_282 = arith.constant 224 : index
      %get3A_283 = tpu.vector_load %arg6[%get3A_281, %get3A_282] {strides = array<i32>} : memref<32x768xf32, #tpu.memory_space<vmem>>, vector<1x16xf32>,
      %get3A_284 = vector.shape_cast %get3A_283 : vector<1x16xf32> to vector<16xf32>
      %swap3A_285 = arith.index_cast %scan3A_156 : i32 to index
      %swap3A_286 = arith.constant 224 : index
      %swap3A_287 = tpu.vector_load %arg9[%swap3A_285, %swap3A_286] {strides = array<i32>} : memref<32x768xf32, #tpu.memory_space<vmem>>, vector<1x16xf32>,
      %swap3A_288 = vector.shape_cast %swap3A_287 : vector<1x16xf32> to vector<16xf32>
      %swap3A_289 = vector.shape_cast %get3A_284 : vector<16xf32> to vector<1x16xf32>
      tpu.vector_store %arg9[%swap3A_285, %swap3A_286], %swap3A_289 {add = true, strides = array<i32>} : memref<32x768xf32, #tpu.memory_space<vmem>>, vector<1x16xf32>,
      %get3A_290 = arith.index_cast %scan3A_156 : i32 to index
      %get3A_291 = arith.constant 240 : index
      %get3A_292 = tpu.vector_load %arg6[%get3A_290, %get3A_291] {strides = array<i32>} : memref<32x768xf32, #tpu.memory_space<vmem>>, vector<1x16xf32>,
      %get3A_293 = vector.shape_cast %get3A_292 : vector<1x16xf32> to vector<16xf32>
      %swap3A_294 = arith.index_cast %scan3A_156 : i32 to index
      %swap3A_295 = arith.constant 240 : index
      %swap3A_296 = tpu.vector_load %arg9[%swap3A_294, %swap3A_295] {strides = array<i32>} : memref<32x768xf32, #tpu.memory_space<vmem>>, vector<1x16xf32>,
      %swap3A_297 = vector.shape_cast %swap3A_296 : vector<1x16xf32> to vector<16xf32>
      %swap3A_298 = vector.shape_cast %get3A_293 : vector<16xf32> to vector<1x16xf32>
      tpu.vector_store %arg9[%swap3A_294, %swap3A_295], %swap3A_298 {add = true, strides = array<i32>} : memref<32x768xf32, #tpu.memory_space<vmem>>, vector<1x16xf32>,
      %get3A_299 = arith.index_cast %scan3A_156 : i32 to index
      %get3A_300 = arith.constant 256 : index
      %get3A_301 = tpu.vector_load %arg6[%get3A_299, %get3A_300] {strides = array<i32>} : memref<32x768xf32, #tpu.memory_space<vmem>>, vector<1x16xf32>,
      %get3A_302 = vector.shape_cast %get3A_301 : vector<1x16xf32> to vector<16xf32>
      %swap3A_303 = arith.index_cast %scan3A_156 : i32 to index
      %swap3A_304 = arith.constant 256 : index
      %swap3A_305 = tpu.vector_load %arg9[%swap3A_303, %swap3A_304] {strides = array<i32>} : memref<32x768xf32, #tpu.memory_space<vmem>>, vector<1x16xf32>,
      %swap3A_306 = vector.shape_cast %swap3A_305 : vector<1x16xf32> to vector<16xf32>
      %swap3A_307 = vector.shape_cast %get3A_302 : vector<16xf32> to vector<1x16xf32>
      tpu.vector_store %arg9[%swap3A_303, %swap3A_304], %swap3A_307 {add = true, strides = array<i32>} : memref<32x768xf32, #tpu.memory_space<vmem>>, vector<1x16xf32>,
      %get3A_308 = arith.index_cast %scan3A_156 : i32 to index
      %get3A_309 = arith.constant 272 : index
      %get3A_310 = tpu.vector_load %arg6[%get3A_308, %get3A_309] {strides = array<i32>} : memref<32x768xf32, #tpu.memory_space<vmem>>, vector<1x16xf32>,
      %get3A_311 = vector.shape_cast %get3A_310 : vector<1x16xf32> to vector<16xf32>
      %swap3A_312 = arith.index_cast %scan3A_156 : i32 to index
      %swap3A_313 = arith.constant 272 : index
      %swap3A_314 = tpu.vector_load %arg9[%swap3A_312, %swap3A_313] {strides = array<i32>} : memref<32x768xf32, #tpu.memory_space<vmem>>, vector<1x16xf32>,
      %swap3A_315 = vector.shape_cast %swap3A_314 : vector<1x16xf32> to vector<16xf32>
      %swap3A_316 = vector.shape_cast %get3A_311 : vector<16xf32> to vector<1x16xf32>
      tpu.vector_store %arg9[%swap3A_312, %swap3A_313], %swap3A_316 {add = true, strides = array<i32>} : memref<32x768xf32, #tpu.memory_space<vmem>>, vector<1x16xf32>,
      %get3A_317 = arith.index_cast %scan3A_156 : i32 to index
      %get3A_318 = arith.constant 288 : index
      %get3A_319 = tpu.vector_load %arg6[%get3A_317, %get3A_318] {strides = array<i32>} : memref<32x768xf32, #tpu.memory_space<vmem>>, vector<1x16xf32>,
      %get3A_320 = vector.shape_cast %get3A_319 : vector<1x16xf32> to vector<16xf32>
      %swap3A_321 = arith.index_cast %scan3A_156 : i32 to index
      %swap3A_322 = arith.constant 288 : index
      %swap3A_323 = tpu.vector_load %arg9[%swap3A_321, %swap3A_322] {strides = array<i32>} : memref<32x768xf32, #tpu.memory_space<vmem>>, vector<1x16xf32>,
      %swap3A_324 = vector.shape_cast %swap3A_323 : vector<1x16xf32> to vector<16xf32>
      %swap3A_325 = vector.shape_cast %get3A_320 : vector<16xf32> to vector<1x16xf32>
      tpu.vector_store %arg9[%swap3A_321, %swap3A_322], %swap3A_325 {add = true, strides = array<i32>} : memref<32x768xf32, #tpu.memory_space<vmem>>, vector<1x16xf32>,
      %get3A_326 = arith.index_cast %scan3A_156 : i32 to index
      %get3A_327 = arith.constant 304 : index
      %get3A_328 = tpu.vector_load %arg6[%get3A_326, %get3A_327] {strides = array<i32>} : memref<32x768xf32, #tpu.memory_space<vmem>>, vector<1x16xf32>,
      %get3A_329 = vector.shape_cast %get3A_328 : vector<1x16xf32> to vector<16xf32>
      %swap3A_330 = arith.index_cast %scan3A_156 : i32 to index
      %swap3A_331 = arith.constant 304 : index
      %swap3A_332 = tpu.vector_load %arg9[%swap3A_330, %swap3A_331] {strides = array<i32>} : memref<32x768xf32, #tpu.memory_space<vmem>>, vector<1x16xf32>,
      %swap3A_333 = vector.shape_cast %swap3A_332 : vector<1x16xf32> to vector<16xf32>
      %swap3A_334 = vector.shape_cast %get3A_329 : vector<16xf32> to vector<1x16xf32>
      tpu.vector_store %arg9[%swap3A_330, %swap3A_331], %swap3A_334 {add = true, strides = array<i32>} : memref<32x768xf32, #tpu.memory_space<vmem>>, vector<1x16xf32>,
      %get3A_335 = arith.index_cast %scan3A_156 : i32 to index
      %get3A_336 = arith.constant 320 : index
      %get3A_337 = tpu.vector_load %arg6[%get3A_335, %get3A_336] {strides = array<i32>} : memref<32x768xf32, #tpu.memory_space<vmem>>, vector<1x16xf32>,
      %get3A_338 = vector.shape_cast %get3A_337 : vector<1x16xf32> to vector<16xf32>
      %swap3A_339 = arith.index_cast %scan3A_156 : i32 to index
      %swap3A_340 = arith.constant 320 : index
      %swap3A_341 = tpu.vector_load %arg9[%swap3A_339, %swap3A_340] {strides = array<i32>} : memref<32x768xf32, #tpu.memory_space<vmem>>, vector<1x16xf32>,
      %swap3A_342 = vector.shape_cast %swap3A_341 : vector<1x16xf32> to vector<16xf32>
      %swap3A_343 = vector.shape_cast %get3A_338 : vector<16xf32> to vector<1x16xf32>
      tpu.vector_store %arg9[%swap3A_339, %swap3A_340], %swap3A_343 {add = true, strides = array<i32>} : memref<32x768xf32, #tpu.memory_space<vmem>>, vector<1x16xf32>,
      %get3A_344 = arith.index_cast %scan3A_156 : i32 to index
      %get3A_345 = arith.constant 336 : index
      %get3A_346 = tpu.vector_load %arg6[%get3A_344, %get3A_345] {strides = array<i32>} : memref<32x768xf32, #tpu.memory_space<vmem>>, vector<1x16xf32>,
      %get3A_347 = vector.shape_cast %get3A_346 : vector<1x16xf32> to vector<16xf32>
      %swap3A_348 = arith.index_cast %scan3A_156 : i32 to index
      %swap3A_349 = arith.constant 336 : index
      %swap3A_350 = tpu.vector_load %arg9[%swap3A_348, %swap3A_349] {strides = array<i32>} : memref<32x768xf32, #tpu.memory_space<vmem>>, vector<1x16xf32>,
      %swap3A_351 = vector.shape_cast %swap3A_350 : vector<1x16xf32> to vector<16xf32>
      %swap3A_352 = vector.shape_cast %get3A_347 : vector<16xf32> to vector<1x16xf32>
      tpu.vector_store %arg9[%swap3A_348, %swap3A_349], %swap3A_352 {add = true, strides = array<i32>} : memref<32x768xf32, #tpu.memory_space<vmem>>, vector<1x16xf32>,
      %get3A_353 = arith.index_cast %scan3A_156 : i32 to index
      %get3A_354 = arith.constant 352 : index
      %get3A_355 = tpu.vector_load %arg6[%get3A_353, %get3A_354] {strides = array<i32>} : memref<32x768xf32, #tpu.memory_space<vmem>>, vector<1x16xf32>,
      %get3A_356 = vector.shape_cast %get3A_355 : vector<1x16xf32> to vector<16xf32>
      %swap3A_357 = arith.index_cast %scan3A_156 : i32 to index
      %swap3A_358 = arith.constant 352 : index
      %swap3A_359 = tpu.vector_load %arg9[%swap3A_357, %swap3A_358] {strides = array<i32>} : memref<32x768xf32, #tpu.memory_space<vmem>>, vector<1x16xf32>,
      %swap3A_360 = vector.shape_cast %swap3A_359 : vector<1x16xf32> to vector<16xf32>
      %swap3A_361 = vector.shape_cast %get3A_356 : vector<16xf32> to vector<1x16xf32>
      tpu.vector_store %arg9[%swap3A_357, %swap3A_358], %swap3A_361 {add = true, strides = array<i32>} : memref<32x768xf32, #tpu.memory_space<vmem>>, vector<1x16xf32>,
      %get3A_362 = arith.index_cast %scan3A_156 : i32 to index
      %get3A_363 = arith.constant 368 : index
      %get3A_364 = tpu.vector_load %arg6[%get3A_362, %get3A_363] {strides = array<i32>} : memref<32x768xf32, #tpu.memory_space<vmem>>, vector<1x16xf32>,
      %get3A_365 = vector.shape_cast %get3A_364 : vector<1x16xf32> to vector<16xf32>
      %swap3A_366 = arith.index_cast %scan3A_156 : i32 to index
      %swap3A_367 = arith.constant 368 : index
      %swap3A_368 = tpu.vector_load %arg9[%swap3A_366, %swap3A_367] {strides = array<i32>} : memref<32x768xf32, #tpu.memory_space<vmem>>, vector<1x16xf32>,
      %swap3A_369 = vector.shape_cast %swap3A_368 : vector<1x16xf32> to vector<16xf32>
      %swap3A_370 = vector.shape_cast %get3A_365 : vector<16xf32> to vector<1x16xf32>
      tpu.vector_store %arg9[%swap3A_366, %swap3A_367], %swap3A_370 {add = true, strides = array<i32>} : memref<32x768xf32, #tpu.memory_space<vmem>>, vector<1x16xf32>,
      %get3A_371 = arith.index_cast %scan3A_156 : i32 to index
      %get3A_372 = arith.constant 384 : index
      %get3A_373 = tpu.vector_load %arg6[%get3A_371, %get3A_372] {strides = array<i32>} : memref<32x768xf32, #tpu.memory_space<vmem>>, vector<1x16xf32>,
      %get3A_374 = vector.shape_cast %get3A_373 : vector<1x16xf32> to vector<16xf32>
      %swap3A_375 = arith.index_cast %scan3A_156 : i32 to index
      %swap3A_376 = arith.constant 384 : index
      %swap3A_377 = tpu.vector_load %arg9[%swap3A_375, %swap3A_376] {strides = array<i32>} : memref<32x768xf32, #tpu.memory_space<vmem>>, vector<1x16xf32>,
      %swap3A_378 = vector.shape_cast %swap3A_377 : vector<1x16xf32> to vector<16xf32>
      %swap3A_379 = vector.shape_cast %get3A_374 : vector<16xf32> to vector<1x16xf32>
      tpu.vector_store %arg9[%swap3A_375, %swap3A_376], %swap3A_379 {add = true, strides = array<i32>} : memref<32x768xf32, #tpu.memory_space<vmem>>, vector<1x16xf32>,
      %get3A_380 = arith.index_cast %scan3A_156 : i32 to index
      %get3A_381 = arith.constant 400 : index
      %get3A_382 = tpu.vector_load %arg6[%get3A_380, %get3A_381] {strides = array<i32>} : memref<32x768xf32, #tpu.memory_space<vmem>>, vector<1x16xf32>,
      %get3A_383 = vector.shape_cast %get3A_382 : vector<1x16xf32> to vector<16xf32>
      %swap3A_384 = arith.index_cast %scan3A_156 : i32 to index
      %swap3A_385 = arith.constant 400 : index
      %swap3A_386 = tpu.vector_load %arg9[%swap3A_384, %swap3A_385] {strides = array<i32>} : memref<32x768xf32, #tpu.memory_space<vmem>>, vector<1x16xf32>,
      %swap3A_387 = vector.shape_cast %swap3A_386 : vector<1x16xf32> to vector<16xf32>
      %swap3A_388 = vector.shape_cast %get3A_383 : vector<16xf32> to vector<1x16xf32>
      tpu.vector_store %arg9[%swap3A_384, %swap3A_385], %swap3A_388 {add = true, strides = array<i32>} : memref<32x768xf32, #tpu.memory_space<vmem>>, vector<1x16xf32>,
      %get3A_389 = arith.index_cast %scan3A_156 : i32 to index
      %get3A_390 = arith.constant 416 : index
      %get3A_391 = tpu.vector_load %arg6[%get3A_389, %get3A_390] {strides = array<i32>} : memref<32x768xf32, #tpu.memory_space<vmem>>, vector<1x16xf32>,
      %get3A_392 = vector.shape_cast %get3A_391 : vector<1x16xf32> to vector<16xf32>
      %swap3A_393 = arith.index_cast %scan3A_156 : i32 to index
      %swap3A_394 = arith.constant 416 : index
      %swap3A_395 = tpu.vector_load %arg9[%swap3A_393, %swap3A_394] {strides = array<i32>} : memref<32x768xf32, #tpu.memory_space<vmem>>, vector<1x16xf32>,
      %swap3A_396 = vector.shape_cast %swap3A_395 : vector<1x16xf32> to vector<16xf32>
      %swap3A_397 = vector.shape_cast %get3A_392 : vector<16xf32> to vector<1x16xf32>
      tpu.vector_store %arg9[%swap3A_393, %swap3A_394], %swap3A_397 {add = true, strides = array<i32>} : memref<32x768xf32, #tpu.memory_space<vmem>>, vector<1x16xf32>,
      %get3A_398 = arith.index_cast %scan3A_156 : i32 to index
      %get3A_399 = arith.constant 432 : index
      %get3A_400 = tpu.vector_load %arg6[%get3A_398, %get3A_399] {strides = array<i32>} : memref<32x768xf32, #tpu.memory_space<vmem>>, vector<1x16xf32>,
      %get3A_401 = vector.shape_cast %get3A_400 : vector<1x16xf32> to vector<16xf32>
      %swap3A_402 = arith.index_cast %scan3A_156 : i32 to index
      %swap3A_403 = arith.constant 432 : index
      %swap3A_404 = tpu.vector_load %arg9[%swap3A_402, %swap3A_403] {strides = array<i32>} : memref<32x768xf32, #tpu.memory_space<vmem>>, vector<1x16xf32>,
      %swap3A_405 = vector.shape_cast %swap3A_404 : vector<1x16xf32> to vector<16xf32>
      %swap3A_406 = vector.shape_cast %get3A_401 : vector<16xf32> to vector<1x16xf32>
      tpu.vector_store %arg9[%swap3A_402, %swap3A_403], %swap3A_406 {add = true, strides = array<i32>} : memref<32x768xf32, #tpu.memory_space<vmem>>, vector<1x16xf32>,
      %get3A_407 = arith.index_cast %scan3A_156 : i32 to index
      %get3A_408 = arith.constant 448 : index
      %get3A_409 = tpu.vector_load %arg6[%get3A_407, %get3A_408] {strides = array<i32>} : memref<32x768xf32, #tpu.memory_space<vmem>>, vector<1x16xf32>,
      %get3A_410 = vector.shape_cast %get3A_409 : vector<1x16xf32> to vector<16xf32>
      %swap3A_411 = arith.index_cast %scan3A_156 : i32 to index
      %swap3A_412 = arith.constant 448 : index
      %swap3A_413 = tpu.vector_load %arg9[%swap3A_411, %swap3A_412] {strides = array<i32>} : memref<32x768xf32, #tpu.memory_space<vmem>>, vector<1x16xf32>,
      %swap3A_414 = vector.shape_cast %swap3A_413 : vector<1x16xf32> to vector<16xf32>
      %swap3A_415 = vector.shape_cast %get3A_410 : vector<16xf32> to vector<1x16xf32>
      tpu.vector_store %arg9[%swap3A_411, %swap3A_412], %swap3A_415 {add = true, strides = array<i32>} : memref<32x768xf32, #tpu.memory_space<vmem>>, vector<1x16xf32>,
      %get3A_416 = arith.index_cast %scan3A_156 : i32 to index
      %get3A_417 = arith.constant 464 : index
      %get3A_418 = tpu.vector_load %arg6[%get3A_416, %get3A_417] {strides = array<i32>} : memref<32x768xf32, #tpu.memory_space<vmem>>, vector<1x16xf32>,
      %get3A_419 = vector.shape_cast %get3A_418 : vector<1x16xf32> to vector<16xf32>
      %swap3A_420 = arith.index_cast %scan3A_156 : i32 to index
      %swap3A_421 = arith.constant 464 : index
      %swap3A_422 = tpu.vector_load %arg9[%swap3A_420, %swap3A_421] {strides = array<i32>} : memref<32x768xf32, #tpu.memory_space<vmem>>, vector<1x16xf32>,
      %swap3A_423 = vector.shape_cast %swap3A_422 : vector<1x16xf32> to vector<16xf32>
      %swap3A_424 = vector.shape_cast %get3A_419 : vector<16xf32> to vector<1x16xf32>
      tpu.vector_store %arg9[%swap3A_420, %swap3A_421], %swap3A_424 {add = true, strides = array<i32>} : memref<32x768xf32, #tpu.memory_space<vmem>>, vector<1x16xf32>,
      %get3A_425 = arith.index_cast %scan3A_156 : i32 to index
      %get3A_426 = arith.constant 480 : index
      %get3A_427 = tpu.vector_load %arg6[%get3A_425, %get3A_426] {strides = array<i32>} : memref<32x768xf32, #tpu.memory_space<vmem>>, vector<1x16xf32>,
      %get3A_428 = vector.shape_cast %get3A_427 : vector<1x16xf32> to vector<16xf32>
      %swap3A_429 = arith.index_cast %scan3A_156 : i32 to index
      %swap3A_430 = arith.constant 480 : index
      %swap3A_431 = tpu.vector_load %arg9[%swap3A_429, %swap3A_430] {strides = array<i32>} : memref<32x768xf32, #tpu.memory_space<vmem>>, vector<1x16xf32>,
      %swap3A_432 = vector.shape_cast %swap3A_431 : vector<1x16xf32> to vector<16xf32>
      %swap3A_433 = vector.shape_cast %get3A_428 : vector<16xf32> to vector<1x16xf32>
      tpu.vector_store %arg9[%swap3A_429, %swap3A_430], %swap3A_433 {add = true, strides = array<i32>} : memref<32x768xf32, #tpu.memory_space<vmem>>, vector<1x16xf32>,
      %get3A_434 = arith.index_cast %scan3A_156 : i32 to index
      %get3A_435 = arith.constant 496 : index
      %get3A_436 = tpu.vector_load %arg6[%get3A_434, %get3A_435] {strides = array<i32>} : memref<32x768xf32, #tpu.memory_space<vmem>>, vector<1x16xf32>,
      %get3A_437 = vector.shape_cast %get3A_436 : vector<1x16xf32> to vector<16xf32>
      %swap3A_438 = arith.index_cast %scan3A_156 : i32 to index
      %swap3A_439 = arith.constant 496 : index
      %swap3A_440 = tpu.vector_load %arg9[%swap3A_438, %swap3A_439] {strides = array<i32>} : memref<32x768xf32, #tpu.memory_space<vmem>>, vector<1x16xf32>,
      %swap3A_441 = vector.shape_cast %swap3A_440 : vector<1x16xf32> to vector<16xf32>
      %swap3A_442 = vector.shape_cast %get3A_437 : vector<16xf32> to vector<1x16xf32>
      tpu.vector_store %arg9[%swap3A_438, %swap3A_439], %swap3A_442 {add = true, strides = array<i32>} : memref<32x768xf32, #tpu.memory_space<vmem>>, vector<1x16xf32>,
      %get3A_443 = arith.index_cast %scan3A_156 : i32 to index
      %get3A_444 = arith.constant 512 : index
      %get3A_445 = tpu.vector_load %arg6[%get3A_443, %get3A_444] {strides = array<i32>} : memref<32x768xf32, #tpu.memory_space<vmem>>, vector<1x16xf32>,
      %get3A_446 = vector.shape_cast %get3A_445 : vector<1x16xf32> to vector<16xf32>
      %swap3A_447 = arith.index_cast %scan3A_156 : i32 to index
      %swap3A_448 = arith.constant 512 : index
      %swap3A_449 = tpu.vector_load %arg9[%swap3A_447, %swap3A_448] {strides = array<i32>} : memref<32x768xf32, #tpu.memory_space<vmem>>, vector<1x16xf32>,
      %swap3A_450 = vector.shape_cast %swap3A_449 : vector<1x16xf32> to vector<16xf32>
      %swap3A_451 = vector.shape_cast %get3A_446 : vector<16xf32> to vector<1x16xf32>
      tpu.vector_store %arg9[%swap3A_447, %swap3A_448], %swap3A_451 {add = true, strides = array<i32>} : memref<32x768xf32, #tpu.memory_space<vmem>>, vector<1x16xf32>,
      %get3A_452 = arith.index_cast %scan3A_156 : i32 to index
      %get3A_453 = arith.constant 528 : index
      %get3A_454 = tpu.vector_load %arg6[%get3A_452, %get3A_453] {strides = array<i32>} : memref<32x768xf32, #tpu.memory_space<vmem>>, vector<1x16xf32>,
      %get3A_455 = vector.shape_cast %get3A_454 : vector<1x16xf32> to vector<16xf32>
      %swap3A_456 = arith.index_cast %scan3A_156 : i32 to index
      %swap3A_457 = arith.constant 528 : index
      %swap3A_458 = tpu.vector_load %arg9[%swap3A_456, %swap3A_457] {strides = array<i32>} : memref<32x768xf32, #tpu.memory_space<vmem>>, vector<1x16xf32>,
      %swap3A_459 = vector.shape_cast %swap3A_458 : vector<1x16xf32> to vector<16xf32>
      %swap3A_460 = vector.shape_cast %get3A_455 : vector<16xf32> to vector<1x16xf32>
      tpu.vector_store %arg9[%swap3A_456, %swap3A_457], %swap3A_460 {add = true, strides = array<i32>} : memref<32x768xf32, #tpu.memory_space<vmem>>, vector<1x16xf32>,
      %get3A_461 = arith.index_cast %scan3A_156 : i32 to index
      %get3A_462 = arith.constant 544 : index
      %get3A_463 = tpu.vector_load %arg6[%get3A_461, %get3A_462] {strides = array<i32>} : memref<32x768xf32, #tpu.memory_space<vmem>>, vector<1x16xf32>,
      %get3A_464 = vector.shape_cast %get3A_463 : vector<1x16xf32> to vector<16xf32>
      %swap3A_465 = arith.index_cast %scan3A_156 : i32 to index
      %swap3A_466 = arith.constant 544 : index
      %swap3A_467 = tpu.vector_load %arg9[%swap3A_465, %swap3A_466] {strides = array<i32>} : memref<32x768xf32, #tpu.memory_space<vmem>>, vector<1x16xf32>,
      %swap3A_468 = vector.shape_cast %swap3A_467 : vector<1x16xf32> to vector<16xf32>
      %swap3A_469 = vector.shape_cast %get3A_464 : vector<16xf32> to vector<1x16xf32>
      tpu.vector_store %arg9[%swap3A_465, %swap3A_466], %swap3A_469 {add = true, strides = array<i32>} : memref<32x768xf32, #tpu.memory_space<vmem>>, vector<1x16xf32>,
      %get3A_470 = arith.index_cast %scan3A_156 : i32 to index
      %get3A_471 = arith.constant 560 : index
      %get3A_472 = tpu.vector_load %arg6[%get3A_470, %get3A_471] {strides = array<i32>} : memref<32x768xf32, #tpu.memory_space<vmem>>, vector<1x16xf32>,
      %get3A_473 = vector.shape_cast %get3A_472 : vector<1x16xf32> to vector<16xf32>
      %swap3A_474 = arith.index_cast %scan3A_156 : i32 to index
      %swap3A_475 = arith.constant 560 : index
      %swap3A_476 = tpu.vector_load %arg9[%swap3A_474, %swap3A_475] {strides = array<i32>} : memref<32x768xf32, #tpu.memory_space<vmem>>, vector<1x16xf32>,
      %swap3A_477 = vector.shape_cast %swap3A_476 : vector<1x16xf32> to vector<16xf32>
      %swap3A_478 = vector.shape_cast %get3A_473 : vector<16xf32> to vector<1x16xf32>
      tpu.vector_store %arg9[%swap3A_474, %swap3A_475], %swap3A_478 {add = true, strides = array<i32>} : memref<32x768xf32, #tpu.memory_space<vmem>>, vector<1x16xf32>,
      %get3A_479 = arith.index_cast %scan3A_156 : i32 to index
      %get3A_480 = arith.constant 576 : index
      %get3A_481 = tpu.vector_load %arg6[%get3A_479, %get3A_480] {strides = array<i32>} : memref<32x768xf32, #tpu.memory_space<vmem>>, vector<1x16xf32>,
      %get3A_482 = vector.shape_cast %get3A_481 : vector<1x16xf32> to vector<16xf32>
      %swap3A_483 = arith.index_cast %scan3A_156 : i32 to index
      %swap3A_484 = arith.constant 576 : index
      %swap3A_485 = tpu.vector_load %arg9[%swap3A_483, %swap3A_484] {strides = array<i32>} : memref<32x768xf32, #tpu.memory_space<vmem>>, vector<1x16xf32>,
      %swap3A_486 = vector.shape_cast %swap3A_485 : vector<1x16xf32> to vector<16xf32>
      %swap3A_487 = vector.shape_cast %get3A_482 : vector<16xf32> to vector<1x16xf32>
      tpu.vector_store %arg9[%swap3A_483, %swap3A_484], %swap3A_487 {add = true, strides = array<i32>} : memref<32x768xf32, #tpu.memory_space<vmem>>, vector<1x16xf32>,
      %get3A_488 = arith.index_cast %scan3A_156 : i32 to index
      %get3A_489 = arith.constant 592 : index
      %get3A_490 = tpu.vector_load %arg6[%get3A_488, %get3A_489] {strides = array<i32>} : memref<32x768xf32, #tpu.memory_space<vmem>>, vector<1x16xf32>,
      %get3A_491 = vector.shape_cast %get3A_490 : vector<1x16xf32> to vector<16xf32>
      %swap3A_492 = arith.index_cast %scan3A_156 : i32 to index
      %swap3A_493 = arith.constant 592 : index
      %swap3A_494 = tpu.vector_load %arg9[%swap3A_492, %swap3A_493] {strides = array<i32>} : memref<32x768xf32, #tpu.memory_space<vmem>>, vector<1x16xf32>,
      %swap3A_495 = vector.shape_cast %swap3A_494 : vector<1x16xf32> to vector<16xf32>
      %swap3A_496 = vector.shape_cast %get3A_491 : vector<16xf32> to vector<1x16xf32>
      tpu.vector_store %arg9[%swap3A_492, %swap3A_493], %swap3A_496 {add = true, strides = array<i32>} : memref<32x768xf32, #tpu.memory_space<vmem>>, vector<1x16xf32>,
      %get3A_497 = arith.index_cast %scan3A_156 : i32 to index
      %get3A_498 = arith.constant 608 : index
      %get3A_499 = tpu.vector_load %arg6[%get3A_497, %get3A_498] {strides = array<i32>} : memref<32x768xf32, #tpu.memory_space<vmem>>, vector<1x16xf32>,
      %get3A_500 = vector.shape_cast %get3A_499 : vector<1x16xf32> to vector<16xf32>
      %swap3A_501 = arith.index_cast %scan3A_156 : i32 to index
      %swap3A_502 = arith.constant 608 : index
      %swap3A_503 = tpu.vector_load %arg9[%swap3A_501, %swap3A_502] {strides = array<i32>} : memref<32x768xf32, #tpu.memory_space<vmem>>, vector<1x16xf32>,
      %swap3A_504 = vector.shape_cast %swap3A_503 : vector<1x16xf32> to vector<16xf32>
      %swap3A_505 = vector.shape_cast %get3A_500 : vector<16xf32> to vector<1x16xf32>
      tpu.vector_store %arg9[%swap3A_501, %swap3A_502], %swap3A_505 {add = true, strides = array<i32>} : memref<32x768xf32, #tpu.memory_space<vmem>>, vector<1x16xf32>,
      %get3A_506 = arith.index_cast %scan3A_156 : i32 to index
      %get3A_507 = arith.constant 624 : index
      %get3A_508 = tpu.vector_load %arg6[%get3A_506, %get3A_507] {strides = array<i32>} : memref<32x768xf32, #tpu.memory_space<vmem>>, vector<1x16xf32>,
      %get3A_509 = vector.shape_cast %get3A_508 : vector<1x16xf32> to vector<16xf32>
      %swap3A_510 = arith.index_cast %scan3A_156 : i32 to index
      %swap3A_511 = arith.constant 624 : index
      %swap3A_512 = tpu.vector_load %arg9[%swap3A_510, %swap3A_511] {strides = array<i32>} : memref<32x768xf32, #tpu.memory_space<vmem>>, vector<1x16xf32>,
      %swap3A_513 = vector.shape_cast %swap3A_512 : vector<1x16xf32> to vector<16xf32>
      %swap3A_514 = vector.shape_cast %get3A_509 : vector<16xf32> to vector<1x16xf32>
      tpu.vector_store %arg9[%swap3A_510, %swap3A_511], %swap3A_514 {add = true, strides = array<i32>} : memref<32x768xf32, #tpu.memory_space<vmem>>, vector<1x16xf32>,
      %get3A_515 = arith.index_cast %scan3A_156 : i32 to index
      %get3A_516 = arith.constant 640 : index
      %get3A_517 = tpu.vector_load %arg6[%get3A_515, %get3A_516] {strides = array<i32>} : memref<32x768xf32, #tpu.memory_space<vmem>>, vector<1x16xf32>,
      %get3A_518 = vector.shape_cast %get3A_517 : vector<1x16xf32> to vector<16xf32>
      %swap3A_519 = arith.index_cast %scan3A_156 : i32 to index
      %swap3A_520 = arith.constant 640 : index
      %swap3A_521 = tpu.vector_load %arg9[%swap3A_519, %swap3A_520] {strides = array<i32>} : memref<32x768xf32, #tpu.memory_space<vmem>>, vector<1x16xf32>,
      %swap3A_522 = vector.shape_cast %swap3A_521 : vector<1x16xf32> to vector<16xf32>
      %swap3A_523 = vector.shape_cast %get3A_518 : vector<16xf32> to vector<1x16xf32>
      tpu.vector_store %arg9[%swap3A_519, %swap3A_520], %swap3A_523 {add = true, strides = array<i32>} : memref<32x768xf32, #tpu.memory_space<vmem>>, vector<1x16xf32>,
      %get3A_524 = arith.index_cast %scan3A_156 : i32 to index
      %get3A_525 = arith.constant 656 : index
      %get3A_526 = tpu.vector_load %arg6[%get3A_524, %get3A_525] {strides = array<i32>} : memref<32x768xf32, #tpu.memory_space<vmem>>, vector<1x16xf32>,
      %get3A_527 = vector.shape_cast %get3A_526 : vector<1x16xf32> to vector<16xf32>
      %swap3A_528 = arith.index_cast %scan3A_156 : i32 to index
      %swap3A_529 = arith.constant 656 : index
      %swap3A_530 = tpu.vector_load %arg9[%swap3A_528, %swap3A_529] {strides = array<i32>} : memref<32x768xf32, #tpu.memory_space<vmem>>, vector<1x16xf32>,
      %swap3A_531 = vector.shape_cast %swap3A_530 : vector<1x16xf32> to vector<16xf32>
      %swap3A_532 = vector.shape_cast %get3A_527 : vector<16xf32> to vector<1x16xf32>
      tpu.vector_store %arg9[%swap3A_528, %swap3A_529], %swap3A_532 {add = true, strides = array<i32>} : memref<32x768xf32, #tpu.memory_space<vmem>>, vector<1x16xf32>,
      %get3A_533 = arith.index_cast %scan3A_156 : i32 to index
      %get3A_534 = arith.constant 672 : index
      %get3A_535 = tpu.vector_load %arg6[%get3A_533, %get3A_534] {strides = array<i32>} : memref<32x768xf32, #tpu.memory_space<vmem>>, vector<1x16xf32>,
      %get3A_536 = vector.shape_cast %get3A_535 : vector<1x16xf32> to vector<16xf32>
      %swap3A_537 = arith.index_cast %scan3A_156 : i32 to index
      %swap3A_538 = arith.constant 672 : index
      %swap3A_539 = tpu.vector_load %arg9[%swap3A_537, %swap3A_538] {strides = array<i32>} : memref<32x768xf32, #tpu.memory_space<vmem>>, vector<1x16xf32>,
      %swap3A_540 = vector.shape_cast %swap3A_539 : vector<1x16xf32> to vector<16xf32>
      %swap3A_541 = vector.shape_cast %get3A_536 : vector<16xf32> to vector<1x16xf32>
      tpu.vector_store %arg9[%swap3A_537, %swap3A_538], %swap3A_541 {add = true, strides = array<i32>} : memref<32x768xf32, #tpu.memory_space<vmem>>, vector<1x16xf32>,
      %get3A_542 = arith.index_cast %scan3A_156 : i32 to index
      %get3A_543 = arith.constant 688 : index
      %get3A_544 = tpu.vector_load %arg6[%get3A_542, %get3A_543] {strides = array<i32>} : memref<32x768xf32, #tpu.memory_space<vmem>>, vector<1x16xf32>,
      %get3A_545 = vector.shape_cast %get3A_544 : vector<1x16xf32> to vector<16xf32>
      %swap3A_546 = arith.index_cast %scan3A_156 : i32 to index
      %swap3A_547 = arith.constant 688 : index
      %swap3A_548 = tpu.vector_load %arg9[%swap3A_546, %swap3A_547] {strides = array<i32>} : memref<32x768xf32, #tpu.memory_space<vmem>>, vector<1x16xf32>,
      %swap3A_549 = vector.shape_cast %swap3A_548 : vector<1x16xf32> to vector<16xf32>
      %swap3A_550 = vector.shape_cast %get3A_545 : vector<16xf32> to vector<1x16xf32>
      tpu.vector_store %arg9[%swap3A_546, %swap3A_547], %swap3A_550 {add = true, strides = array<i32>} : memref<32x768xf32, #tpu.memory_space<vmem>>, vector<1x16xf32>,
      %get3A_551 = arith.index_cast %scan3A_156 : i32 to index
      %get3A_552 = arith.constant 704 : index
      %get3A_553 = tpu.vector_load %arg6[%get3A_551, %get3A_552] {strides = array<i32>} : memref<32x768xf32, #tpu.memory_space<vmem>>, vector<1x16xf32>,
      %get3A_554 = vector.shape_cast %get3A_553 : vector<1x16xf32> to vector<16xf32>
      %swap3A_555 = arith.index_cast %scan3A_156 : i32 to index
      %swap3A_556 = arith.constant 704 : index
      %swap3A_557 = tpu.vector_load %arg9[%swap3A_555, %swap3A_556] {strides = array<i32>} : memref<32x768xf32, #tpu.memory_space<vmem>>, vector<1x16xf32>,
      %swap3A_558 = vector.shape_cast %swap3A_557 : vector<1x16xf32> to vector<16xf32>
      %swap3A_559 = vector.shape_cast %get3A_554 : vector<16xf32> to vector<1x16xf32>
      tpu.vector_store %arg9[%swap3A_555, %swap3A_556], %swap3A_559 {add = true, strides = array<i32>} : memref<32x768xf32, #tpu.memory_space<vmem>>, vector<1x16xf32>,
      %get3A_560 = arith.index_cast %scan3A_156 : i32 to index
      %get3A_561 = arith.constant 720 : index
      %get3A_562 = tpu.vector_load %arg6[%get3A_560, %get3A_561] {strides = array<i32>} : memref<32x768xf32, #tpu.memory_space<vmem>>, vector<1x16xf32>,
      %get3A_563 = vector.shape_cast %get3A_562 : vector<1x16xf32> to vector<16xf32>
      %swap3A_564 = arith.index_cast %scan3A_156 : i32 to index
      %swap3A_565 = arith.constant 720 : index
      %swap3A_566 = tpu.vector_load %arg9[%swap3A_564, %swap3A_565] {strides = array<i32>} : memref<32x768xf32, #tpu.memory_space<vmem>>, vector<1x16xf32>,
      %swap3A_567 = vector.shape_cast %swap3A_566 : vector<1x16xf32> to vector<16xf32>
      %swap3A_568 = vector.shape_cast %get3A_563 : vector<16xf32> to vector<1x16xf32>
      tpu.vector_store %arg9[%swap3A_564, %swap3A_565], %swap3A_568 {add = true, strides = array<i32>} : memref<32x768xf32, #tpu.memory_space<vmem>>, vector<1x16xf32>,
      %get3A_569 = arith.index_cast %scan3A_156 : i32 to index
      %get3A_570 = arith.constant 736 : index
      %get3A_571 = tpu.vector_load %arg6[%get3A_569, %get3A_570] {strides = array<i32>} : memref<32x768xf32, #tpu.memory_space<vmem>>, vector<1x16xf32>,
      %get3A_572 = vector.shape_cast %get3A_571 : vector<1x16xf32> to vector<16xf32>
      %swap3A_573 = arith.index_cast %scan3A_156 : i32 to index
      %swap3A_574 = arith.constant 736 : index
      %swap3A_575 = tpu.vector_load %arg9[%swap3A_573, %swap3A_574] {strides = array<i32>} : memref<32x768xf32, #tpu.memory_space<vmem>>, vector<1x16xf32>,
      %swap3A_576 = vector.shape_cast %swap3A_575 : vector<1x16xf32> to vector<16xf32>
      %swap3A_577 = vector.shape_cast %get3A_572 : vector<16xf32> to vector<1x16xf32>
      tpu.vector_store %arg9[%swap3A_573, %swap3A_574], %swap3A_577 {add = true, strides = array<i32>} : memref<32x768xf32, #tpu.memory_space<vmem>>, vector<1x16xf32>,
      %get3A_578 = arith.index_cast %scan3A_156 : i32 to index
      %get3A_579 = arith.constant 752 : index
      %get3A_580 = tpu.vector_load %arg6[%get3A_578, %get3A_579] {strides = array<i32>} : memref<32x768xf32, #tpu.memory_space<vmem>>, vector<1x16xf32>,
      %get3A_581 = vector.shape_cast %get3A_580 : vector<1x16xf32> to vector<16xf32>
      %swap3A_582 = arith.index_cast %scan3A_156 : i32 to index
      %swap3A_583 = arith.constant 752 : index
      %swap3A_584 = tpu.vector_load %arg9[%swap3A_582, %swap3A_583] {strides = array<i32>} : memref<32x768xf32, #tpu.memory_space<vmem>>, vector<1x16xf32>,
      %swap3A_585 = vector.shape_cast %swap3A_584 : vector<1x16xf32> to vector<16xf32>
      %swap3A_586 = vector.shape_cast %get3A_581 : vector<16xf32> to vector<1x16xf32>
      tpu.vector_store %arg9[%swap3A_582, %swap3A_583], %swap3A_586 {add = true, strides = array<i32>} : memref<32x768xf32, #tpu.memory_space<vmem>>, vector<1x16xf32>,
    }
    %scan3A_72 = arith.constant 32 : i32
    %mul3A_73 = arith.constant 32 : i32
    %mul3A_74 = arith.muli %add3A, %mul3A_73 : i32
    %dma_start3A_75 = arith.constant 1 : i32
    %dma_start3A_76 = arith.constant 0 : i32
    %dma_start3A_77 = tpu.memref_slice %arg5[%dma_start3A_75, %mul3A_74, %dma_start3A_76] : memref<4x1024x768xf32, #tpu.memory_space<hbm>> -> memref<1x32x768xf32, #tpu.memory_space<hbm>>
    %dma_start3A_78 = tpu.memref_squeeze %dma_start3A_77 : memref<1x32x768xf32, #tpu.memory_space<hbm>> -> memref<32x768xf32, #tpu.memory_space<hbm>>
    %dma_start3A_79 = arith.constant 0 : i32
    %dma_start3A_80 = tpu.memref_slice %arg5[%dma_start3A_75, %mul3A_74, %dma_start3A_79] : memref<4x1024x768xf32, #tpu.memory_space<hbm>> -> memref<1x32x768xf32, #tpu.memory_space<hbm>>
    %dma_start3A_81 = tpu.memref_squeeze %dma_start3A_80 : memref<1x32x768xf32, #tpu.memory_space<hbm>> -> memref<32x768xf32, #tpu.memory_space<hbm>>
    tpu.enqueue_dma source(%arg9 : memref<32x768xf32, #tpu.memory_space<vmem>>) target(%dma_start3A_81 : memref<32x768xf32, #tpu.memory_space<hbm>>) target_semaphore(%arg13 : memref<!tpu.dma_semaphore, #tpu.memory_space<semaphore_mem>>)
    %dma_wait3A_82 = arith.constant 2 : i32
    %dma_wait3A_83 = arith.constant 0 : i32
    %dma_wait3A_84 = tpu.memref_slice %arg2[%dma_wait3A_82, %mul3A_59, %dma_wait3A_83] : memref<32x1024x768xf32, #tpu.memory_space<hbm>> -> memref<1x32x768xf32, #tpu.memory_space<hbm>>
    %dma_wait3A_85 = tpu.memref_squeeze %dma_wait3A_84 : memref<1x32x768xf32, #tpu.memory_space<hbm>> -> memref<32x768xf32, #tpu.memory_space<hbm>>
    %dma_wait3A_86 = arith.constant 0 : i32
    %dma_wait3A_87 = tpu.memref_slice %arg2[%dma_wait3A_82, %mul3A_59, %dma_wait3A_86] : memref<32x1024x768xf32, #tpu.memory_space<hbm>> -> memref<1x32x768xf32, #tpu.memory_space<hbm>>
    %dma_wait3A_88 = tpu.memref_squeeze %dma_wait3A_87 : memref<1x32x768xf32, #tpu.memory_space<hbm>> -> memref<32x768xf32, #tpu.memory_space<hbm>>
    tpu.wait_dma2 semaphore(%arg10 : memref<!tpu.dma_semaphore, #tpu.memory_space<semaphore_mem>>) src(%dma_wait3A_88 : memref<32x768xf32, #tpu.memory_space<hbm>>) dst(%arg8 : memref<32x768xf32, #tpu.memory_space<vmem>>)
    %dma_wait3A_89 = arith.constant 1 : i32
    %dma_wait3A_90 = arith.constant 0 : i32
    %dma_wait3A_91 = tpu.memref_slice %arg5[%dma_wait3A_89, %mul3A_74, %dma_wait3A_90] : memref<4x1024x768xf32, #tpu.memory_space<hbm>> -> memref<1x32x768xf32, #tpu.memory_space<hbm>>
    %dma_wait3A_92 = tpu.memref_squeeze %dma_wait3A_91 : memref<1x32x768xf32, #tpu.memory_space<hbm>> -> memref<32x768xf32, #tpu.memory_space<hbm>>
    %dma_wait3A_93 = arith.constant 0 : i32
    %dma_wait3A_94 = tpu.memref_slice %arg5[%dma_wait3A_89, %mul3A_74, %dma_wait3A_93] : memref<4x1024x768xf32, #tpu.memory_space<hbm>> -> memref<1x32x768xf32, #tpu.memory_space<hbm>>
    %dma_wait3A_95 = tpu.memref_squeeze %dma_wait3A_94 : memref<1x32x768xf32, #tpu.memory_space<hbm>> -> memref<32x768xf32, #tpu.memory_space<hbm>>
    tpu.wait_dma2 semaphore(%arg13 : memref<!tpu.dma_semaphore, #tpu.memory_space<semaphore_mem>>) src(%arg9 : memref<32x768xf32, #tpu.memory_space<vmem>>) dst(%dma_wait3A_95 : memref<32x768xf32, #tpu.memory_space<hbm>>)
    %mul3A_96 = arith.constant 32 : i32
    %mul3A_97 = arith.muli %add3A, %mul3A_96 : i32
    %dma_start3A_98 = arith.constant 3 : i32
    %dma_start3A_99 = arith.constant 0 : i32
    %dma_start3A_100 = tpu.memref_slice %arg2[%dma_start3A_98, %mul3A_97, %dma_start3A_99] : memref<32x1024x768xf32, #tpu.memory_space<hbm>> -> memref<1x32x768xf32, #tpu.memory_space<hbm>>
    %dma_start3A_101 = tpu.memref_squeeze %dma_start3A_100 : memref<1x32x768xf32, #tpu.memory_space<hbm>> -> memref<32x768xf32, #tpu.memory_space<hbm>>
    %dma_start3A_102 = arith.constant 0 : i32
    %dma_start3A_103 = tpu.memref_slice %arg2[%dma_start3A_98, %mul3A_97, %dma_start3A_102] : memref<32x1024x768xf32, #tpu.memory_space<hbm>> -> memref<1x32x768xf32, #tpu.memory_space<hbm>>
    %dma_start3A_104 = tpu.memref_squeeze %dma_start3A_103 : memref<1x32x768xf32, #tpu.memory_space<hbm>> -> memref<32x768xf32, #tpu.memory_space<hbm>>
    tpu.enqueue_dma source(%dma_start3A_104 : memref<32x768xf32, #tpu.memory_space<hbm>>) target(%arg9 : memref<32x768xf32, #tpu.memory_space<vmem>>) target_semaphore(%arg11 : memref<!tpu.dma_semaphore, #tpu.memory_space<semaphore_mem>>)
    %scan3A_105 = arith.constant 0 : i32
    %scan3A_106 = arith.constant 0 : i32
    %scan3A_107 = arith.constant 32 : i32
    %scan3A_108 = arith.addi %scan3A_106, %scan3A_107 : i32
    %scan3A_109 = arith.constant 1 : i32
    scf.for %scan3A_156 = %scan3A_106 to %scan3A_108 step %scan3A_109  : i32 {
      %get3A = arith.index_cast %scan3A_156 : i32 to index
      %get3A_157 = arith.constant 0 : index
      %get3A_158 = tpu.vector_load %arg6[%get3A, %get3A_157] {strides = array<i32>} : memref<32x768xf32, #tpu.memory_space<vmem>>, vector<1x16xf32>,
      %get3A_159 = vector.shape_cast %get3A_158 : vector<1x16xf32> to vector<16xf32>
      %swap3A = arith.index_cast %scan3A_156 : i32 to index
      %swap3A_160 = arith.constant 0 : index
      %swap3A_161 = tpu.vector_load %arg8[%swap3A, %swap3A_160] {strides = array<i32>} : memref<32x768xf32, #tpu.memory_space<vmem>>, vector<1x16xf32>,
      %swap3A_162 = vector.shape_cast %swap3A_161 : vector<1x16xf32> to vector<16xf32>
      %swap3A_163 = vector.shape_cast %get3A_159 : vector<16xf32> to vector<1x16xf32>
      tpu.vector_store %arg8[%swap3A, %swap3A_160], %swap3A_163 {add = true, strides = array<i32>} : memref<32x768xf32, #tpu.memory_space<vmem>>, vector<1x16xf32>,
      %get3A_164 = arith.index_cast %scan3A_156 : i32 to index
      %get3A_165 = arith.constant 16 : index
      %get3A_166 = tpu.vector_load %arg6[%get3A_164, %get3A_165] {strides = array<i32>} : memref<32x768xf32, #tpu.memory_space<vmem>>, vector<1x16xf32>,
      %get3A_167 = vector.shape_cast %get3A_166 : vector<1x16xf32> to vector<16xf32>
      %swap3A_168 = arith.index_cast %scan3A_156 : i32 to index
      %swap3A_169 = arith.constant 16 : index
      %swap3A_170 = tpu.vector_load %arg8[%swap3A_168, %swap3A_169] {strides = array<i32>} : memref<32x768xf32, #tpu.memory_space<vmem>>, vector<1x16xf32>,
      %swap3A_171 = vector.shape_cast %swap3A_170 : vector<1x16xf32> to vector<16xf32>
      %swap3A_172 = vector.shape_cast %get3A_167 : vector<16xf32> to vector<1x16xf32>
      tpu.vector_store %arg8[%swap3A_168, %swap3A_169], %swap3A_172 {add = true, strides = array<i32>} : memref<32x768xf32, #tpu.memory_space<vmem>>, vector<1x16xf32>,
      %get3A_173 = arith.index_cast %scan3A_156 : i32 to index
      %get3A_174 = arith.constant 32 : index
      %get3A_175 = tpu.vector_load %arg6[%get3A_173, %get3A_174] {strides = array<i32>} : memref<32x768xf32, #tpu.memory_space<vmem>>, vector<1x16xf32>,
      %get3A_176 = vector.shape_cast %get3A_175 : vector<1x16xf32> to vector<16xf32>
      %swap3A_177 = arith.index_cast %scan3A_156 : i32 to index
      %swap3A_178 = arith.constant 32 : index
      %swap3A_179 = tpu.vector_load %arg8[%swap3A_177, %swap3A_178] {strides = array<i32>} : memref<32x768xf32, #tpu.memory_space<vmem>>, vector<1x16xf32>,
      %swap3A_180 = vector.shape_cast %swap3A_179 : vector<1x16xf32> to vector<16xf32>
      %swap3A_181 = vector.shape_cast %get3A_176 : vector<16xf32> to vector<1x16xf32>
      tpu.vector_store %arg8[%swap3A_177, %swap3A_178], %swap3A_181 {add = true, strides = array<i32>} : memref<32x768xf32, #tpu.memory_space<vmem>>, vector<1x16xf32>,
      %get3A_182 = arith.index_cast %scan3A_156 : i32 to index
      %get3A_183 = arith.constant 48 : index
      %get3A_184 = tpu.vector_load %arg6[%get3A_182, %get3A_183] {strides = array<i32>} : memref<32x768xf32, #tpu.memory_space<vmem>>, vector<1x16xf32>,
      %get3A_185 = vector.shape_cast %get3A_184 : vector<1x16xf32> to vector<16xf32>
      %swap3A_186 = arith.index_cast %scan3A_156 : i32 to index
      %swap3A_187 = arith.constant 48 : index
      %swap3A_188 = tpu.vector_load %arg8[%swap3A_186, %swap3A_187] {strides = array<i32>} : memref<32x768xf32, #tpu.memory_space<vmem>>, vector<1x16xf32>,
      %swap3A_189 = vector.shape_cast %swap3A_188 : vector<1x16xf32> to vector<16xf32>
      %swap3A_190 = vector.shape_cast %get3A_185 : vector<16xf32> to vector<1x16xf32>
      tpu.vector_store %arg8[%swap3A_186, %swap3A_187], %swap3A_190 {add = true, strides = array<i32>} : memref<32x768xf32, #tpu.memory_space<vmem>>, vector<1x16xf32>,
      %get3A_191 = arith.index_cast %scan3A_156 : i32 to index
      %get3A_192 = arith.constant 64 : index
      %get3A_193 = tpu.vector_load %arg6[%get3A_191, %get3A_192] {strides = array<i32>} : memref<32x768xf32, #tpu.memory_space<vmem>>, vector<1x16xf32>,
      %get3A_194 = vector.shape_cast %get3A_193 : vector<1x16xf32> to vector<16xf32>
      %swap3A_195 = arith.index_cast %scan3A_156 : i32 to index
      %swap3A_196 = arith.constant 64 : index
      %swap3A_197 = tpu.vector_load %arg8[%swap3A_195, %swap3A_196] {strides = array<i32>} : memref<32x768xf32, #tpu.memory_space<vmem>>, vector<1x16xf32>,
      %swap3A_198 = vector.shape_cast %swap3A_197 : vector<1x16xf32> to vector<16xf32>
      %swap3A_199 = vector.shape_cast %get3A_194 : vector<16xf32> to vector<1x16xf32>
      tpu.vector_store %arg8[%swap3A_195, %swap3A_196], %swap3A_199 {add = true, strides = array<i32>} : memref<32x768xf32, #tpu.memory_space<vmem>>, vector<1x16xf32>,
      %get3A_200 = arith.index_cast %scan3A_156 : i32 to index
      %get3A_201 = arith.constant 80 : index
      %get3A_202 = tpu.vector_load %arg6[%get3A_200, %get3A_201] {strides = array<i32>} : memref<32x768xf32, #tpu.memory_space<vmem>>, vector<1x16xf32>,
      %get3A_203 = vector.shape_cast %get3A_202 : vector<1x16xf32> to vector<16xf32>
      %swap3A_204 = arith.index_cast %scan3A_156 : i32 to index
      %swap3A_205 = arith.constant 80 : index
      %swap3A_206 = tpu.vector_load %arg8[%swap3A_204, %swap3A_205] {strides = array<i32>} : memref<32x768xf32, #tpu.memory_space<vmem>>, vector<1x16xf32>,
      %swap3A_207 = vector.shape_cast %swap3A_206 : vector<1x16xf32> to vector<16xf32>
      %swap3A_208 = vector.shape_cast %get3A_203 : vector<16xf32> to vector<1x16xf32>
      tpu.vector_store %arg8[%swap3A_204, %swap3A_205], %swap3A_208 {add = true, strides = array<i32>} : memref<32x768xf32, #tpu.memory_space<vmem>>, vector<1x16xf32>,
      %get3A_209 = arith.index_cast %scan3A_156 : i32 to index
      %get3A_210 = arith.constant 96 : index
      %get3A_211 = tpu.vector_load %arg6[%get3A_209, %get3A_210] {strides = array<i32>} : memref<32x768xf32, #tpu.memory_space<vmem>>, vector<1x16xf32>,
      %get3A_212 = vector.shape_cast %get3A_211 : vector<1x16xf32> to vector<16xf32>
      %swap3A_213 = arith.index_cast %scan3A_156 : i32 to index
      %swap3A_214 = arith.constant 96 : index
      %swap3A_215 = tpu.vector_load %arg8[%swap3A_213, %swap3A_214] {strides = array<i32>} : memref<32x768xf32, #tpu.memory_space<vmem>>, vector<1x16xf32>,
      %swap3A_216 = vector.shape_cast %swap3A_215 : vector<1x16xf32> to vector<16xf32>
      %swap3A_217 = vector.shape_cast %get3A_212 : vector<16xf32> to vector<1x16xf32>
      tpu.vector_store %arg8[%swap3A_213, %swap3A_214], %swap3A_217 {add = true, strides = array<i32>} : memref<32x768xf32, #tpu.memory_space<vmem>>, vector<1x16xf32>,
      %get3A_218 = arith.index_cast %scan3A_156 : i32 to index
      %get3A_219 = arith.constant 112 : index
      %get3A_220 = tpu.vector_load %arg6[%get3A_218, %get3A_219] {strides = array<i32>} : memref<32x768xf32, #tpu.memory_space<vmem>>, vector<1x16xf32>,
      %get3A_221 = vector.shape_cast %get3A_220 : vector<1x16xf32> to vector<16xf32>
      %swap3A_222 = arith.index_cast %scan3A_156 : i32 to index
      %swap3A_223 = arith.constant 112 : index
      %swap3A_224 = tpu.vector_load %arg8[%swap3A_222, %swap3A_223] {strides = array<i32>} : memref<32x768xf32, #tpu.memory_space<vmem>>, vector<1x16xf32>,
      %swap3A_225 = vector.shape_cast %swap3A_224 : vector<1x16xf32> to vector<16xf32>
      %swap3A_226 = vector.shape_cast %get3A_221 : vector<16xf32> to vector<1x16xf32>
      tpu.vector_store %arg8[%swap3A_222, %swap3A_223], %swap3A_226 {add = true, strides = array<i32>} : memref<32x768xf32, #tpu.memory_space<vmem>>, vector<1x16xf32>,
      %get3A_227 = arith.index_cast %scan3A_156 : i32 to index
      %get3A_228 = arith.constant 128 : index
      %get3A_229 = tpu.vector_load %arg6[%get3A_227, %get3A_228] {strides = array<i32>} : memref<32x768xf32, #tpu.memory_space<vmem>>, vector<1x16xf32>,
      %get3A_230 = vector.shape_cast %get3A_229 : vector<1x16xf32> to vector<16xf32>
      %swap3A_231 = arith.index_cast %scan3A_156 : i32 to index
      %swap3A_232 = arith.constant 128 : index
      %swap3A_233 = tpu.vector_load %arg8[%swap3A_231, %swap3A_232] {strides = array<i32>} : memref<32x768xf32, #tpu.memory_space<vmem>>, vector<1x16xf32>,
      %swap3A_234 = vector.shape_cast %swap3A_233 : vector<1x16xf32> to vector<16xf32>
      %swap3A_235 = vector.shape_cast %get3A_230 : vector<16xf32> to vector<1x16xf32>
      tpu.vector_store %arg8[%swap3A_231, %swap3A_232], %swap3A_235 {add = true, strides = array<i32>} : memref<32x768xf32, #tpu.memory_space<vmem>>, vector<1x16xf32>,
      %get3A_236 = arith.index_cast %scan3A_156 : i32 to index
      %get3A_237 = arith.constant 144 : index
      %get3A_238 = tpu.vector_load %arg6[%get3A_236, %get3A_237] {strides = array<i32>} : memref<32x768xf32, #tpu.memory_space<vmem>>, vector<1x16xf32>,
      %get3A_239 = vector.shape_cast %get3A_238 : vector<1x16xf32> to vector<16xf32>
      %swap3A_240 = arith.index_cast %scan3A_156 : i32 to index
      %swap3A_241 = arith.constant 144 : index
      %swap3A_242 = tpu.vector_load %arg8[%swap3A_240, %swap3A_241] {strides = array<i32>} : memref<32x768xf32, #tpu.memory_space<vmem>>, vector<1x16xf32>,
      %swap3A_243 = vector.shape_cast %swap3A_242 : vector<1x16xf32> to vector<16xf32>
      %swap3A_244 = vector.shape_cast %get3A_239 : vector<16xf32> to vector<1x16xf32>
      tpu.vector_store %arg8[%swap3A_240, %swap3A_241], %swap3A_244 {add = true, strides = array<i32>} : memref<32x768xf32, #tpu.memory_space<vmem>>, vector<1x16xf32>,
      %get3A_245 = arith.index_cast %scan3A_156 : i32 to index
      %get3A_246 = arith.constant 160 : index
      %get3A_247 = tpu.vector_load %arg6[%get3A_245, %get3A_246] {strides = array<i32>} : memref<32x768xf32, #tpu.memory_space<vmem>>, vector<1x16xf32>,
      %get3A_248 = vector.shape_cast %get3A_247 : vector<1x16xf32> to vector<16xf32>
      %swap3A_249 = arith.index_cast %scan3A_156 : i32 to index
      %swap3A_250 = arith.constant 160 : index
      %swap3A_251 = tpu.vector_load %arg8[%swap3A_249, %swap3A_250] {strides = array<i32>} : memref<32x768xf32, #tpu.memory_space<vmem>>, vector<1x16xf32>,
      %swap3A_252 = vector.shape_cast %swap3A_251 : vector<1x16xf32> to vector<16xf32>
      %swap3A_253 = vector.shape_cast %get3A_248 : vector<16xf32> to vector<1x16xf32>
      tpu.vector_store %arg8[%swap3A_249, %swap3A_250], %swap3A_253 {add = true, strides = array<i32>} : memref<32x768xf32, #tpu.memory_space<vmem>>, vector<1x16xf32>,
      %get3A_254 = arith.index_cast %scan3A_156 : i32 to index
      %get3A_255 = arith.constant 176 : index
      %get3A_256 = tpu.vector_load %arg6[%get3A_254, %get3A_255] {strides = array<i32>} : memref<32x768xf32, #tpu.memory_space<vmem>>, vector<1x16xf32>,
      %get3A_257 = vector.shape_cast %get3A_256 : vector<1x16xf32> to vector<16xf32>
      %swap3A_258 = arith.index_cast %scan3A_156 : i32 to index
      %swap3A_259 = arith.constant 176 : index
      %swap3A_260 = tpu.vector_load %arg8[%swap3A_258, %swap3A_259] {strides = array<i32>} : memref<32x768xf32, #tpu.memory_space<vmem>>, vector<1x16xf32>,
      %swap3A_261 = vector.shape_cast %swap3A_260 : vector<1x16xf32> to vector<16xf32>
      %swap3A_262 = vector.shape_cast %get3A_257 : vector<16xf32> to vector<1x16xf32>
      tpu.vector_store %arg8[%swap3A_258, %swap3A_259], %swap3A_262 {add = true, strides = array<i32>} : memref<32x768xf32, #tpu.memory_space<vmem>>, vector<1x16xf32>,
      %get3A_263 = arith.index_cast %scan3A_156 : i32 to index
      %get3A_264 = arith.constant 192 : index
      %get3A_265 = tpu.vector_load %arg6[%get3A_263, %get3A_264] {strides = array<i32>} : memref<32x768xf32, #tpu.memory_space<vmem>>, vector<1x16xf32>,
      %get3A_266 = vector.shape_cast %get3A_265 : vector<1x16xf32> to vector<16xf32>
      %swap3A_267 = arith.index_cast %scan3A_156 : i32 to index
      %swap3A_268 = arith.constant 192 : index
      %swap3A_269 = tpu.vector_load %arg8[%swap3A_267, %swap3A_268] {strides = array<i32>} : memref<32x768xf32, #tpu.memory_space<vmem>>, vector<1x16xf32>,
      %swap3A_270 = vector.shape_cast %swap3A_269 : vector<1x16xf32> to vector<16xf32>
      %swap3A_271 = vector.shape_cast %get3A_266 : vector<16xf32> to vector<1x16xf32>
      tpu.vector_store %arg8[%swap3A_267, %swap3A_268], %swap3A_271 {add = true, strides = array<i32>} : memref<32x768xf32, #tpu.memory_space<vmem>>, vector<1x16xf32>,
      %get3A_272 = arith.index_cast %scan3A_156 : i32 to index
      %get3A_273 = arith.constant 208 : index
      %get3A_274 = tpu.vector_load %arg6[%get3A_272, %get3A_273] {strides = array<i32>} : memref<32x768xf32, #tpu.memory_space<vmem>>, vector<1x16xf32>,
      %get3A_275 = vector.shape_cast %get3A_274 : vector<1x16xf32> to vector<16xf32>
      %swap3A_276 = arith.index_cast %scan3A_156 : i32 to index
      %swap3A_277 = arith.constant 208 : index
      %swap3A_278 = tpu.vector_load %arg8[%swap3A_276, %swap3A_277] {strides = array<i32>} : memref<32x768xf32, #tpu.memory_space<vmem>>, vector<1x16xf32>,
      %swap3A_279 = vector.shape_cast %swap3A_278 : vector<1x16xf32> to vector<16xf32>
      %swap3A_280 = vector.shape_cast %get3A_275 : vector<16xf32> to vector<1x16xf32>
      tpu.vector_store %arg8[%swap3A_276, %swap3A_277], %swap3A_280 {add = true, strides = array<i32>} : memref<32x768xf32, #tpu.memory_space<vmem>>, vector<1x16xf32>,
      %get3A_281 = arith.index_cast %scan3A_156 : i32 to index
      %get3A_282 = arith.constant 224 : index
      %get3A_283 = tpu.vector_load %arg6[%get3A_281, %get3A_282] {strides = array<i32>} : memref<32x768xf32, #tpu.memory_space<vmem>>, vector<1x16xf32>,
      %get3A_284 = vector.shape_cast %get3A_283 : vector<1x16xf32> to vector<16xf32>
      %swap3A_285 = arith.index_cast %scan3A_156 : i32 to index
      %swap3A_286 = arith.constant 224 : index
      %swap3A_287 = tpu.vector_load %arg8[%swap3A_285, %swap3A_286] {strides = array<i32>} : memref<32x768xf32, #tpu.memory_space<vmem>>, vector<1x16xf32>,
      %swap3A_288 = vector.shape_cast %swap3A_287 : vector<1x16xf32> to vector<16xf32>
      %swap3A_289 = vector.shape_cast %get3A_284 : vector<16xf32> to vector<1x16xf32>
      tpu.vector_store %arg8[%swap3A_285, %swap3A_286], %swap3A_289 {add = true, strides = array<i32>} : memref<32x768xf32, #tpu.memory_space<vmem>>, vector<1x16xf32>,
      %get3A_290 = arith.index_cast %scan3A_156 : i32 to index
      %get3A_291 = arith.constant 240 : index
      %get3A_292 = tpu.vector_load %arg6[%get3A_290, %get3A_291] {strides = array<i32>} : memref<32x768xf32, #tpu.memory_space<vmem>>, vector<1x16xf32>,
      %get3A_293 = vector.shape_cast %get3A_292 : vector<1x16xf32> to vector<16xf32>
      %swap3A_294 = arith.index_cast %scan3A_156 : i32 to index
      %swap3A_295 = arith.constant 240 : index
      %swap3A_296 = tpu.vector_load %arg8[%swap3A_294, %swap3A_295] {strides = array<i32>} : memref<32x768xf32, #tpu.memory_space<vmem>>, vector<1x16xf32>,
      %swap3A_297 = vector.shape_cast %swap3A_296 : vector<1x16xf32> to vector<16xf32>
      %swap3A_298 = vector.shape_cast %get3A_293 : vector<16xf32> to vector<1x16xf32>
      tpu.vector_store %arg8[%swap3A_294, %swap3A_295], %swap3A_298 {add = true, strides = array<i32>} : memref<32x768xf32, #tpu.memory_space<vmem>>, vector<1x16xf32>,
      %get3A_299 = arith.index_cast %scan3A_156 : i32 to index
      %get3A_300 = arith.constant 256 : index
      %get3A_301 = tpu.vector_load %arg6[%get3A_299, %get3A_300] {strides = array<i32>} : memref<32x768xf32, #tpu.memory_space<vmem>>, vector<1x16xf32>,
      %get3A_302 = vector.shape_cast %get3A_301 : vector<1x16xf32> to vector<16xf32>
      %swap3A_303 = arith.index_cast %scan3A_156 : i32 to index
      %swap3A_304 = arith.constant 256 : index
      %swap3A_305 = tpu.vector_load %arg8[%swap3A_303, %swap3A_304] {strides = array<i32>} : memref<32x768xf32, #tpu.memory_space<vmem>>, vector<1x16xf32>,
      %swap3A_306 = vector.shape_cast %swap3A_305 : vector<1x16xf32> to vector<16xf32>
      %swap3A_307 = vector.shape_cast %get3A_302 : vector<16xf32> to vector<1x16xf32>
      tpu.vector_store %arg8[%swap3A_303, %swap3A_304], %swap3A_307 {add = true, strides = array<i32>} : memref<32x768xf32, #tpu.memory_space<vmem>>, vector<1x16xf32>,
      %get3A_308 = arith.index_cast %scan3A_156 : i32 to index
      %get3A_309 = arith.constant 272 : index
      %get3A_310 = tpu.vector_load %arg6[%get3A_308, %get3A_309] {strides = array<i32>} : memref<32x768xf32, #tpu.memory_space<vmem>>, vector<1x16xf32>,
      %get3A_311 = vector.shape_cast %get3A_310 : vector<1x16xf32> to vector<16xf32>
      %swap3A_312 = arith.index_cast %scan3A_156 : i32 to index
      %swap3A_313 = arith.constant 272 : index
      %swap3A_314 = tpu.vector_load %arg8[%swap3A_312, %swap3A_313] {strides = array<i32>} : memref<32x768xf32, #tpu.memory_space<vmem>>, vector<1x16xf32>,
      %swap3A_315 = vector.shape_cast %swap3A_314 : vector<1x16xf32> to vector<16xf32>
      %swap3A_316 = vector.shape_cast %get3A_311 : vector<16xf32> to vector<1x16xf32>
      tpu.vector_store %arg8[%swap3A_312, %swap3A_313], %swap3A_316 {add = true, strides = array<i32>} : memref<32x768xf32, #tpu.memory_space<vmem>>, vector<1x16xf32>,
      %get3A_317 = arith.index_cast %scan3A_156 : i32 to index
      %get3A_318 = arith.constant 288 : index
      %get3A_319 = tpu.vector_load %arg6[%get3A_317, %get3A_318] {strides = array<i32>} : memref<32x768xf32, #tpu.memory_space<vmem>>, vector<1x16xf32>,
      %get3A_320 = vector.shape_cast %get3A_319 : vector<1x16xf32> to vector<16xf32>
      %swap3A_321 = arith.index_cast %scan3A_156 : i32 to index
      %swap3A_322 = arith.constant 288 : index
      %swap3A_323 = tpu.vector_load %arg8[%swap3A_321, %swap3A_322] {strides = array<i32>} : memref<32x768xf32, #tpu.memory_space<vmem>>, vector<1x16xf32>,
      %swap3A_324 = vector.shape_cast %swap3A_323 : vector<1x16xf32> to vector<16xf32>
      %swap3A_325 = vector.shape_cast %get3A_320 : vector<16xf32> to vector<1x16xf32>
      tpu.vector_store %arg8[%swap3A_321, %swap3A_322], %swap3A_325 {add = true, strides = array<i32>} : memref<32x768xf32, #tpu.memory_space<vmem>>, vector<1x16xf32>,
      %get3A_326 = arith.index_cast %scan3A_156 : i32 to index
      %get3A_327 = arith.constant 304 : index
      %get3A_328 = tpu.vector_load %arg6[%get3A_326, %get3A_327] {strides = array<i32>} : memref<32x768xf32, #tpu.memory_space<vmem>>, vector<1x16xf32>,
      %get3A_329 = vector.shape_cast %get3A_328 : vector<1x16xf32> to vector<16xf32>
      %swap3A_330 = arith.index_cast %scan3A_156 : i32 to index
      %swap3A_331 = arith.constant 304 : index
      %swap3A_332 = tpu.vector_load %arg8[%swap3A_330, %swap3A_331] {strides = array<i32>} : memref<32x768xf32, #tpu.memory_space<vmem>>, vector<1x16xf32>,
      %swap3A_333 = vector.shape_cast %swap3A_332 : vector<1x16xf32> to vector<16xf32>
      %swap3A_334 = vector.shape_cast %get3A_329 : vector<16xf32> to vector<1x16xf32>
      tpu.vector_store %arg8[%swap3A_330, %swap3A_331], %swap3A_334 {add = true, strides = array<i32>} : memref<32x768xf32, #tpu.memory_space<vmem>>, vector<1x16xf32>,
      %get3A_335 = arith.index_cast %scan3A_156 : i32 to index
      %get3A_336 = arith.constant 320 : index
      %get3A_337 = tpu.vector_load %arg6[%get3A_335, %get3A_336] {strides = array<i32>} : memref<32x768xf32, #tpu.memory_space<vmem>>, vector<1x16xf32>,
      %get3A_338 = vector.shape_cast %get3A_337 : vector<1x16xf32> to vector<16xf32>
      %swap3A_339 = arith.index_cast %scan3A_156 : i32 to index
      %swap3A_340 = arith.constant 320 : index
      %swap3A_341 = tpu.vector_load %arg8[%swap3A_339, %swap3A_340] {strides = array<i32>} : memref<32x768xf32, #tpu.memory_space<vmem>>, vector<1x16xf32>,
      %swap3A_342 = vector.shape_cast %swap3A_341 : vector<1x16xf32> to vector<16xf32>
      %swap3A_343 = vector.shape_cast %get3A_338 : vector<16xf32> to vector<1x16xf32>
      tpu.vector_store %arg8[%swap3A_339, %swap3A_340], %swap3A_343 {add = true, strides = array<i32>} : memref<32x768xf32, #tpu.memory_space<vmem>>, vector<1x16xf32>,
      %get3A_344 = arith.index_cast %scan3A_156 : i32 to index
      %get3A_345 = arith.constant 336 : index
      %get3A_346 = tpu.vector_load %arg6[%get3A_344, %get3A_345] {strides = array<i32>} : memref<32x768xf32, #tpu.memory_space<vmem>>, vector<1x16xf32>,
      %get3A_347 = vector.shape_cast %get3A_346 : vector<1x16xf32> to vector<16xf32>
      %swap3A_348 = arith.index_cast %scan3A_156 : i32 to index
      %swap3A_349 = arith.constant 336 : index
      %swap3A_350 = tpu.vector_load %arg8[%swap3A_348, %swap3A_349] {strides = array<i32>} : memref<32x768xf32, #tpu.memory_space<vmem>>, vector<1x16xf32>,
      %swap3A_351 = vector.shape_cast %swap3A_350 : vector<1x16xf32> to vector<16xf32>
      %swap3A_352 = vector.shape_cast %get3A_347 : vector<16xf32> to vector<1x16xf32>
      tpu.vector_store %arg8[%swap3A_348, %swap3A_349], %swap3A_352 {add = true, strides = array<i32>} : memref<32x768xf32, #tpu.memory_space<vmem>>, vector<1x16xf32>,
      %get3A_353 = arith.index_cast %scan3A_156 : i32 to index
      %get3A_354 = arith.constant 352 : index
      %get3A_355 = tpu.vector_load %arg6[%get3A_353, %get3A_354] {strides = array<i32>} : memref<32x768xf32, #tpu.memory_space<vmem>>, vector<1x16xf32>,
      %get3A_356 = vector.shape_cast %get3A_355 : vector<1x16xf32> to vector<16xf32>
      %swap3A_357 = arith.index_cast %scan3A_156 : i32 to index
      %swap3A_358 = arith.constant 352 : index
      %swap3A_359 = tpu.vector_load %arg8[%swap3A_357, %swap3A_358] {strides = array<i32>} : memref<32x768xf32, #tpu.memory_space<vmem>>, vector<1x16xf32>,
      %swap3A_360 = vector.shape_cast %swap3A_359 : vector<1x16xf32> to vector<16xf32>
      %swap3A_361 = vector.shape_cast %get3A_356 : vector<16xf32> to vector<1x16xf32>
      tpu.vector_store %arg8[%swap3A_357, %swap3A_358], %swap3A_361 {add = true, strides = array<i32>} : memref<32x768xf32, #tpu.memory_space<vmem>>, vector<1x16xf32>,
      %get3A_362 = arith.index_cast %scan3A_156 : i32 to index
      %get3A_363 = arith.constant 368 : index
      %get3A_364 = tpu.vector_load %arg6[%get3A_362, %get3A_363] {strides = array<i32>} : memref<32x768xf32, #tpu.memory_space<vmem>>, vector<1x16xf32>,
      %get3A_365 = vector.shape_cast %get3A_364 : vector<1x16xf32> to vector<16xf32>
      %swap3A_366 = arith.index_cast %scan3A_156 : i32 to index
      %swap3A_367 = arith.constant 368 : index
      %swap3A_368 = tpu.vector_load %arg8[%swap3A_366, %swap3A_367] {strides = array<i32>} : memref<32x768xf32, #tpu.memory_space<vmem>>, vector<1x16xf32>,
      %swap3A_369 = vector.shape_cast %swap3A_368 : vector<1x16xf32> to vector<16xf32>
      %swap3A_370 = vector.shape_cast %get3A_365 : vector<16xf32> to vector<1x16xf32>
      tpu.vector_store %arg8[%swap3A_366, %swap3A_367], %swap3A_370 {add = true, strides = array<i32>} : memref<32x768xf32, #tpu.memory_space<vmem>>, vector<1x16xf32>,
      %get3A_371 = arith.index_cast %scan3A_156 : i32 to index
      %get3A_372 = arith.constant 384 : index
      %get3A_373 = tpu.vector_load %arg6[%get3A_371, %get3A_372] {strides = array<i32>} : memref<32x768xf32, #tpu.memory_space<vmem>>, vector<1x16xf32>,
      %get3A_374 = vector.shape_cast %get3A_373 : vector<1x16xf32> to vector<16xf32>
      %swap3A_375 = arith.index_cast %scan3A_156 : i32 to index
      %swap3A_376 = arith.constant 384 : index
      %swap3A_377 = tpu.vector_load %arg8[%swap3A_375, %swap3A_376] {strides = array<i32>} : memref<32x768xf32, #tpu.memory_space<vmem>>, vector<1x16xf32>,
      %swap3A_378 = vector.shape_cast %swap3A_377 : vector<1x16xf32> to vector<16xf32>
      %swap3A_379 = vector.shape_cast %get3A_374 : vector<16xf32> to vector<1x16xf32>
      tpu.vector_store %arg8[%swap3A_375, %swap3A_376], %swap3A_379 {add = true, strides = array<i32>} : memref<32x768xf32, #tpu.memory_space<vmem>>, vector<1x16xf32>,
      %get3A_380 = arith.index_cast %scan3A_156 : i32 to index
      %get3A_381 = arith.constant 400 : index
      %get3A_382 = tpu.vector_load %arg6[%get3A_380, %get3A_381] {strides = array<i32>} : memref<32x768xf32, #tpu.memory_space<vmem>>, vector<1x16xf32>,
      %get3A_383 = vector.shape_cast %get3A_382 : vector<1x16xf32> to vector<16xf32>
      %swap3A_384 = arith.index_cast %scan3A_156 : i32 to index
      %swap3A_385 = arith.constant 400 : index
      %swap3A_386 = tpu.vector_load %arg8[%swap3A_384, %swap3A_385] {strides = array<i32>} : memref<32x768xf32, #tpu.memory_space<vmem>>, vector<1x16xf32>,
      %swap3A_387 = vector.shape_cast %swap3A_386 : vector<1x16xf32> to vector<16xf32>
      %swap3A_388 = vector.shape_cast %get3A_383 : vector<16xf32> to vector<1x16xf32>
      tpu.vector_store %arg8[%swap3A_384, %swap3A_385], %swap3A_388 {add = true, strides = array<i32>} : memref<32x768xf32, #tpu.memory_space<vmem>>, vector<1x16xf32>,
      %get3A_389 = arith.index_cast %scan3A_156 : i32 to index
      %get3A_390 = arith.constant 416 : index
      %get3A_391 = tpu.vector_load %arg6[%get3A_389, %get3A_390] {strides = array<i32>} : memref<32x768xf32, #tpu.memory_space<vmem>>, vector<1x16xf32>,
      %get3A_392 = vector.shape_cast %get3A_391 : vector<1x16xf32> to vector<16xf32>
      %swap3A_393 = arith.index_cast %scan3A_156 : i32 to index
      %swap3A_394 = arith.constant 416 : index
      %swap3A_395 = tpu.vector_load %arg8[%swap3A_393, %swap3A_394] {strides = array<i32>} : memref<32x768xf32, #tpu.memory_space<vmem>>, vector<1x16xf32>,
      %swap3A_396 = vector.shape_cast %swap3A_395 : vector<1x16xf32> to vector<16xf32>
      %swap3A_397 = vector.shape_cast %get3A_392 : vector<16xf32> to vector<1x16xf32>
      tpu.vector_store %arg8[%swap3A_393, %swap3A_394], %swap3A_397 {add = true, strides = array<i32>} : memref<32x768xf32, #tpu.memory_space<vmem>>, vector<1x16xf32>,
      %get3A_398 = arith.index_cast %scan3A_156 : i32 to index
      %get3A_399 = arith.constant 432 : index
      %get3A_400 = tpu.vector_load %arg6[%get3A_398, %get3A_399] {strides = array<i32>} : memref<32x768xf32, #tpu.memory_space<vmem>>, vector<1x16xf32>,
      %get3A_401 = vector.shape_cast %get3A_400 : vector<1x16xf32> to vector<16xf32>
      %swap3A_402 = arith.index_cast %scan3A_156 : i32 to index
      %swap3A_403 = arith.constant 432 : index
      %swap3A_404 = tpu.vector_load %arg8[%swap3A_402, %swap3A_403] {strides = array<i32>} : memref<32x768xf32, #tpu.memory_space<vmem>>, vector<1x16xf32>,
      %swap3A_405 = vector.shape_cast %swap3A_404 : vector<1x16xf32> to vector<16xf32>
      %swap3A_406 = vector.shape_cast %get3A_401 : vector<16xf32> to vector<1x16xf32>
      tpu.vector_store %arg8[%swap3A_402, %swap3A_403], %swap3A_406 {add = true, strides = array<i32>} : memref<32x768xf32, #tpu.memory_space<vmem>>, vector<1x16xf32>,
      %get3A_407 = arith.index_cast %scan3A_156 : i32 to index
      %get3A_408 = arith.constant 448 : index
      %get3A_409 = tpu.vector_load %arg6[%get3A_407, %get3A_408] {strides = array<i32>} : memref<32x768xf32, #tpu.memory_space<vmem>>, vector<1x16xf32>,
      %get3A_410 = vector.shape_cast %get3A_409 : vector<1x16xf32> to vector<16xf32>
      %swap3A_411 = arith.index_cast %scan3A_156 : i32 to index
      %swap3A_412 = arith.constant 448 : index
      %swap3A_413 = tpu.vector_load %arg8[%swap3A_411, %swap3A_412] {strides = array<i32>} : memref<32x768xf32, #tpu.memory_space<vmem>>, vector<1x16xf32>,
      %swap3A_414 = vector.shape_cast %swap3A_413 : vector<1x16xf32> to vector<16xf32>
      %swap3A_415 = vector.shape_cast %get3A_410 : vector<16xf32> to vector<1x16xf32>
      tpu.vector_store %arg8[%swap3A_411, %swap3A_412], %swap3A_415 {add = true, strides = array<i32>} : memref<32x768xf32, #tpu.memory_space<vmem>>, vector<1x16xf32>,
      %get3A_416 = arith.index_cast %scan3A_156 : i32 to index
      %get3A_417 = arith.constant 464 : index
      %get3A_418 = tpu.vector_load %arg6[%get3A_416, %get3A_417] {strides = array<i32>} : memref<32x768xf32, #tpu.memory_space<vmem>>, vector<1x16xf32>,
      %get3A_419 = vector.shape_cast %get3A_418 : vector<1x16xf32> to vector<16xf32>
      %swap3A_420 = arith.index_cast %scan3A_156 : i32 to index
      %swap3A_421 = arith.constant 464 : index
      %swap3A_422 = tpu.vector_load %arg8[%swap3A_420, %swap3A_421] {strides = array<i32>} : memref<32x768xf32, #tpu.memory_space<vmem>>, vector<1x16xf32>,
      %swap3A_423 = vector.shape_cast %swap3A_422 : vector<1x16xf32> to vector<16xf32>
      %swap3A_424 = vector.shape_cast %get3A_419 : vector<16xf32> to vector<1x16xf32>
      tpu.vector_store %arg8[%swap3A_420, %swap3A_421], %swap3A_424 {add = true, strides = array<i32>} : memref<32x768xf32, #tpu.memory_space<vmem>>, vector<1x16xf32>,
      %get3A_425 = arith.index_cast %scan3A_156 : i32 to index
      %get3A_426 = arith.constant 480 : index
      %get3A_427 = tpu.vector_load %arg6[%get3A_425, %get3A_426] {strides = array<i32>} : memref<32x768xf32, #tpu.memory_space<vmem>>, vector<1x16xf32>,
      %get3A_428 = vector.shape_cast %get3A_427 : vector<1x16xf32> to vector<16xf32>
      %swap3A_429 = arith.index_cast %scan3A_156 : i32 to index
      %swap3A_430 = arith.constant 480 : index
      %swap3A_431 = tpu.vector_load %arg8[%swap3A_429, %swap3A_430] {strides = array<i32>} : memref<32x768xf32, #tpu.memory_space<vmem>>, vector<1x16xf32>,
      %swap3A_432 = vector.shape_cast %swap3A_431 : vector<1x16xf32> to vector<16xf32>
      %swap3A_433 = vector.shape_cast %get3A_428 : vector<16xf32> to vector<1x16xf32>
      tpu.vector_store %arg8[%swap3A_429, %swap3A_430], %swap3A_433 {add = true, strides = array<i32>} : memref<32x768xf32, #tpu.memory_space<vmem>>, vector<1x16xf32>,
      %get3A_434 = arith.index_cast %scan3A_156 : i32 to index
      %get3A_435 = arith.constant 496 : index
      %get3A_436 = tpu.vector_load %arg6[%get3A_434, %get3A_435] {strides = array<i32>} : memref<32x768xf32, #tpu.memory_space<vmem>>, vector<1x16xf32>,
      %get3A_437 = vector.shape_cast %get3A_436 : vector<1x16xf32> to vector<16xf32>
      %swap3A_438 = arith.index_cast %scan3A_156 : i32 to index
      %swap3A_439 = arith.constant 496 : index
      %swap3A_440 = tpu.vector_load %arg8[%swap3A_438, %swap3A_439] {strides = array<i32>} : memref<32x768xf32, #tpu.memory_space<vmem>>, vector<1x16xf32>,
      %swap3A_441 = vector.shape_cast %swap3A_440 : vector<1x16xf32> to vector<16xf32>
      %swap3A_442 = vector.shape_cast %get3A_437 : vector<16xf32> to vector<1x16xf32>
      tpu.vector_store %arg8[%swap3A_438, %swap3A_439], %swap3A_442 {add = true, strides = array<i32>} : memref<32x768xf32, #tpu.memory_space<vmem>>, vector<1x16xf32>,
      %get3A_443 = arith.index_cast %scan3A_156 : i32 to index
      %get3A_444 = arith.constant 512 : index
      %get3A_445 = tpu.vector_load %arg6[%get3A_443, %get3A_444] {strides = array<i32>} : memref<32x768xf32, #tpu.memory_space<vmem>>, vector<1x16xf32>,
      %get3A_446 = vector.shape_cast %get3A_445 : vector<1x16xf32> to vector<16xf32>
      %swap3A_447 = arith.index_cast %scan3A_156 : i32 to index
      %swap3A_448 = arith.constant 512 : index
      %swap3A_449 = tpu.vector_load %arg8[%swap3A_447, %swap3A_448] {strides = array<i32>} : memref<32x768xf32, #tpu.memory_space<vmem>>, vector<1x16xf32>,
      %swap3A_450 = vector.shape_cast %swap3A_449 : vector<1x16xf32> to vector<16xf32>
      %swap3A_451 = vector.shape_cast %get3A_446 : vector<16xf32> to vector<1x16xf32>
      tpu.vector_store %arg8[%swap3A_447, %swap3A_448], %swap3A_451 {add = true, strides = array<i32>} : memref<32x768xf32, #tpu.memory_space<vmem>>, vector<1x16xf32>,
      %get3A_452 = arith.index_cast %scan3A_156 : i32 to index
      %get3A_453 = arith.constant 528 : index
      %get3A_454 = tpu.vector_load %arg6[%get3A_452, %get3A_453] {strides = array<i32>} : memref<32x768xf32, #tpu.memory_space<vmem>>, vector<1x16xf32>,
      %get3A_455 = vector.shape_cast %get3A_454 : vector<1x16xf32> to vector<16xf32>
      %swap3A_456 = arith.index_cast %scan3A_156 : i32 to index
      %swap3A_457 = arith.constant 528 : index
      %swap3A_458 = tpu.vector_load %arg8[%swap3A_456, %swap3A_457] {strides = array<i32>} : memref<32x768xf32, #tpu.memory_space<vmem>>, vector<1x16xf32>,
      %swap3A_459 = vector.shape_cast %swap3A_458 : vector<1x16xf32> to vector<16xf32>
      %swap3A_460 = vector.shape_cast %get3A_455 : vector<16xf32> to vector<1x16xf32>
      tpu.vector_store %arg8[%swap3A_456, %swap3A_457], %swap3A_460 {add = true, strides = array<i32>} : memref<32x768xf32, #tpu.memory_space<vmem>>, vector<1x16xf32>,
      %get3A_461 = arith.index_cast %scan3A_156 : i32 to index
      %get3A_462 = arith.constant 544 : index
      %get3A_463 = tpu.vector_load %arg6[%get3A_461, %get3A_462] {strides = array<i32>} : memref<32x768xf32, #tpu.memory_space<vmem>>, vector<1x16xf32>,
      %get3A_464 = vector.shape_cast %get3A_463 : vector<1x16xf32> to vector<16xf32>
      %swap3A_465 = arith.index_cast %scan3A_156 : i32 to index
      %swap3A_466 = arith.constant 544 : index
      %swap3A_467 = tpu.vector_load %arg8[%swap3A_465, %swap3A_466] {strides = array<i32>} : memref<32x768xf32, #tpu.memory_space<vmem>>, vector<1x16xf32>,
      %swap3A_468 = vector.shape_cast %swap3A_467 : vector<1x16xf32> to vector<16xf32>
      %swap3A_469 = vector.shape_cast %get3A_464 : vector<16xf32> to vector<1x16xf32>
      tpu.vector_store %arg8[%swap3A_465, %swap3A_466], %swap3A_469 {add = true, strides = array<i32>} : memref<32x768xf32, #tpu.memory_space<vmem>>, vector<1x16xf32>,
      %get3A_470 = arith.index_cast %scan3A_156 : i32 to index
      %get3A_471 = arith.constant 560 : index
      %get3A_472 = tpu.vector_load %arg6[%get3A_470, %get3A_471] {strides = array<i32>} : memref<32x768xf32, #tpu.memory_space<vmem>>, vector<1x16xf32>,
      %get3A_473 = vector.shape_cast %get3A_472 : vector<1x16xf32> to vector<16xf32>
      %swap3A_474 = arith.index_cast %scan3A_156 : i32 to index
      %swap3A_475 = arith.constant 560 : index
      %swap3A_476 = tpu.vector_load %arg8[%swap3A_474, %swap3A_475] {strides = array<i32>} : memref<32x768xf32, #tpu.memory_space<vmem>>, vector<1x16xf32>,
      %swap3A_477 = vector.shape_cast %swap3A_476 : vector<1x16xf32> to vector<16xf32>
      %swap3A_478 = vector.shape_cast %get3A_473 : vector<16xf32> to vector<1x16xf32>
      tpu.vector_store %arg8[%swap3A_474, %swap3A_475], %swap3A_478 {add = true, strides = array<i32>} : memref<32x768xf32, #tpu.memory_space<vmem>>, vector<1x16xf32>,
      %get3A_479 = arith.index_cast %scan3A_156 : i32 to index
      %get3A_480 = arith.constant 576 : index
      %get3A_481 = tpu.vector_load %arg6[%get3A_479, %get3A_480] {strides = array<i32>} : memref<32x768xf32, #tpu.memory_space<vmem>>, vector<1x16xf32>,
      %get3A_482 = vector.shape_cast %get3A_481 : vector<1x16xf32> to vector<16xf32>
      %swap3A_483 = arith.index_cast %scan3A_156 : i32 to index
      %swap3A_484 = arith.constant 576 : index
      %swap3A_485 = tpu.vector_load %arg8[%swap3A_483, %swap3A_484] {strides = array<i32>} : memref<32x768xf32, #tpu.memory_space<vmem>>, vector<1x16xf32>,
      %swap3A_486 = vector.shape_cast %swap3A_485 : vector<1x16xf32> to vector<16xf32>
      %swap3A_487 = vector.shape_cast %get3A_482 : vector<16xf32> to vector<1x16xf32>
      tpu.vector_store %arg8[%swap3A_483, %swap3A_484], %swap3A_487 {add = true, strides = array<i32>} : memref<32x768xf32, #tpu.memory_space<vmem>>, vector<1x16xf32>,
      %get3A_488 = arith.index_cast %scan3A_156 : i32 to index
      %get3A_489 = arith.constant 592 : index
      %get3A_490 = tpu.vector_load %arg6[%get3A_488, %get3A_489] {strides = array<i32>} : memref<32x768xf32, #tpu.memory_space<vmem>>, vector<1x16xf32>,
      %get3A_491 = vector.shape_cast %get3A_490 : vector<1x16xf32> to vector<16xf32>
      %swap3A_492 = arith.index_cast %scan3A_156 : i32 to index
      %swap3A_493 = arith.constant 592 : index
      %swap3A_494 = tpu.vector_load %arg8[%swap3A_492, %swap3A_493] {strides = array<i32>} : memref<32x768xf32, #tpu.memory_space<vmem>>, vector<1x16xf32>,
      %swap3A_495 = vector.shape_cast %swap3A_494 : vector<1x16xf32> to vector<16xf32>
      %swap3A_496 = vector.shape_cast %get3A_491 : vector<16xf32> to vector<1x16xf32>
      tpu.vector_store %arg8[%swap3A_492, %swap3A_493], %swap3A_496 {add = true, strides = array<i32>} : memref<32x768xf32, #tpu.memory_space<vmem>>, vector<1x16xf32>,
      %get3A_497 = arith.index_cast %scan3A_156 : i32 to index
      %get3A_498 = arith.constant 608 : index
      %get3A_499 = tpu.vector_load %arg6[%get3A_497, %get3A_498] {strides = array<i32>} : memref<32x768xf32, #tpu.memory_space<vmem>>, vector<1x16xf32>,
      %get3A_500 = vector.shape_cast %get3A_499 : vector<1x16xf32> to vector<16xf32>
      %swap3A_501 = arith.index_cast %scan3A_156 : i32 to index
      %swap3A_502 = arith.constant 608 : index
      %swap3A_503 = tpu.vector_load %arg8[%swap3A_501, %swap3A_502] {strides = array<i32>} : memref<32x768xf32, #tpu.memory_space<vmem>>, vector<1x16xf32>,
      %swap3A_504 = vector.shape_cast %swap3A_503 : vector<1x16xf32> to vector<16xf32>
      %swap3A_505 = vector.shape_cast %get3A_500 : vector<16xf32> to vector<1x16xf32>
      tpu.vector_store %arg8[%swap3A_501, %swap3A_502], %swap3A_505 {add = true, strides = array<i32>} : memref<32x768xf32, #tpu.memory_space<vmem>>, vector<1x16xf32>,
      %get3A_506 = arith.index_cast %scan3A_156 : i32 to index
      %get3A_507 = arith.constant 624 : index
      %get3A_508 = tpu.vector_load %arg6[%get3A_506, %get3A_507] {strides = array<i32>} : memref<32x768xf32, #tpu.memory_space<vmem>>, vector<1x16xf32>,
      %get3A_509 = vector.shape_cast %get3A_508 : vector<1x16xf32> to vector<16xf32>
      %swap3A_510 = arith.index_cast %scan3A_156 : i32 to index
      %swap3A_511 = arith.constant 624 : index
      %swap3A_512 = tpu.vector_load %arg8[%swap3A_510, %swap3A_511] {strides = array<i32>} : memref<32x768xf32, #tpu.memory_space<vmem>>, vector<1x16xf32>,
      %swap3A_513 = vector.shape_cast %swap3A_512 : vector<1x16xf32> to vector<16xf32>
      %swap3A_514 = vector.shape_cast %get3A_509 : vector<16xf32> to vector<1x16xf32>
      tpu.vector_store %arg8[%swap3A_510, %swap3A_511], %swap3A_514 {add = true, strides = array<i32>} : memref<32x768xf32, #tpu.memory_space<vmem>>, vector<1x16xf32>,
      %get3A_515 = arith.index_cast %scan3A_156 : i32 to index
      %get3A_516 = arith.constant 640 : index
      %get3A_517 = tpu.vector_load %arg6[%get3A_515, %get3A_516] {strides = array<i32>} : memref<32x768xf32, #tpu.memory_space<vmem>>, vector<1x16xf32>,
      %get3A_518 = vector.shape_cast %get3A_517 : vector<1x16xf32> to vector<16xf32>
      %swap3A_519 = arith.index_cast %scan3A_156 : i32 to index
      %swap3A_520 = arith.constant 640 : index
      %swap3A_521 = tpu.vector_load %arg8[%swap3A_519, %swap3A_520] {strides = array<i32>} : memref<32x768xf32, #tpu.memory_space<vmem>>, vector<1x16xf32>,
      %swap3A_522 = vector.shape_cast %swap3A_521 : vector<1x16xf32> to vector<16xf32>
      %swap3A_523 = vector.shape_cast %get3A_518 : vector<16xf32> to vector<1x16xf32>
      tpu.vector_store %arg8[%swap3A_519, %swap3A_520], %swap3A_523 {add = true, strides = array<i32>} : memref<32x768xf32, #tpu.memory_space<vmem>>, vector<1x16xf32>,
      %get3A_524 = arith.index_cast %scan3A_156 : i32 to index
      %get3A_525 = arith.constant 656 : index
      %get3A_526 = tpu.vector_load %arg6[%get3A_524, %get3A_525] {strides = array<i32>} : memref<32x768xf32, #tpu.memory_space<vmem>>, vector<1x16xf32>,
      %get3A_527 = vector.shape_cast %get3A_526 : vector<1x16xf32> to vector<16xf32>
      %swap3A_528 = arith.index_cast %scan3A_156 : i32 to index
      %swap3A_529 = arith.constant 656 : index
      %swap3A_530 = tpu.vector_load %arg8[%swap3A_528, %swap3A_529] {strides = array<i32>} : memref<32x768xf32, #tpu.memory_space<vmem>>, vector<1x16xf32>,
      %swap3A_531 = vector.shape_cast %swap3A_530 : vector<1x16xf32> to vector<16xf32>
      %swap3A_532 = vector.shape_cast %get3A_527 : vector<16xf32> to vector<1x16xf32>
      tpu.vector_store %arg8[%swap3A_528, %swap3A_529], %swap3A_532 {add = true, strides = array<i32>} : memref<32x768xf32, #tpu.memory_space<vmem>>, vector<1x16xf32>,
      %get3A_533 = arith.index_cast %scan3A_156 : i32 to index
      %get3A_534 = arith.constant 672 : index
      %get3A_535 = tpu.vector_load %arg6[%get3A_533, %get3A_534] {strides = array<i32>} : memref<32x768xf32, #tpu.memory_space<vmem>>, vector<1x16xf32>,
      %get3A_536 = vector.shape_cast %get3A_535 : vector<1x16xf32> to vector<16xf32>
      %swap3A_537 = arith.index_cast %scan3A_156 : i32 to index
      %swap3A_538 = arith.constant 672 : index
      %swap3A_539 = tpu.vector_load %arg8[%swap3A_537, %swap3A_538] {strides = array<i32>} : memref<32x768xf32, #tpu.memory_space<vmem>>, vector<1x16xf32>,
      %swap3A_540 = vector.shape_cast %swap3A_539 : vector<1x16xf32> to vector<16xf32>
      %swap3A_541 = vector.shape_cast %get3A_536 : vector<16xf32> to vector<1x16xf32>
      tpu.vector_store %arg8[%swap3A_537, %swap3A_538], %swap3A_541 {add = true, strides = array<i32>} : memref<32x768xf32, #tpu.memory_space<vmem>>, vector<1x16xf32>,
      %get3A_542 = arith.index_cast %scan3A_156 : i32 to index
      %get3A_543 = arith.constant 688 : index
      %get3A_544 = tpu.vector_load %arg6[%get3A_542, %get3A_543] {strides = array<i32>} : memref<32x768xf32, #tpu.memory_space<vmem>>, vector<1x16xf32>,
      %get3A_545 = vector.shape_cast %get3A_544 : vector<1x16xf32> to vector<16xf32>
      %swap3A_546 = arith.index_cast %scan3A_156 : i32 to index
      %swap3A_547 = arith.constant 688 : index
      %swap3A_548 = tpu.vector_load %arg8[%swap3A_546, %swap3A_547] {strides = array<i32>} : memref<32x768xf32, #tpu.memory_space<vmem>>, vector<1x16xf32>,
      %swap3A_549 = vector.shape_cast %swap3A_548 : vector<1x16xf32> to vector<16xf32>
      %swap3A_550 = vector.shape_cast %get3A_545 : vector<16xf32> to vector<1x16xf32>
      tpu.vector_store %arg8[%swap3A_546, %swap3A_547], %swap3A_550 {add = true, strides = array<i32>} : memref<32x768xf32, #tpu.memory_space<vmem>>, vector<1x16xf32>,
      %get3A_551 = arith.index_cast %scan3A_156 : i32 to index
      %get3A_552 = arith.constant 704 : index
      %get3A_553 = tpu.vector_load %arg6[%get3A_551, %get3A_552] {strides = array<i32>} : memref<32x768xf32, #tpu.memory_space<vmem>>, vector<1x16xf32>,
      %get3A_554 = vector.shape_cast %get3A_553 : vector<1x16xf32> to vector<16xf32>
      %swap3A_555 = arith.index_cast %scan3A_156 : i32 to index
      %swap3A_556 = arith.constant 704 : index
      %swap3A_557 = tpu.vector_load %arg8[%swap3A_555, %swap3A_556] {strides = array<i32>} : memref<32x768xf32, #tpu.memory_space<vmem>>, vector<1x16xf32>,
      %swap3A_558 = vector.shape_cast %swap3A_557 : vector<1x16xf32> to vector<16xf32>
      %swap3A_559 = vector.shape_cast %get3A_554 : vector<16xf32> to vector<1x16xf32>
      tpu.vector_store %arg8[%swap3A_555, %swap3A_556], %swap3A_559 {add = true, strides = array<i32>} : memref<32x768xf32, #tpu.memory_space<vmem>>, vector<1x16xf32>,
      %get3A_560 = arith.index_cast %scan3A_156 : i32 to index
      %get3A_561 = arith.constant 720 : index
      %get3A_562 = tpu.vector_load %arg6[%get3A_560, %get3A_561] {strides = array<i32>} : memref<32x768xf32, #tpu.memory_space<vmem>>, vector<1x16xf32>,
      %get3A_563 = vector.shape_cast %get3A_562 : vector<1x16xf32> to vector<16xf32>
      %swap3A_564 = arith.index_cast %scan3A_156 : i32 to index
      %swap3A_565 = arith.constant 720 : index
      %swap3A_566 = tpu.vector_load %arg8[%swap3A_564, %swap3A_565] {strides = array<i32>} : memref<32x768xf32, #tpu.memory_space<vmem>>, vector<1x16xf32>,
      %swap3A_567 = vector.shape_cast %swap3A_566 : vector<1x16xf32> to vector<16xf32>
      %swap3A_568 = vector.shape_cast %get3A_563 : vector<16xf32> to vector<1x16xf32>
      tpu.vector_store %arg8[%swap3A_564, %swap3A_565], %swap3A_568 {add = true, strides = array<i32>} : memref<32x768xf32, #tpu.memory_space<vmem>>, vector<1x16xf32>,
      %get3A_569 = arith.index_cast %scan3A_156 : i32 to index
      %get3A_570 = arith.constant 736 : index
      %get3A_571 = tpu.vector_load %arg6[%get3A_569, %get3A_570] {strides = array<i32>} : memref<32x768xf32, #tpu.memory_space<vmem>>, vector<1x16xf32>,
      %get3A_572 = vector.shape_cast %get3A_571 : vector<1x16xf32> to vector<16xf32>
      %swap3A_573 = arith.index_cast %scan3A_156 : i32 to index
      %swap3A_574 = arith.constant 736 : index
      %swap3A_575 = tpu.vector_load %arg8[%swap3A_573, %swap3A_574] {strides = array<i32>} : memref<32x768xf32, #tpu.memory_space<vmem>>, vector<1x16xf32>,
      %swap3A_576 = vector.shape_cast %swap3A_575 : vector<1x16xf32> to vector<16xf32>
      %swap3A_577 = vector.shape_cast %get3A_572 : vector<16xf32> to vector<1x16xf32>
      tpu.vector_store %arg8[%swap3A_573, %swap3A_574], %swap3A_577 {add = true, strides = array<i32>} : memref<32x768xf32, #tpu.memory_space<vmem>>, vector<1x16xf32>,
      %get3A_578 = arith.index_cast %scan3A_156 : i32 to index
      %get3A_579 = arith.constant 752 : index
      %get3A_580 = tpu.vector_load %arg6[%get3A_578, %get3A_579] {strides = array<i32>} : memref<32x768xf32, #tpu.memory_space<vmem>>, vector<1x16xf32>,
      %get3A_581 = vector.shape_cast %get3A_580 : vector<1x16xf32> to vector<16xf32>
      %swap3A_582 = arith.index_cast %scan3A_156 : i32 to index
      %swap3A_583 = arith.constant 752 : index
      %swap3A_584 = tpu.vector_load %arg8[%swap3A_582, %swap3A_583] {strides = array<i32>} : memref<32x768xf32, #tpu.memory_space<vmem>>, vector<1x16xf32>,
      %swap3A_585 = vector.shape_cast %swap3A_584 : vector<1x16xf32> to vector<16xf32>
      %swap3A_586 = vector.shape_cast %get3A_581 : vector<16xf32> to vector<1x16xf32>
      tpu.vector_store %arg8[%swap3A_582, %swap3A_583], %swap3A_586 {add = true, strides = array<i32>} : memref<32x768xf32, #tpu.memory_space<vmem>>, vector<1x16xf32>,
    }
    %scan3A_110 = arith.constant 32 : i32
    %mul3A_111 = arith.constant 32 : i32
    %mul3A_112 = arith.muli %add3A, %mul3A_111 : i32
    %dma_start3A_113 = arith.constant 2 : i32
    %dma_start3A_114 = arith.constant 0 : i32
    %dma_start3A_115 = tpu.memref_slice %arg5[%dma_start3A_113, %mul3A_112, %dma_start3A_114] : memref<4x1024x768xf32, #tpu.memory_space<hbm>> -> memref<1x32x768xf32, #tpu.memory_space<hbm>>
    %dma_start3A_116 = tpu.memref_squeeze %dma_start3A_115 : memref<1x32x768xf32, #tpu.memory_space<hbm>> -> memref<32x768xf32, #tpu.memory_space<hbm>>
    %dma_start3A_117 = arith.constant 0 : i32
    %dma_start3A_118 = tpu.memref_slice %arg5[%dma_start3A_113, %mul3A_112, %dma_start3A_117] : memref<4x1024x768xf32, #tpu.memory_space<hbm>> -> memref<1x32x768xf32, #tpu.memory_space<hbm>>
    %dma_start3A_119 = tpu.memref_squeeze %dma_start3A_118 : memref<1x32x768xf32, #tpu.memory_space<hbm>> -> memref<32x768xf32, #tpu.memory_space<hbm>>
    tpu.enqueue_dma source(%arg8 : memref<32x768xf32, #tpu.memory_space<vmem>>) target(%dma_start3A_119 : memref<32x768xf32, #tpu.memory_space<hbm>>) target_semaphore(%arg12 : memref<!tpu.dma_semaphore, #tpu.memory_space<semaphore_mem>>)
    %dma_wait3A_120 = arith.constant 3 : i32
    %dma_wait3A_121 = arith.constant 0 : i32
    %dma_wait3A_122 = tpu.memref_slice %arg2[%dma_wait3A_120, %mul3A_97, %dma_wait3A_121] : memref<32x1024x768xf32, #tpu.memory_space<hbm>> -> memref<1x32x768xf32, #tpu.memory_space<hbm>>
    %dma_wait3A_123 = tpu.memref_squeeze %dma_wait3A_122 : memref<1x32x768xf32, #tpu.memory_space<hbm>> -> memref<32x768xf32, #tpu.memory_space<hbm>>
    %dma_wait3A_124 = arith.constant 0 : i32
    %dma_wait3A_125 = tpu.memref_slice %arg2[%dma_wait3A_120, %mul3A_97, %dma_wait3A_124] : memref<32x1024x768xf32, #tpu.memory_space<hbm>> -> memref<1x32x768xf32, #tpu.memory_space<hbm>>
    %dma_wait3A_126 = tpu.memref_squeeze %dma_wait3A_125 : memref<1x32x768xf32, #tpu.memory_space<hbm>> -> memref<32x768xf32, #tpu.memory_space<hbm>>
    tpu.wait_dma2 semaphore(%arg11 : memref<!tpu.dma_semaphore, #tpu.memory_space<semaphore_mem>>) src(%dma_wait3A_126 : memref<32x768xf32, #tpu.memory_space<hbm>>) dst(%arg9 : memref<32x768xf32, #tpu.memory_space<vmem>>)
    %scan3A_127 = arith.constant 0 : i32
    %scan3A_128 = arith.constant 0 : i32
    %scan3A_129 = arith.constant 32 : i32
    %scan3A_130 = arith.addi %scan3A_128, %scan3A_129 : i32
    %scan3A_131 = arith.constant 1 : i32
    scf.for %scan3A_156 = %scan3A_128 to %scan3A_130 step %scan3A_131  : i32 {
      %get3A = arith.index_cast %scan3A_156 : i32 to index
      %get3A_157 = arith.constant 0 : index
      %get3A_158 = tpu.vector_load %arg6[%get3A, %get3A_157] {strides = array<i32>} : memref<32x768xf32, #tpu.memory_space<vmem>>, vector<1x16xf32>,
      %get3A_159 = vector.shape_cast %get3A_158 : vector<1x16xf32> to vector<16xf32>
      %swap3A = arith.index_cast %scan3A_156 : i32 to index
      %swap3A_160 = arith.constant 0 : index
      %swap3A_161 = tpu.vector_load %arg9[%swap3A, %swap3A_160] {strides = array<i32>} : memref<32x768xf32, #tpu.memory_space<vmem>>, vector<1x16xf32>,
      %swap3A_162 = vector.shape_cast %swap3A_161 : vector<1x16xf32> to vector<16xf32>
      %swap3A_163 = vector.shape_cast %get3A_159 : vector<16xf32> to vector<1x16xf32>
      tpu.vector_store %arg9[%swap3A, %swap3A_160], %swap3A_163 {add = true, strides = array<i32>} : memref<32x768xf32, #tpu.memory_space<vmem>>, vector<1x16xf32>,
      %get3A_164 = arith.index_cast %scan3A_156 : i32 to index
      %get3A_165 = arith.constant 16 : index
      %get3A_166 = tpu.vector_load %arg6[%get3A_164, %get3A_165] {strides = array<i32>} : memref<32x768xf32, #tpu.memory_space<vmem>>, vector<1x16xf32>,
      %get3A_167 = vector.shape_cast %get3A_166 : vector<1x16xf32> to vector<16xf32>
      %swap3A_168 = arith.index_cast %scan3A_156 : i32 to index
      %swap3A_169 = arith.constant 16 : index
      %swap3A_170 = tpu.vector_load %arg9[%swap3A_168, %swap3A_169] {strides = array<i32>} : memref<32x768xf32, #tpu.memory_space<vmem>>, vector<1x16xf32>,
      %swap3A_171 = vector.shape_cast %swap3A_170 : vector<1x16xf32> to vector<16xf32>
      %swap3A_172 = vector.shape_cast %get3A_167 : vector<16xf32> to vector<1x16xf32>
      tpu.vector_store %arg9[%swap3A_168, %swap3A_169], %swap3A_172 {add = true, strides = array<i32>} : memref<32x768xf32, #tpu.memory_space<vmem>>, vector<1x16xf32>,
      %get3A_173 = arith.index_cast %scan3A_156 : i32 to index
      %get3A_174 = arith.constant 32 : index
      %get3A_175 = tpu.vector_load %arg6[%get3A_173, %get3A_174] {strides = array<i32>} : memref<32x768xf32, #tpu.memory_space<vmem>>, vector<1x16xf32>,
      %get3A_176 = vector.shape_cast %get3A_175 : vector<1x16xf32> to vector<16xf32>
      %swap3A_177 = arith.index_cast %scan3A_156 : i32 to index
      %swap3A_178 = arith.constant 32 : index
      %swap3A_179 = tpu.vector_load %arg9[%swap3A_177, %swap3A_178] {strides = array<i32>} : memref<32x768xf32, #tpu.memory_space<vmem>>, vector<1x16xf32>,
      %swap3A_180 = vector.shape_cast %swap3A_179 : vector<1x16xf32> to vector<16xf32>
      %swap3A_181 = vector.shape_cast %get3A_176 : vector<16xf32> to vector<1x16xf32>
      tpu.vector_store %arg9[%swap3A_177, %swap3A_178], %swap3A_181 {add = true, strides = array<i32>} : memref<32x768xf32, #tpu.memory_space<vmem>>, vector<1x16xf32>,
      %get3A_182 = arith.index_cast %scan3A_156 : i32 to index
      %get3A_183 = arith.constant 48 : index
      %get3A_184 = tpu.vector_load %arg6[%get3A_182, %get3A_183] {strides = array<i32>} : memref<32x768xf32, #tpu.memory_space<vmem>>, vector<1x16xf32>,
      %get3A_185 = vector.shape_cast %get3A_184 : vector<1x16xf32> to vector<16xf32>
      %swap3A_186 = arith.index_cast %scan3A_156 : i32 to index
      %swap3A_187 = arith.constant 48 : index
      %swap3A_188 = tpu.vector_load %arg9[%swap3A_186, %swap3A_187] {strides = array<i32>} : memref<32x768xf32, #tpu.memory_space<vmem>>, vector<1x16xf32>,
      %swap3A_189 = vector.shape_cast %swap3A_188 : vector<1x16xf32> to vector<16xf32>
      %swap3A_190 = vector.shape_cast %get3A_185 : vector<16xf32> to vector<1x16xf32>
      tpu.vector_store %arg9[%swap3A_186, %swap3A_187], %swap3A_190 {add = true, strides = array<i32>} : memref<32x768xf32, #tpu.memory_space<vmem>>, vector<1x16xf32>,
      %get3A_191 = arith.index_cast %scan3A_156 : i32 to index
      %get3A_192 = arith.constant 64 : index
      %get3A_193 = tpu.vector_load %arg6[%get3A_191, %get3A_192] {strides = array<i32>} : memref<32x768xf32, #tpu.memory_space<vmem>>, vector<1x16xf32>,
      %get3A_194 = vector.shape_cast %get3A_193 : vector<1x16xf32> to vector<16xf32>
      %swap3A_195 = arith.index_cast %scan3A_156 : i32 to index
      %swap3A_196 = arith.constant 64 : index
      %swap3A_197 = tpu.vector_load %arg9[%swap3A_195, %swap3A_196] {strides = array<i32>} : memref<32x768xf32, #tpu.memory_space<vmem>>, vector<1x16xf32>,
      %swap3A_198 = vector.shape_cast %swap3A_197 : vector<1x16xf32> to vector<16xf32>
      %swap3A_199 = vector.shape_cast %get3A_194 : vector<16xf32> to vector<1x16xf32>
      tpu.vector_store %arg9[%swap3A_195, %swap3A_196], %swap3A_199 {add = true, strides = array<i32>} : memref<32x768xf32, #tpu.memory_space<vmem>>, vector<1x16xf32>,
      %get3A_200 = arith.index_cast %scan3A_156 : i32 to index
      %get3A_201 = arith.constant 80 : index
      %get3A_202 = tpu.vector_load %arg6[%get3A_200, %get3A_201] {strides = array<i32>} : memref<32x768xf32, #tpu.memory_space<vmem>>, vector<1x16xf32>,
      %get3A_203 = vector.shape_cast %get3A_202 : vector<1x16xf32> to vector<16xf32>
      %swap3A_204 = arith.index_cast %scan3A_156 : i32 to index
      %swap3A_205 = arith.constant 80 : index
      %swap3A_206 = tpu.vector_load %arg9[%swap3A_204, %swap3A_205] {strides = array<i32>} : memref<32x768xf32, #tpu.memory_space<vmem>>, vector<1x16xf32>,
      %swap3A_207 = vector.shape_cast %swap3A_206 : vector<1x16xf32> to vector<16xf32>
      %swap3A_208 = vector.shape_cast %get3A_203 : vector<16xf32> to vector<1x16xf32>
      tpu.vector_store %arg9[%swap3A_204, %swap3A_205], %swap3A_208 {add = true, strides = array<i32>} : memref<32x768xf32, #tpu.memory_space<vmem>>, vector<1x16xf32>,
      %get3A_209 = arith.index_cast %scan3A_156 : i32 to index
      %get3A_210 = arith.constant 96 : index
      %get3A_211 = tpu.vector_load %arg6[%get3A_209, %get3A_210] {strides = array<i32>} : memref<32x768xf32, #tpu.memory_space<vmem>>, vector<1x16xf32>,
      %get3A_212 = vector.shape_cast %get3A_211 : vector<1x16xf32> to vector<16xf32>
      %swap3A_213 = arith.index_cast %scan3A_156 : i32 to index
      %swap3A_214 = arith.constant 96 : index
      %swap3A_215 = tpu.vector_load %arg9[%swap3A_213, %swap3A_214] {strides = array<i32>} : memref<32x768xf32, #tpu.memory_space<vmem>>, vector<1x16xf32>,
      %swap3A_216 = vector.shape_cast %swap3A_215 : vector<1x16xf32> to vector<16xf32>
      %swap3A_217 = vector.shape_cast %get3A_212 : vector<16xf32> to vector<1x16xf32>
      tpu.vector_store %arg9[%swap3A_213, %swap3A_214], %swap3A_217 {add = true, strides = array<i32>} : memref<32x768xf32, #tpu.memory_space<vmem>>, vector<1x16xf32>,
      %get3A_218 = arith.index_cast %scan3A_156 : i32 to index
      %get3A_219 = arith.constant 112 : index
      %get3A_220 = tpu.vector_load %arg6[%get3A_218, %get3A_219] {strides = array<i32>} : memref<32x768xf32, #tpu.memory_space<vmem>>, vector<1x16xf32>,
      %get3A_221 = vector.shape_cast %get3A_220 : vector<1x16xf32> to vector<16xf32>
      %swap3A_222 = arith.index_cast %scan3A_156 : i32 to index
      %swap3A_223 = arith.constant 112 : index
      %swap3A_224 = tpu.vector_load %arg9[%swap3A_222, %swap3A_223] {strides = array<i32>} : memref<32x768xf32, #tpu.memory_space<vmem>>, vector<1x16xf32>,
      %swap3A_225 = vector.shape_cast %swap3A_224 : vector<1x16xf32> to vector<16xf32>
      %swap3A_226 = vector.shape_cast %get3A_221 : vector<16xf32> to vector<1x16xf32>
      tpu.vector_store %arg9[%swap3A_222, %swap3A_223], %swap3A_226 {add = true, strides = array<i32>} : memref<32x768xf32, #tpu.memory_space<vmem>>, vector<1x16xf32>,
      %get3A_227 = arith.index_cast %scan3A_156 : i32 to index
      %get3A_228 = arith.constant 128 : index
      %get3A_229 = tpu.vector_load %arg6[%get3A_227, %get3A_228] {strides = array<i32>} : memref<32x768xf32, #tpu.memory_space<vmem>>, vector<1x16xf32>,
      %get3A_230 = vector.shape_cast %get3A_229 : vector<1x16xf32> to vector<16xf32>
      %swap3A_231 = arith.index_cast %scan3A_156 : i32 to index
      %swap3A_232 = arith.constant 128 : index
      %swap3A_233 = tpu.vector_load %arg9[%swap3A_231, %swap3A_232] {strides = array<i32>} : memref<32x768xf32, #tpu.memory_space<vmem>>, vector<1x16xf32>,
      %swap3A_234 = vector.shape_cast %swap3A_233 : vector<1x16xf32> to vector<16xf32>
      %swap3A_235 = vector.shape_cast %get3A_230 : vector<16xf32> to vector<1x16xf32>
      tpu.vector_store %arg9[%swap3A_231, %swap3A_232], %swap3A_235 {add = true, strides = array<i32>} : memref<32x768xf32, #tpu.memory_space<vmem>>, vector<1x16xf32>,
      %get3A_236 = arith.index_cast %scan3A_156 : i32 to index
      %get3A_237 = arith.constant 144 : index
      %get3A_238 = tpu.vector_load %arg6[%get3A_236, %get3A_237] {strides = array<i32>} : memref<32x768xf32, #tpu.memory_space<vmem>>, vector<1x16xf32>,
      %get3A_239 = vector.shape_cast %get3A_238 : vector<1x16xf32> to vector<16xf32>
      %swap3A_240 = arith.index_cast %scan3A_156 : i32 to index
      %swap3A_241 = arith.constant 144 : index
      %swap3A_242 = tpu.vector_load %arg9[%swap3A_240, %swap3A_241] {strides = array<i32>} : memref<32x768xf32, #tpu.memory_space<vmem>>, vector<1x16xf32>,
      %swap3A_243 = vector.shape_cast %swap3A_242 : vector<1x16xf32> to vector<16xf32>
      %swap3A_244 = vector.shape_cast %get3A_239 : vector<16xf32> to vector<1x16xf32>
      tpu.vector_store %arg9[%swap3A_240, %swap3A_241], %swap3A_244 {add = true, strides = array<i32>} : memref<32x768xf32, #tpu.memory_space<vmem>>, vector<1x16xf32>,
      %get3A_245 = arith.index_cast %scan3A_156 : i32 to index
      %get3A_246 = arith.constant 160 : index
      %get3A_247 = tpu.vector_load %arg6[%get3A_245, %get3A_246] {strides = array<i32>} : memref<32x768xf32, #tpu.memory_space<vmem>>, vector<1x16xf32>,
      %get3A_248 = vector.shape_cast %get3A_247 : vector<1x16xf32> to vector<16xf32>
      %swap3A_249 = arith.index_cast %scan3A_156 : i32 to index
      %swap3A_250 = arith.constant 160 : index
      %swap3A_251 = tpu.vector_load %arg9[%swap3A_249, %swap3A_250] {strides = array<i32>} : memref<32x768xf32, #tpu.memory_space<vmem>>, vector<1x16xf32>,
      %swap3A_252 = vector.shape_cast %swap3A_251 : vector<1x16xf32> to vector<16xf32>
      %swap3A_253 = vector.shape_cast %get3A_248 : vector<16xf32> to vector<1x16xf32>
      tpu.vector_store %arg9[%swap3A_249, %swap3A_250], %swap3A_253 {add = true, strides = array<i32>} : memref<32x768xf32, #tpu.memory_space<vmem>>, vector<1x16xf32>,
      %get3A_254 = arith.index_cast %scan3A_156 : i32 to index
      %get3A_255 = arith.constant 176 : index
      %get3A_256 = tpu.vector_load %arg6[%get3A_254, %get3A_255] {strides = array<i32>} : memref<32x768xf32, #tpu.memory_space<vmem>>, vector<1x16xf32>,
      %get3A_257 = vector.shape_cast %get3A_256 : vector<1x16xf32> to vector<16xf32>
      %swap3A_258 = arith.index_cast %scan3A_156 : i32 to index
      %swap3A_259 = arith.constant 176 : index
      %swap3A_260 = tpu.vector_load %arg9[%swap3A_258, %swap3A_259] {strides = array<i32>} : memref<32x768xf32, #tpu.memory_space<vmem>>, vector<1x16xf32>,
      %swap3A_261 = vector.shape_cast %swap3A_260 : vector<1x16xf32> to vector<16xf32>
      %swap3A_262 = vector.shape_cast %get3A_257 : vector<16xf32> to vector<1x16xf32>
      tpu.vector_store %arg9[%swap3A_258, %swap3A_259], %swap3A_262 {add = true, strides = array<i32>} : memref<32x768xf32, #tpu.memory_space<vmem>>, vector<1x16xf32>,
      %get3A_263 = arith.index_cast %scan3A_156 : i32 to index
      %get3A_264 = arith.constant 192 : index
      %get3A_265 = tpu.vector_load %arg6[%get3A_263, %get3A_264] {strides = array<i32>} : memref<32x768xf32, #tpu.memory_space<vmem>>, vector<1x16xf32>,
      %get3A_266 = vector.shape_cast %get3A_265 : vector<1x16xf32> to vector<16xf32>
      %swap3A_267 = arith.index_cast %scan3A_156 : i32 to index
      %swap3A_268 = arith.constant 192 : index
      %swap3A_269 = tpu.vector_load %arg9[%swap3A_267, %swap3A_268] {strides = array<i32>} : memref<32x768xf32, #tpu.memory_space<vmem>>, vector<1x16xf32>,
      %swap3A_270 = vector.shape_cast %swap3A_269 : vector<1x16xf32> to vector<16xf32>
      %swap3A_271 = vector.shape_cast %get3A_266 : vector<16xf32> to vector<1x16xf32>
      tpu.vector_store %arg9[%swap3A_267, %swap3A_268], %swap3A_271 {add = true, strides = array<i32>} : memref<32x768xf32, #tpu.memory_space<vmem>>, vector<1x16xf32>,
      %get3A_272 = arith.index_cast %scan3A_156 : i32 to index
      %get3A_273 = arith.constant 208 : index
      %get3A_274 = tpu.vector_load %arg6[%get3A_272, %get3A_273] {strides = array<i32>} : memref<32x768xf32, #tpu.memory_space<vmem>>, vector<1x16xf32>,
      %get3A_275 = vector.shape_cast %get3A_274 : vector<1x16xf32> to vector<16xf32>
      %swap3A_276 = arith.index_cast %scan3A_156 : i32 to index
      %swap3A_277 = arith.constant 208 : index
      %swap3A_278 = tpu.vector_load %arg9[%swap3A_276, %swap3A_277] {strides = array<i32>} : memref<32x768xf32, #tpu.memory_space<vmem>>, vector<1x16xf32>,
      %swap3A_279 = vector.shape_cast %swap3A_278 : vector<1x16xf32> to vector<16xf32>
      %swap3A_280 = vector.shape_cast %get3A_275 : vector<16xf32> to vector<1x16xf32>
      tpu.vector_store %arg9[%swap3A_276, %swap3A_277], %swap3A_280 {add = true, strides = array<i32>} : memref<32x768xf32, #tpu.memory_space<vmem>>, vector<1x16xf32>,
      %get3A_281 = arith.index_cast %scan3A_156 : i32 to index
      %get3A_282 = arith.constant 224 : index
      %get3A_283 = tpu.vector_load %arg6[%get3A_281, %get3A_282] {strides = array<i32>} : memref<32x768xf32, #tpu.memory_space<vmem>>, vector<1x16xf32>,
      %get3A_284 = vector.shape_cast %get3A_283 : vector<1x16xf32> to vector<16xf32>
      %swap3A_285 = arith.index_cast %scan3A_156 : i32 to index
      %swap3A_286 = arith.constant 224 : index
      %swap3A_287 = tpu.vector_load %arg9[%swap3A_285, %swap3A_286] {strides = array<i32>} : memref<32x768xf32, #tpu.memory_space<vmem>>, vector<1x16xf32>,
      %swap3A_288 = vector.shape_cast %swap3A_287 : vector<1x16xf32> to vector<16xf32>
      %swap3A_289 = vector.shape_cast %get3A_284 : vector<16xf32> to vector<1x16xf32>
      tpu.vector_store %arg9[%swap3A_285, %swap3A_286], %swap3A_289 {add = true, strides = array<i32>} : memref<32x768xf32, #tpu.memory_space<vmem>>, vector<1x16xf32>,
      %get3A_290 = arith.index_cast %scan3A_156 : i32 to index
      %get3A_291 = arith.constant 240 : index
      %get3A_292 = tpu.vector_load %arg6[%get3A_290, %get3A_291] {strides = array<i32>} : memref<32x768xf32, #tpu.memory_space<vmem>>, vector<1x16xf32>,
      %get3A_293 = vector.shape_cast %get3A_292 : vector<1x16xf32> to vector<16xf32>
      %swap3A_294 = arith.index_cast %scan3A_156 : i32 to index
      %swap3A_295 = arith.constant 240 : index
      %swap3A_296 = tpu.vector_load %arg9[%swap3A_294, %swap3A_295] {strides = array<i32>} : memref<32x768xf32, #tpu.memory_space<vmem>>, vector<1x16xf32>,
      %swap3A_297 = vector.shape_cast %swap3A_296 : vector<1x16xf32> to vector<16xf32>
      %swap3A_298 = vector.shape_cast %get3A_293 : vector<16xf32> to vector<1x16xf32>
      tpu.vector_store %arg9[%swap3A_294, %swap3A_295], %swap3A_298 {add = true, strides = array<i32>} : memref<32x768xf32, #tpu.memory_space<vmem>>, vector<1x16xf32>,
      %get3A_299 = arith.index_cast %scan3A_156 : i32 to index
      %get3A_300 = arith.constant 256 : index
      %get3A_301 = tpu.vector_load %arg6[%get3A_299, %get3A_300] {strides = array<i32>} : memref<32x768xf32, #tpu.memory_space<vmem>>, vector<1x16xf32>,
      %get3A_302 = vector.shape_cast %get3A_301 : vector<1x16xf32> to vector<16xf32>
      %swap3A_303 = arith.index_cast %scan3A_156 : i32 to index
      %swap3A_304 = arith.constant 256 : index
      %swap3A_305 = tpu.vector_load %arg9[%swap3A_303, %swap3A_304] {strides = array<i32>} : memref<32x768xf32, #tpu.memory_space<vmem>>, vector<1x16xf32>,
      %swap3A_306 = vector.shape_cast %swap3A_305 : vector<1x16xf32> to vector<16xf32>
      %swap3A_307 = vector.shape_cast %get3A_302 : vector<16xf32> to vector<1x16xf32>
      tpu.vector_store %arg9[%swap3A_303, %swap3A_304], %swap3A_307 {add = true, strides = array<i32>} : memref<32x768xf32, #tpu.memory_space<vmem>>, vector<1x16xf32>,
      %get3A_308 = arith.index_cast %scan3A_156 : i32 to index
      %get3A_309 = arith.constant 272 : index
      %get3A_310 = tpu.vector_load %arg6[%get3A_308, %get3A_309] {strides = array<i32>} : memref<32x768xf32, #tpu.memory_space<vmem>>, vector<1x16xf32>,
      %get3A_311 = vector.shape_cast %get3A_310 : vector<1x16xf32> to vector<16xf32>
      %swap3A_312 = arith.index_cast %scan3A_156 : i32 to index
      %swap3A_313 = arith.constant 272 : index
      %swap3A_314 = tpu.vector_load %arg9[%swap3A_312, %swap3A_313] {strides = array<i32>} : memref<32x768xf32, #tpu.memory_space<vmem>>, vector<1x16xf32>,
      %swap3A_315 = vector.shape_cast %swap3A_314 : vector<1x16xf32> to vector<16xf32>
      %swap3A_316 = vector.shape_cast %get3A_311 : vector<16xf32> to vector<1x16xf32>
      tpu.vector_store %arg9[%swap3A_312, %swap3A_313], %swap3A_316 {add = true, strides = array<i32>} : memref<32x768xf32, #tpu.memory_space<vmem>>, vector<1x16xf32>,
      %get3A_317 = arith.index_cast %scan3A_156 : i32 to index
      %get3A_318 = arith.constant 288 : index
      %get3A_319 = tpu.vector_load %arg6[%get3A_317, %get3A_318] {strides = array<i32>} : memref<32x768xf32, #tpu.memory_space<vmem>>, vector<1x16xf32>,
      %get3A_320 = vector.shape_cast %get3A_319 : vector<1x16xf32> to vector<16xf32>
      %swap3A_321 = arith.index_cast %scan3A_156 : i32 to index
      %swap3A_322 = arith.constant 288 : index
      %swap3A_323 = tpu.vector_load %arg9[%swap3A_321, %swap3A_322] {strides = array<i32>} : memref<32x768xf32, #tpu.memory_space<vmem>>, vector<1x16xf32>,
      %swap3A_324 = vector.shape_cast %swap3A_323 : vector<1x16xf32> to vector<16xf32>
      %swap3A_325 = vector.shape_cast %get3A_320 : vector<16xf32> to vector<1x16xf32>
      tpu.vector_store %arg9[%swap3A_321, %swap3A_322], %swap3A_325 {add = true, strides = array<i32>} : memref<32x768xf32, #tpu.memory_space<vmem>>, vector<1x16xf32>,
      %get3A_326 = arith.index_cast %scan3A_156 : i32 to index
      %get3A_327 = arith.constant 304 : index
      %get3A_328 = tpu.vector_load %arg6[%get3A_326, %get3A_327] {strides = array<i32>} : memref<32x768xf32, #tpu.memory_space<vmem>>, vector<1x16xf32>,
      %get3A_329 = vector.shape_cast %get3A_328 : vector<1x16xf32> to vector<16xf32>
      %swap3A_330 = arith.index_cast %scan3A_156 : i32 to index
      %swap3A_331 = arith.constant 304 : index
      %swap3A_332 = tpu.vector_load %arg9[%swap3A_330, %swap3A_331] {strides = array<i32>} : memref<32x768xf32, #tpu.memory_space<vmem>>, vector<1x16xf32>,
      %swap3A_333 = vector.shape_cast %swap3A_332 : vector<1x16xf32> to vector<16xf32>
      %swap3A_334 = vector.shape_cast %get3A_329 : vector<16xf32> to vector<1x16xf32>
      tpu.vector_store %arg9[%swap3A_330, %swap3A_331], %swap3A_334 {add = true, strides = array<i32>} : memref<32x768xf32, #tpu.memory_space<vmem>>, vector<1x16xf32>,
      %get3A_335 = arith.index_cast %scan3A_156 : i32 to index
      %get3A_336 = arith.constant 320 : index
      %get3A_337 = tpu.vector_load %arg6[%get3A_335, %get3A_336] {strides = array<i32>} : memref<32x768xf32, #tpu.memory_space<vmem>>, vector<1x16xf32>,
      %get3A_338 = vector.shape_cast %get3A_337 : vector<1x16xf32> to vector<16xf32>
      %swap3A_339 = arith.index_cast %scan3A_156 : i32 to index
      %swap3A_340 = arith.constant 320 : index
      %swap3A_341 = tpu.vector_load %arg9[%swap3A_339, %swap3A_340] {strides = array<i32>} : memref<32x768xf32, #tpu.memory_space<vmem>>, vector<1x16xf32>,
      %swap3A_342 = vector.shape_cast %swap3A_341 : vector<1x16xf32> to vector<16xf32>
      %swap3A_343 = vector.shape_cast %get3A_338 : vector<16xf32> to vector<1x16xf32>
      tpu.vector_store %arg9[%swap3A_339, %swap3A_340], %swap3A_343 {add = true, strides = array<i32>} : memref<32x768xf32, #tpu.memory_space<vmem>>, vector<1x16xf32>,
      %get3A_344 = arith.index_cast %scan3A_156 : i32 to index
      %get3A_345 = arith.constant 336 : index
      %get3A_346 = tpu.vector_load %arg6[%get3A_344, %get3A_345] {strides = array<i32>} : memref<32x768xf32, #tpu.memory_space<vmem>>, vector<1x16xf32>,
      %get3A_347 = vector.shape_cast %get3A_346 : vector<1x16xf32> to vector<16xf32>
      %swap3A_348 = arith.index_cast %scan3A_156 : i32 to index
      %swap3A_349 = arith.constant 336 : index
      %swap3A_350 = tpu.vector_load %arg9[%swap3A_348, %swap3A_349] {strides = array<i32>} : memref<32x768xf32, #tpu.memory_space<vmem>>, vector<1x16xf32>,
      %swap3A_351 = vector.shape_cast %swap3A_350 : vector<1x16xf32> to vector<16xf32>
      %swap3A_352 = vector.shape_cast %get3A_347 : vector<16xf32> to vector<1x16xf32>
      tpu.vector_store %arg9[%swap3A_348, %swap3A_349], %swap3A_352 {add = true, strides = array<i32>} : memref<32x768xf32, #tpu.memory_space<vmem>>, vector<1x16xf32>,
      %get3A_353 = arith.index_cast %scan3A_156 : i32 to index
      %get3A_354 = arith.constant 352 : index
      %get3A_355 = tpu.vector_load %arg6[%get3A_353, %get3A_354] {strides = array<i32>} : memref<32x768xf32, #tpu.memory_space<vmem>>, vector<1x16xf32>,
      %get3A_356 = vector.shape_cast %get3A_355 : vector<1x16xf32> to vector<16xf32>
      %swap3A_357 = arith.index_cast %scan3A_156 : i32 to index
      %swap3A_358 = arith.constant 352 : index
      %swap3A_359 = tpu.vector_load %arg9[%swap3A_357, %swap3A_358] {strides = array<i32>} : memref<32x768xf32, #tpu.memory_space<vmem>>, vector<1x16xf32>,
      %swap3A_360 = vector.shape_cast %swap3A_359 : vector<1x16xf32> to vector<16xf32>
      %swap3A_361 = vector.shape_cast %get3A_356 : vector<16xf32> to vector<1x16xf32>
      tpu.vector_store %arg9[%swap3A_357, %swap3A_358], %swap3A_361 {add = true, strides = array<i32>} : memref<32x768xf32, #tpu.memory_space<vmem>>, vector<1x16xf32>,
      %get3A_362 = arith.index_cast %scan3A_156 : i32 to index
      %get3A_363 = arith.constant 368 : index
      %get3A_364 = tpu.vector_load %arg6[%get3A_362, %get3A_363] {strides = array<i32>} : memref<32x768xf32, #tpu.memory_space<vmem>>, vector<1x16xf32>,
      %get3A_365 = vector.shape_cast %get3A_364 : vector<1x16xf32> to vector<16xf32>
      %swap3A_366 = arith.index_cast %scan3A_156 : i32 to index
      %swap3A_367 = arith.constant 368 : index
      %swap3A_368 = tpu.vector_load %arg9[%swap3A_366, %swap3A_367] {strides = array<i32>} : memref<32x768xf32, #tpu.memory_space<vmem>>, vector<1x16xf32>,
      %swap3A_369 = vector.shape_cast %swap3A_368 : vector<1x16xf32> to vector<16xf32>
      %swap3A_370 = vector.shape_cast %get3A_365 : vector<16xf32> to vector<1x16xf32>
      tpu.vector_store %arg9[%swap3A_366, %swap3A_367], %swap3A_370 {add = true, strides = array<i32>} : memref<32x768xf32, #tpu.memory_space<vmem>>, vector<1x16xf32>,
      %get3A_371 = arith.index_cast %scan3A_156 : i32 to index
      %get3A_372 = arith.constant 384 : index
      %get3A_373 = tpu.vector_load %arg6[%get3A_371, %get3A_372] {strides = array<i32>} : memref<32x768xf32, #tpu.memory_space<vmem>>, vector<1x16xf32>,
      %get3A_374 = vector.shape_cast %get3A_373 : vector<1x16xf32> to vector<16xf32>
      %swap3A_375 = arith.index_cast %scan3A_156 : i32 to index
      %swap3A_376 = arith.constant 384 : index
      %swap3A_377 = tpu.vector_load %arg9[%swap3A_375, %swap3A_376] {strides = array<i32>} : memref<32x768xf32, #tpu.memory_space<vmem>>, vector<1x16xf32>,
      %swap3A_378 = vector.shape_cast %swap3A_377 : vector<1x16xf32> to vector<16xf32>
      %swap3A_379 = vector.shape_cast %get3A_374 : vector<16xf32> to vector<1x16xf32>
      tpu.vector_store %arg9[%swap3A_375, %swap3A_376], %swap3A_379 {add = true, strides = array<i32>} : memref<32x768xf32, #tpu.memory_space<vmem>>, vector<1x16xf32>,
      %get3A_380 = arith.index_cast %scan3A_156 : i32 to index
      %get3A_381 = arith.constant 400 : index
      %get3A_382 = tpu.vector_load %arg6[%get3A_380, %get3A_381] {strides = array<i32>} : memref<32x768xf32, #tpu.memory_space<vmem>>, vector<1x16xf32>,
      %get3A_383 = vector.shape_cast %get3A_382 : vector<1x16xf32> to vector<16xf32>
      %swap3A_384 = arith.index_cast %scan3A_156 : i32 to index
      %swap3A_385 = arith.constant 400 : index
      %swap3A_386 = tpu.vector_load %arg9[%swap3A_384, %swap3A_385] {strides = array<i32>} : memref<32x768xf32, #tpu.memory_space<vmem>>, vector<1x16xf32>,
      %swap3A_387 = vector.shape_cast %swap3A_386 : vector<1x16xf32> to vector<16xf32>
      %swap3A_388 = vector.shape_cast %get3A_383 : vector<16xf32> to vector<1x16xf32>
      tpu.vector_store %arg9[%swap3A_384, %swap3A_385], %swap3A_388 {add = true, strides = array<i32>} : memref<32x768xf32, #tpu.memory_space<vmem>>, vector<1x16xf32>,
      %get3A_389 = arith.index_cast %scan3A_156 : i32 to index
      %get3A_390 = arith.constant 416 : index
      %get3A_391 = tpu.vector_load %arg6[%get3A_389, %get3A_390] {strides = array<i32>} : memref<32x768xf32, #tpu.memory_space<vmem>>, vector<1x16xf32>,
      %get3A_392 = vector.shape_cast %get3A_391 : vector<1x16xf32> to vector<16xf32>
      %swap3A_393 = arith.index_cast %scan3A_156 : i32 to index
      %swap3A_394 = arith.constant 416 : index
      %swap3A_395 = tpu.vector_load %arg9[%swap3A_393, %swap3A_394] {strides = array<i32>} : memref<32x768xf32, #tpu.memory_space<vmem>>, vector<1x16xf32>,
      %swap3A_396 = vector.shape_cast %swap3A_395 : vector<1x16xf32> to vector<16xf32>
      %swap3A_397 = vector.shape_cast %get3A_392 : vector<16xf32> to vector<1x16xf32>
      tpu.vector_store %arg9[%swap3A_393, %swap3A_394], %swap3A_397 {add = true, strides = array<i32>} : memref<32x768xf32, #tpu.memory_space<vmem>>, vector<1x16xf32>,
      %get3A_398 = arith.index_cast %scan3A_156 : i32 to index
      %get3A_399 = arith.constant 432 : index
      %get3A_400 = tpu.vector_load %arg6[%get3A_398, %get3A_399] {strides = array<i32>} : memref<32x768xf32, #tpu.memory_space<vmem>>, vector<1x16xf32>,
      %get3A_401 = vector.shape_cast %get3A_400 : vector<1x16xf32> to vector<16xf32>
      %swap3A_402 = arith.index_cast %scan3A_156 : i32 to index
      %swap3A_403 = arith.constant 432 : index
      %swap3A_404 = tpu.vector_load %arg9[%swap3A_402, %swap3A_403] {strides = array<i32>} : memref<32x768xf32, #tpu.memory_space<vmem>>, vector<1x16xf32>,
      %swap3A_405 = vector.shape_cast %swap3A_404 : vector<1x16xf32> to vector<16xf32>
      %swap3A_406 = vector.shape_cast %get3A_401 : vector<16xf32> to vector<1x16xf32>
      tpu.vector_store %arg9[%swap3A_402, %swap3A_403], %swap3A_406 {add = true, strides = array<i32>} : memref<32x768xf32, #tpu.memory_space<vmem>>, vector<1x16xf32>,
      %get3A_407 = arith.index_cast %scan3A_156 : i32 to index
      %get3A_408 = arith.constant 448 : index
      %get3A_409 = tpu.vector_load %arg6[%get3A_407, %get3A_408] {strides = array<i32>} : memref<32x768xf32, #tpu.memory_space<vmem>>, vector<1x16xf32>,
      %get3A_410 = vector.shape_cast %get3A_409 : vector<1x16xf32> to vector<16xf32>
      %swap3A_411 = arith.index_cast %scan3A_156 : i32 to index
      %swap3A_412 = arith.constant 448 : index
      %swap3A_413 = tpu.vector_load %arg9[%swap3A_411, %swap3A_412] {strides = array<i32>} : memref<32x768xf32, #tpu.memory_space<vmem>>, vector<1x16xf32>,
      %swap3A_414 = vector.shape_cast %swap3A_413 : vector<1x16xf32> to vector<16xf32>
      %swap3A_415 = vector.shape_cast %get3A_410 : vector<16xf32> to vector<1x16xf32>
      tpu.vector_store %arg9[%swap3A_411, %swap3A_412], %swap3A_415 {add = true, strides = array<i32>} : memref<32x768xf32, #tpu.memory_space<vmem>>, vector<1x16xf32>,
      %get3A_416 = arith.index_cast %scan3A_156 : i32 to index
      %get3A_417 = arith.constant 464 : index
      %get3A_418 = tpu.vector_load %arg6[%get3A_416, %get3A_417] {strides = array<i32>} : memref<32x768xf32, #tpu.memory_space<vmem>>, vector<1x16xf32>,
      %get3A_419 = vector.shape_cast %get3A_418 : vector<1x16xf32> to vector<16xf32>
      %swap3A_420 = arith.index_cast %scan3A_156 : i32 to index
      %swap3A_421 = arith.constant 464 : index
      %swap3A_422 = tpu.vector_load %arg9[%swap3A_420, %swap3A_421] {strides = array<i32>} : memref<32x768xf32, #tpu.memory_space<vmem>>, vector<1x16xf32>,
      %swap3A_423 = vector.shape_cast %swap3A_422 : vector<1x16xf32> to vector<16xf32>
      %swap3A_424 = vector.shape_cast %get3A_419 : vector<16xf32> to vector<1x16xf32>
      tpu.vector_store %arg9[%swap3A_420, %swap3A_421], %swap3A_424 {add = true, strides = array<i32>} : memref<32x768xf32, #tpu.memory_space<vmem>>, vector<1x16xf32>,
      %get3A_425 = arith.index_cast %scan3A_156 : i32 to index
      %get3A_426 = arith.constant 480 : index
      %get3A_427 = tpu.vector_load %arg6[%get3A_425, %get3A_426] {strides = array<i32>} : memref<32x768xf32, #tpu.memory_space<vmem>>, vector<1x16xf32>,
      %get3A_428 = vector.shape_cast %get3A_427 : vector<1x16xf32> to vector<16xf32>
      %swap3A_429 = arith.index_cast %scan3A_156 : i32 to index
      %swap3A_430 = arith.constant 480 : index
      %swap3A_431 = tpu.vector_load %arg9[%swap3A_429, %swap3A_430] {strides = array<i32>} : memref<32x768xf32, #tpu.memory_space<vmem>>, vector<1x16xf32>,
      %swap3A_432 = vector.shape_cast %swap3A_431 : vector<1x16xf32> to vector<16xf32>
      %swap3A_433 = vector.shape_cast %get3A_428 : vector<16xf32> to vector<1x16xf32>
      tpu.vector_store %arg9[%swap3A_429, %swap3A_430], %swap3A_433 {add = true, strides = array<i32>} : memref<32x768xf32, #tpu.memory_space<vmem>>, vector<1x16xf32>,
      %get3A_434 = arith.index_cast %scan3A_156 : i32 to index
      %get3A_435 = arith.constant 496 : index
      %get3A_436 = tpu.vector_load %arg6[%get3A_434, %get3A_435] {strides = array<i32>} : memref<32x768xf32, #tpu.memory_space<vmem>>, vector<1x16xf32>,
      %get3A_437 = vector.shape_cast %get3A_436 : vector<1x16xf32> to vector<16xf32>
      %swap3A_438 = arith.index_cast %scan3A_156 : i32 to index
      %swap3A_439 = arith.constant 496 : index
      %swap3A_440 = tpu.vector_load %arg9[%swap3A_438, %swap3A_439] {strides = array<i32>} : memref<32x768xf32, #tpu.memory_space<vmem>>, vector<1x16xf32>,
      %swap3A_441 = vector.shape_cast %swap3A_440 : vector<1x16xf32> to vector<16xf32>
      %swap3A_442 = vector.shape_cast %get3A_437 : vector<16xf32> to vector<1x16xf32>
      tpu.vector_store %arg9[%swap3A_438, %swap3A_439], %swap3A_442 {add = true, strides = array<i32>} : memref<32x768xf32, #tpu.memory_space<vmem>>, vector<1x16xf32>,
      %get3A_443 = arith.index_cast %scan3A_156 : i32 to index
      %get3A_444 = arith.constant 512 : index
      %get3A_445 = tpu.vector_load %arg6[%get3A_443, %get3A_444] {strides = array<i32>} : memref<32x768xf32, #tpu.memory_space<vmem>>, vector<1x16xf32>,
      %get3A_446 = vector.shape_cast %get3A_445 : vector<1x16xf32> to vector<16xf32>
      %swap3A_447 = arith.index_cast %scan3A_156 : i32 to index
      %swap3A_448 = arith.constant 512 : index
      %swap3A_449 = tpu.vector_load %arg9[%swap3A_447, %swap3A_448] {strides = array<i32>} : memref<32x768xf32, #tpu.memory_space<vmem>>, vector<1x16xf32>,
      %swap3A_450 = vector.shape_cast %swap3A_449 : vector<1x16xf32> to vector<16xf32>
      %swap3A_451 = vector.shape_cast %get3A_446 : vector<16xf32> to vector<1x16xf32>
      tpu.vector_store %arg9[%swap3A_447, %swap3A_448], %swap3A_451 {add = true, strides = array<i32>} : memref<32x768xf32, #tpu.memory_space<vmem>>, vector<1x16xf32>,
      %get3A_452 = arith.index_cast %scan3A_156 : i32 to index
      %get3A_453 = arith.constant 528 : index
      %get3A_454 = tpu.vector_load %arg6[%get3A_452, %get3A_453] {strides = array<i32>} : memref<32x768xf32, #tpu.memory_space<vmem>>, vector<1x16xf32>,
      %get3A_455 = vector.shape_cast %get3A_454 : vector<1x16xf32> to vector<16xf32>
      %swap3A_456 = arith.index_cast %scan3A_156 : i32 to index
      %swap3A_457 = arith.constant 528 : index
      %swap3A_458 = tpu.vector_load %arg9[%swap3A_456, %swap3A_457] {strides = array<i32>} : memref<32x768xf32, #tpu.memory_space<vmem>>, vector<1x16xf32>,
      %swap3A_459 = vector.shape_cast %swap3A_458 : vector<1x16xf32> to vector<16xf32>
      %swap3A_460 = vector.shape_cast %get3A_455 : vector<16xf32> to vector<1x16xf32>
      tpu.vector_store %arg9[%swap3A_456, %swap3A_457], %swap3A_460 {add = true, strides = array<i32>} : memref<32x768xf32, #tpu.memory_space<vmem>>, vector<1x16xf32>,
      %get3A_461 = arith.index_cast %scan3A_156 : i32 to index
      %get3A_462 = arith.constant 544 : index
      %get3A_463 = tpu.vector_load %arg6[%get3A_461, %get3A_462] {strides = array<i32>} : memref<32x768xf32, #tpu.memory_space<vmem>>, vector<1x16xf32>,
      %get3A_464 = vector.shape_cast %get3A_463 : vector<1x16xf32> to vector<16xf32>
      %swap3A_465 = arith.index_cast %scan3A_156 : i32 to index
      %swap3A_466 = arith.constant 544 : index
      %swap3A_467 = tpu.vector_load %arg9[%swap3A_465, %swap3A_466] {strides = array<i32>} : memref<32x768xf32, #tpu.memory_space<vmem>>, vector<1x16xf32>,
      %swap3A_468 = vector.shape_cast %swap3A_467 : vector<1x16xf32> to vector<16xf32>
      %swap3A_469 = vector.shape_cast %get3A_464 : vector<16xf32> to vector<1x16xf32>
      tpu.vector_store %arg9[%swap3A_465, %swap3A_466], %swap3A_469 {add = true, strides = array<i32>} : memref<32x768xf32, #tpu.memory_space<vmem>>, vector<1x16xf32>,
      %get3A_470 = arith.index_cast %scan3A_156 : i32 to index
      %get3A_471 = arith.constant 560 : index
      %get3A_472 = tpu.vector_load %arg6[%get3A_470, %get3A_471] {strides = array<i32>} : memref<32x768xf32, #tpu.memory_space<vmem>>, vector<1x16xf32>,
      %get3A_473 = vector.shape_cast %get3A_472 : vector<1x16xf32> to vector<16xf32>
      %swap3A_474 = arith.index_cast %scan3A_156 : i32 to index
      %swap3A_475 = arith.constant 560 : index
      %swap3A_476 = tpu.vector_load %arg9[%swap3A_474, %swap3A_475] {strides = array<i32>} : memref<32x768xf32, #tpu.memory_space<vmem>>, vector<1x16xf32>,
      %swap3A_477 = vector.shape_cast %swap3A_476 : vector<1x16xf32> to vector<16xf32>
      %swap3A_478 = vector.shape_cast %get3A_473 : vector<16xf32> to vector<1x16xf32>
      tpu.vector_store %arg9[%swap3A_474, %swap3A_475], %swap3A_478 {add = true, strides = array<i32>} : memref<32x768xf32, #tpu.memory_space<vmem>>, vector<1x16xf32>,
      %get3A_479 = arith.index_cast %scan3A_156 : i32 to index
      %get3A_480 = arith.constant 576 : index
      %get3A_481 = tpu.vector_load %arg6[%get3A_479, %get3A_480] {strides = array<i32>} : memref<32x768xf32, #tpu.memory_space<vmem>>, vector<1x16xf32>,
      %get3A_482 = vector.shape_cast %get3A_481 : vector<1x16xf32> to vector<16xf32>
      %swap3A_483 = arith.index_cast %scan3A_156 : i32 to index
      %swap3A_484 = arith.constant 576 : index
      %swap3A_485 = tpu.vector_load %arg9[%swap3A_483, %swap3A_484] {strides = array<i32>} : memref<32x768xf32, #tpu.memory_space<vmem>>, vector<1x16xf32>,
      %swap3A_486 = vector.shape_cast %swap3A_485 : vector<1x16xf32> to vector<16xf32>
      %swap3A_487 = vector.shape_cast %get3A_482 : vector<16xf32> to vector<1x16xf32>
      tpu.vector_store %arg9[%swap3A_483, %swap3A_484], %swap3A_487 {add = true, strides = array<i32>} : memref<32x768xf32, #tpu.memory_space<vmem>>, vector<1x16xf32>,
      %get3A_488 = arith.index_cast %scan3A_156 : i32 to index
      %get3A_489 = arith.constant 592 : index
      %get3A_490 = tpu.vector_load %arg6[%get3A_488, %get3A_489] {strides = array<i32>} : memref<32x768xf32, #tpu.memory_space<vmem>>, vector<1x16xf32>,
      %get3A_491 = vector.shape_cast %get3A_490 : vector<1x16xf32> to vector<16xf32>
      %swap3A_492 = arith.index_cast %scan3A_156 : i32 to index
      %swap3A_493 = arith.constant 592 : index
      %swap3A_494 = tpu.vector_load %arg9[%swap3A_492, %swap3A_493] {strides = array<i32>} : memref<32x768xf32, #tpu.memory_space<vmem>>, vector<1x16xf32>,
      %swap3A_495 = vector.shape_cast %swap3A_494 : vector<1x16xf32> to vector<16xf32>
      %swap3A_496 = vector.shape_cast %get3A_491 : vector<16xf32> to vector<1x16xf32>
      tpu.vector_store %arg9[%swap3A_492, %swap3A_493], %swap3A_496 {add = true, strides = array<i32>} : memref<32x768xf32, #tpu.memory_space<vmem>>, vector<1x16xf32>,
      %get3A_497 = arith.index_cast %scan3A_156 : i32 to index
      %get3A_498 = arith.constant 608 : index
      %get3A_499 = tpu.vector_load %arg6[%get3A_497, %get3A_498] {strides = array<i32>} : memref<32x768xf32, #tpu.memory_space<vmem>>, vector<1x16xf32>,
      %get3A_500 = vector.shape_cast %get3A_499 : vector<1x16xf32> to vector<16xf32>
      %swap3A_501 = arith.index_cast %scan3A_156 : i32 to index
      %swap3A_502 = arith.constant 608 : index
      %swap3A_503 = tpu.vector_load %arg9[%swap3A_501, %swap3A_502] {strides = array<i32>} : memref<32x768xf32, #tpu.memory_space<vmem>>, vector<1x16xf32>,
      %swap3A_504 = vector.shape_cast %swap3A_503 : vector<1x16xf32> to vector<16xf32>
      %swap3A_505 = vector.shape_cast %get3A_500 : vector<16xf32> to vector<1x16xf32>
      tpu.vector_store %arg9[%swap3A_501, %swap3A_502], %swap3A_505 {add = true, strides = array<i32>} : memref<32x768xf32, #tpu.memory_space<vmem>>, vector<1x16xf32>,
      %get3A_506 = arith.index_cast %scan3A_156 : i32 to index
      %get3A_507 = arith.constant 624 : index
      %get3A_508 = tpu.vector_load %arg6[%get3A_506, %get3A_507] {strides = array<i32>} : memref<32x768xf32, #tpu.memory_space<vmem>>, vector<1x16xf32>,
      %get3A_509 = vector.shape_cast %get3A_508 : vector<1x16xf32> to vector<16xf32>
      %swap3A_510 = arith.index_cast %scan3A_156 : i32 to index
      %swap3A_511 = arith.constant 624 : index
      %swap3A_512 = tpu.vector_load %arg9[%swap3A_510, %swap3A_511] {strides = array<i32>} : memref<32x768xf32, #tpu.memory_space<vmem>>, vector<1x16xf32>,
      %swap3A_513 = vector.shape_cast %swap3A_512 : vector<1x16xf32> to vector<16xf32>
      %swap3A_514 = vector.shape_cast %get3A_509 : vector<16xf32> to vector<1x16xf32>
      tpu.vector_store %arg9[%swap3A_510, %swap3A_511], %swap3A_514 {add = true, strides = array<i32>} : memref<32x768xf32, #tpu.memory_space<vmem>>, vector<1x16xf32>,
      %get3A_515 = arith.index_cast %scan3A_156 : i32 to index
      %get3A_516 = arith.constant 640 : index
      %get3A_517 = tpu.vector_load %arg6[%get3A_515, %get3A_516] {strides = array<i32>} : memref<32x768xf32, #tpu.memory_space<vmem>>, vector<1x16xf32>,
      %get3A_518 = vector.shape_cast %get3A_517 : vector<1x16xf32> to vector<16xf32>
      %swap3A_519 = arith.index_cast %scan3A_156 : i32 to index
      %swap3A_520 = arith.constant 640 : index
      %swap3A_521 = tpu.vector_load %arg9[%swap3A_519, %swap3A_520] {strides = array<i32>} : memref<32x768xf32, #tpu.memory_space<vmem>>, vector<1x16xf32>,
      %swap3A_522 = vector.shape_cast %swap3A_521 : vector<1x16xf32> to vector<16xf32>
      %swap3A_523 = vector.shape_cast %get3A_518 : vector<16xf32> to vector<1x16xf32>
      tpu.vector_store %arg9[%swap3A_519, %swap3A_520], %swap3A_523 {add = true, strides = array<i32>} : memref<32x768xf32, #tpu.memory_space<vmem>>, vector<1x16xf32>,
      %get3A_524 = arith.index_cast %scan3A_156 : i32 to index
      %get3A_525 = arith.constant 656 : index
      %get3A_526 = tpu.vector_load %arg6[%get3A_524, %get3A_525] {strides = array<i32>} : memref<32x768xf32, #tpu.memory_space<vmem>>, vector<1x16xf32>,
      %get3A_527 = vector.shape_cast %get3A_526 : vector<1x16xf32> to vector<16xf32>
      %swap3A_528 = arith.index_cast %scan3A_156 : i32 to index
      %swap3A_529 = arith.constant 656 : index
      %swap3A_530 = tpu.vector_load %arg9[%swap3A_528, %swap3A_529] {strides = array<i32>} : memref<32x768xf32, #tpu.memory_space<vmem>>, vector<1x16xf32>,
      %swap3A_531 = vector.shape_cast %swap3A_530 : vector<1x16xf32> to vector<16xf32>
      %swap3A_532 = vector.shape_cast %get3A_527 : vector<16xf32> to vector<1x16xf32>
      tpu.vector_store %arg9[%swap3A_528, %swap3A_529], %swap3A_532 {add = true, strides = array<i32>} : memref<32x768xf32, #tpu.memory_space<vmem>>, vector<1x16xf32>,
      %get3A_533 = arith.index_cast %scan3A_156 : i32 to index
      %get3A_534 = arith.constant 672 : index
      %get3A_535 = tpu.vector_load %arg6[%get3A_533, %get3A_534] {strides = array<i32>} : memref<32x768xf32, #tpu.memory_space<vmem>>, vector<1x16xf32>,
      %get3A_536 = vector.shape_cast %get3A_535 : vector<1x16xf32> to vector<16xf32>
      %swap3A_537 = arith.index_cast %scan3A_156 : i32 to index
      %swap3A_538 = arith.constant 672 : index
      %swap3A_539 = tpu.vector_load %arg9[%swap3A_537, %swap3A_538] {strides = array<i32>} : memref<32x768xf32, #tpu.memory_space<vmem>>, vector<1x16xf32>,
      %swap3A_540 = vector.shape_cast %swap3A_539 : vector<1x16xf32> to vector<16xf32>
      %swap3A_541 = vector.shape_cast %get3A_536 : vector<16xf32> to vector<1x16xf32>
      tpu.vector_store %arg9[%swap3A_537, %swap3A_538], %swap3A_541 {add = true, strides = array<i32>} : memref<32x768xf32, #tpu.memory_space<vmem>>, vector<1x16xf32>,
      %get3A_542 = arith.index_cast %scan3A_156 : i32 to index
      %get3A_543 = arith.constant 688 : index
      %get3A_544 = tpu.vector_load %arg6[%get3A_542, %get3A_543] {strides = array<i32>} : memref<32x768xf32, #tpu.memory_space<vmem>>, vector<1x16xf32>,
      %get3A_545 = vector.shape_cast %get3A_544 : vector<1x16xf32> to vector<16xf32>
      %swap3A_546 = arith.index_cast %scan3A_156 : i32 to index
      %swap3A_547 = arith.constant 688 : index
      %swap3A_548 = tpu.vector_load %arg9[%swap3A_546, %swap3A_547] {strides = array<i32>} : memref<32x768xf32, #tpu.memory_space<vmem>>, vector<1x16xf32>,
      %swap3A_549 = vector.shape_cast %swap3A_548 : vector<1x16xf32> to vector<16xf32>
      %swap3A_550 = vector.shape_cast %get3A_545 : vector<16xf32> to vector<1x16xf32>
      tpu.vector_store %arg9[%swap3A_546, %swap3A_547], %swap3A_550 {add = true, strides = array<i32>} : memref<32x768xf32, #tpu.memory_space<vmem>>, vector<1x16xf32>,
      %get3A_551 = arith.index_cast %scan3A_156 : i32 to index
      %get3A_552 = arith.constant 704 : index
      %get3A_553 = tpu.vector_load %arg6[%get3A_551, %get3A_552] {strides = array<i32>} : memref<32x768xf32, #tpu.memory_space<vmem>>, vector<1x16xf32>,
      %get3A_554 = vector.shape_cast %get3A_553 : vector<1x16xf32> to vector<16xf32>
      %swap3A_555 = arith.index_cast %scan3A_156 : i32 to index
      %swap3A_556 = arith.constant 704 : index
      %swap3A_557 = tpu.vector_load %arg9[%swap3A_555, %swap3A_556] {strides = array<i32>} : memref<32x768xf32, #tpu.memory_space<vmem>>, vector<1x16xf32>,
      %swap3A_558 = vector.shape_cast %swap3A_557 : vector<1x16xf32> to vector<16xf32>
      %swap3A_559 = vector.shape_cast %get3A_554 : vector<16xf32> to vector<1x16xf32>
      tpu.vector_store %arg9[%swap3A_555, %swap3A_556], %swap3A_559 {add = true, strides = array<i32>} : memref<32x768xf32, #tpu.memory_space<vmem>>, vector<1x16xf32>,
      %get3A_560 = arith.index_cast %scan3A_156 : i32 to index
      %get3A_561 = arith.constant 720 : index
      %get3A_562 = tpu.vector_load %arg6[%get3A_560, %get3A_561] {strides = array<i32>} : memref<32x768xf32, #tpu.memory_space<vmem>>, vector<1x16xf32>,
      %get3A_563 = vector.shape_cast %get3A_562 : vector<1x16xf32> to vector<16xf32>
      %swap3A_564 = arith.index_cast %scan3A_156 : i32 to index
      %swap3A_565 = arith.constant 720 : index
      %swap3A_566 = tpu.vector_load %arg9[%swap3A_564, %swap3A_565] {strides = array<i32>} : memref<32x768xf32, #tpu.memory_space<vmem>>, vector<1x16xf32>,
      %swap3A_567 = vector.shape_cast %swap3A_566 : vector<1x16xf32> to vector<16xf32>
      %swap3A_568 = vector.shape_cast %get3A_563 : vector<16xf32> to vector<1x16xf32>
      tpu.vector_store %arg9[%swap3A_564, %swap3A_565], %swap3A_568 {add = true, strides = array<i32>} : memref<32x768xf32, #tpu.memory_space<vmem>>, vector<1x16xf32>,
      %get3A_569 = arith.index_cast %scan3A_156 : i32 to index
      %get3A_570 = arith.constant 736 : index
      %get3A_571 = tpu.vector_load %arg6[%get3A_569, %get3A_570] {strides = array<i32>} : memref<32x768xf32, #tpu.memory_space<vmem>>, vector<1x16xf32>,
      %get3A_572 = vector.shape_cast %get3A_571 : vector<1x16xf32> to vector<16xf32>
      %swap3A_573 = arith.index_cast %scan3A_156 : i32 to index
      %swap3A_574 = arith.constant 736 : index
      %swap3A_575 = tpu.vector_load %arg9[%swap3A_573, %swap3A_574] {strides = array<i32>} : memref<32x768xf32, #tpu.memory_space<vmem>>, vector<1x16xf32>,
      %swap3A_576 = vector.shape_cast %swap3A_575 : vector<1x16xf32> to vector<16xf32>
      %swap3A_577 = vector.shape_cast %get3A_572 : vector<16xf32> to vector<1x16xf32>
      tpu.vector_store %arg9[%swap3A_573, %swap3A_574], %swap3A_577 {add = true, strides = array<i32>} : memref<32x768xf32, #tpu.memory_space<vmem>>, vector<1x16xf32>,
      %get3A_578 = arith.index_cast %scan3A_156 : i32 to index
      %get3A_579 = arith.constant 752 : index
      %get3A_580 = tpu.vector_load %arg6[%get3A_578, %get3A_579] {strides = array<i32>} : memref<32x768xf32, #tpu.memory_space<vmem>>, vector<1x16xf32>,
      %get3A_581 = vector.shape_cast %get3A_580 : vector<1x16xf32> to vector<16xf32>
      %swap3A_582 = arith.index_cast %scan3A_156 : i32 to index
      %swap3A_583 = arith.constant 752 : index
      %swap3A_584 = tpu.vector_load %arg9[%swap3A_582, %swap3A_583] {strides = array<i32>} : memref<32x768xf32, #tpu.memory_space<vmem>>, vector<1x16xf32>,
      %swap3A_585 = vector.shape_cast %swap3A_584 : vector<1x16xf32> to vector<16xf32>
      %swap3A_586 = vector.shape_cast %get3A_581 : vector<16xf32> to vector<1x16xf32>
      tpu.vector_store %arg9[%swap3A_582, %swap3A_583], %swap3A_586 {add = true, strides = array<i32>} : memref<32x768xf32, #tpu.memory_space<vmem>>, vector<1x16xf32>,
    }
    %scan3A_132 = arith.constant 32 : i32
    %mul3A_133 = arith.constant 32 : i32
    %mul3A_134 = arith.muli %add3A, %mul3A_133 : i32
    %dma_start3A_135 = arith.constant 3 : i32
    %dma_start3A_136 = arith.constant 0 : i32
    %dma_start3A_137 = tpu.memref_slice %arg5[%dma_start3A_135, %mul3A_134, %dma_start3A_136] : memref<4x1024x768xf32, #tpu.memory_space<hbm>> -> memref<1x32x768xf32, #tpu.memory_space<hbm>>
    %dma_start3A_138 = tpu.memref_squeeze %dma_start3A_137 : memref<1x32x768xf32, #tpu.memory_space<hbm>> -> memref<32x768xf32, #tpu.memory_space<hbm>>
    %dma_start3A_139 = arith.constant 0 : i32
    %dma_start3A_140 = tpu.memref_slice %arg5[%dma_start3A_135, %mul3A_134, %dma_start3A_139] : memref<4x1024x768xf32, #tpu.memory_space<hbm>> -> memref<1x32x768xf32, #tpu.memory_space<hbm>>
    %dma_start3A_141 = tpu.memref_squeeze %dma_start3A_140 : memref<1x32x768xf32, #tpu.memory_space<hbm>> -> memref<32x768xf32, #tpu.memory_space<hbm>>
    tpu.enqueue_dma source(%arg9 : memref<32x768xf32, #tpu.memory_space<vmem>>) target(%dma_start3A_141 : memref<32x768xf32, #tpu.memory_space<hbm>>) target_semaphore(%arg13 : memref<!tpu.dma_semaphore, #tpu.memory_space<semaphore_mem>>)
    %dma_wait3A_142 = arith.constant 2 : i32
    %dma_wait3A_143 = arith.constant 0 : i32
    %dma_wait3A_144 = tpu.memref_slice %arg5[%dma_wait3A_142, %mul3A_112, %dma_wait3A_143] : memref<4x1024x768xf32, #tpu.memory_space<hbm>> -> memref<1x32x768xf32, #tpu.memory_space<hbm>>
    %dma_wait3A_145 = tpu.memref_squeeze %dma_wait3A_144 : memref<1x32x768xf32, #tpu.memory_space<hbm>> -> memref<32x768xf32, #tpu.memory_space<hbm>>
    %dma_wait3A_146 = arith.constant 0 : i32
    %dma_wait3A_147 = tpu.memref_slice %arg5[%dma_wait3A_142, %mul3A_112, %dma_wait3A_146] : memref<4x1024x768xf32, #tpu.memory_space<hbm>> -> memref<1x32x768xf32, #tpu.memory_space<hbm>>
    %dma_wait3A_148 = tpu.memref_squeeze %dma_wait3A_147 : memref<1x32x768xf32, #tpu.memory_space<hbm>> -> memref<32x768xf32, #tpu.memory_space<hbm>>
    tpu.wait_dma2 semaphore(%arg12 : memref<!tpu.dma_semaphore, #tpu.memory_space<semaphore_mem>>) src(%arg8 : memref<32x768xf32, #tpu.memory_space<vmem>>) dst(%dma_wait3A_148 : memref<32x768xf32, #tpu.memory_space<hbm>>)
    %dma_wait3A_149 = arith.constant 3 : i32
    %dma_wait3A_150 = arith.constant 0 : i32
    %dma_wait3A_151 = tpu.memref_slice %arg5[%dma_wait3A_149, %mul3A_134, %dma_wait3A_150] : memref<4x1024x768xf32, #tpu.memory_space<hbm>> -> memref<1x32x768xf32, #tpu.memory_space<hbm>>
    %dma_wait3A_152 = tpu.memref_squeeze %dma_wait3A_151 : memref<1x32x768xf32, #tpu.memory_space<hbm>> -> memref<32x768xf32, #tpu.memory_space<hbm>>
    %dma_wait3A_153 = arith.constant 0 : i32
    %dma_wait3A_154 = tpu.memref_slice %arg5[%dma_wait3A_149, %mul3A_134, %dma_wait3A_153] : memref<4x1024x768xf32, #tpu.memory_space<hbm>> -> memref<1x32x768xf32, #tpu.memory_space<hbm>>
    %dma_wait3A_155 = tpu.memref_squeeze %dma_wait3A_154 : memref<1x32x768xf32, #tpu.memory_space<hbm>> -> memref<32x768xf32, #tpu.memory_space<hbm>>
    tpu.wait_dma2 semaphore(%arg13 : memref<!tpu.dma_semaphore, #tpu.memory_space<semaphore_mem>>) src(%arg9 : memref<32x768xf32, #tpu.memory_space<vmem>>) dst(%dma_wait3A_155 : memref<32x768xf32, #tpu.memory_space<hbm>>)
    return
  }
}

</mosaic_0001>

<sc_bundles>
// kernel: kernel.3.cloned.1.call-start
scs
__scs_entry_jumppad:
0x0: {  	(pc) =	sbr.rel $0x88, $3  }
0x1: {  	(tag) =	ssettag $0x0;
	lr =	simm.s32 $0x1  }
0x2: {  	[smem:$0x3F9E] =	sst lr;
	_ =	strace $0xD0000000  }
0x3: {  	_ = 	snop  }
0x4: {  	_ = 	snop  }
0x5: {  	_ = 	snop  }
0x6: {  	_ = 	snop  }
0x7: {  	_ = 	snop  }
__scs_overlays_trampoline_lowered:
0x8: {  	[smem:$0x3FAD] =	sst s0  }
0x9: {  	[smem:$0x3FAE] =	sst s1  }
0xa: {  	[smem:$0x3FAF] =	sst s2  }
0xb: {  	[smem:$0x3FB0] =	sst s3  }
0xc: {  	[smem:$0x3FB1] =	sst s4  }
0xd: {  	[smem:$0x3FB2] =	sst s5  }
0xe: {  	[smem:$0x3FB3] =	sst s6  }
0xf: {  	[smem:$0x3FB4] =	sst s7  }
0x10: {  	[smem:$0x3FB5] =	sst s8  }
0x11: {  	[smem:$0x3FB6] =	sst s9;
	s0 =	simm.s32 @!p0 $0x0  }
0x12: {  	s1 =	sld [smem:$0x3F9C];
	s0 =	simm.s32 @p0 $0x1  }
0x13: {  	[smem:$0x3FB7] =	sst s0;
	s0 =	simm.s32 @!p1 $0x0  }
0x14: {  	s2 =	sld [smem:$0x3F9B];
	s0 =	simm.s32 @p1 $0x1  }
0x15: {  	[smem:$0x3FB8] =	sst s0;
	s0 =	simm.s32 @!p2 $0x0  }
0x16: {  	s3 =	sld [smem:$0x3FDB];
	s0 =	simm.s32 @p2 $0x1  }
0x17: {  	s4 =	simm.s32 $0x1BF5;
	[smem:$0x3FBA] =	sst s0  }
0x18: {  	s0 =	sld [smem:$0x3F9D];
	_ =	swait.ge [sflag:s4], $0x0  }
0x19: {  	s7 =	sld [smem:$0x3F9E]  }
0x1a: {  	s8 =	sadd.s32 $0xFFFFE003, lr  }
0x1b: {  	s9 =	sadd.s32 $0xFFFFFEF7, lr;
	s5 =	simm.s32 $0xFFFFFFFF;
	p2 =	slt.u32 s8, $0xFFFFF086  }
0x1c: {  	p1 =	slt.u32 s9, $0xF7A;
	s5 =	simm.s32 @!p2 $0x0  }
0x1d: {  	s5 =	simm.s32 @p1 $0x1;
	p0 =	seq.s32 s7, s2  }
0x1e: {  	s7 =	smul.u32 @!p0 $0xF7A, s2;
	p2 =	seq.s32 @!p0 s5, $0x0  }
0x1f: {  	s9 =	smul.u32 $0xF7A, s1;
	s8 =	simm.s32 @!p0 $0x1BF5;
	p2 =	por !p2, p0  }
0x20: {  	[sflag:s8] =	ssyncset.s32 @!p0 $0xFFFFF086;
	s6 =	sadd.s32 @!p0 s3, s7;
	s7 =	simm.s32 @!p0 $0x108  }
0x21: {  	s3 =	sadd.s32 s3, s9;
	s6 =	sadd.s32 @!p0 $0x88, s6;
	s7 =	simm.s32 @p2 $0x1082  }
0x22: {  	[simem:s7], [sflag:s8] =	dma.local @!p0 [hbm:s6], $0xF7A  }
0x23: {  	s9 =	sor.u32 $0xD0000000, s2;
	s6 =	simm.s32 $0x108;
	_ =	swait.ge @!p0 [sflag:s8], $0x0  }
0x24: {  	s3 =	sadd.s32 $0x88, s3;
	s6 =	simm.s32 @!p1 $0x1082;
	[sflag:s4] =	ssyncset.s32 $0xFFFFF086  }
0x25: {  	[simem:s6], [sflag:s4] =	dma.local [hbm:s3], $0xF7A  }
0x26: {  	[smem:$0x3F9E] =	sst s1;
	(tag) =	ssettag s2;
	_ =	strace s9  }
0x27: {  	s1 =	sld [smem:$0x3FAE]  }
0x28: {  	s2 =	sld [smem:$0x3FAF]  }
0x29: {  	s4 =	sld [smem:$0x3FB1]  }
0x2a: {  	p0 =	seq.s32 s5, $0x0;
	s5 =	sld [smem:$0x3FB2]  }
0x2b: {  	s6 =	sld [smem:$0x3FB3]  }
0x2c: {  	s7 =	sld [smem:$0x3FB4]  }
0x2d: {  	s3 =	simm.s32 $0x108;
	s8 =	sld [smem:$0x3FB5]  }
0x2e: {  	s3 =	simm.s32 @!p0 $0x1082;
	s9 =	sld [smem:$0x3FB6]  }
0x2f: {  	lr =	sadd.s32 s0, s3;
	s0 =	sld [smem:$0x3FAD]  }
0x30: {  	s3 =	sld [smem:$0x3FB0]  }
0x31: {  	[smem:$0x3FB9] =	sst s10  }
0x32: {  	s10 =	sld [smem:$0x3FB7];
	_ =	sdelay $0x3  }
0x33: {  	p0 =	seq.s32 s10, $0x1;
	s10 =	sld [smem:$0x3FB9];
	_ =	sdelay $0x3  }
0x34: {  	[smem:$0x3FB9] =	sst s10  }
0x35: {  	s10 =	sld [smem:$0x3FB8];
	_ =	sdelay $0x3  }
0x36: {  	p1 =	seq.s32 s10, $0x1;
	s10 =	sld [smem:$0x3FB9];
	_ =	sdelay $0x3  }
0x37: {  	[smem:$0x3FB9] =	sst s10  }
0x38: {  	s10 =	sld [smem:$0x3FBA]  }
0x39: {  	_ = 	snop;
	(pc) =	sbr.ind lr, $3  }
0x3a: {  	_ = 	snop  }
0x3b: {  	_ = 	snop  }
0x3c: {  	p2 =	seq.s32 s10, $0x1;
	s10 =	sld [smem:$0x3FB9]  }
0x3d: {  	_ =	shalt  }
0x3e: {  	_ =	shalt  }
0x3f: {  	_ =	shalt  }
0x40: {  	_ =	shalt  }
0x41: {  	_ =	shalt  }
0x42: {  	_ =	shalt  }
0x43: {  	_ =	shalt  }
0x44: {  	_ =	shalt  }
0x45: {  	_ =	shalt  }
0x46: {  	_ =	shalt  }
0x47: {  	_ =	shalt  }
0x48: {  	_ =	shalt  }
0x49: {  	_ =	shalt  }
0x4a: {  	_ =	shalt  }
0x4b: {  	_ =	shalt  }
0x4c: {  	_ =	shalt  }
0x4d: {  	_ =	shalt  }
0x4e: {  	_ =	shalt  }
0x4f: {  	_ =	shalt  }
0x50: {  	_ =	shalt  }
0x51: {  	_ =	shalt  }
0x52: {  	_ =	shalt  }
0x53: {  	_ =	shalt  }
0x54: {  	_ =	shalt  }
0x55: {  	_ =	shalt  }
0x56: {  	_ =	shalt  }
0x57: {  	_ =	shalt  }
0x58: {  	_ =	shalt  }
0x59: {  	_ =	shalt  }
0x5a: {  	_ =	shalt  }
0x5b: {  	_ =	shalt  }
0x5c: {  	_ =	shalt  }
0x5d: {  	_ =	shalt  }
0x5e: {  	_ =	shalt  }
0x5f: {  	_ =	shalt  }
0x60: {  	_ =	shalt  }
0x61: {  	_ =	shalt  }
0x62: {  	_ =	shalt  }
0x63: {  	_ =	shalt  }
0x64: {  	_ =	shalt  }
0x65: {  	_ =	shalt  }
0x66: {  	_ =	shalt  }
0x67: {  	_ =	shalt  }
0x68: {  	_ =	shalt  }
0x69: {  	_ =	shalt  }
0x6a: {  	_ =	shalt  }
0x6b: {  	_ =	shalt  }
0x6c: {  	_ =	shalt  }
0x6d: {  	_ =	shalt  }
0x6e: {  	_ =	shalt  }
0x6f: {  	_ =	shalt  }
0x70: {  	_ =	shalt  }
0x71: {  	_ =	shalt  }
0x72: {  	_ =	shalt  }
0x73: {  	_ =	shalt  }
0x74: {  	_ =	shalt  }
0x75: {  	_ =	shalt  }
0x76: {  	_ =	shalt  }
0x77: {  	_ =	shalt  }
0x78: {  	_ =	shalt  }
0x79: {  	_ =	shalt  }
0x7a: {  	_ =	shalt  }
0x7b: {  	_ =	shalt  }
0x7c: {  	_ =	shalt  }
0x7d: {  	_ =	shalt  }
0x7e: {  	_ =	shalt  }
0x7f: {  	_ =	shalt  }
0x80: {  	_ =	shalt  }
0x81: {  	_ =	shalt  }
0x82: {  	_ =	shalt  }
0x83: {  	_ =	shalt  }
0x84: {  	_ =	shalt  }
0x85: {  	_ =	shalt  }
0x86: {  	_ =	shalt  }
0x87: {  	_ =	shalt  }
.Lfunc_end0:
.L_simem_size_0:
called_computation_lowered:
.L_overlay_start_0:
0x88: {  	s2 =	sld [smem:$0x3FD9]  }
0x89: {  	s3 =	sld [smem:$0x3FFE];
	_ =	sdelay $0x1  }
0x8a: {  	s1 =	srdreg.scid  }
0x8b: {  	s0 =	sand.u32 $0x1, s1  }
0x8c: {  	s18 =	sshll.u32 s0, $0xA;
	s2 =	sadd.s32 s3, s2  }
0x8d: {  	s2 =	sadd.s32 s2, s18  }
0x8e: {  	[smem:$0x3FC5] =	sst s2  }
0x8f: {  	_ = 	snop  }
0x90: {  	s2 =	sld [smem:$0x3FC9]  }
0x91: {  	s19 =	sld [smem:$0x3FC8]  }
0x92: {  	s4 =	sld [smem:$0x3FC7]  }
0x93: {  	s5 =	sld [smem:$0x3FD0];
	(tm) =	ssettm $0x1  }
0x94: {  	s6 =	sld [smem:$0x3FFB];
	_ =	sdelay $0x3  }
0x95: {  	_ =	strace s6  }
0x96: {  	s6 =	sld [smem:$0x3FFC];
	_ =	sdelay $0x3  }
0x97: {  	_ =	strace s6  }
0x98: {  	s6 =	sld [smem:$0x3FFD];
	_ =	sdelay $0x3  }
0x99: {  	_ =	strace s6  }
0x9a: {  	_ =	strace $0x8FFFFFFF  }
0x9b: {  	s20 =	sld [smem:$0x3FDB];
	_ =	sdelay $0x1  }
0x9c: {  	s7 =	simm.s32 $_scs_section_size  }
0x9d: {  	s8 =	simm.s32 $_size__tile_overlayer_lowered;
	s9 =	simm.s32 $_tile_overlayer_lowered  }
0x9e: {  	s23 =	simm.s32 $0x1BFF;
	s22 =	sshll.u32 s9, $0x1;
	s6 =	sadd.s32 s7, s20  }
0x9f: {  	s10 =	simm.s32 $0x0;
	s21 =	sshll.u32 s8, $0x1;
	s8 =	sadd.s32 s22, s6  }
0xa0: {  	[timem:s10], [sflag:s23] =	dma.local [hbm:s8], s21  }
0xa1: {  	_ =	swait.ge [sflag:s23], s21  }
0xa2: {  	s7 =	ssub.s32 $0x0, s21;
	[sflag:s23] =	ssyncset.done $0x0  }
0xa3: {  	[sflag:s23] =	ssyncadd.s32 s7;
	_ =	sdelay $0x1  }
0xa4: {  	s24 =	simm.s32 $0x1B8B  }
0xa5: {  	_ =	swait.ge [sflag:s24], $0x1  }
0xa6: {  	[sflag:s24] =	ssyncset.done $0x0  }
0xa7: {  	s25 =	simm.s32 $0x1B8E;
	[sflag:s24] =	ssyncadd.s32 $0xFFFFFFFF  }
0xa8: {  	s26 =	simm.s32 $execute0_lowered;
	[smem:$0x3FD2] =	sst s25  }
0xa9: {  	s7 =	sshll.u32 s26, $0x1;
	_ =	strace $0x80000046;
	[dreg:$0x1] =	wrdreg $0xFFFFFFFF  }
0xaa: {  	s28 =	simm.s32 $_size_execute0_lowered;
	s6 =	sadd.s32 s6, s7;
	[dreg:$0x0] =	wrdreg $0x0  }
0xab: {  	s7 =	sshll.u32 s28, $0x1;
	[dreg:$0x2] =	wrdreg s6  }
0xac: {  	[dreg:$0x3] =	wrdreg s7  }
0xad: {  	[dreg:$0x4] =	wrdreg $0xC0  }
0xae: {  	_ =	task [dreg:s10], $0x5FFFF  }
0xaf: {  	[dreg:$0x1] =	wrdreg $0xFFFFFFFF  }
0xb0: {  	[dreg:$0x0] =	wrdreg $0x60  }
0xb1: {  	[dreg:$0x2] =	wrdreg s2  }
0xb2: {  	[dreg:$0x3] =	wrdreg s19  }
0xb3: {  	[dreg:$0x4] =	wrdreg s4  }
0xb4: {  	[dreg:$0x5] =	wrdreg s5  }
0xb5: {  	[dreg:$0x6] =	wrdreg $0x9  }
0xb6: {  	_ =	task.clear_ibuf [dreg:s10], $0x7FFFF;
	_ =	strace $0x90000046  }
0xb7: {  	s29 =	simm.s32 $0x9;
	_ =	strace $0x80000048  }
0xb8: {  	_ =	swait.ge [sflag:s29], $0x1  }
0xb9: {  	[sflag:s29] =	ssyncadd.s32 $0xFFFFFFFF  }
0xba: {  	_ =	strace $0x90000048  }
0xbb: {  	_ =	sfence  }
0xbc: {  	s30 =	sld [smem:$0x0];
	_ =	sdelay $0x2  }
0xbd: {  	s31 =	sshll.u32 s1, $0xD;
	s1 =	sshrl.u32 s1, $0x2  }
0xbe: {  	s3 =	sand.u32 $0x4000, s31;
	s1 =	sadd.s32 s1, s30  }
0xbf: {  	s0 =	sor.u32 s3, s0;
	s1 =	sshll.u32 s1, $0x11  }
0xc0: {  	s0 =	sor.u32 s1, s0  }
0xc1: {  	s0 =	sadd.s32 $0x8F2B, s0  }
0xc2: {  	[sflag:s0] =	ssyncadd.remote.s32 $0x1  }
0xc3: {  	_ =	sfence.sel $0xFFFF  }
0xc4: {  	[dreg:$0x0] =	wrdreg $0xFFFFFFFF;
	(pc) =	sbr.abs _section_cstart, $3  }
0xc5: {  	[dreg:$0x1] =	wrdreg $0xFFFFFFFF  }
0xc6: {  	_ =	task.clear_ibuf [dreg:s10], $0x2FFFF;
	_ =	strace $0x9FFFFFFF  }
0xc7: {  	(tm) =	ssettm $0x7FFFFFFF  }
tec
execute0_lowered:
.L_overlay_start_1:
0x0: {  	(tag) =	ssettag $0x1  }
0x1: {  	s10 =	rddreg [dreg:$0x0]  }
0x2: {  	s4 =	rddreg [dreg:$0x1]  }
0x3: {  	s2 =	rddreg [dreg:$0x2]  }
0x4: {  	s12 =	rddreg [dreg:$0x3]  }
0x5: {  	s3 =	srdreg.scid;
	s1 =	stileid.u32  }
0x6: {  	s0 =	rddreg [dreg:$0x4];
	s16 =	simm.s32 $0x400;
	s17 =	simm.s32 $0x6000  }
0x7: {  	s18 =	simm.s32 $0x6300;
	s19 =	simm.s32 $0x1;
	s20 =	simm.s32 $0xC300  }
0x8: {  	s21 =	simm.s32 $0x2;
	s22 =	simm.s32 $0x3;
	s23 =	simm.s32 $0x4  }
0x9: {  	s24 =	simm.s32 $0x0;
	s5 =	sand.u32 $0x1, s3;
	s6 =	sshll.u32 s1, $0x1  }
0xa: {  	s3 =	simm.s32 $0x0;
	s7 =	sshrl.u32 s1, $0x2;
	s6 =	sor.u32 s5, s6  }
0xb: {  	[smem:$0x7FF] =	sst s3;
	s7 =	smul.u32 $0x1800, s7;
	s5 =	ssub.s32 $0x2, s5  }
0xc: {  	s8 =	sshll.u32 s6, $0x7;
	s6 =	smul.u32 $0x6000, s6;
	s9 =	sshrl.u32 s5, $0x1  }
0xd: {  	_ =	strace $0x80000047;
	s8 =	sand.u32 $0x380, s8;
	s13 =	ssub.s32 s5, s9  }
0xe: {  	s7 =	sor.u32 s7, s8;
	s11 =	sshrl.u32 s6, $0x3;
	s13 =	smax.u32 s13, $0x1  }
0xf: {  	s30 =	sshrl.u32 s7, $0x3;
	s5 =	sadd.s32 s10, s11;
	s31 =	sadd.s32 $0x18000, s11  }
0x10: {  	s7 =	sadd.s32 s12, s11;
	s14 =	sadd.s32 $0x30000, s11;
	s15 =	sadd.s32 $0x48000, s11  }
0x11: {  	s4 =	sadd.s32 s4, s30;
	s6 =	sadd.s32 s10, s31;
	s8 =	sadd.s32 s10, s14  }
0x12: {  	s9 =	sadd.s32 s12, s31;
	s10 =	sadd.s32 s10, s15;
	s11 =	sadd.s32 s12, s14  }
0x13: {  	s12 =	sadd.s32 s12, s15;
	s14 =	simm.s32 $0x5;
	s15 =	simm.s32 $0x80  }
.LBB2_1:
0x14: {  	[tilespmem:s3], [sflag:$0x5] =	stream.linear.gather [hbm4b:s2+s3], $0x6000, $0x38;
	[tilespmem:$0x12300] =	vst v63  }
0x15: {  	_ =	swait.ge [sflag:s14], $0x6000  }
0x16: {  	[sflag:s14] =	ssyncset.done $0x0  }
0x17: {  	[sflag:s14] =	ssyncadd.s32 $0xFFFFA000  }
0x18: {  	[tilespmem:s17], [sflag:$0x5] =	stream.strided.gather [hbm4b:s4+s15], $0x300, s16, s15, $0x38;
	[tilespmem:$0x12300] =	vst v63  }
0x19: {  	_ =	swait.ge [sflag:s14], $0x300  }
0x1a: {  	[sflag:s14] =	ssyncset.done $0x0  }
0x1b: {  	[sflag:s14] =	ssyncadd.s32 $0xFFFFFD00  }
0x1c: {  	s25 =	simm.s32 $0x0;
	v0 =	vld [tilespmem:$0x6000]  }
0x1d: {  	s25 =	smul.u32 $0x6000, s25;
	_ =	sdelay $0x1  }
0x1e: {  	s26 =	sand.u32 $0x380, s3;
	s25 =	sshra.s32 s25, $0x2  }
0x1f: {  	s25 =	sor.u32 s26, s25  }
0x20: {  	[tilespmem:s25+$0x0] =	vst.add.f32.msk $0xffff, v0  }
0x21: {  	v0 =	vld [tilespmem:$0x6010];
	_ =	sdelay $0x3  }
0x22: {  	s26 =	sor.u32 $0x10, s25  }
0x23: {  	[tilespmem:s26+$0x0] =	vst.add.f32.msk $0xffff, v0  }
0x24: {  	v0 =	vld [tilespmem:$0x6020];
	_ =	sdelay $0x3  }
0x25: {  	s30 =	sor.u32 $0x20, s25  }
0x26: {  	[tilespmem:s30+$0x0] =	vst.add.f32.msk $0xffff, v0  }
0x27: {  	v0 =	vld [tilespmem:$0x6030];
	_ =	sdelay $0x3  }
0x28: {  	s31 =	sor.u32 $0x30, s25  }
0x29: {  	[tilespmem:s31+$0x0] =	vst.add.f32.msk $0xffff, v0  }
0x2a: {  	v0 =	vld [tilespmem:$0x6040];
	_ =	sdelay $0x3  }
0x2b: {  	s29 =	sor.u32 $0x40, s25  }
0x2c: {  	[tilespmem:s29+$0x0] =	vst.add.f32.msk $0xffff, v0  }
0x2d: {  	v0 =	vld [tilespmem:$0x6050];
	_ =	sdelay $0x3  }
0x2e: {  	s30 =	sor.u32 $0x50, s25  }
0x2f: {  	[tilespmem:s30+$0x0] =	vst.add.f32.msk $0xffff, v0  }
0x30: {  	v0 =	vld [tilespmem:$0x6060];
	_ =	sdelay $0x3  }
0x31: {  	s31 =	sor.u32 $0x60, s25  }
0x32: {  	[tilespmem:s31+$0x0] =	vst.add.f32.msk $0xffff, v0  }
0x33: {  	v0 =	vld [tilespmem:$0x6070];
	_ =	sdelay $0x3  }
0x34: {  	s29 =	sor.u32 $0x70, s25  }
0x35: {  	[tilespmem:s29+$0x0] =	vst.add.f32.msk $0xffff, v0  }
0x36: {  	v0 =	vld [tilespmem:$0x6080];
	_ =	sdelay $0x3  }
0x37: {  	s30 =	sor.u32 $0x400, s25  }
0x38: {  	[tilespmem:s30+$0x0] =	vst.add.f32.msk $0xffff, v0  }
0x39: {  	v0 =	vld [tilespmem:$0x6090];
	_ =	sdelay $0x3  }
0x3a: {  	s31 =	sor.u32 $0x410, s25  }
0x3b: {  	[tilespmem:s31+$0x0] =	vst.add.f32.msk $0xffff, v0  }
0x3c: {  	v0 =	vld [tilespmem:$0x60A0];
	_ =	sdelay $0x3  }
0x3d: {  	s29 =	sor.u32 $0x420, s25  }
0x3e: {  	[tilespmem:s29+$0x0] =	vst.add.f32.msk $0xffff, v0  }
0x3f: {  	v0 =	vld [tilespmem:$0x60B0];
	_ =	sdelay $0x3  }
0x40: {  	s30 =	sor.u32 $0x430, s25  }
0x41: {  	[tilespmem:s30+$0x0] =	vst.add.f32.msk $0xffff, v0  }
0x42: {  	v0 =	vld [tilespmem:$0x60C0];
	_ =	sdelay $0x3  }
0x43: {  	s31 =	sor.u32 $0x440, s25  }
0x44: {  	[tilespmem:s31+$0x0] =	vst.add.f32.msk $0xffff, v0  }
0x45: {  	v0 =	vld [tilespmem:$0x60D0];
	_ =	sdelay $0x3  }
0x46: {  	s29 =	sor.u32 $0x450, s25  }
0x47: {  	[tilespmem:s29+$0x0] =	vst.add.f32.msk $0xffff, v0  }
0x48: {  	v0 =	vld [tilespmem:$0x60E0];
	_ =	sdelay $0x3  }
0x49: {  	s30 =	sor.u32 $0x460, s25  }
0x4a: {  	[tilespmem:s30+$0x0] =	vst.add.f32.msk $0xffff, v0  }
0x4b: {  	v0 =	vld [tilespmem:$0x60F0];
	_ =	sdelay $0x3  }
0x4c: {  	s31 =	sor.u32 $0x470, s25  }
0x4d: {  	[tilespmem:s31+$0x0] =	vst.add.f32.msk $0xffff, v0  }
0x4e: {  	v0 =	vld [tilespmem:$0x6100];
	_ =	sdelay $0x4  }
0x4f: {  	[tilespmem:s25+$0x800] =	vst.add.f32.msk $0xffff, v0  }
0x50: {  	v0 =	vld [tilespmem:$0x6110];
	_ =	sdelay $0x4  }
0x51: {  	[tilespmem:s25+$0x810] =	vst.add.f32.msk $0xffff, v0  }
0x52: {  	v0 =	vld [tilespmem:$0x6120];
	_ =	sdelay $0x4  }
0x53: {  	[tilespmem:s25+$0x820] =	vst.add.f32.msk $0xffff, v0  }
0x54: {  	v0 =	vld [tilespmem:$0x6130];
	_ =	sdelay $0x4  }
0x55: {  	[tilespmem:s25+$0x830] =	vst.add.f32.msk $0xffff, v0  }
0x56: {  	v0 =	vld [tilespmem:$0x6140];
	_ =	sdelay $0x4  }
0x57: {  	[tilespmem:s25+$0x840] =	vst.add.f32.msk $0xffff, v0  }
0x58: {  	v0 =	vld [tilespmem:$0x6150];
	_ =	sdelay $0x4  }
0x59: {  	[tilespmem:s25+$0x850] =	vst.add.f32.msk $0xffff, v0  }
0x5a: {  	v0 =	vld [tilespmem:$0x6160];
	_ =	sdelay $0x4  }
0x5b: {  	[tilespmem:s25+$0x860] =	vst.add.f32.msk $0xffff, v0  }
0x5c: {  	v0 =	vld [tilespmem:$0x6170];
	_ =	sdelay $0x4  }
0x5d: {  	[tilespmem:s25+$0x870] =	vst.add.f32.msk $0xffff, v0  }
0x5e: {  	v0 =	vld [tilespmem:$0x6180];
	_ =	sdelay $0x4  }
0x5f: {  	[tilespmem:s25+$0xC00] =	vst.add.f32.msk $0xffff, v0  }
0x60: {  	v0 =	vld [tilespmem:$0x6190];
	_ =	sdelay $0x4  }
0x61: {  	[tilespmem:s25+$0xC10] =	vst.add.f32.msk $0xffff, v0  }
0x62: {  	v0 =	vld [tilespmem:$0x61A0];
	_ =	sdelay $0x4  }
0x63: {  	[tilespmem:s25+$0xC20] =	vst.add.f32.msk $0xffff, v0  }
0x64: {  	v0 =	vld [tilespmem:$0x61B0];
	_ =	sdelay $0x4  }
0x65: {  	[tilespmem:s25+$0xC30] =	vst.add.f32.msk $0xffff, v0  }
0x66: {  	v0 =	vld [tilespmem:$0x61C0];
	_ =	sdelay $0x4  }
0x67: {  	[tilespmem:s25+$0xC40] =	vst.add.f32.msk $0xffff, v0  }
0x68: {  	v0 =	vld [tilespmem:$0x61D0];
	_ =	sdelay $0x4  }
0x69: {  	[tilespmem:s25+$0xC50] =	vst.add.f32.msk $0xffff, v0  }
0x6a: {  	v0 =	vld [tilespmem:$0x61E0];
	_ =	sdelay $0x4  }
0x6b: {  	[tilespmem:s25+$0xC60] =	vst.add.f32.msk $0xffff, v0  }
0x6c: {  	v0 =	vld [tilespmem:$0x61F0];
	_ =	sdelay $0x4  }
0x6d: {  	[tilespmem:s25+$0xC70] =	vst.add.f32.msk $0xffff, v0  }
0x6e: {  	v0 =	vld [tilespmem:$0x6200];
	_ =	sdelay $0x4  }
0x6f: {  	[tilespmem:s25+$0x1000] =	vst.add.f32.msk $0xffff, v0  }
0x70: {  	v0 =	vld [tilespmem:$0x6210];
	_ =	sdelay $0x4  }
0x71: {  	[tilespmem:s25+$0x1010] =	vst.add.f32.msk $0xffff, v0  }
0x72: {  	v0 =	vld [tilespmem:$0x6220];
	_ =	sdelay $0x4  }
0x73: {  	[tilespmem:s25+$0x1020] =	vst.add.f32.msk $0xffff, v0  }
0x74: {  	v0 =	vld [tilespmem:$0x6230];
	_ =	sdelay $0x4  }
0x75: {  	[tilespmem:s25+$0x1030] =	vst.add.f32.msk $0xffff, v0  }
0x76: {  	v0 =	vld [tilespmem:$0x6240];
	_ =	sdelay $0x4  }
0x77: {  	[tilespmem:s25+$0x1040] =	vst.add.f32.msk $0xffff, v0  }
0x78: {  	v0 =	vld [tilespmem:$0x6250];
	_ =	sdelay $0x4  }
0x79: {  	[tilespmem:s25+$0x1050] =	vst.add.f32.msk $0xffff, v0  }
0x7a: {  	v0 =	vld [tilespmem:$0x6260];
	_ =	sdelay $0x4  }
0x7b: {  	[tilespmem:s25+$0x1060] =	vst.add.f32.msk $0xffff, v0  }
0x7c: {  	v0 =	vld [tilespmem:$0x6270];
	_ =	sdelay $0x4  }
0x7d: {  	[tilespmem:s25+$0x1070] =	vst.add.f32.msk $0xffff, v0  }
0x7e: {  	v0 =	vld [tilespmem:$0x6280];
	_ =	sdelay $0x4  }
0x7f: {  	[tilespmem:s25+$0x1400] =	vst.add.f32.msk $0xffff, v0  }
0x80: {  	v0 =	vld [tilespmem:$0x6290];
	_ =	sdelay $0x4  }
0x81: {  	[tilespmem:s25+$0x1410] =	vst.add.f32.msk $0xffff, v0  }
0x82: {  	v0 =	vld [tilespmem:$0x62A0];
	_ =	sdelay $0x4  }
0x83: {  	[tilespmem:s25+$0x1420] =	vst.add.f32.msk $0xffff, v0  }
0x84: {  	v0 =	vld [tilespmem:$0x62B0];
	_ =	sdelay $0x4  }
0x85: {  	[tilespmem:s25+$0x1430] =	vst.add.f32.msk $0xffff, v0  }
0x86: {  	v0 =	vld [tilespmem:$0x62C0];
	_ =	sdelay $0x4  }
0x87: {  	[tilespmem:s25+$0x1440] =	vst.add.f32.msk $0xffff, v0  }
0x88: {  	v0 =	vld [tilespmem:$0x62D0];
	_ =	sdelay $0x4  }
0x89: {  	[tilespmem:s25+$0x1450] =	vst.add.f32.msk $0xffff, v0  }
0x8a: {  	v0 =	vld [tilespmem:$0x62E0];
	_ =	sdelay $0x4  }
0x8b: {  	[tilespmem:s25+$0x1460] =	vst.add.f32.msk $0xffff, v0  }
0x8c: {  	v0 =	vld [tilespmem:$0x62F0];
	_ =	sdelay $0x4  }
0x8d: {  	[tilespmem:s25+$0x1470] =	vst.add.f32.msk $0xffff, v0  }
0x8e: {  	s28 =	simm.s32 $0x0;
	s26 =	simm.s32 $0x2;
	s25 =	simm.s32 $0x0;
	v0 =	vld [tilespmem:$0x6000]  }
.LBB2_2:
0x8f: {  	p0 =	sne.s32 s26, $0x1F;
	s28 =	smul.u32 $0x6000, s28  }
0x90: {  	s25 =	sadd.s32 $0x80, s25  }
0x91: {  	s29 =	sand.u32 $0x380, s25;
	s28 =	sshra.s32 s28, $0x2  }
0x92: {  	s28 =	sor.u32 s29, s28  }
0x93: {  	[tilespmem:s28+$0x0] =	vst.add.f32.msk $0xffff, v0  }
0x94: {  	v0 =	vld [tilespmem:$0x6010];
	_ =	sdelay $0x3  }
0x95: {  	s29 =	sor.u32 $0x10, s28  }
0x96: {  	[tilespmem:s29+$0x0] =	vst.add.f32.msk $0xffff, v0  }
0x97: {  	v0 =	vld [tilespmem:$0x6020];
	_ =	sdelay $0x3  }
0x98: {  	s29 =	sor.u32 $0x20, s28  }
0x99: {  	[tilespmem:s29+$0x0] =	vst.add.f32.msk $0xffff, v0  }
0x9a: {  	v0 =	vld [tilespmem:$0x6030];
	_ =	sdelay $0x3  }
0x9b: {  	s29 =	sor.u32 $0x30, s28  }
0x9c: {  	[tilespmem:s29+$0x0] =	vst.add.f32.msk $0xffff, v0  }
0x9d: {  	v0 =	vld [tilespmem:$0x6040];
	_ =	sdelay $0x3  }
0x9e: {  	s29 =	sor.u32 $0x40, s28  }
0x9f: {  	[tilespmem:s29+$0x0] =	vst.add.f32.msk $0xffff, v0  }
0xa0: {  	v0 =	vld [tilespmem:$0x6050];
	_ =	sdelay $0x3  }
0xa1: {  	s29 =	sor.u32 $0x50, s28  }
0xa2: {  	[tilespmem:s29+$0x0] =	vst.add.f32.msk $0xffff, v0  }
0xa3: {  	v0 =	vld [tilespmem:$0x6060];
	_ =	sdelay $0x3  }
0xa4: {  	s29 =	sor.u32 $0x60, s28  }
0xa5: {  	[tilespmem:s29+$0x0] =	vst.add.f32.msk $0xffff, v0  }
0xa6: {  	v0 =	vld [tilespmem:$0x6070];
	_ =	sdelay $0x3  }
0xa7: {  	s29 =	sor.u32 $0x70, s28  }
0xa8: {  	[tilespmem:s29+$0x0] =	vst.add.f32.msk $0xffff, v0  }
0xa9: {  	v0 =	vld [tilespmem:$0x6080];
	_ =	sdelay $0x3  }
0xaa: {  	s29 =	sor.u32 $0x400, s28  }
0xab: {  	[tilespmem:s29+$0x0] =	vst.add.f32.msk $0xffff, v0  }
0xac: {  	v0 =	vld [tilespmem:$0x6090];
	_ =	sdelay $0x3  }
0xad: {  	s29 =	sor.u32 $0x410, s28  }
0xae: {  	[tilespmem:s29+$0x0] =	vst.add.f32.msk $0xffff, v0  }
0xaf: {  	v0 =	vld [tilespmem:$0x60A0];
	_ =	sdelay $0x3  }
0xb0: {  	s29 =	sor.u32 $0x420, s28  }
0xb1: {  	[tilespmem:s29+$0x0] =	vst.add.f32.msk $0xffff, v0  }
0xb2: {  	v0 =	vld [tilespmem:$0x60B0];
	_ =	sdelay $0x3  }
0xb3: {  	s29 =	sor.u32 $0x430, s28  }
0xb4: {  	[tilespmem:s29+$0x0] =	vst.add.f32.msk $0xffff, v0  }
0xb5: {  	v0 =	vld [tilespmem:$0x60C0];
	_ =	sdelay $0x3  }
0xb6: {  	s29 =	sor.u32 $0x440, s28  }
0xb7: {  	[tilespmem:s29+$0x0] =	vst.add.f32.msk $0xffff, v0  }
0xb8: {  	v0 =	vld [tilespmem:$0x60D0];
	_ =	sdelay $0x3  }
0xb9: {  	s29 =	sor.u32 $0x450, s28  }
0xba: {  	[tilespmem:s29+$0x0] =	vst.add.f32.msk $0xffff, v0  }
0xbb: {  	v0 =	vld [tilespmem:$0x60E0];
	_ =	sdelay $0x3  }
0xbc: {  	s29 =	sor.u32 $0x460, s28  }
0xbd: {  	[tilespmem:s29+$0x0] =	vst.add.f32.msk $0xffff, v0  }
0xbe: {  	v0 =	vld [tilespmem:$0x60F0];
	_ =	sdelay $0x3  }
0xbf: {  	s29 =	sor.u32 $0x470, s28  }
0xc0: {  	[tilespmem:s29+$0x0] =	vst.add.f32.msk $0xffff, v0  }
0xc1: {  	v0 =	vld [tilespmem:$0x6100];
	_ =	sdelay $0x4  }
0xc2: {  	[tilespmem:s28+$0x800] =	vst.add.f32.msk $0xffff, v0  }
0xc3: {  	v0 =	vld [tilespmem:$0x6110];
	_ =	sdelay $0x4  }
0xc4: {  	[tilespmem:s28+$0x810] =	vst.add.f32.msk $0xffff, v0  }
0xc5: {  	v0 =	vld [tilespmem:$0x6120];
	_ =	sdelay $0x4  }
0xc6: {  	[tilespmem:s28+$0x820] =	vst.add.f32.msk $0xffff, v0  }
0xc7: {  	v0 =	vld [tilespmem:$0x6130];
	_ =	sdelay $0x4  }
0xc8: {  	[tilespmem:s28+$0x830] =	vst.add.f32.msk $0xffff, v0  }
0xc9: {  	v0 =	vld [tilespmem:$0x6140];
	_ =	sdelay $0x4  }
0xca: {  	[tilespmem:s28+$0x840] =	vst.add.f32.msk $0xffff, v0  }
0xcb: {  	v0 =	vld [tilespmem:$0x6150];
	_ =	sdelay $0x4  }
0xcc: {  	[tilespmem:s28+$0x850] =	vst.add.f32.msk $0xffff, v0  }
0xcd: {  	v0 =	vld [tilespmem:$0x6160];
	_ =	sdelay $0x4  }
0xce: {  	[tilespmem:s28+$0x860] =	vst.add.f32.msk $0xffff, v0  }
0xcf: {  	v0 =	vld [tilespmem:$0x6170];
	_ =	sdelay $0x4  }
0xd0: {  	[tilespmem:s28+$0x870] =	vst.add.f32.msk $0xffff, v0  }
0xd1: {  	v0 =	vld [tilespmem:$0x6180];
	_ =	sdelay $0x4  }
0xd2: {  	[tilespmem:s28+$0xC00] =	vst.add.f32.msk $0xffff, v0  }
0xd3: {  	v0 =	vld [tilespmem:$0x6190];
	_ =	sdelay $0x4  }
0xd4: {  	[tilespmem:s28+$0xC10] =	vst.add.f32.msk $0xffff, v0  }
0xd5: {  	v0 =	vld [tilespmem:$0x61A0];
	_ =	sdelay $0x4  }
0xd6: {  	[tilespmem:s28+$0xC20] =	vst.add.f32.msk $0xffff, v0  }
0xd7: {  	v0 =	vld [tilespmem:$0x61B0];
	_ =	sdelay $0x4  }
0xd8: {  	[tilespmem:s28+$0xC30] =	vst.add.f32.msk $0xffff, v0  }
0xd9: {  	v0 =	vld [tilespmem:$0x61C0];
	_ =	sdelay $0x4  }
0xda: {  	[tilespmem:s28+$0xC40] =	vst.add.f32.msk $0xffff, v0  }
0xdb: {  	v0 =	vld [tilespmem:$0x61D0];
	_ =	sdelay $0x4  }
0xdc: {  	[tilespmem:s28+$0xC50] =	vst.add.f32.msk $0xffff, v0  }
0xdd: {  	v0 =	vld [tilespmem:$0x61E0];
	_ =	sdelay $0x4  }
0xde: {  	[tilespmem:s28+$0xC60] =	vst.add.f32.msk $0xffff, v0  }
0xdf: {  	v0 =	vld [tilespmem:$0x61F0];
	_ =	sdelay $0x4  }
0xe0: {  	[tilespmem:s28+$0xC70] =	vst.add.f32.msk $0xffff, v0  }
0xe1: {  	v0 =	vld [tilespmem:$0x6200];
	_ =	sdelay $0x4  }
0xe2: {  	[tilespmem:s28+$0x1000] =	vst.add.f32.msk $0xffff, v0  }
0xe3: {  	v0 =	vld [tilespmem:$0x6210];
	_ =	sdelay $0x4  }
0xe4: {  	[tilespmem:s28+$0x1010] =	vst.add.f32.msk $0xffff, v0  }
0xe5: {  	v0 =	vld [tilespmem:$0x6220];
	_ =	sdelay $0x4  }
0xe6: {  	[tilespmem:s28+$0x1020] =	vst.add.f32.msk $0xffff, v0  }
0xe7: {  	v0 =	vld [tilespmem:$0x6230];
	_ =	sdelay $0x4  }
0xe8: {  	[tilespmem:s28+$0x1030] =	vst.add.f32.msk $0xffff, v0  }
0xe9: {  	v0 =	vld [tilespmem:$0x6240];
	_ =	sdelay $0x4  }
0xea: {  	[tilespmem:s28+$0x1040] =	vst.add.f32.msk $0xffff, v0  }
0xeb: {  	v0 =	vld [tilespmem:$0x6250];
	_ =	sdelay $0x4  }
0xec: {  	[tilespmem:s28+$0x1050] =	vst.add.f32.msk $0xffff, v0  }
0xed: {  	v0 =	vld [tilespmem:$0x6260];
	_ =	sdelay $0x4  }
0xee: {  	[tilespmem:s28+$0x1060] =	vst.add.f32.msk $0xffff, v0  }
0xef: {  	v0 =	vld [tilespmem:$0x6270];
	_ =	sdelay $0x4  }
0xf0: {  	[tilespmem:s28+$0x1070] =	vst.add.f32.msk $0xffff, v0  }
0xf1: {  	v0 =	vld [tilespmem:$0x6280];
	_ =	sdelay $0x4  }
0xf2: {  	[tilespmem:s28+$0x1400] =	vst.add.f32.msk $0xffff, v0  }
0xf3: {  	v0 =	vld [tilespmem:$0x6290];
	_ =	sdelay $0x4  }
0xf4: {  	[tilespmem:s28+$0x1410] =	vst.add.f32.msk $0xffff, v0  }
0xf5: {  	v0 =	vld [tilespmem:$0x62A0];
	_ =	sdelay $0x4  }
0xf6: {  	[tilespmem:s28+$0x1420] =	vst.add.f32.msk $0xffff, v0  }
0xf7: {  	v0 =	vld [tilespmem:$0x62B0];
	_ =	sdelay $0x4  }
0xf8: {  	[tilespmem:s28+$0x1430] =	vst.add.f32.msk $0xffff, v0  }
0xf9: {  	v0 =	vld [tilespmem:$0x62C0];
	_ =	sdelay $0x4  }
0xfa: {  	[tilespmem:s28+$0x1440] =	vst.add.f32.msk $0xffff, v0  }
0xfb: {  	v0 =	vld [tilespmem:$0x62D0];
	_ =	sdelay $0x4  }
0xfc: {  	[tilespmem:s28+$0x1450] =	vst.add.f32.msk $0xffff, v0  }
0xfd: {  	v0 =	vld [tilespmem:$0x62E0];
	_ =	sdelay $0x4  }
0xfe: {  	[tilespmem:s28+$0x1460] =	vst.add.f32.msk $0xffff, v0  }
0xff: {  	v0 =	vld [tilespmem:$0x62F0];
	_ =	sdelay $0x1  }
.Ltmp0:
0x100: {  	(pc) =	sbr.rel @p0 .LBB2_2-.Ltmp0, $3  }
0x101: {  	_ =	sdelay $0x1  }
0x102: {  	[tilespmem:s28+$0x1470] =	vst.add.f32.msk $0xffff, v0  }
0x103: {  	s28 =	sshrl.u32 s26, $0x3;
	s26 =	sadd.s32 $0x1, s26;
	v0 =	vld [tilespmem:$0x6000]  }
0x104: {  	s26 =	smul.u32 $0x6000, s28  }
0x105: {  	s25 =	sadd.s32 $0x80, s25  }
0x106: {  	s25 =	sand.u32 $0x380, s25;
	s26 =	sshra.s32 s26, $0x2  }
0x107: {  	s25 =	sor.u32 s25, s26  }
0x108: {  	[tilespmem:s25+$0x0] =	vst.add.f32.msk $0xffff, v0  }
0x109: {  	v0 =	vld [tilespmem:$0x6010];
	_ =	sdelay $0x3  }
0x10a: {  	s26 =	sor.u32 $0x10, s25  }
0x10b: {  	[tilespmem:s26+$0x0] =	vst.add.f32.msk $0xffff, v0  }
0x10c: {  	v0 =	vld [tilespmem:$0x6020];
	_ =	sdelay $0x3  }
0x10d: {  	s31 =	sor.u32 $0x20, s25  }
0x10e: {  	[tilespmem:s31+$0x0] =	vst.add.f32.msk $0xffff, v0  }
0x10f: {  	v0 =	vld [tilespmem:$0x6030];
	_ =	sdelay $0x3  }
0x110: {  	s30 =	sor.u32 $0x30, s25  }
0x111: {  	[tilespmem:s30+$0x0] =	vst.add.f32.msk $0xffff, v0  }
0x112: {  	v0 =	vld [tilespmem:$0x6040];
	_ =	sdelay $0x3  }
0x113: {  	s31 =	sor.u32 $0x40, s25  }
0x114: {  	[tilespmem:s31+$0x0] =	vst.add.f32.msk $0xffff, v0  }
0x115: {  	v0 =	vld [tilespmem:$0x6050];
	_ =	sdelay $0x3  }
0x116: {  	s30 =	sor.u32 $0x50, s25  }
0x117: {  	[tilespmem:s30+$0x0] =	vst.add.f32.msk $0xffff, v0  }
0x118: {  	v0 =	vld [tilespmem:$0x6060];
	_ =	sdelay $0x3  }
0x119: {  	s31 =	sor.u32 $0x60, s25  }
0x11a: {  	[tilespmem:s31+$0x0] =	vst.add.f32.msk $0xffff, v0  }
0x11b: {  	v0 =	vld [tilespmem:$0x6070];
	_ =	sdelay $0x3  }
0x11c: {  	s30 =	sor.u32 $0x70, s25  }
0x11d: {  	[tilespmem:s30+$0x0] =	vst.add.f32.msk $0xffff, v0  }
0x11e: {  	v0 =	vld [tilespmem:$0x6080];
	_ =	sdelay $0x3  }
0x11f: {  	s31 =	sor.u32 $0x400, s25  }
0x120: {  	[tilespmem:s31+$0x0] =	vst.add.f32.msk $0xffff, v0  }
0x121: {  	v0 =	vld [tilespmem:$0x6090];
	_ =	sdelay $0x3  }
0x122: {  	s30 =	sor.u32 $0x410, s25  }
0x123: {  	[tilespmem:s30+$0x0] =	vst.add.f32.msk $0xffff, v0  }
0x124: {  	v0 =	vld [tilespmem:$0x60A0];
	_ =	sdelay $0x3  }
0x125: {  	s31 =	sor.u32 $0x420, s25  }
0x126: {  	[tilespmem:s31+$0x0] =	vst.add.f32.msk $0xffff, v0  }
0x127: {  	v0 =	vld [tilespmem:$0x60B0];
	_ =	sdelay $0x3  }
0x128: {  	s30 =	sor.u32 $0x430, s25  }
0x129: {  	[tilespmem:s30+$0x0] =	vst.add.f32.msk $0xffff, v0  }
0x12a: {  	v0 =	vld [tilespmem:$0x60C0];
	_ =	sdelay $0x3  }
0x12b: {  	s31 =	sor.u32 $0x440, s25  }
0x12c: {  	[tilespmem:s31+$0x0] =	vst.add.f32.msk $0xffff, v0  }
0x12d: {  	v0 =	vld [tilespmem:$0x60D0];
	_ =	sdelay $0x3  }
0x12e: {  	s30 =	sor.u32 $0x450, s25  }
0x12f: {  	[tilespmem:s30+$0x0] =	vst.add.f32.msk $0xffff, v0  }
0x130: {  	v0 =	vld [tilespmem:$0x60E0];
	_ =	sdelay $0x3  }
0x131: {  	s31 =	sor.u32 $0x460, s25  }
0x132: {  	[tilespmem:s31+$0x0] =	vst.add.f32.msk $0xffff, v0  }
0x133: {  	v0 =	vld [tilespmem:$0x60F0];
	_ =	sdelay $0x3  }
0x134: {  	s30 =	sor.u32 $0x470, s25  }
0x135: {  	[tilespmem:s30+$0x0] =	vst.add.f32.msk $0xffff, v0  }
0x136: {  	v0 =	vld [tilespmem:$0x6100];
	_ =	sdelay $0x4  }
0x137: {  	[tilespmem:s25+$0x800] =	vst.add.f32.msk $0xffff, v0  }
0x138: {  	v0 =	vld [tilespmem:$0x6110];
	_ =	sdelay $0x4  }
0x139: {  	[tilespmem:s25+$0x810] =	vst.add.f32.msk $0xffff, v0  }
0x13a: {  	v0 =	vld [tilespmem:$0x6120];
	_ =	sdelay $0x4  }
0x13b: {  	[tilespmem:s25+$0x820] =	vst.add.f32.msk $0xffff, v0  }
0x13c: {  	v0 =	vld [tilespmem:$0x6130];
	_ =	sdelay $0x4  }
0x13d: {  	[tilespmem:s25+$0x830] =	vst.add.f32.msk $0xffff, v0  }
0x13e: {  	v0 =	vld [tilespmem:$0x6140];
	_ =	sdelay $0x4  }
0x13f: {  	[tilespmem:s25+$0x840] =	vst.add.f32.msk $0xffff, v0  }
0x140: {  	v0 =	vld [tilespmem:$0x6150];
	_ =	sdelay $0x4  }
0x141: {  	[tilespmem:s25+$0x850] =	vst.add.f32.msk $0xffff, v0  }
0x142: {  	v0 =	vld [tilespmem:$0x6160];
	_ =	sdelay $0x4  }
0x143: {  	[tilespmem:s25+$0x860] =	vst.add.f32.msk $0xffff, v0  }
0x144: {  	v0 =	vld [tilespmem:$0x6170];
	_ =	sdelay $0x4  }
0x145: {  	[tilespmem:s25+$0x870] =	vst.add.f32.msk $0xffff, v0  }
0x146: {  	v0 =	vld [tilespmem:$0x6180];
	_ =	sdelay $0x4  }
0x147: {  	[tilespmem:s25+$0xC00] =	vst.add.f32.msk $0xffff, v0  }
0x148: {  	v0 =	vld [tilespmem:$0x6190];
	_ =	sdelay $0x4  }
0x149: {  	[tilespmem:s25+$0xC10] =	vst.add.f32.msk $0xffff, v0  }
0x14a: {  	v0 =	vld [tilespmem:$0x61A0];
	_ =	sdelay $0x4  }
0x14b: {  	[tilespmem:s25+$0xC20] =	vst.add.f32.msk $0xffff, v0  }
0x14c: {  	v0 =	vld [tilespmem:$0x61B0];
	_ =	sdelay $0x4  }
0x14d: {  	[tilespmem:s25+$0xC30] =	vst.add.f32.msk $0xffff, v0  }
0x14e: {  	v0 =	vld [tilespmem:$0x61C0];
	_ =	sdelay $0x4  }
0x14f: {  	[tilespmem:s25+$0xC40] =	vst.add.f32.msk $0xffff, v0  }
0x150: {  	v0 =	vld [tilespmem:$0x61D0];
	_ =	sdelay $0x4  }
0x151: {  	[tilespmem:s25+$0xC50] =	vst.add.f32.msk $0xffff, v0  }
0x152: {  	v0 =	vld [tilespmem:$0x61E0];
	_ =	sdelay $0x4  }
0x153: {  	[tilespmem:s25+$0xC60] =	vst.add.f32.msk $0xffff, v0  }
0x154: {  	v0 =	vld [tilespmem:$0x61F0];
	_ =	sdelay $0x4  }
0x155: {  	[tilespmem:s25+$0xC70] =	vst.add.f32.msk $0xffff, v0  }
0x156: {  	v0 =	vld [tilespmem:$0x6200];
	_ =	sdelay $0x4  }
0x157: {  	[tilespmem:s25+$0x1000] =	vst.add.f32.msk $0xffff, v0  }
0x158: {  	v0 =	vld [tilespmem:$0x6210];
	_ =	sdelay $0x4  }
0x159: {  	[tilespmem:s25+$0x1010] =	vst.add.f32.msk $0xffff, v0  }
0x15a: {  	v0 =	vld [tilespmem:$0x6220];
	_ =	sdelay $0x4  }
0x15b: {  	[tilespmem:s25+$0x1020] =	vst.add.f32.msk $0xffff, v0  }
0x15c: {  	v0 =	vld [tilespmem:$0x6230];
	_ =	sdelay $0x4  }
0x15d: {  	[tilespmem:s25+$0x1030] =	vst.add.f32.msk $0xffff, v0  }
0x15e: {  	v0 =	vld [tilespmem:$0x6240];
	_ =	sdelay $0x4  }
0x15f: {  	[tilespmem:s25+$0x1040] =	vst.add.f32.msk $0xffff, v0  }
0x160: {  	v0 =	vld [tilespmem:$0x6250];
	_ =	sdelay $0x4  }
0x161: {  	[tilespmem:s25+$0x1050] =	vst.add.f32.msk $0xffff, v0  }
0x162: {  	v0 =	vld [tilespmem:$0x6260];
	_ =	sdelay $0x4  }
0x163: {  	[tilespmem:s25+$0x1060] =	vst.add.f32.msk $0xffff, v0  }
0x164: {  	v0 =	vld [tilespmem:$0x6270];
	_ =	sdelay $0x4  }
0x165: {  	[tilespmem:s25+$0x1070] =	vst.add.f32.msk $0xffff, v0  }
0x166: {  	v0 =	vld [tilespmem:$0x6280];
	_ =	sdelay $0x4  }
0x167: {  	[tilespmem:s25+$0x1400] =	vst.add.f32.msk $0xffff, v0  }
0x168: {  	v0 =	vld [tilespmem:$0x6290];
	_ =	sdelay $0x4  }
0x169: {  	[tilespmem:s25+$0x1410] =	vst.add.f32.msk $0xffff, v0  }
0x16a: {  	v0 =	vld [tilespmem:$0x62A0];
	_ =	sdelay $0x4  }
0x16b: {  	[tilespmem:s25+$0x1420] =	vst.add.f32.msk $0xffff, v0  }
0x16c: {  	v0 =	vld [tilespmem:$0x62B0];
	_ =	sdelay $0x4  }
0x16d: {  	[tilespmem:s25+$0x1430] =	vst.add.f32.msk $0xffff, v0  }
0x16e: {  	v0 =	vld [tilespmem:$0x62C0];
	_ =	sdelay $0x4  }
0x16f: {  	[tilespmem:s25+$0x1440] =	vst.add.f32.msk $0xffff, v0  }
0x170: {  	v0 =	vld [tilespmem:$0x62D0];
	_ =	sdelay $0x4  }
0x171: {  	[tilespmem:s25+$0x1450] =	vst.add.f32.msk $0xffff, v0  }
0x172: {  	v0 =	vld [tilespmem:$0x62E0];
	_ =	sdelay $0x4  }
0x173: {  	[tilespmem:s25+$0x1460] =	vst.add.f32.msk $0xffff, v0  }
0x174: {  	v0 =	vld [tilespmem:$0x62F0];
	_ =	sdelay $0x4  }
0x175: {  	s31 =	simm.s32 $0x0;
	[tilespmem:s25+$0x1470] =	vst.add.f32.msk $0xffff, v0;
	s25 =	simm.s32 $0x0  }
0x176: {  	[tilespmem:s18], [sflag:$0x1] =	stream.linear.gather [hbm4b:s5+s25], $0x6000, $0x38;
	[tilespmem:$0x12300] =	vst v63  }
0x177: {  	s26 =	smul.u32 $0x1800, s31;
	_ =	swait.ge [sflag:s19], $0x6000  }
0x178: {  	s28 =	sand.u32 $0x380, s25;
	[sflag:s19] =	ssyncset.done $0x0  }
0x179: {  	s26 =	sor.u32 s28, s26;
	[sflag:s19] =	ssyncadd.s32 $0xFFFFA000  }
0x17a: {  	[tilespmem:s20], [sflag:$0x2] =	stream.linear.gather [hbm4b:s6+s25], $0x6000, $0x38;
	[tilespmem:$0x12300] =	vst v63  }
0x17b: {  	v0 =	vld [tilespmem:s26+$0x1470]  }
0x17c: {  	v3 =	vld [tilespmem:s26+$0x0]  }
0x17d: {  	v4 =	vld [tilespmem:s26+$0x10]  }
0x17e: {  	v5 =	vld [tilespmem:s26+$0x20]  }
0x17f: {  	v6 =	vld [tilespmem:s26+$0x30]  }
0x180: {  	v7 =	vld [tilespmem:s26+$0x40]  }
0x181: {  	v8 =	vld [tilespmem:s26+$0x50]  }
0x182: {  	v9 =	vld [tilespmem:s26+$0x60]  }
0x183: {  	v10 =	vld [tilespmem:s26+$0x70]  }
0x184: {  	v11 =	vld [tilespmem:s26+$0x400]  }
0x185: {  	v12 =	vld [tilespmem:s26+$0x410]  }
0x186: {  	v13 =	vld [tilespmem:s26+$0x420]  }
0x187: {  	v14 =	vld [tilespmem:s26+$0x430]  }
0x188: {  	v15 =	vld [tilespmem:s26+$0x440]  }
0x189: {  	v16 =	vld [tilespmem:s26+$0x450]  }
0x18a: {  	v17 =	vld [tilespmem:s26+$0x460]  }
0x18b: {  	v18 =	vld [tilespmem:s26+$0x470]  }
0x18c: {  	v19 =	vld [tilespmem:s26+$0x800]  }
0x18d: {  	v20 =	vld [tilespmem:s26+$0x810]  }
0x18e: {  	v21 =	vld [tilespmem:s26+$0x820]  }
0x18f: {  	v22 =	vld [tilespmem:s26+$0x830]  }
0x190: {  	v23 =	vld [tilespmem:s26+$0x840]  }
0x191: {  	v24 =	vld [tilespmem:s26+$0x850]  }
0x192: {  	v25 =	vld [tilespmem:s26+$0x860]  }
0x193: {  	v26 =	vld [tilespmem:s26+$0x870]  }
0x194: {  	v27 =	vld [tilespmem:s26+$0xC00]  }
0x195: {  	v28 =	vld [tilespmem:s26+$0xC10]  }
0x196: {  	v29 =	vld [tilespmem:s26+$0xC20]  }
0x197: {  	v30 =	vld [tilespmem:s26+$0xC30]  }
0x198: {  	v31 =	vld [tilespmem:s26+$0xC40]  }
0x199: {  	v32 =	vld [tilespmem:s26+$0xC50]  }
0x19a: {  	v33 =	vld [tilespmem:s26+$0xC60]  }
0x19b: {  	v34 =	vld [tilespmem:s26+$0xC70]  }
0x19c: {  	v35 =	vld [tilespmem:s26+$0x1000]  }
0x19d: {  	v36 =	vld [tilespmem:s26+$0x1010]  }
0x19e: {  	v37 =	vld [tilespmem:s26+$0x1020]  }
0x19f: {  	v38 =	vld [tilespmem:s26+$0x1030]  }
0x1a0: {  	v39 =	vld [tilespmem:s26+$0x1040]  }
0x1a1: {  	v40 =	vld [tilespmem:s26+$0x1050]  }
0x1a2: {  	v41 =	vld [tilespmem:s26+$0x1060]  }
0x1a3: {  	v42 =	vld [tilespmem:s26+$0x1070]  }
0x1a4: {  	v43 =	vld [tilespmem:s26+$0x1400]  }
0x1a5: {  	v44 =	vld [tilespmem:s26+$0x1410]  }
0x1a6: {  	v45 =	vld [tilespmem:s26+$0x1420]  }
0x1a7: {  	v46 =	vld [tilespmem:s26+$0x1430]  }
0x1a8: {  	v2 =	vld [tilespmem:s26+$0x1440]  }
0x1a9: {  	v1 =	vld [tilespmem:s26+$0x1450]  }
0x1aa: {  	[tilespmem:s26+$0x7770] =	vst.add.f32.msk $0xffff, v0  }
0x1ab: {  	v0 =	vld [tilespmem:s26+$0x1460]  }
0x1ac: {  	[tilespmem:s26+$0x6300] =	vst.add.f32.msk $0xffff, v3  }
0x1ad: {  	[tilespmem:s26+$0x6310] =	vst.add.f32.msk $0xffff, v4  }
0x1ae: {  	[tilespmem:s26+$0x6320] =	vst.add.f32.msk $0xffff, v5  }
0x1af: {  	[tilespmem:s26+$0x6330] =	vst.add.f32.msk $0xffff, v6  }
0x1b0: {  	[tilespmem:s26+$0x6340] =	vst.add.f32.msk $0xffff, v7  }
0x1b1: {  	[tilespmem:s26+$0x6350] =	vst.add.f32.msk $0xffff, v8  }
0x1b2: {  	[tilespmem:s26+$0x6360] =	vst.add.f32.msk $0xffff, v9  }
0x1b3: {  	[tilespmem:s26+$0x6370] =	vst.add.f32.msk $0xffff, v10  }
0x1b4: {  	[tilespmem:s26+$0x6700] =	vst.add.f32.msk $0xffff, v11  }
0x1b5: {  	[tilespmem:s26+$0x6710] =	vst.add.f32.msk $0xffff, v12  }
0x1b6: {  	[tilespmem:s26+$0x6720] =	vst.add.f32.msk $0xffff, v13  }
0x1b7: {  	[tilespmem:s26+$0x6730] =	vst.add.f32.msk $0xffff, v14  }
0x1b8: {  	[tilespmem:s26+$0x6740] =	vst.add.f32.msk $0xffff, v15  }
0x1b9: {  	[tilespmem:s26+$0x6750] =	vst.add.f32.msk $0xffff, v16  }
0x1ba: {  	[tilespmem:s26+$0x6760] =	vst.add.f32.msk $0xffff, v17  }
0x1bb: {  	[tilespmem:s26+$0x6770] =	vst.add.f32.msk $0xffff, v18  }
0x1bc: {  	[tilespmem:s26+$0x6B00] =	vst.add.f32.msk $0xffff, v19  }
0x1bd: {  	[tilespmem:s26+$0x6B10] =	vst.add.f32.msk $0xffff, v20  }
0x1be: {  	[tilespmem:s26+$0x6B20] =	vst.add.f32.msk $0xffff, v21  }
0x1bf: {  	[tilespmem:s26+$0x6B30] =	vst.add.f32.msk $0xffff, v22  }
0x1c0: {  	[tilespmem:s26+$0x6B40] =	vst.add.f32.msk $0xffff, v23  }
0x1c1: {  	[tilespmem:s26+$0x6B50] =	vst.add.f32.msk $0xffff, v24  }
0x1c2: {  	[tilespmem:s26+$0x6B60] =	vst.add.f32.msk $0xffff, v25  }
0x1c3: {  	[tilespmem:s26+$0x6B70] =	vst.add.f32.msk $0xffff, v26  }
0x1c4: {  	[tilespmem:s26+$0x6F00] =	vst.add.f32.msk $0xffff, v27  }
0x1c5: {  	[tilespmem:s26+$0x6F10] =	vst.add.f32.msk $0xffff, v28  }
0x1c6: {  	[tilespmem:s26+$0x6F20] =	vst.add.f32.msk $0xffff, v29  }
0x1c7: {  	[tilespmem:s26+$0x6F30] =	vst.add.f32.msk $0xffff, v30  }
0x1c8: {  	[tilespmem:s26+$0x6F40] =	vst.add.f32.msk $0xffff, v31  }
0x1c9: {  	[tilespmem:s26+$0x6F50] =	vst.add.f32.msk $0xffff, v32  }
0x1ca: {  	[tilespmem:s26+$0x6F60] =	vst.add.f32.msk $0xffff, v33  }
0x1cb: {  	[tilespmem:s26+$0x6F70] =	vst.add.f32.msk $0xffff, v34  }
0x1cc: {  	[tilespmem:s26+$0x7300] =	vst.add.f32.msk $0xffff, v35  }
0x1cd: {  	[tilespmem:s26+$0x7310] =	vst.add.f32.msk $0xffff, v36  }
0x1ce: {  	[tilespmem:s26+$0x7320] =	vst.add.f32.msk $0xffff, v37  }
0x1cf: {  	[tilespmem:s26+$0x7330] =	vst.add.f32.msk $0xffff, v38  }
0x1d0: {  	[tilespmem:s26+$0x7340] =	vst.add.f32.msk $0xffff, v39  }
0x1d1: {  	[tilespmem:s26+$0x7350] =	vst.add.f32.msk $0xffff, v40  }
0x1d2: {  	[tilespmem:s26+$0x7360] =	vst.add.f32.msk $0xffff, v41  }
0x1d3: {  	[tilespmem:s26+$0x7370] =	vst.add.f32.msk $0xffff, v42  }
0x1d4: {  	[tilespmem:s26+$0x7700] =	vst.add.f32.msk $0xffff, v43  }
0x1d5: {  	[tilespmem:s26+$0x7710] =	vst.add.f32.msk $0xffff, v44  }
0x1d6: {  	[tilespmem:s26+$0x7720] =	vst.add.f32.msk $0xffff, v45  }
0x1d7: {  	s29 =	simm.s32 $0x0;
	s28 =	simm.s32 $0x2;
	[tilespmem:s26+$0x7730] =	vst.add.f32.msk $0xffff, v46  }
.LBB2_4:
0x1d8: {  	p0 =	sne.s32 s28, $0x1F;
	s29 =	smul.u32 $0x1800, s29;
	[tilespmem:s26+$0x7740] =	vst.add.f32.msk $0xffff, v2;
	s25 =	sadd.s32 $0x80, s25  }
0x1d9: {  	s30 =	sand.u32 $0x380, s25;
	[tilespmem:s26+$0x7750] =	vst.add.f32.msk $0xffff, v1  }
0x1da: {  	[tilespmem:s26+$0x7760] =	vst.add.f32.msk $0xffff, v0;
	s26 =	sor.u32 s30, s29  }
0x1db: {  	v0 =	vld [tilespmem:s26+$0x1470]  }
0x1dc: {  	v3 =	vld [tilespmem:s26+$0x0]  }
0x1dd: {  	v4 =	vld [tilespmem:s26+$0x10]  }
0x1de: {  	v5 =	vld [tilespmem:s26+$0x20]  }
0x1df: {  	v6 =	vld [tilespmem:s26+$0x30]  }
0x1e0: {  	[tilespmem:s26+$0x7770] =	vst.add.f32.msk $0xffff, v0  }
0x1e1: {  	v7 =	vld [tilespmem:s26+$0x40]  }
0x1e2: {  	v8 =	vld [tilespmem:s26+$0x50]  }
0x1e3: {  	v9 =	vld [tilespmem:s26+$0x60]  }
0x1e4: {  	v10 =	vld [tilespmem:s26+$0x70]  }
0x1e5: {  	v11 =	vld [tilespmem:s26+$0x400]  }
0x1e6: {  	v12 =	vld [tilespmem:s26+$0x410]  }
0x1e7: {  	v13 =	vld [tilespmem:s26+$0x420]  }
0x1e8: {  	v14 =	vld [tilespmem:s26+$0x430]  }
0x1e9: {  	v15 =	vld [tilespmem:s26+$0x440]  }
0x1ea: {  	v16 =	vld [tilespmem:s26+$0x450]  }
0x1eb: {  	v17 =	vld [tilespmem:s26+$0x460]  }
0x1ec: {  	v18 =	vld [tilespmem:s26+$0x470]  }
0x1ed: {  	v19 =	vld [tilespmem:s26+$0x800]  }
0x1ee: {  	v20 =	vld [tilespmem:s26+$0x810]  }
0x1ef: {  	v21 =	vld [tilespmem:s26+$0x820]  }
0x1f0: {  	v22 =	vld [tilespmem:s26+$0x830]  }
0x1f1: {  	v23 =	vld [tilespmem:s26+$0x840]  }
0x1f2: {  	v24 =	vld [tilespmem:s26+$0x850]  }
0x1f3: {  	v25 =	vld [tilespmem:s26+$0x860]  }
0x1f4: {  	v26 =	vld [tilespmem:s26+$0x870]  }
0x1f5: {  	v27 =	vld [tilespmem:s26+$0xC00]  }
0x1f6: {  	v28 =	vld [tilespmem:s26+$0xC10]  }
0x1f7: {  	v29 =	vld [tilespmem:s26+$0xC20]  }
0x1f8: {  	v30 =	vld [tilespmem:s26+$0xC30]  }
0x1f9: {  	v31 =	vld [tilespmem:s26+$0xC40]  }
0x1fa: {  	v32 =	vld [tilespmem:s26+$0xC50]  }
0x1fb: {  	v33 =	vld [tilespmem:s26+$0xC60]  }
0x1fc: {  	v34 =	vld [tilespmem:s26+$0xC70]  }
0x1fd: {  	v35 =	vld [tilespmem:s26+$0x1000]  }
0x1fe: {  	v36 =	vld [tilespmem:s26+$0x1010]  }
0x1ff: {  	v37 =	vld [tilespmem:s26+$0x1020]  }
0x200: {  	v38 =	vld [tilespmem:s26+$0x1030]  }
0x201: {  	v39 =	vld [tilespmem:s26+$0x1040]  }
0x202: {  	v40 =	vld [tilespmem:s26+$0x1050]  }
0x203: {  	v41 =	vld [tilespmem:s26+$0x1060]  }
0x204: {  	v42 =	vld [tilespmem:s26+$0x1070]  }
0x205: {  	v43 =	vld [tilespmem:s26+$0x1400]  }
0x206: {  	v44 =	vld [tilespmem:s26+$0x1410]  }
0x207: {  	v45 =	vld [tilespmem:s26+$0x1420]  }
0x208: {  	v46 =	vld [tilespmem:s26+$0x1430]  }
0x209: {  	v2 =	vld [tilespmem:s26+$0x1440]  }
0x20a: {  	v1 =	vld [tilespmem:s26+$0x1450]  }
0x20b: {  	v0 =	vld [tilespmem:s26+$0x1460]  }
0x20c: {  	[tilespmem:s26+$0x6300] =	vst.add.f32.msk $0xffff, v3  }
0x20d: {  	[tilespmem:s26+$0x6310] =	vst.add.f32.msk $0xffff, v4  }
0x20e: {  	[tilespmem:s26+$0x6320] =	vst.add.f32.msk $0xffff, v5  }
0x20f: {  	[tilespmem:s26+$0x6330] =	vst.add.f32.msk $0xffff, v6  }
0x210: {  	[tilespmem:s26+$0x6340] =	vst.add.f32.msk $0xffff, v7  }
0x211: {  	[tilespmem:s26+$0x6350] =	vst.add.f32.msk $0xffff, v8  }
0x212: {  	[tilespmem:s26+$0x6360] =	vst.add.f32.msk $0xffff, v9  }
0x213: {  	[tilespmem:s26+$0x6370] =	vst.add.f32.msk $0xffff, v10  }
0x214: {  	[tilespmem:s26+$0x6700] =	vst.add.f32.msk $0xffff, v11  }
0x215: {  	[tilespmem:s26+$0x6710] =	vst.add.f32.msk $0xffff, v12  }
0x216: {  	[tilespmem:s26+$0x6720] =	vst.add.f32.msk $0xffff, v13  }
0x217: {  	[tilespmem:s26+$0x6730] =	vst.add.f32.msk $0xffff, v14  }
0x218: {  	[tilespmem:s26+$0x6740] =	vst.add.f32.msk $0xffff, v15  }
0x219: {  	[tilespmem:s26+$0x6750] =	vst.add.f32.msk $0xffff, v16  }
0x21a: {  	[tilespmem:s26+$0x6760] =	vst.add.f32.msk $0xffff, v17  }
0x21b: {  	[tilespmem:s26+$0x6770] =	vst.add.f32.msk $0xffff, v18  }
0x21c: {  	[tilespmem:s26+$0x6B00] =	vst.add.f32.msk $0xffff, v19  }
0x21d: {  	[tilespmem:s26+$0x6B10] =	vst.add.f32.msk $0xffff, v20  }
0x21e: {  	[tilespmem:s26+$0x6B20] =	vst.add.f32.msk $0xffff, v21  }
0x21f: {  	[tilespmem:s26+$0x6B30] =	vst.add.f32.msk $0xffff, v22  }
0x220: {  	[tilespmem:s26+$0x6B40] =	vst.add.f32.msk $0xffff, v23  }
0x221: {  	[tilespmem:s26+$0x6B50] =	vst.add.f32.msk $0xffff, v24  }
0x222: {  	[tilespmem:s26+$0x6B60] =	vst.add.f32.msk $0xffff, v25  }
0x223: {  	[tilespmem:s26+$0x6B70] =	vst.add.f32.msk $0xffff, v26  }
0x224: {  	[tilespmem:s26+$0x6F00] =	vst.add.f32.msk $0xffff, v27  }
0x225: {  	[tilespmem:s26+$0x6F10] =	vst.add.f32.msk $0xffff, v28  }
0x226: {  	[tilespmem:s26+$0x6F20] =	vst.add.f32.msk $0xffff, v29  }
0x227: {  	[tilespmem:s26+$0x6F30] =	vst.add.f32.msk $0xffff, v30  }
0x228: {  	[tilespmem:s26+$0x6F40] =	vst.add.f32.msk $0xffff, v31  }
0x229: {  	[tilespmem:s26+$0x6F50] =	vst.add.f32.msk $0xffff, v32  }
0x22a: {  	[tilespmem:s26+$0x6F60] =	vst.add.f32.msk $0xffff, v33  }
0x22b: {  	[tilespmem:s26+$0x6F70] =	vst.add.f32.msk $0xffff, v34  }
0x22c: {  	[tilespmem:s26+$0x7300] =	vst.add.f32.msk $0xffff, v35  }
0x22d: {  	[tilespmem:s26+$0x7310] =	vst.add.f32.msk $0xffff, v36  }
0x22e: {  	[tilespmem:s26+$0x7320] =	vst.add.f32.msk $0xffff, v37  }
0x22f: {  	[tilespmem:s26+$0x7330] =	vst.add.f32.msk $0xffff, v38  }
0x230: {  	[tilespmem:s26+$0x7340] =	vst.add.f32.msk $0xffff, v39  }
0x231: {  	[tilespmem:s26+$0x7350] =	vst.add.f32.msk $0xffff, v40  }
0x232: {  	[tilespmem:s26+$0x7360] =	vst.add.f32.msk $0xffff, v41  }
.Ltmp1:
0x233: {  	[tilespmem:s26+$0x7370] =	vst.add.f32.msk $0xffff, v42;
	(pc) =	sbr.rel @p0 .LBB2_4-.Ltmp1, $4  }
0x234: {  	[tilespmem:s26+$0x7700] =	vst.add.f32.msk $0xffff, v43  }
0x235: {  	[tilespmem:s26+$0x7710] =	vst.add.f32.msk $0xffff, v44  }
0x236: {  	[tilespmem:s26+$0x7720] =	vst.add.f32.msk $0xffff, v45  }
0x237: {  	s29 =	sshrl.u32 s28, $0x3;
	s28 =	sadd.s32 $0x1, s28;
	[tilespmem:s26+$0x7730] =	vst.add.f32.msk $0xffff, v46  }
0x238: {  	s28 =	smul.u32 $0x1800, s29;
	[tilespmem:s26+$0x7740] =	vst.add.f32.msk $0xffff, v2;
	s25 =	sadd.s32 $0x80, s25  }
0x239: {  	[tilespmem:s26+$0x7750] =	vst.add.f32.msk $0xffff, v1;
	s25 =	sand.u32 $0x380, s25  }
0x23a: {  	[tilespmem:s26+$0x7760] =	vst.add.f32.msk $0xffff, v0;
	s25 =	sor.u32 s25, s28  }
0x23b: {  	v0 =	vld [tilespmem:s25+$0x1470]  }
0x23c: {  	v1 =	vld [tilespmem:s25+$0x0]  }
0x23d: {  	v2 =	vld [tilespmem:s25+$0x10]  }
0x23e: {  	v3 =	vld [tilespmem:s25+$0x20]  }
0x23f: {  	v4 =	vld [tilespmem:s25+$0x30]  }
0x240: {  	v5 =	vld [tilespmem:s25+$0x50]  }
0x241: {  	v6 =	vld [tilespmem:s25+$0x60]  }
0x242: {  	v7 =	vld [tilespmem:s25+$0x70]  }
0x243: {  	v8 =	vld [tilespmem:s25+$0x400]  }
0x244: {  	v9 =	vld [tilespmem:s25+$0x410]  }
0x245: {  	v10 =	vld [tilespmem:s25+$0x420]  }
0x246: {  	v11 =	vld [tilespmem:s25+$0x430]  }
0x247: {  	v12 =	vld [tilespmem:s25+$0x440]  }
0x248: {  	v13 =	vld [tilespmem:s25+$0x450]  }
0x249: {  	v14 =	vld [tilespmem:s25+$0x460]  }
0x24a: {  	v15 =	vld [tilespmem:s25+$0x470]  }
0x24b: {  	v16 =	vld [tilespmem:s25+$0x800]  }
0x24c: {  	v17 =	vld [tilespmem:s25+$0x810]  }
0x24d: {  	v18 =	vld [tilespmem:s25+$0x820]  }
0x24e: {  	v19 =	vld [tilespmem:s25+$0x830]  }
0x24f: {  	v20 =	vld [tilespmem:s25+$0x840]  }
0x250: {  	v21 =	vld [tilespmem:s25+$0x850]  }
0x251: {  	v22 =	vld [tilespmem:s25+$0x860]  }
0x252: {  	v23 =	vld [tilespmem:s25+$0x870]  }
0x253: {  	v24 =	vld [tilespmem:s25+$0xC00]  }
0x254: {  	v25 =	vld [tilespmem:s25+$0xC10]  }
0x255: {  	v26 =	vld [tilespmem:s25+$0xC20]  }
0x256: {  	v27 =	vld [tilespmem:s25+$0xC30]  }
0x257: {  	v28 =	vld [tilespmem:s25+$0xC40]  }
0x258: {  	v29 =	vld [tilespmem:s25+$0xC50]  }
0x259: {  	v30 =	vld [tilespmem:s25+$0xC60]  }
0x25a: {  	v31 =	vld [tilespmem:s25+$0xC70]  }
0x25b: {  	v32 =	vld [tilespmem:s25+$0x1000]  }
0x25c: {  	v33 =	vld [tilespmem:s25+$0x1010]  }
0x25d: {  	v34 =	vld [tilespmem:s25+$0x1020]  }
0x25e: {  	v35 =	vld [tilespmem:s25+$0x1030]  }
0x25f: {  	v36 =	vld [tilespmem:s25+$0x1040]  }
0x260: {  	v37 =	vld [tilespmem:s25+$0x1050]  }
0x261: {  	v38 =	vld [tilespmem:s25+$0x1060]  }
0x262: {  	v39 =	vld [tilespmem:s25+$0x1070]  }
0x263: {  	v40 =	vld [tilespmem:s25+$0x1400]  }
0x264: {  	v41 =	vld [tilespmem:s25+$0x1410]  }
0x265: {  	v42 =	vld [tilespmem:s25+$0x1420]  }
0x266: {  	v43 =	vld [tilespmem:s25+$0x1430]  }
0x267: {  	v44 =	vld [tilespmem:s25+$0x1440]  }
0x268: {  	v45 =	vld [tilespmem:s25+$0x1450]  }
0x269: {  	v46 =	vld [tilespmem:s25+$0x1460]  }
0x26a: {  	[tilespmem:s25+$0x7770] =	vst.add.f32.msk $0xffff, v0  }
0x26b: {  	v0 =	vld [tilespmem:s25+$0x40]  }
0x26c: {  	[tilespmem:s25+$0x6300] =	vst.add.f32.msk $0xffff, v1  }
0x26d: {  	[tilespmem:s25+$0x6310] =	vst.add.f32.msk $0xffff, v2  }
0x26e: {  	[tilespmem:s25+$0x6320] =	vst.add.f32.msk $0xffff, v3  }
0x26f: {  	[tilespmem:s25+$0x6330] =	vst.add.f32.msk $0xffff, v4  }
0x270: {  	[tilespmem:s25+$0x6350] =	vst.add.f32.msk $0xffff, v5  }
0x271: {  	[tilespmem:s25+$0x6360] =	vst.add.f32.msk $0xffff, v6  }
0x272: {  	[tilespmem:s25+$0x6370] =	vst.add.f32.msk $0xffff, v7  }
0x273: {  	[tilespmem:s25+$0x6700] =	vst.add.f32.msk $0xffff, v8  }
0x274: {  	[tilespmem:s25+$0x6710] =	vst.add.f32.msk $0xffff, v9  }
0x275: {  	[tilespmem:s25+$0x6720] =	vst.add.f32.msk $0xffff, v10  }
0x276: {  	[tilespmem:s25+$0x6730] =	vst.add.f32.msk $0xffff, v11  }
0x277: {  	[tilespmem:s25+$0x6740] =	vst.add.f32.msk $0xffff, v12  }
0x278: {  	[tilespmem:s25+$0x6750] =	vst.add.f32.msk $0xffff, v13  }
0x279: {  	[tilespmem:s25+$0x6760] =	vst.add.f32.msk $0xffff, v14  }
0x27a: {  	[tilespmem:s25+$0x6770] =	vst.add.f32.msk $0xffff, v15  }
0x27b: {  	[tilespmem:s25+$0x6B00] =	vst.add.f32.msk $0xffff, v16  }
0x27c: {  	[tilespmem:s25+$0x6B10] =	vst.add.f32.msk $0xffff, v17  }
0x27d: {  	[tilespmem:s25+$0x6B20] =	vst.add.f32.msk $0xffff, v18  }
0x27e: {  	[tilespmem:s25+$0x6B30] =	vst.add.f32.msk $0xffff, v19  }
0x27f: {  	[tilespmem:s25+$0x6B40] =	vst.add.f32.msk $0xffff, v20  }
0x280: {  	[tilespmem:s25+$0x6B50] =	vst.add.f32.msk $0xffff, v21  }
0x281: {  	[tilespmem:s25+$0x6B60] =	vst.add.f32.msk $0xffff, v22  }
0x282: {  	[tilespmem:s25+$0x6B70] =	vst.add.f32.msk $0xffff, v23  }
0x283: {  	[tilespmem:s25+$0x6F00] =	vst.add.f32.msk $0xffff, v24  }
0x284: {  	[tilespmem:s25+$0x6F10] =	vst.add.f32.msk $0xffff, v25  }
0x285: {  	[tilespmem:s25+$0x6F20] =	vst.add.f32.msk $0xffff, v26  }
0x286: {  	[tilespmem:s25+$0x6F30] =	vst.add.f32.msk $0xffff, v27  }
0x287: {  	[tilespmem:s25+$0x6F40] =	vst.add.f32.msk $0xffff, v28  }
0x288: {  	[tilespmem:s25+$0x6F50] =	vst.add.f32.msk $0xffff, v29  }
0x289: {  	[tilespmem:s25+$0x6F60] =	vst.add.f32.msk $0xffff, v30  }
0x28a: {  	[tilespmem:s25+$0x6F70] =	vst.add.f32.msk $0xffff, v31  }
0x28b: {  	[tilespmem:s25+$0x7300] =	vst.add.f32.msk $0xffff, v32  }
0x28c: {  	[tilespmem:s25+$0x7310] =	vst.add.f32.msk $0xffff, v33  }
0x28d: {  	[tilespmem:s25+$0x7320] =	vst.add.f32.msk $0xffff, v34  }
0x28e: {  	[tilespmem:s25+$0x7330] =	vst.add.f32.msk $0xffff, v35  }
0x28f: {  	[tilespmem:s25+$0x7340] =	vst.add.f32.msk $0xffff, v36  }
0x290: {  	[tilespmem:s25+$0x7350] =	vst.add.f32.msk $0xffff, v37  }
0x291: {  	[tilespmem:s25+$0x7360] =	vst.add.f32.msk $0xffff, v38  }
0x292: {  	[tilespmem:s25+$0x7370] =	vst.add.f32.msk $0xffff, v39  }
0x293: {  	[tilespmem:s25+$0x7700] =	vst.add.f32.msk $0xffff, v40  }
0x294: {  	[tilespmem:s25+$0x7710] =	vst.add.f32.msk $0xffff, v41  }
0x295: {  	[tilespmem:s25+$0x7720] =	vst.add.f32.msk $0xffff, v42  }
0x296: {  	[tilespmem:s25+$0x7730] =	vst.add.f32.msk $0xffff, v43  }
0x297: {  	[tilespmem:s25+$0x7740] =	vst.add.f32.msk $0xffff, v44  }
0x298: {  	[tilespmem:s25+$0x7750] =	vst.add.f32.msk $0xffff, v45  }
0x299: {  	[tilespmem:s25+$0x7760] =	vst.add.f32.msk $0xffff, v46  }
0x29a: {  	[tilespmem:s25+$0x6340] =	vst.add.f32.msk $0xffff, v0;
	s25 =	simm.s32 $0x0  }
0x29b: {  	[hbm4b:s7+s25] =	stream.linear.scatter [tilespmem:s18], [sflag:$0x3], $0x6000, $0x38;
	[tilespmem:$0x12300] =	vst v63  }
0x29c: {  	_ =	swait.ge [sflag:s21], $0x6000  }
0x29d: {  	[sflag:s21] =	ssyncset.done $0x0  }
0x29e: {  	s31 =	simm.s32 $0x0;
	[sflag:s21] =	ssyncadd.s32 $0xFFFFA000  }
0x29f: {  	s26 =	smul.u32 $0x1800, s31;
	_ =	swait.ge [sflag:s22], $0x6000  }
0x2a0: {  	s28 =	sand.u32 $0x380, s25;
	[sflag:s22] =	ssyncset.done $0x0  }
0x2a1: {  	s26 =	sor.u32 s28, s26;
	[sflag:s22] =	ssyncadd.s32 $0xFFFFA000  }
0x2a2: {  	[tilespmem:s18], [sflag:$0x1] =	stream.linear.gather [hbm4b:s8+s25], $0x6000, $0x38;
	[tilespmem:$0x12300] =	vst v63  }
0x2a3: {  	v0 =	vld [tilespmem:s26+$0x1470]  }
0x2a4: {  	v3 =	vld [tilespmem:s26+$0x0]  }
0x2a5: {  	v4 =	vld [tilespmem:s26+$0x10]  }
0x2a6: {  	v5 =	vld [tilespmem:s26+$0x20]  }
0x2a7: {  	v6 =	vld [tilespmem:s26+$0x30]  }
0x2a8: {  	v7 =	vld [tilespmem:s26+$0x40]  }
0x2a9: {  	v8 =	vld [tilespmem:s26+$0x50]  }
0x2aa: {  	v9 =	vld [tilespmem:s26+$0x60]  }
0x2ab: {  	v10 =	vld [tilespmem:s26+$0x70]  }
0x2ac: {  	v11 =	vld [tilespmem:s26+$0x400]  }
0x2ad: {  	v12 =	vld [tilespmem:s26+$0x410]  }
0x2ae: {  	v13 =	vld [tilespmem:s26+$0x420]  }
0x2af: {  	v14 =	vld [tilespmem:s26+$0x430]  }
0x2b0: {  	v15 =	vld [tilespmem:s26+$0x440]  }
0x2b1: {  	v16 =	vld [tilespmem:s26+$0x450]  }
0x2b2: {  	v17 =	vld [tilespmem:s26+$0x460]  }
0x2b3: {  	v18 =	vld [tilespmem:s26+$0x470]  }
0x2b4: {  	v19 =	vld [tilespmem:s26+$0x800]  }
0x2b5: {  	v20 =	vld [tilespmem:s26+$0x810]  }
0x2b6: {  	v21 =	vld [tilespmem:s26+$0x820]  }
0x2b7: {  	v22 =	vld [tilespmem:s26+$0x830]  }
0x2b8: {  	v23 =	vld [tilespmem:s26+$0x840]  }
0x2b9: {  	v24 =	vld [tilespmem:s26+$0x850]  }
0x2ba: {  	v25 =	vld [tilespmem:s26+$0x860]  }
0x2bb: {  	v26 =	vld [tilespmem:s26+$0x870]  }
0x2bc: {  	v27 =	vld [tilespmem:s26+$0xC00]  }
0x2bd: {  	v28 =	vld [tilespmem:s26+$0xC10]  }
0x2be: {  	v29 =	vld [tilespmem:s26+$0xC20]  }
0x2bf: {  	v30 =	vld [tilespmem:s26+$0xC30]  }
0x2c0: {  	v48 =	vld [tilespmem:s26+$0xC40]  }
0x2c1: {  	v49 =	vld [tilespmem:s26+$0xC50]  }
0x2c2: {  	v50 =	vld [tilespmem:s26+$0xC60]  }
0x2c3: {  	v51 =	vld [tilespmem:s26+$0xC70]  }
0x2c4: {  	v52 =	vld [tilespmem:s26+$0x1000]  }
0x2c5: {  	v53 =	vld [tilespmem:s26+$0x1010]  }
0x2c6: {  	v54 =	vld [tilespmem:s26+$0x1020]  }
0x2c7: {  	v55 =	vld [tilespmem:s26+$0x1030]  }
0x2c8: {  	v56 =	vld [tilespmem:s26+$0x1040]  }
0x2c9: {  	v57 =	vld [tilespmem:s26+$0x1050]  }
0x2ca: {  	v58 =	vld [tilespmem:s26+$0x1060]  }
0x2cb: {  	v59 =	vld [tilespmem:s26+$0x1070]  }
0x2cc: {  	v60 =	vld [tilespmem:s26+$0x1400]  }
0x2cd: {  	v61 =	vld [tilespmem:s26+$0x1410]  }
0x2ce: {  	v62 =	vld [tilespmem:s26+$0x1420]  }
0x2cf: {  	v63 =	vld [tilespmem:s26+$0x1430]  }
0x2d0: {  	v2 =	vld [tilespmem:s26+$0x1440]  }
0x2d1: {  	v1 =	vld [tilespmem:s26+$0x1450]  }
0x2d2: {  	[tilespmem:s26+$0xD770] =	vst.add.f32.msk $0xffff, v0  }
0x2d3: {  	v0 =	vld [tilespmem:s26+$0x1460]  }
0x2d4: {  	[tilespmem:s26+$0xC300] =	vst.add.f32.msk $0xffff, v3  }
0x2d5: {  	[tilespmem:s26+$0xC310] =	vst.add.f32.msk $0xffff, v4  }
0x2d6: {  	[tilespmem:s26+$0xC320] =	vst.add.f32.msk $0xffff, v5  }
0x2d7: {  	[tilespmem:s26+$0xC330] =	vst.add.f32.msk $0xffff, v6  }
0x2d8: {  	[tilespmem:s26+$0xC340] =	vst.add.f32.msk $0xffff, v7  }
0x2d9: {  	[tilespmem:s26+$0xC350] =	vst.add.f32.msk $0xffff, v8  }
0x2da: {  	[tilespmem:s26+$0xC360] =	vst.add.f32.msk $0xffff, v9  }
0x2db: {  	[tilespmem:s26+$0xC370] =	vst.add.f32.msk $0xffff, v10  }
0x2dc: {  	[tilespmem:s26+$0xC700] =	vst.add.f32.msk $0xffff, v11  }
0x2dd: {  	[tilespmem:s26+$0xC710] =	vst.add.f32.msk $0xffff, v12  }
0x2de: {  	[tilespmem:s26+$0xC720] =	vst.add.f32.msk $0xffff, v13  }
0x2df: {  	[tilespmem:s26+$0xC730] =	vst.add.f32.msk $0xffff, v14  }
0x2e0: {  	[tilespmem:s26+$0xC740] =	vst.add.f32.msk $0xffff, v15  }
0x2e1: {  	[tilespmem:s26+$0xC750] =	vst.add.f32.msk $0xffff, v16  }
0x2e2: {  	[tilespmem:s26+$0xC760] =	vst.add.f32.msk $0xffff, v17  }
0x2e3: {  	[tilespmem:s26+$0xC770] =	vst.add.f32.msk $0xffff, v18  }
0x2e4: {  	[tilespmem:s26+$0xCB00] =	vst.add.f32.msk $0xffff, v19  }
0x2e5: {  	[tilespmem:s26+$0xCB10] =	vst.add.f32.msk $0xffff, v20  }
0x2e6: {  	[tilespmem:s26+$0xCB20] =	vst.add.f32.msk $0xffff, v21  }
0x2e7: {  	[tilespmem:s26+$0xCB30] =	vst.add.f32.msk $0xffff, v22  }
0x2e8: {  	[tilespmem:s26+$0xCB40] =	vst.add.f32.msk $0xffff, v23  }
0x2e9: {  	[tilespmem:s26+$0xCB50] =	vst.add.f32.msk $0xffff, v24  }
0x2ea: {  	[tilespmem:s26+$0xCB60] =	vst.add.f32.msk $0xffff, v25  }
0x2eb: {  	[tilespmem:s26+$0xCB70] =	vst.add.f32.msk $0xffff, v26  }
0x2ec: {  	[tilespmem:s26+$0xCF00] =	vst.add.f32.msk $0xffff, v27  }
0x2ed: {  	[tilespmem:s26+$0xCF10] =	vst.add.f32.msk $0xffff, v28  }
0x2ee: {  	[tilespmem:s26+$0xCF20] =	vst.add.f32.msk $0xffff, v29  }
0x2ef: {  	[tilespmem:s26+$0xCF30] =	vst.add.f32.msk $0xffff, v30  }
0x2f0: {  	[tilespmem:s26+$0xCF40] =	vst.add.f32.msk $0xffff, v48  }
0x2f1: {  	[tilespmem:s26+$0xCF50] =	vst.add.f32.msk $0xffff, v49  }
0x2f2: {  	[tilespmem:s26+$0xCF60] =	vst.add.f32.msk $0xffff, v50  }
0x2f3: {  	[tilespmem:s26+$0xCF70] =	vst.add.f32.msk $0xffff, v51  }
0x2f4: {  	[tilespmem:s26+$0xD300] =	vst.add.f32.msk $0xffff, v52  }
0x2f5: {  	[tilespmem:s26+$0xD310] =	vst.add.f32.msk $0xffff, v53  }
0x2f6: {  	[tilespmem:s26+$0xD320] =	vst.add.f32.msk $0xffff, v54  }
0x2f7: {  	[tilespmem:s26+$0xD330] =	vst.add.f32.msk $0xffff, v55  }
0x2f8: {  	[tilespmem:s26+$0xD340] =	vst.add.f32.msk $0xffff, v56  }
0x2f9: {  	[tilespmem:s26+$0xD350] =	vst.add.f32.msk $0xffff, v57  }
0x2fa: {  	[tilespmem:s26+$0xD360] =	vst.add.f32.msk $0xffff, v58  }
0x2fb: {  	[tilespmem:s26+$0xD370] =	vst.add.f32.msk $0xffff, v59  }
0x2fc: {  	[tilespmem:s26+$0xD700] =	vst.add.f32.msk $0xffff, v60  }
0x2fd: {  	[tilespmem:s26+$0xD710] =	vst.add.f32.msk $0xffff, v61  }
0x2fe: {  	[tilespmem:s26+$0xD720] =	vst.add.f32.msk $0xffff, v62  }
0x2ff: {  	s29 =	simm.s32 $0x0;
	s28 =	simm.s32 $0x2;
	[tilespmem:s26+$0xD730] =	vst.add.f32.msk $0xffff, v63  }
.LBB2_6:
0x300: {  	p0 =	sne.s32 s28, $0x1F;
	s29 =	smul.u32 $0x1800, s29;
	[tilespmem:s26+$0xD740] =	vst.add.f32.msk $0xffff, v2;
	s25 =	sadd.s32 $0x80, s25  }
0x301: {  	s30 =	sand.u32 $0x380, s25;
	[tilespmem:s26+$0xD750] =	vst.add.f32.msk $0xffff, v1  }
0x302: {  	[tilespmem:s26+$0xD760] =	vst.add.f32.msk $0xffff, v0;
	s26 =	sor.u32 s30, s29  }
0x303: {  	v0 =	vld [tilespmem:s26+$0x1470]  }
0x304: {  	v3 =	vld [tilespmem:s26+$0x0]  }
0x305: {  	v4 =	vld [tilespmem:s26+$0x10]  }
0x306: {  	v5 =	vld [tilespmem:s26+$0x20]  }
0x307: {  	v6 =	vld [tilespmem:s26+$0x30]  }
0x308: {  	[tilespmem:s26+$0xD770] =	vst.add.f32.msk $0xffff, v0  }
0x309: {  	v7 =	vld [tilespmem:s26+$0x40]  }
0x30a: {  	v8 =	vld [tilespmem:s26+$0x50]  }
0x30b: {  	v9 =	vld [tilespmem:s26+$0x60]  }
0x30c: {  	v10 =	vld [tilespmem:s26+$0x70]  }
0x30d: {  	v11 =	vld [tilespmem:s26+$0x400]  }
0x30e: {  	v12 =	vld [tilespmem:s26+$0x410]  }
0x30f: {  	v13 =	vld [tilespmem:s26+$0x420]  }
0x310: {  	v14 =	vld [tilespmem:s26+$0x430]  }
0x311: {  	v15 =	vld [tilespmem:s26+$0x440]  }
0x312: {  	v16 =	vld [tilespmem:s26+$0x450]  }
0x313: {  	v17 =	vld [tilespmem:s26+$0x460]  }
0x314: {  	v18 =	vld [tilespmem:s26+$0x470]  }
0x315: {  	v19 =	vld [tilespmem:s26+$0x800]  }
0x316: {  	v20 =	vld [tilespmem:s26+$0x810]  }
0x317: {  	v21 =	vld [tilespmem:s26+$0x820]  }
0x318: {  	v22 =	vld [tilespmem:s26+$0x830]  }
0x319: {  	v23 =	vld [tilespmem:s26+$0x840]  }
0x31a: {  	v24 =	vld [tilespmem:s26+$0x850]  }
0x31b: {  	v25 =	vld [tilespmem:s26+$0x860]  }
0x31c: {  	v26 =	vld [tilespmem:s26+$0x870]  }
0x31d: {  	v27 =	vld [tilespmem:s26+$0xC00]  }
0x31e: {  	v28 =	vld [tilespmem:s26+$0xC10]  }
0x31f: {  	v29 =	vld [tilespmem:s26+$0xC20]  }
0x320: {  	v30 =	vld [tilespmem:s26+$0xC30]  }
0x321: {  	v31 =	vld [tilespmem:s26+$0xC40]  }
0x322: {  	v32 =	vld [tilespmem:s26+$0xC50]  }
0x323: {  	v33 =	vld [tilespmem:s26+$0xC60]  }
0x324: {  	v34 =	vld [tilespmem:s26+$0xC70]  }
0x325: {  	v35 =	vld [tilespmem:s26+$0x1000]  }
0x326: {  	v36 =	vld [tilespmem:s26+$0x1010]  }
0x327: {  	v37 =	vld [tilespmem:s26+$0x1020]  }
0x328: {  	v38 =	vld [tilespmem:s26+$0x1030]  }
0x329: {  	v39 =	vld [tilespmem:s26+$0x1040]  }
0x32a: {  	v40 =	vld [tilespmem:s26+$0x1050]  }
0x32b: {  	v41 =	vld [tilespmem:s26+$0x1060]  }
0x32c: {  	v42 =	vld [tilespmem:s26+$0x1070]  }
0x32d: {  	v43 =	vld [tilespmem:s26+$0x1400]  }
0x32e: {  	v44 =	vld [tilespmem:s26+$0x1410]  }
0x32f: {  	v45 =	vld [tilespmem:s26+$0x1420]  }
0x330: {  	v46 =	vld [tilespmem:s26+$0x1430]  }
0x331: {  	v2 =	vld [tilespmem:s26+$0x1440]  }
0x332: {  	v1 =	vld [tilespmem:s26+$0x1450]  }
0x333: {  	v0 =	vld [tilespmem:s26+$0x1460]  }
0x334: {  	[tilespmem:s26+$0xC300] =	vst.add.f32.msk $0xffff, v3  }
0x335: {  	[tilespmem:s26+$0xC310] =	vst.add.f32.msk $0xffff, v4  }
0x336: {  	[tilespmem:s26+$0xC320] =	vst.add.f32.msk $0xffff, v5  }
0x337: {  	[tilespmem:s26+$0xC330] =	vst.add.f32.msk $0xffff, v6  }
0x338: {  	[tilespmem:s26+$0xC340] =	vst.add.f32.msk $0xffff, v7  }
0x339: {  	[tilespmem:s26+$0xC350] =	vst.add.f32.msk $0xffff, v8  }
0x33a: {  	[tilespmem:s26+$0xC360] =	vst.add.f32.msk $0xffff, v9  }
0x33b: {  	[tilespmem:s26+$0xC370] =	vst.add.f32.msk $0xffff, v10  }
0x33c: {  	[tilespmem:s26+$0xC700] =	vst.add.f32.msk $0xffff, v11  }
0x33d: {  	[tilespmem:s26+$0xC710] =	vst.add.f32.msk $0xffff, v12  }
0x33e: {  	[tilespmem:s26+$0xC720] =	vst.add.f32.msk $0xffff, v13  }
0x33f: {  	[tilespmem:s26+$0xC730] =	vst.add.f32.msk $0xffff, v14  }
0x340: {  	[tilespmem:s26+$0xC740] =	vst.add.f32.msk $0xffff, v15  }
0x341: {  	[tilespmem:s26+$0xC750] =	vst.add.f32.msk $0xffff, v16  }
0x342: {  	[tilespmem:s26+$0xC760] =	vst.add.f32.msk $0xffff, v17  }
0x343: {  	[tilespmem:s26+$0xC770] =	vst.add.f32.msk $0xffff, v18  }
0x344: {  	[tilespmem:s26+$0xCB00] =	vst.add.f32.msk $0xffff, v19  }
0x345: {  	[tilespmem:s26+$0xCB10] =	vst.add.f32.msk $0xffff, v20  }
0x346: {  	[tilespmem:s26+$0xCB20] =	vst.add.f32.msk $0xffff, v21  }
0x347: {  	[tilespmem:s26+$0xCB30] =	vst.add.f32.msk $0xffff, v22  }
0x348: {  	[tilespmem:s26+$0xCB40] =	vst.add.f32.msk $0xffff, v23  }
0x349: {  	[tilespmem:s26+$0xCB50] =	vst.add.f32.msk $0xffff, v24  }
0x34a: {  	[tilespmem:s26+$0xCB60] =	vst.add.f32.msk $0xffff, v25  }
0x34b: {  	[tilespmem:s26+$0xCB70] =	vst.add.f32.msk $0xffff, v26  }
0x34c: {  	[tilespmem:s26+$0xCF00] =	vst.add.f32.msk $0xffff, v27  }
0x34d: {  	[tilespmem:s26+$0xCF10] =	vst.add.f32.msk $0xffff, v28  }
0x34e: {  	[tilespmem:s26+$0xCF20] =	vst.add.f32.msk $0xffff, v29  }
0x34f: {  	[tilespmem:s26+$0xCF30] =	vst.add.f32.msk $0xffff, v30  }
0x350: {  	[tilespmem:s26+$0xCF40] =	vst.add.f32.msk $0xffff, v31  }
0x351: {  	[tilespmem:s26+$0xCF50] =	vst.add.f32.msk $0xffff, v32  }
0x352: {  	[tilespmem:s26+$0xCF60] =	vst.add.f32.msk $0xffff, v33  }
0x353: {  	[tilespmem:s26+$0xCF70] =	vst.add.f32.msk $0xffff, v34  }
0x354: {  	[tilespmem:s26+$0xD300] =	vst.add.f32.msk $0xffff, v35  }
0x355: {  	[tilespmem:s26+$0xD310] =	vst.add.f32.msk $0xffff, v36  }
0x356: {  	[tilespmem:s26+$0xD320] =	vst.add.f32.msk $0xffff, v37  }
0x357: {  	[tilespmem:s26+$0xD330] =	vst.add.f32.msk $0xffff, v38  }
0x358: {  	[tilespmem:s26+$0xD340] =	vst.add.f32.msk $0xffff, v39  }
0x359: {  	[tilespmem:s26+$0xD350] =	vst.add.f32.msk $0xffff, v40  }
0x35a: {  	[tilespmem:s26+$0xD360] =	vst.add.f32.msk $0xffff, v41  }
.Ltmp2:
0x35b: {  	[tilespmem:s26+$0xD370] =	vst.add.f32.msk $0xffff, v42;
	(pc) =	sbr.rel @p0 .LBB2_6-.Ltmp2, $4  }
0x35c: {  	[tilespmem:s26+$0xD700] =	vst.add.f32.msk $0xffff, v43  }
0x35d: {  	[tilespmem:s26+$0xD710] =	vst.add.f32.msk $0xffff, v44  }
0x35e: {  	[tilespmem:s26+$0xD720] =	vst.add.f32.msk $0xffff, v45  }
0x35f: {  	s29 =	sshrl.u32 s28, $0x3;
	s28 =	sadd.s32 $0x1, s28;
	[tilespmem:s26+$0xD730] =	vst.add.f32.msk $0xffff, v46  }
0x360: {  	s28 =	smul.u32 $0x1800, s29;
	[tilespmem:s26+$0xD740] =	vst.add.f32.msk $0xffff, v2;
	s25 =	sadd.s32 $0x80, s25  }
0x361: {  	[tilespmem:s26+$0xD750] =	vst.add.f32.msk $0xffff, v1;
	s25 =	sand.u32 $0x380, s25  }
0x362: {  	[tilespmem:s26+$0xD760] =	vst.add.f32.msk $0xffff, v0;
	s25 =	sor.u32 s25, s28  }
0x363: {  	v0 =	vld [tilespmem:s25+$0x1470]  }
0x364: {  	v1 =	vld [tilespmem:s25+$0x0]  }
0x365: {  	v2 =	vld [tilespmem:s25+$0x10]  }
0x366: {  	v3 =	vld [tilespmem:s25+$0x20]  }
0x367: {  	v4 =	vld [tilespmem:s25+$0x30]  }
0x368: {  	v5 =	vld [tilespmem:s25+$0x50]  }
0x369: {  	v6 =	vld [tilespmem:s25+$0x60]  }
0x36a: {  	v7 =	vld [tilespmem:s25+$0x70]  }
0x36b: {  	v8 =	vld [tilespmem:s25+$0x400]  }
0x36c: {  	v9 =	vld [tilespmem:s25+$0x410]  }
0x36d: {  	v10 =	vld [tilespmem:s25+$0x420]  }
0x36e: {  	v11 =	vld [tilespmem:s25+$0x430]  }
0x36f: {  	v12 =	vld [tilespmem:s25+$0x440]  }
0x370: {  	v13 =	vld [tilespmem:s25+$0x450]  }
0x371: {  	v14 =	vld [tilespmem:s25+$0x460]  }
0x372: {  	v15 =	vld [tilespmem:s25+$0x470]  }
0x373: {  	v16 =	vld [tilespmem:s25+$0x800]  }
0x374: {  	v17 =	vld [tilespmem:s25+$0x810]  }
0x375: {  	v18 =	vld [tilespmem:s25+$0x820]  }
0x376: {  	v19 =	vld [tilespmem:s25+$0x830]  }
0x377: {  	v20 =	vld [tilespmem:s25+$0x840]  }
0x378: {  	v21 =	vld [tilespmem:s25+$0x850]  }
0x379: {  	v22 =	vld [tilespmem:s25+$0x860]  }
0x37a: {  	v23 =	vld [tilespmem:s25+$0x870]  }
0x37b: {  	v24 =	vld [tilespmem:s25+$0xC00]  }
0x37c: {  	v25 =	vld [tilespmem:s25+$0xC10]  }
0x37d: {  	v26 =	vld [tilespmem:s25+$0xC20]  }
0x37e: {  	v27 =	vld [tilespmem:s25+$0xC30]  }
0x37f: {  	v28 =	vld [tilespmem:s25+$0xC40]  }
0x380: {  	v29 =	vld [tilespmem:s25+$0xC50]  }
0x381: {  	v30 =	vld [tilespmem:s25+$0xC60]  }
0x382: {  	v31 =	vld [tilespmem:s25+$0xC70]  }
0x383: {  	v32 =	vld [tilespmem:s25+$0x1000]  }
0x384: {  	v33 =	vld [tilespmem:s25+$0x1010]  }
0x385: {  	v34 =	vld [tilespmem:s25+$0x1020]  }
0x386: {  	v35 =	vld [tilespmem:s25+$0x1030]  }
0x387: {  	v36 =	vld [tilespmem:s25+$0x1040]  }
0x388: {  	v37 =	vld [tilespmem:s25+$0x1050]  }
0x389: {  	v38 =	vld [tilespmem:s25+$0x1060]  }
0x38a: {  	v39 =	vld [tilespmem:s25+$0x1070]  }
0x38b: {  	v40 =	vld [tilespmem:s25+$0x1400]  }
0x38c: {  	v41 =	vld [tilespmem:s25+$0x1410]  }
0x38d: {  	v42 =	vld [tilespmem:s25+$0x1420]  }
0x38e: {  	v43 =	vld [tilespmem:s25+$0x1430]  }
0x38f: {  	v44 =	vld [tilespmem:s25+$0x1440]  }
0x390: {  	v45 =	vld [tilespmem:s25+$0x1450]  }
0x391: {  	v46 =	vld [tilespmem:s25+$0x1460]  }
0x392: {  	[tilespmem:s25+$0xD770] =	vst.add.f32.msk $0xffff, v0  }
0x393: {  	v0 =	vld [tilespmem:s25+$0x40]  }
0x394: {  	[tilespmem:s25+$0xC300] =	vst.add.f32.msk $0xffff, v1  }
0x395: {  	[tilespmem:s25+$0xC310] =	vst.add.f32.msk $0xffff, v2  }
0x396: {  	[tilespmem:s25+$0xC320] =	vst.add.f32.msk $0xffff, v3  }
0x397: {  	[tilespmem:s25+$0xC330] =	vst.add.f32.msk $0xffff, v4  }
0x398: {  	[tilespmem:s25+$0xC350] =	vst.add.f32.msk $0xffff, v5  }
0x399: {  	[tilespmem:s25+$0xC360] =	vst.add.f32.msk $0xffff, v6  }
0x39a: {  	[tilespmem:s25+$0xC370] =	vst.add.f32.msk $0xffff, v7  }
0x39b: {  	[tilespmem:s25+$0xC700] =	vst.add.f32.msk $0xffff, v8  }
0x39c: {  	[tilespmem:s25+$0xC710] =	vst.add.f32.msk $0xffff, v9  }
0x39d: {  	[tilespmem:s25+$0xC720] =	vst.add.f32.msk $0xffff, v10  }
0x39e: {  	[tilespmem:s25+$0xC730] =	vst.add.f32.msk $0xffff, v11  }
0x39f: {  	[tilespmem:s25+$0xC740] =	vst.add.f32.msk $0xffff, v12  }
0x3a0: {  	[tilespmem:s25+$0xC750] =	vst.add.f32.msk $0xffff, v13  }
0x3a1: {  	[tilespmem:s25+$0xC760] =	vst.add.f32.msk $0xffff, v14  }
0x3a2: {  	[tilespmem:s25+$0xC770] =	vst.add.f32.msk $0xffff, v15  }
0x3a3: {  	[tilespmem:s25+$0xCB00] =	vst.add.f32.msk $0xffff, v16  }
0x3a4: {  	[tilespmem:s25+$0xCB10] =	vst.add.f32.msk $0xffff, v17  }
0x3a5: {  	[tilespmem:s25+$0xCB20] =	vst.add.f32.msk $0xffff, v18  }
0x3a6: {  	[tilespmem:s25+$0xCB30] =	vst.add.f32.msk $0xffff, v19  }
0x3a7: {  	[tilespmem:s25+$0xCB40] =	vst.add.f32.msk $0xffff, v20  }
0x3a8: {  	[tilespmem:s25+$0xCB50] =	vst.add.f32.msk $0xffff, v21  }
0x3a9: {  	[tilespmem:s25+$0xCB60] =	vst.add.f32.msk $0xffff, v22  }
0x3aa: {  	[tilespmem:s25+$0xCB70] =	vst.add.f32.msk $0xffff, v23  }
0x3ab: {  	[tilespmem:s25+$0xCF00] =	vst.add.f32.msk $0xffff, v24  }
0x3ac: {  	[tilespmem:s25+$0xCF10] =	vst.add.f32.msk $0xffff, v25  }
0x3ad: {  	[tilespmem:s25+$0xCF20] =	vst.add.f32.msk $0xffff, v26  }
0x3ae: {  	[tilespmem:s25+$0xCF30] =	vst.add.f32.msk $0xffff, v27  }
0x3af: {  	[tilespmem:s25+$0xCF40] =	vst.add.f32.msk $0xffff, v28  }
0x3b0: {  	[tilespmem:s25+$0xCF50] =	vst.add.f32.msk $0xffff, v29  }
0x3b1: {  	[tilespmem:s25+$0xCF60] =	vst.add.f32.msk $0xffff, v30  }
0x3b2: {  	[tilespmem:s25+$0xCF70] =	vst.add.f32.msk $0xffff, v31  }
0x3b3: {  	[tilespmem:s25+$0xD300] =	vst.add.f32.msk $0xffff, v32  }
0x3b4: {  	[tilespmem:s25+$0xD310] =	vst.add.f32.msk $0xffff, v33  }
0x3b5: {  	[tilespmem:s25+$0xD320] =	vst.add.f32.msk $0xffff, v34  }
0x3b6: {  	[tilespmem:s25+$0xD330] =	vst.add.f32.msk $0xffff, v35  }
0x3b7: {  	[tilespmem:s25+$0xD340] =	vst.add.f32.msk $0xffff, v36  }
0x3b8: {  	[tilespmem:s25+$0xD350] =	vst.add.f32.msk $0xffff, v37  }
0x3b9: {  	[tilespmem:s25+$0xD360] =	vst.add.f32.msk $0xffff, v38  }
0x3ba: {  	[tilespmem:s25+$0xD370] =	vst.add.f32.msk $0xffff, v39  }
0x3bb: {  	[tilespmem:s25+$0xD700] =	vst.add.f32.msk $0xffff, v40  }
0x3bc: {  	[tilespmem:s25+$0xD710] =	vst.add.f32.msk $0xffff, v41  }
0x3bd: {  	[tilespmem:s25+$0xD720] =	vst.add.f32.msk $0xffff, v42  }
0x3be: {  	[tilespmem:s25+$0xD730] =	vst.add.f32.msk $0xffff, v43  }
0x3bf: {  	[tilespmem:s25+$0xD740] =	vst.add.f32.msk $0xffff, v44  }
0x3c0: {  	[tilespmem:s25+$0xD750] =	vst.add.f32.msk $0xffff, v45  }
0x3c1: {  	[tilespmem:s25+$0xD760] =	vst.add.f32.msk $0xffff, v46  }
0x3c2: {  	[tilespmem:s25+$0xC340] =	vst.add.f32.msk $0xffff, v0;
	s25 =	simm.s32 $0x0  }
0x3c3: {  	[hbm4b:s9+s25] =	stream.linear.scatter [tilespmem:s20], [sflag:$0x4], $0x6000, $0x38;
	[tilespmem:$0x12300] =	vst v63  }
0x3c4: {  	_ =	swait.ge [sflag:s19], $0x6000  }
0x3c5: {  	[sflag:s19] =	ssyncset.done $0x0  }
0x3c6: {  	s31 =	simm.s32 $0x0;
	[sflag:s19] =	ssyncadd.s32 $0xFFFFA000  }
0x3c7: {  	s26 =	smul.u32 $0x1800, s31;
	_ =	swait.ge [sflag:s23], $0x6000  }
0x3c8: {  	s28 =	sand.u32 $0x380, s25;
	[sflag:s23] =	ssyncset.done $0x0  }
0x3c9: {  	s26 =	sor.u32 s28, s26;
	[sflag:s23] =	ssyncadd.s32 $0xFFFFA000  }
0x3ca: {  	[tilespmem:s20], [sflag:$0x2] =	stream.linear.gather [hbm4b:s10+s25], $0x6000, $0x38;
	[tilespmem:$0x12300] =	vst v63  }
0x3cb: {  	v0 =	vld [tilespmem:s26+$0x1470]  }
0x3cc: {  	v3 =	vld [tilespmem:s26+$0x0]  }
0x3cd: {  	v4 =	vld [tilespmem:s26+$0x10]  }
0x3ce: {  	v5 =	vld [tilespmem:s26+$0x20]  }
0x3cf: {  	v6 =	vld [tilespmem:s26+$0x30]  }
0x3d0: {  	v7 =	vld [tilespmem:s26+$0x40]  }
0x3d1: {  	v8 =	vld [tilespmem:s26+$0x50]  }
0x3d2: {  	v9 =	vld [tilespmem:s26+$0x60]  }
0x3d3: {  	v10 =	vld [tilespmem:s26+$0x70]  }
0x3d4: {  	v11 =	vld [tilespmem:s26+$0x400]  }
0x3d5: {  	v12 =	vld [tilespmem:s26+$0x410]  }
0x3d6: {  	v13 =	vld [tilespmem:s26+$0x420]  }
0x3d7: {  	v14 =	vld [tilespmem:s26+$0x430]  }
0x3d8: {  	v15 =	vld [tilespmem:s26+$0x440]  }
0x3d9: {  	v16 =	vld [tilespmem:s26+$0x450]  }
0x3da: {  	v17 =	vld [tilespmem:s26+$0x460]  }
0x3db: {  	v18 =	vld [tilespmem:s26+$0x470]  }
0x3dc: {  	v19 =	vld [tilespmem:s26+$0x800]  }
0x3dd: {  	v20 =	vld [tilespmem:s26+$0x810]  }
0x3de: {  	v21 =	vld [tilespmem:s26+$0x820]  }
0x3df: {  	v22 =	vld [tilespmem:s26+$0x830]  }
0x3e0: {  	v23 =	vld [tilespmem:s26+$0x840]  }
0x3e1: {  	v24 =	vld [tilespmem:s26+$0x850]  }
0x3e2: {  	v25 =	vld [tilespmem:s26+$0x860]  }
0x3e3: {  	v26 =	vld [tilespmem:s26+$0x870]  }
0x3e4: {  	v27 =	vld [tilespmem:s26+$0xC00]  }
0x3e5: {  	v28 =	vld [tilespmem:s26+$0xC10]  }
0x3e6: {  	v29 =	vld [tilespmem:s26+$0xC20]  }
0x3e7: {  	v30 =	vld [tilespmem:s26+$0xC30]  }
0x3e8: {  	v48 =	vld [tilespmem:s26+$0xC40]  }
0x3e9: {  	v49 =	vld [tilespmem:s26+$0xC50]  }
0x3ea: {  	v50 =	vld [tilespmem:s26+$0xC60]  }
0x3eb: {  	v51 =	vld [tilespmem:s26+$0xC70]  }
0x3ec: {  	v52 =	vld [tilespmem:s26+$0x1000]  }
0x3ed: {  	v53 =	vld [tilespmem:s26+$0x1010]  }
0x3ee: {  	v54 =	vld [tilespmem:s26+$0x1020]  }
0x3ef: {  	v55 =	vld [tilespmem:s26+$0x1030]  }
0x3f0: {  	v56 =	vld [tilespmem:s26+$0x1040]  }
0x3f1: {  	v57 =	vld [tilespmem:s26+$0x1050]  }
0x3f2: {  	v58 =	vld [tilespmem:s26+$0x1060]  }
0x3f3: {  	v59 =	vld [tilespmem:s26+$0x1070]  }
0x3f4: {  	v60 =	vld [tilespmem:s26+$0x1400]  }
0x3f5: {  	v61 =	vld [tilespmem:s26+$0x1410]  }
0x3f6: {  	v62 =	vld [tilespmem:s26+$0x1420]  }
0x3f7: {  	v63 =	vld [tilespmem:s26+$0x1430]  }
0x3f8: {  	v2 =	vld [tilespmem:s26+$0x1440]  }
0x3f9: {  	v1 =	vld [tilespmem:s26+$0x1450]  }
0x3fa: {  	[tilespmem:s26+$0x7770] =	vst.add.f32.msk $0xffff, v0  }
0x3fb: {  	v0 =	vld [tilespmem:s26+$0x1460]  }
0x3fc: {  	[tilespmem:s26+$0x6300] =	vst.add.f32.msk $0xffff, v3  }
0x3fd: {  	[tilespmem:s26+$0x6310] =	vst.add.f32.msk $0xffff, v4  }
0x3fe: {  	[tilespmem:s26+$0x6320] =	vst.add.f32.msk $0xffff, v5  }
0x3ff: {  	[tilespmem:s26+$0x6330] =	vst.add.f32.msk $0xffff, v6  }
0x400: {  	[tilespmem:s26+$0x6340] =	vst.add.f32.msk $0xffff, v7  }
0x401: {  	[tilespmem:s26+$0x6350] =	vst.add.f32.msk $0xffff, v8  }
0x402: {  	[tilespmem:s26+$0x6360] =	vst.add.f32.msk $0xffff, v9  }
0x403: {  	[tilespmem:s26+$0x6370] =	vst.add.f32.msk $0xffff, v10  }
0x404: {  	[tilespmem:s26+$0x6700] =	vst.add.f32.msk $0xffff, v11  }
0x405: {  	[tilespmem:s26+$0x6710] =	vst.add.f32.msk $0xffff, v12  }
0x406: {  	[tilespmem:s26+$0x6720] =	vst.add.f32.msk $0xffff, v13  }
0x407: {  	[tilespmem:s26+$0x6730] =	vst.add.f32.msk $0xffff, v14  }
0x408: {  	[tilespmem:s26+$0x6740] =	vst.add.f32.msk $0xffff, v15  }
0x409: {  	[tilespmem:s26+$0x6750] =	vst.add.f32.msk $0xffff, v16  }
0x40a: {  	[tilespmem:s26+$0x6760] =	vst.add.f32.msk $0xffff, v17  }
0x40b: {  	[tilespmem:s26+$0x6770] =	vst.add.f32.msk $0xffff, v18  }
0x40c: {  	[tilespmem:s26+$0x6B00] =	vst.add.f32.msk $0xffff, v19  }
0x40d: {  	[tilespmem:s26+$0x6B10] =	vst.add.f32.msk $0xffff, v20  }
0x40e: {  	[tilespmem:s26+$0x6B20] =	vst.add.f32.msk $0xffff, v21  }
0x40f: {  	[tilespmem:s26+$0x6B30] =	vst.add.f32.msk $0xffff, v22  }
0x410: {  	[tilespmem:s26+$0x6B40] =	vst.add.f32.msk $0xffff, v23  }
0x411: {  	[tilespmem:s26+$0x6B50] =	vst.add.f32.msk $0xffff, v24  }
0x412: {  	[tilespmem:s26+$0x6B60] =	vst.add.f32.msk $0xffff, v25  }
0x413: {  	[tilespmem:s26+$0x6B70] =	vst.add.f32.msk $0xffff, v26  }
0x414: {  	[tilespmem:s26+$0x6F00] =	vst.add.f32.msk $0xffff, v27  }
0x415: {  	[tilespmem:s26+$0x6F10] =	vst.add.f32.msk $0xffff, v28  }
0x416: {  	[tilespmem:s26+$0x6F20] =	vst.add.f32.msk $0xffff, v29  }
0x417: {  	[tilespmem:s26+$0x6F30] =	vst.add.f32.msk $0xffff, v30  }
0x418: {  	[tilespmem:s26+$0x6F40] =	vst.add.f32.msk $0xffff, v48  }
0x419: {  	[tilespmem:s26+$0x6F50] =	vst.add.f32.msk $0xffff, v49  }
0x41a: {  	[tilespmem:s26+$0x6F60] =	vst.add.f32.msk $0xffff, v50  }
0x41b: {  	[tilespmem:s26+$0x6F70] =	vst.add.f32.msk $0xffff, v51  }
0x41c: {  	[tilespmem:s26+$0x7300] =	vst.add.f32.msk $0xffff, v52  }
0x41d: {  	[tilespmem:s26+$0x7310] =	vst.add.f32.msk $0xffff, v53  }
0x41e: {  	[tilespmem:s26+$0x7320] =	vst.add.f32.msk $0xffff, v54  }
0x41f: {  	[tilespmem:s26+$0x7330] =	vst.add.f32.msk $0xffff, v55  }
0x420: {  	[tilespmem:s26+$0x7340] =	vst.add.f32.msk $0xffff, v56  }
0x421: {  	[tilespmem:s26+$0x7350] =	vst.add.f32.msk $0xffff, v57  }
0x422: {  	[tilespmem:s26+$0x7360] =	vst.add.f32.msk $0xffff, v58  }
0x423: {  	[tilespmem:s26+$0x7370] =	vst.add.f32.msk $0xffff, v59  }
0x424: {  	[tilespmem:s26+$0x7700] =	vst.add.f32.msk $0xffff, v60  }
0x425: {  	[tilespmem:s26+$0x7710] =	vst.add.f32.msk $0xffff, v61  }
0x426: {  	[tilespmem:s26+$0x7720] =	vst.add.f32.msk $0xffff, v62  }
0x427: {  	s29 =	simm.s32 $0x0;
	s28 =	simm.s32 $0x2;
	[tilespmem:s26+$0x7730] =	vst.add.f32.msk $0xffff, v63  }
.LBB2_8:
0x428: {  	p0 =	sne.s32 s28, $0x1F;
	s29 =	smul.u32 $0x1800, s29;
	[tilespmem:s26+$0x7740] =	vst.add.f32.msk $0xffff, v2;
	s25 =	sadd.s32 $0x80, s25  }
0x429: {  	s30 =	sand.u32 $0x380, s25;
	[tilespmem:s26+$0x7750] =	vst.add.f32.msk $0xffff, v1  }
0x42a: {  	[tilespmem:s26+$0x7760] =	vst.add.f32.msk $0xffff, v0;
	s26 =	sor.u32 s30, s29  }
0x42b: {  	v0 =	vld [tilespmem:s26+$0x1470]  }
0x42c: {  	v3 =	vld [tilespmem:s26+$0x0]  }
0x42d: {  	v4 =	vld [tilespmem:s26+$0x10]  }
0x42e: {  	v5 =	vld [tilespmem:s26+$0x20]  }
0x42f: {  	v6 =	vld [tilespmem:s26+$0x30]  }
0x430: {  	[tilespmem:s26+$0x7770] =	vst.add.f32.msk $0xffff, v0  }
0x431: {  	v7 =	vld [tilespmem:s26+$0x40]  }
0x432: {  	v8 =	vld [tilespmem:s26+$0x50]  }
0x433: {  	v9 =	vld [tilespmem:s26+$0x60]  }
0x434: {  	v10 =	vld [tilespmem:s26+$0x70]  }
0x435: {  	v11 =	vld [tilespmem:s26+$0x400]  }
0x436: {  	v12 =	vld [tilespmem:s26+$0x410]  }
0x437: {  	v13 =	vld [tilespmem:s26+$0x420]  }
0x438: {  	v14 =	vld [tilespmem:s26+$0x430]  }
0x439: {  	v15 =	vld [tilespmem:s26+$0x440]  }
0x43a: {  	v16 =	vld [tilespmem:s26+$0x450]  }
0x43b: {  	v17 =	vld [tilespmem:s26+$0x460]  }
0x43c: {  	v18 =	vld [tilespmem:s26+$0x470]  }
0x43d: {  	v19 =	vld [tilespmem:s26+$0x800]  }
0x43e: {  	v20 =	vld [tilespmem:s26+$0x810]  }
0x43f: {  	v21 =	vld [tilespmem:s26+$0x820]  }
0x440: {  	v22 =	vld [tilespmem:s26+$0x830]  }
0x441: {  	v23 =	vld [tilespmem:s26+$0x840]  }
0x442: {  	v24 =	vld [tilespmem:s26+$0x850]  }
0x443: {  	v25 =	vld [tilespmem:s26+$0x860]  }
0x444: {  	v26 =	vld [tilespmem:s26+$0x870]  }
0x445: {  	v27 =	vld [tilespmem:s26+$0xC00]  }
0x446: {  	v28 =	vld [tilespmem:s26+$0xC10]  }
0x447: {  	v29 =	vld [tilespmem:s26+$0xC20]  }
0x448: {  	v30 =	vld [tilespmem:s26+$0xC30]  }
0x449: {  	v31 =	vld [tilespmem:s26+$0xC40]  }
0x44a: {  	v32 =	vld [tilespmem:s26+$0xC50]  }
0x44b: {  	v33 =	vld [tilespmem:s26+$0xC60]  }
0x44c: {  	v34 =	vld [tilespmem:s26+$0xC70]  }
0x44d: {  	v35 =	vld [tilespmem:s26+$0x1000]  }
0x44e: {  	v36 =	vld [tilespmem:s26+$0x1010]  }
0x44f: {  	v37 =	vld [tilespmem:s26+$0x1020]  }
0x450: {  	v38 =	vld [tilespmem:s26+$0x1030]  }
0x451: {  	v39 =	vld [tilespmem:s26+$0x1040]  }
0x452: {  	v40 =	vld [tilespmem:s26+$0x1050]  }
0x453: {  	v41 =	vld [tilespmem:s26+$0x1060]  }
0x454: {  	v42 =	vld [tilespmem:s26+$0x1070]  }
0x455: {  	v43 =	vld [tilespmem:s26+$0x1400]  }
0x456: {  	v44 =	vld [tilespmem:s26+$0x1410]  }
0x457: {  	v45 =	vld [tilespmem:s26+$0x1420]  }
0x458: {  	v46 =	vld [tilespmem:s26+$0x1430]  }
0x459: {  	v2 =	vld [tilespmem:s26+$0x1440]  }
0x45a: {  	v1 =	vld [tilespmem:s26+$0x1450]  }
0x45b: {  	v0 =	vld [tilespmem:s26+$0x1460]  }
0x45c: {  	[tilespmem:s26+$0x6300] =	vst.add.f32.msk $0xffff, v3  }
0x45d: {  	[tilespmem:s26+$0x6310] =	vst.add.f32.msk $0xffff, v4  }
0x45e: {  	[tilespmem:s26+$0x6320] =	vst.add.f32.msk $0xffff, v5  }
0x45f: {  	[tilespmem:s26+$0x6330] =	vst.add.f32.msk $0xffff, v6  }
0x460: {  	[tilespmem:s26+$0x6340] =	vst.add.f32.msk $0xffff, v7  }
0x461: {  	[tilespmem:s26+$0x6350] =	vst.add.f32.msk $0xffff, v8  }
0x462: {  	[tilespmem:s26+$0x6360] =	vst.add.f32.msk $0xffff, v9  }
0x463: {  	[tilespmem:s26+$0x6370] =	vst.add.f32.msk $0xffff, v10  }
0x464: {  	[tilespmem:s26+$0x6700] =	vst.add.f32.msk $0xffff, v11  }
0x465: {  	[tilespmem:s26+$0x6710] =	vst.add.f32.msk $0xffff, v12  }
0x466: {  	[tilespmem:s26+$0x6720] =	vst.add.f32.msk $0xffff, v13  }
0x467: {  	[tilespmem:s26+$0x6730] =	vst.add.f32.msk $0xffff, v14  }
0x468: {  	[tilespmem:s26+$0x6740] =	vst.add.f32.msk $0xffff, v15  }
0x469: {  	[tilespmem:s26+$0x6750] =	vst.add.f32.msk $0xffff, v16  }
0x46a: {  	[tilespmem:s26+$0x6760] =	vst.add.f32.msk $0xffff, v17  }
0x46b: {  	[tilespmem:s26+$0x6770] =	vst.add.f32.msk $0xffff, v18  }
0x46c: {  	[tilespmem:s26+$0x6B00] =	vst.add.f32.msk $0xffff, v19  }
0x46d: {  	[tilespmem:s26+$0x6B10] =	vst.add.f32.msk $0xffff, v20  }
0x46e: {  	[tilespmem:s26+$0x6B20] =	vst.add.f32.msk $0xffff, v21  }
0x46f: {  	[tilespmem:s26+$0x6B30] =	vst.add.f32.msk $0xffff, v22  }
0x470: {  	[tilespmem:s26+$0x6B40] =	vst.add.f32.msk $0xffff, v23  }
0x471: {  	[tilespmem:s26+$0x6B50] =	vst.add.f32.msk $0xffff, v24  }
0x472: {  	[tilespmem:s26+$0x6B60] =	vst.add.f32.msk $0xffff, v25  }
0x473: {  	[tilespmem:s26+$0x6B70] =	vst.add.f32.msk $0xffff, v26  }
0x474: {  	[tilespmem:s26+$0x6F00] =	vst.add.f32.msk $0xffff, v27  }
0x475: {  	[tilespmem:s26+$0x6F10] =	vst.add.f32.msk $0xffff, v28  }
0x476: {  	[tilespmem:s26+$0x6F20] =	vst.add.f32.msk $0xffff, v29  }
0x477: {  	[tilespmem:s26+$0x6F30] =	vst.add.f32.msk $0xffff, v30  }
0x478: {  	[tilespmem:s26+$0x6F40] =	vst.add.f32.msk $0xffff, v31  }
0x479: {  	[tilespmem:s26+$0x6F50] =	vst.add.f32.msk $0xffff, v32  }
0x47a: {  	[tilespmem:s26+$0x6F60] =	vst.add.f32.msk $0xffff, v33  }
0x47b: {  	[tilespmem:s26+$0x6F70] =	vst.add.f32.msk $0xffff, v34  }
0x47c: {  	[tilespmem:s26+$0x7300] =	vst.add.f32.msk $0xffff, v35  }
0x47d: {  	[tilespmem:s26+$0x7310] =	vst.add.f32.msk $0xffff, v36  }
0x47e: {  	[tilespmem:s26+$0x7320] =	vst.add.f32.msk $0xffff, v37  }
0x47f: {  	[tilespmem:s26+$0x7330] =	vst.add.f32.msk $0xffff, v38  }
0x480: {  	[tilespmem:s26+$0x7340] =	vst.add.f32.msk $0xffff, v39  }
0x481: {  	[tilespmem:s26+$0x7350] =	vst.add.f32.msk $0xffff, v40  }
0x482: {  	[tilespmem:s26+$0x7360] =	vst.add.f32.msk $0xffff, v41  }
.Ltmp3:
0x483: {  	[tilespmem:s26+$0x7370] =	vst.add.f32.msk $0xffff, v42;
	(pc) =	sbr.rel @p0 .LBB2_8-.Ltmp3, $4  }
0x484: {  	[tilespmem:s26+$0x7700] =	vst.add.f32.msk $0xffff, v43  }
0x485: {  	[tilespmem:s26+$0x7710] =	vst.add.f32.msk $0xffff, v44  }
0x486: {  	[tilespmem:s26+$0x7720] =	vst.add.f32.msk $0xffff, v45  }
0x487: {  	s29 =	sshrl.u32 s28, $0x3;
	s28 =	sadd.s32 $0x1, s28;
	[tilespmem:s26+$0x7730] =	vst.add.f32.msk $0xffff, v46  }
0x488: {  	s28 =	smul.u32 $0x1800, s29;
	[tilespmem:s26+$0x7740] =	vst.add.f32.msk $0xffff, v2;
	s25 =	sadd.s32 $0x80, s25  }
0x489: {  	[tilespmem:s26+$0x7750] =	vst.add.f32.msk $0xffff, v1;
	s25 =	sand.u32 $0x380, s25  }
0x48a: {  	[tilespmem:s26+$0x7760] =	vst.add.f32.msk $0xffff, v0;
	s25 =	sor.u32 s25, s28  }
0x48b: {  	v0 =	vld [tilespmem:s25+$0x1470]  }
0x48c: {  	v1 =	vld [tilespmem:s25+$0x0]  }
0x48d: {  	v2 =	vld [tilespmem:s25+$0x10]  }
0x48e: {  	v3 =	vld [tilespmem:s25+$0x20]  }
0x48f: {  	v4 =	vld [tilespmem:s25+$0x30]  }
0x490: {  	v5 =	vld [tilespmem:s25+$0x50]  }
0x491: {  	v6 =	vld [tilespmem:s25+$0x60]  }
0x492: {  	v7 =	vld [tilespmem:s25+$0x70]  }
0x493: {  	v8 =	vld [tilespmem:s25+$0x400]  }
0x494: {  	v9 =	vld [tilespmem:s25+$0x410]  }
0x495: {  	v10 =	vld [tilespmem:s25+$0x420]  }
0x496: {  	v11 =	vld [tilespmem:s25+$0x430]  }
0x497: {  	v12 =	vld [tilespmem:s25+$0x440]  }
0x498: {  	v13 =	vld [tilespmem:s25+$0x450]  }
0x499: {  	v14 =	vld [tilespmem:s25+$0x460]  }
0x49a: {  	v15 =	vld [tilespmem:s25+$0x470]  }
0x49b: {  	v16 =	vld [tilespmem:s25+$0x800]  }
0x49c: {  	v17 =	vld [tilespmem:s25+$0x810]  }
0x49d: {  	v18 =	vld [tilespmem:s25+$0x820]  }
0x49e: {  	v19 =	vld [tilespmem:s25+$0x830]  }
0x49f: {  	v20 =	vld [tilespmem:s25+$0x840]  }
0x4a0: {  	v21 =	vld [tilespmem:s25+$0x850]  }
0x4a1: {  	v22 =	vld [tilespmem:s25+$0x860]  }
0x4a2: {  	v23 =	vld [tilespmem:s25+$0x870]  }
0x4a3: {  	v24 =	vld [tilespmem:s25+$0xC00]  }
0x4a4: {  	v25 =	vld [tilespmem:s25+$0xC10]  }
0x4a5: {  	v26 =	vld [tilespmem:s25+$0xC20]  }
0x4a6: {  	v27 =	vld [tilespmem:s25+$0xC30]  }
0x4a7: {  	v28 =	vld [tilespmem:s25+$0xC40]  }
0x4a8: {  	v29 =	vld [tilespmem:s25+$0xC50]  }
0x4a9: {  	v30 =	vld [tilespmem:s25+$0xC60]  }
0x4aa: {  	v31 =	vld [tilespmem:s25+$0xC70]  }
0x4ab: {  	v32 =	vld [tilespmem:s25+$0x1000]  }
0x4ac: {  	v33 =	vld [tilespmem:s25+$0x1010]  }
0x4ad: {  	v34 =	vld [tilespmem:s25+$0x1020]  }
0x4ae: {  	v35 =	vld [tilespmem:s25+$0x1030]  }
0x4af: {  	v36 =	vld [tilespmem:s25+$0x1040]  }
0x4b0: {  	v37 =	vld [tilespmem:s25+$0x1050]  }
0x4b1: {  	v38 =	vld [tilespmem:s25+$0x1060]  }
0x4b2: {  	v39 =	vld [tilespmem:s25+$0x1070]  }
0x4b3: {  	v40 =	vld [tilespmem:s25+$0x1400]  }
0x4b4: {  	v41 =	vld [tilespmem:s25+$0x1410]  }
0x4b5: {  	v42 =	vld [tilespmem:s25+$0x1420]  }
0x4b6: {  	v43 =	vld [tilespmem:s25+$0x1430]  }
0x4b7: {  	v44 =	vld [tilespmem:s25+$0x1440]  }
0x4b8: {  	v45 =	vld [tilespmem:s25+$0x1450]  }
0x4b9: {  	v46 =	vld [tilespmem:s25+$0x1460]  }
0x4ba: {  	[tilespmem:s25+$0x7770] =	vst.add.f32.msk $0xffff, v0  }
0x4bb: {  	v0 =	vld [tilespmem:s25+$0x40]  }
0x4bc: {  	[tilespmem:s25+$0x6300] =	vst.add.f32.msk $0xffff, v1  }
0x4bd: {  	[tilespmem:s25+$0x6310] =	vst.add.f32.msk $0xffff, v2  }
0x4be: {  	[tilespmem:s25+$0x6320] =	vst.add.f32.msk $0xffff, v3  }
0x4bf: {  	[tilespmem:s25+$0x6330] =	vst.add.f32.msk $0xffff, v4  }
0x4c0: {  	[tilespmem:s25+$0x6350] =	vst.add.f32.msk $0xffff, v5  }
0x4c1: {  	[tilespmem:s25+$0x6360] =	vst.add.f32.msk $0xffff, v6  }
0x4c2: {  	[tilespmem:s25+$0x6370] =	vst.add.f32.msk $0xffff, v7  }
0x4c3: {  	[tilespmem:s25+$0x6700] =	vst.add.f32.msk $0xffff, v8  }
0x4c4: {  	[tilespmem:s25+$0x6710] =	vst.add.f32.msk $0xffff, v9  }
0x4c5: {  	[tilespmem:s25+$0x6720] =	vst.add.f32.msk $0xffff, v10  }
0x4c6: {  	[tilespmem:s25+$0x6730] =	vst.add.f32.msk $0xffff, v11  }
0x4c7: {  	[tilespmem:s25+$0x6740] =	vst.add.f32.msk $0xffff, v12  }
0x4c8: {  	[tilespmem:s25+$0x6750] =	vst.add.f32.msk $0xffff, v13  }
0x4c9: {  	[tilespmem:s25+$0x6760] =	vst.add.f32.msk $0xffff, v14  }
0x4ca: {  	[tilespmem:s25+$0x6770] =	vst.add.f32.msk $0xffff, v15  }
0x4cb: {  	[tilespmem:s25+$0x6B00] =	vst.add.f32.msk $0xffff, v16  }
0x4cc: {  	[tilespmem:s25+$0x6B10] =	vst.add.f32.msk $0xffff, v17  }
0x4cd: {  	[tilespmem:s25+$0x6B20] =	vst.add.f32.msk $0xffff, v18  }
0x4ce: {  	[tilespmem:s25+$0x6B30] =	vst.add.f32.msk $0xffff, v19  }
0x4cf: {  	[tilespmem:s25+$0x6B40] =	vst.add.f32.msk $0xffff, v20  }
0x4d0: {  	[tilespmem:s25+$0x6B50] =	vst.add.f32.msk $0xffff, v21  }
0x4d1: {  	[tilespmem:s25+$0x6B60] =	vst.add.f32.msk $0xffff, v22  }
0x4d2: {  	[tilespmem:s25+$0x6B70] =	vst.add.f32.msk $0xffff, v23  }
0x4d3: {  	[tilespmem:s25+$0x6F00] =	vst.add.f32.msk $0xffff, v24  }
0x4d4: {  	[tilespmem:s25+$0x6F10] =	vst.add.f32.msk $0xffff, v25  }
0x4d5: {  	[tilespmem:s25+$0x6F20] =	vst.add.f32.msk $0xffff, v26  }
0x4d6: {  	[tilespmem:s25+$0x6F30] =	vst.add.f32.msk $0xffff, v27  }
0x4d7: {  	[tilespmem:s25+$0x6F40] =	vst.add.f32.msk $0xffff, v28  }
0x4d8: {  	[tilespmem:s25+$0x6F50] =	vst.add.f32.msk $0xffff, v29  }
0x4d9: {  	[tilespmem:s25+$0x6F60] =	vst.add.f32.msk $0xffff, v30  }
0x4da: {  	[tilespmem:s25+$0x6F70] =	vst.add.f32.msk $0xffff, v31  }
0x4db: {  	[tilespmem:s25+$0x7300] =	vst.add.f32.msk $0xffff, v32  }
0x4dc: {  	[tilespmem:s25+$0x7310] =	vst.add.f32.msk $0xffff, v33  }
0x4dd: {  	[tilespmem:s25+$0x7320] =	vst.add.f32.msk $0xffff, v34  }
0x4de: {  	[tilespmem:s25+$0x7330] =	vst.add.f32.msk $0xffff, v35  }
0x4df: {  	[tilespmem:s25+$0x7340] =	vst.add.f32.msk $0xffff, v36  }
0x4e0: {  	[tilespmem:s25+$0x7350] =	vst.add.f32.msk $0xffff, v37  }
0x4e1: {  	[tilespmem:s25+$0x7360] =	vst.add.f32.msk $0xffff, v38  }
0x4e2: {  	[tilespmem:s25+$0x7370] =	vst.add.f32.msk $0xffff, v39  }
0x4e3: {  	[tilespmem:s25+$0x7700] =	vst.add.f32.msk $0xffff, v40  }
0x4e4: {  	[tilespmem:s25+$0x7710] =	vst.add.f32.msk $0xffff, v41  }
0x4e5: {  	[tilespmem:s25+$0x7720] =	vst.add.f32.msk $0xffff, v42  }
0x4e6: {  	[tilespmem:s25+$0x7730] =	vst.add.f32.msk $0xffff, v43  }
0x4e7: {  	[tilespmem:s25+$0x7740] =	vst.add.f32.msk $0xffff, v44  }
0x4e8: {  	[tilespmem:s25+$0x7750] =	vst.add.f32.msk $0xffff, v45  }
0x4e9: {  	[tilespmem:s25+$0x7760] =	vst.add.f32.msk $0xffff, v46  }
0x4ea: {  	s31 =	simm.s32 $0x0;
	[tilespmem:s25+$0x6340] =	vst.add.f32.msk $0xffff, v0;
	s25 =	simm.s32 $0x0  }
0x4eb: {  	[hbm4b:s11+s25] =	stream.linear.scatter [tilespmem:s18], [sflag:$0x3], $0x6000, $0x38;
	[tilespmem:$0x12300] =	vst v63  }
0x4ec: {  	s26 =	smul.u32 $0x1800, s31;
	_ =	swait.ge [sflag:s21], $0x6000  }
0x4ed: {  	s28 =	sand.u32 $0x380, s25;
	[sflag:s21] =	ssyncset.done $0x0  }
0x4ee: {  	s26 =	sor.u32 s28, s26;
	[sflag:s21] =	ssyncadd.s32 $0xFFFFA000  }
0x4ef: {  	v0 =	vld [tilespmem:s26+$0x1470]  }
0x4f0: {  	v3 =	vld [tilespmem:s26+$0x0]  }
0x4f1: {  	v4 =	vld [tilespmem:s26+$0x10]  }
0x4f2: {  	v5 =	vld [tilespmem:s26+$0x20]  }
0x4f3: {  	v6 =	vld [tilespmem:s26+$0x30]  }
0x4f4: {  	v7 =	vld [tilespmem:s26+$0x40]  }
0x4f5: {  	v8 =	vld [tilespmem:s26+$0x50]  }
0x4f6: {  	v9 =	vld [tilespmem:s26+$0x60]  }
0x4f7: {  	v10 =	vld [tilespmem:s26+$0x70]  }
0x4f8: {  	v11 =	vld [tilespmem:s26+$0x400]  }
0x4f9: {  	v12 =	vld [tilespmem:s26+$0x410]  }
0x4fa: {  	v13 =	vld [tilespmem:s26+$0x420]  }
0x4fb: {  	v14 =	vld [tilespmem:s26+$0x430]  }
0x4fc: {  	v15 =	vld [tilespmem:s26+$0x440]  }
0x4fd: {  	v16 =	vld [tilespmem:s26+$0x450]  }
0x4fe: {  	v17 =	vld [tilespmem:s26+$0x460]  }
0x4ff: {  	v18 =	vld [tilespmem:s26+$0x470]  }
0x500: {  	v19 =	vld [tilespmem:s26+$0x800]  }
0x501: {  	v20 =	vld [tilespmem:s26+$0x810]  }
0x502: {  	v21 =	vld [tilespmem:s26+$0x820]  }
0x503: {  	v22 =	vld [tilespmem:s26+$0x830]  }
0x504: {  	v23 =	vld [tilespmem:s26+$0x840]  }
0x505: {  	v24 =	vld [tilespmem:s26+$0x850]  }
0x506: {  	v25 =	vld [tilespmem:s26+$0x860]  }
0x507: {  	v26 =	vld [tilespmem:s26+$0x870]  }
0x508: {  	v27 =	vld [tilespmem:s26+$0xC00]  }
0x509: {  	v28 =	vld [tilespmem:s26+$0xC10]  }
0x50a: {  	v29 =	vld [tilespmem:s26+$0xC20]  }
0x50b: {  	v30 =	vld [tilespmem:s26+$0xC30]  }
0x50c: {  	v48 =	vld [tilespmem:s26+$0xC40]  }
0x50d: {  	v49 =	vld [tilespmem:s26+$0xC50]  }
0x50e: {  	v50 =	vld [tilespmem:s26+$0xC60]  }
0x50f: {  	v51 =	vld [tilespmem:s26+$0xC70]  }
0x510: {  	v52 =	vld [tilespmem:s26+$0x1000]  }
0x511: {  	v53 =	vld [tilespmem:s26+$0x1010]  }
0x512: {  	v54 =	vld [tilespmem:s26+$0x1020]  }
0x513: {  	v55 =	vld [tilespmem:s26+$0x1030]  }
0x514: {  	v56 =	vld [tilespmem:s26+$0x1040]  }
0x515: {  	v57 =	vld [tilespmem:s26+$0x1050]  }
0x516: {  	v58 =	vld [tilespmem:s26+$0x1060]  }
0x517: {  	v59 =	vld [tilespmem:s26+$0x1070]  }
0x518: {  	v60 =	vld [tilespmem:s26+$0x1400]  }
0x519: {  	v61 =	vld [tilespmem:s26+$0x1410]  }
0x51a: {  	v62 =	vld [tilespmem:s26+$0x1420]  }
0x51b: {  	v63 =	vld [tilespmem:s26+$0x1430]  }
0x51c: {  	v2 =	vld [tilespmem:s26+$0x1440]  }
0x51d: {  	v1 =	vld [tilespmem:s26+$0x1450]  }
0x51e: {  	[tilespmem:s26+$0xD770] =	vst.add.f32.msk $0xffff, v0  }
0x51f: {  	v0 =	vld [tilespmem:s26+$0x1460]  }
0x520: {  	[tilespmem:s26+$0xC300] =	vst.add.f32.msk $0xffff, v3  }
0x521: {  	[tilespmem:s26+$0xC310] =	vst.add.f32.msk $0xffff, v4  }
0x522: {  	[tilespmem:s26+$0xC320] =	vst.add.f32.msk $0xffff, v5  }
0x523: {  	[tilespmem:s26+$0xC330] =	vst.add.f32.msk $0xffff, v6  }
0x524: {  	[tilespmem:s26+$0xC340] =	vst.add.f32.msk $0xffff, v7  }
0x525: {  	[tilespmem:s26+$0xC350] =	vst.add.f32.msk $0xffff, v8  }
0x526: {  	[tilespmem:s26+$0xC360] =	vst.add.f32.msk $0xffff, v9  }
0x527: {  	[tilespmem:s26+$0xC370] =	vst.add.f32.msk $0xffff, v10  }
0x528: {  	[tilespmem:s26+$0xC700] =	vst.add.f32.msk $0xffff, v11  }
0x529: {  	[tilespmem:s26+$0xC710] =	vst.add.f32.msk $0xffff, v12  }
0x52a: {  	[tilespmem:s26+$0xC720] =	vst.add.f32.msk $0xffff, v13  }
0x52b: {  	[tilespmem:s26+$0xC730] =	vst.add.f32.msk $0xffff, v14  }
0x52c: {  	[tilespmem:s26+$0xC740] =	vst.add.f32.msk $0xffff, v15  }
0x52d: {  	[tilespmem:s26+$0xC750] =	vst.add.f32.msk $0xffff, v16  }
0x52e: {  	[tilespmem:s26+$0xC760] =	vst.add.f32.msk $0xffff, v17  }
0x52f: {  	[tilespmem:s26+$0xC770] =	vst.add.f32.msk $0xffff, v18  }
0x530: {  	[tilespmem:s26+$0xCB00] =	vst.add.f32.msk $0xffff, v19  }
0x531: {  	[tilespmem:s26+$0xCB10] =	vst.add.f32.msk $0xffff, v20  }
0x532: {  	[tilespmem:s26+$0xCB20] =	vst.add.f32.msk $0xffff, v21  }
0x533: {  	[tilespmem:s26+$0xCB30] =	vst.add.f32.msk $0xffff, v22  }
0x534: {  	[tilespmem:s26+$0xCB40] =	vst.add.f32.msk $0xffff, v23  }
0x535: {  	[tilespmem:s26+$0xCB50] =	vst.add.f32.msk $0xffff, v24  }
0x536: {  	[tilespmem:s26+$0xCB60] =	vst.add.f32.msk $0xffff, v25  }
0x537: {  	[tilespmem:s26+$0xCB70] =	vst.add.f32.msk $0xffff, v26  }
0x538: {  	[tilespmem:s26+$0xCF00] =	vst.add.f32.msk $0xffff, v27  }
0x539: {  	[tilespmem:s26+$0xCF10] =	vst.add.f32.msk $0xffff, v28  }
0x53a: {  	[tilespmem:s26+$0xCF20] =	vst.add.f32.msk $0xffff, v29  }
0x53b: {  	[tilespmem:s26+$0xCF30] =	vst.add.f32.msk $0xffff, v30  }
0x53c: {  	[tilespmem:s26+$0xCF40] =	vst.add.f32.msk $0xffff, v48  }
0x53d: {  	[tilespmem:s26+$0xCF50] =	vst.add.f32.msk $0xffff, v49  }
0x53e: {  	[tilespmem:s26+$0xCF60] =	vst.add.f32.msk $0xffff, v50  }
0x53f: {  	[tilespmem:s26+$0xCF70] =	vst.add.f32.msk $0xffff, v51  }
0x540: {  	[tilespmem:s26+$0xD300] =	vst.add.f32.msk $0xffff, v52  }
0x541: {  	[tilespmem:s26+$0xD310] =	vst.add.f32.msk $0xffff, v53  }
0x542: {  	[tilespmem:s26+$0xD320] =	vst.add.f32.msk $0xffff, v54  }
0x543: {  	[tilespmem:s26+$0xD330] =	vst.add.f32.msk $0xffff, v55  }
0x544: {  	[tilespmem:s26+$0xD340] =	vst.add.f32.msk $0xffff, v56  }
0x545: {  	[tilespmem:s26+$0xD350] =	vst.add.f32.msk $0xffff, v57  }
0x546: {  	[tilespmem:s26+$0xD360] =	vst.add.f32.msk $0xffff, v58  }
0x547: {  	[tilespmem:s26+$0xD370] =	vst.add.f32.msk $0xffff, v59  }
0x548: {  	[tilespmem:s26+$0xD700] =	vst.add.f32.msk $0xffff, v60  }
0x549: {  	[tilespmem:s26+$0xD710] =	vst.add.f32.msk $0xffff, v61  }
0x54a: {  	[tilespmem:s26+$0xD720] =	vst.add.f32.msk $0xffff, v62  }
0x54b: {  	s29 =	simm.s32 $0x0;
	s28 =	simm.s32 $0x2;
	[tilespmem:s26+$0xD730] =	vst.add.f32.msk $0xffff, v63  }
.LBB2_10:
0x54c: {  	p0 =	sne.s32 s28, $0x1F;
	s29 =	smul.u32 $0x1800, s29;
	[tilespmem:s26+$0xD740] =	vst.add.f32.msk $0xffff, v2;
	s25 =	sadd.s32 $0x80, s25  }
0x54d: {  	s30 =	sand.u32 $0x380, s25;
	[tilespmem:s26+$0xD750] =	vst.add.f32.msk $0xffff, v1  }
0x54e: {  	[tilespmem:s26+$0xD760] =	vst.add.f32.msk $0xffff, v0;
	s26 =	sor.u32 s30, s29  }
0x54f: {  	v0 =	vld [tilespmem:s26+$0x1470]  }
0x550: {  	v3 =	vld [tilespmem:s26+$0x0]  }
0x551: {  	v4 =	vld [tilespmem:s26+$0x10]  }
0x552: {  	v5 =	vld [tilespmem:s26+$0x20]  }
0x553: {  	v6 =	vld [tilespmem:s26+$0x30]  }
0x554: {  	[tilespmem:s26+$0xD770] =	vst.add.f32.msk $0xffff, v0  }
0x555: {  	v7 =	vld [tilespmem:s26+$0x40]  }
0x556: {  	v8 =	vld [tilespmem:s26+$0x50]  }
0x557: {  	v9 =	vld [tilespmem:s26+$0x60]  }
0x558: {  	v10 =	vld [tilespmem:s26+$0x70]  }
0x559: {  	v11 =	vld [tilespmem:s26+$0x400]  }
0x55a: {  	v12 =	vld [tilespmem:s26+$0x410]  }
0x55b: {  	v13 =	vld [tilespmem:s26+$0x420]  }
0x55c: {  	v14 =	vld [tilespmem:s26+$0x430]  }
0x55d: {  	v15 =	vld [tilespmem:s26+$0x440]  }
0x55e: {  	v16 =	vld [tilespmem:s26+$0x450]  }
0x55f: {  	v17 =	vld [tilespmem:s26+$0x460]  }
0x560: {  	v18 =	vld [tilespmem:s26+$0x470]  }
0x561: {  	v19 =	vld [tilespmem:s26+$0x800]  }
0x562: {  	v20 =	vld [tilespmem:s26+$0x810]  }
0x563: {  	v21 =	vld [tilespmem:s26+$0x820]  }
0x564: {  	v22 =	vld [tilespmem:s26+$0x830]  }
0x565: {  	v23 =	vld [tilespmem:s26+$0x840]  }
0x566: {  	v24 =	vld [tilespmem:s26+$0x850]  }
0x567: {  	v25 =	vld [tilespmem:s26+$0x860]  }
0x568: {  	v26 =	vld [tilespmem:s26+$0x870]  }
0x569: {  	v27 =	vld [tilespmem:s26+$0xC00]  }
0x56a: {  	v28 =	vld [tilespmem:s26+$0xC10]  }
0x56b: {  	v29 =	vld [tilespmem:s26+$0xC20]  }
0x56c: {  	v30 =	vld [tilespmem:s26+$0xC30]  }
0x56d: {  	v31 =	vld [tilespmem:s26+$0xC40]  }
0x56e: {  	v32 =	vld [tilespmem:s26+$0xC50]  }
0x56f: {  	v33 =	vld [tilespmem:s26+$0xC60]  }
0x570: {  	v34 =	vld [tilespmem:s26+$0xC70]  }
0x571: {  	v35 =	vld [tilespmem:s26+$0x1000]  }
0x572: {  	v36 =	vld [tilespmem:s26+$0x1010]  }
0x573: {  	v37 =	vld [tilespmem:s26+$0x1020]  }
0x574: {  	v38 =	vld [tilespmem:s26+$0x1030]  }
0x575: {  	v39 =	vld [tilespmem:s26+$0x1040]  }
0x576: {  	v40 =	vld [tilespmem:s26+$0x1050]  }
0x577: {  	v41 =	vld [tilespmem:s26+$0x1060]  }
0x578: {  	v42 =	vld [tilespmem:s26+$0x1070]  }
0x579: {  	v43 =	vld [tilespmem:s26+$0x1400]  }
0x57a: {  	v44 =	vld [tilespmem:s26+$0x1410]  }
0x57b: {  	v45 =	vld [tilespmem:s26+$0x1420]  }
0x57c: {  	v46 =	vld [tilespmem:s26+$0x1430]  }
0x57d: {  	v2 =	vld [tilespmem:s26+$0x1440]  }
0x57e: {  	v1 =	vld [tilespmem:s26+$0x1450]  }
0x57f: {  	v0 =	vld [tilespmem:s26+$0x1460]  }
0x580: {  	[tilespmem:s26+$0xC300] =	vst.add.f32.msk $0xffff, v3  }
0x581: {  	[tilespmem:s26+$0xC310] =	vst.add.f32.msk $0xffff, v4  }
0x582: {  	[tilespmem:s26+$0xC320] =	vst.add.f32.msk $0xffff, v5  }
0x583: {  	[tilespmem:s26+$0xC330] =	vst.add.f32.msk $0xffff, v6  }
0x584: {  	[tilespmem:s26+$0xC340] =	vst.add.f32.msk $0xffff, v7  }
0x585: {  	[tilespmem:s26+$0xC350] =	vst.add.f32.msk $0xffff, v8  }
0x586: {  	[tilespmem:s26+$0xC360] =	vst.add.f32.msk $0xffff, v9  }
0x587: {  	[tilespmem:s26+$0xC370] =	vst.add.f32.msk $0xffff, v10  }
0x588: {  	[tilespmem:s26+$0xC700] =	vst.add.f32.msk $0xffff, v11  }
0x589: {  	[tilespmem:s26+$0xC710] =	vst.add.f32.msk $0xffff, v12  }
0x58a: {  	[tilespmem:s26+$0xC720] =	vst.add.f32.msk $0xffff, v13  }
0x58b: {  	[tilespmem:s26+$0xC730] =	vst.add.f32.msk $0xffff, v14  }
0x58c: {  	[tilespmem:s26+$0xC740] =	vst.add.f32.msk $0xffff, v15  }
0x58d: {  	[tilespmem:s26+$0xC750] =	vst.add.f32.msk $0xffff, v16  }
0x58e: {  	[tilespmem:s26+$0xC760] =	vst.add.f32.msk $0xffff, v17  }
0x58f: {  	[tilespmem:s26+$0xC770] =	vst.add.f32.msk $0xffff, v18  }
0x590: {  	[tilespmem:s26+$0xCB00] =	vst.add.f32.msk $0xffff, v19  }
0x591: {  	[tilespmem:s26+$0xCB10] =	vst.add.f32.msk $0xffff, v20  }
0x592: {  	[tilespmem:s26+$0xCB20] =	vst.add.f32.msk $0xffff, v21  }
0x593: {  	[tilespmem:s26+$0xCB30] =	vst.add.f32.msk $0xffff, v22  }
0x594: {  	[tilespmem:s26+$0xCB40] =	vst.add.f32.msk $0xffff, v23  }
0x595: {  	[tilespmem:s26+$0xCB50] =	vst.add.f32.msk $0xffff, v24  }
0x596: {  	[tilespmem:s26+$0xCB60] =	vst.add.f32.msk $0xffff, v25  }
0x597: {  	[tilespmem:s26+$0xCB70] =	vst.add.f32.msk $0xffff, v26  }
0x598: {  	[tilespmem:s26+$0xCF00] =	vst.add.f32.msk $0xffff, v27  }
0x599: {  	[tilespmem:s26+$0xCF10] =	vst.add.f32.msk $0xffff, v28  }
0x59a: {  	[tilespmem:s26+$0xCF20] =	vst.add.f32.msk $0xffff, v29  }
0x59b: {  	[tilespmem:s26+$0xCF30] =	vst.add.f32.msk $0xffff, v30  }
0x59c: {  	[tilespmem:s26+$0xCF40] =	vst.add.f32.msk $0xffff, v31  }
0x59d: {  	[tilespmem:s26+$0xCF50] =	vst.add.f32.msk $0xffff, v32  }
0x59e: {  	[tilespmem:s26+$0xCF60] =	vst.add.f32.msk $0xffff, v33  }
0x59f: {  	[tilespmem:s26+$0xCF70] =	vst.add.f32.msk $0xffff, v34  }
0x5a0: {  	[tilespmem:s26+$0xD300] =	vst.add.f32.msk $0xffff, v35  }
0x5a1: {  	[tilespmem:s26+$0xD310] =	vst.add.f32.msk $0xffff, v36  }
0x5a2: {  	[tilespmem:s26+$0xD320] =	vst.add.f32.msk $0xffff, v37  }
0x5a3: {  	[tilespmem:s26+$0xD330] =	vst.add.f32.msk $0xffff, v38  }
0x5a4: {  	[tilespmem:s26+$0xD340] =	vst.add.f32.msk $0xffff, v39  }
0x5a5: {  	[tilespmem:s26+$0xD350] =	vst.add.f32.msk $0xffff, v40  }
0x5a6: {  	[tilespmem:s26+$0xD360] =	vst.add.f32.msk $0xffff, v41  }
.Ltmp4:
0x5a7: {  	[tilespmem:s26+$0xD370] =	vst.add.f32.msk $0xffff, v42;
	(pc) =	sbr.rel @p0 .LBB2_10-.Ltmp4, $4  }
0x5a8: {  	[tilespmem:s26+$0xD700] =	vst.add.f32.msk $0xffff, v43  }
0x5a9: {  	[tilespmem:s26+$0xD710] =	vst.add.f32.msk $0xffff, v44  }
0x5aa: {  	[tilespmem:s26+$0xD720] =	vst.add.f32.msk $0xffff, v45  }
0x5ab: {  	s29 =	sshrl.u32 s28, $0x3;
	s28 =	sadd.s32 $0x1, s28;
	[tilespmem:s26+$0xD730] =	vst.add.f32.msk $0xffff, v46  }
0x5ac: {  	s28 =	smul.u32 $0x1800, s29;
	[tilespmem:s26+$0xD740] =	vst.add.f32.msk $0xffff, v2;
	s25 =	sadd.s32 $0x80, s25  }
0x5ad: {  	[tilespmem:s26+$0xD750] =	vst.add.f32.msk $0xffff, v1;
	s25 =	sand.u32 $0x380, s25  }
0x5ae: {  	[tilespmem:s26+$0xD760] =	vst.add.f32.msk $0xffff, v0;
	s25 =	sor.u32 s25, s28  }
0x5af: {  	v0 =	vld [tilespmem:s25+$0x1470]  }
0x5b0: {  	v1 =	vld [tilespmem:s25+$0x0]  }
0x5b1: {  	v2 =	vld [tilespmem:s25+$0x10]  }
0x5b2: {  	v3 =	vld [tilespmem:s25+$0x20]  }
0x5b3: {  	v4 =	vld [tilespmem:s25+$0x30]  }
0x5b4: {  	v63 =	vld [tilespmem:s25+$0x40]  }
0x5b5: {  	v5 =	vld [tilespmem:s25+$0x50]  }
0x5b6: {  	v6 =	vld [tilespmem:s25+$0x60]  }
0x5b7: {  	v7 =	vld [tilespmem:s25+$0x70]  }
0x5b8: {  	v8 =	vld [tilespmem:s25+$0x400]  }
0x5b9: {  	v9 =	vld [tilespmem:s25+$0x410]  }
0x5ba: {  	v10 =	vld [tilespmem:s25+$0x420]  }
0x5bb: {  	v11 =	vld [tilespmem:s25+$0x430]  }
0x5bc: {  	v12 =	vld [tilespmem:s25+$0x440]  }
0x5bd: {  	v13 =	vld [tilespmem:s25+$0x450]  }
0x5be: {  	v14 =	vld [tilespmem:s25+$0x460]  }
0x5bf: {  	v15 =	vld [tilespmem:s25+$0x470]  }
0x5c0: {  	v16 =	vld [tilespmem:s25+$0x800]  }
0x5c1: {  	v17 =	vld [tilespmem:s25+$0x810]  }
0x5c2: {  	v18 =	vld [tilespmem:s25+$0x820]  }
0x5c3: {  	v19 =	vld [tilespmem:s25+$0x830]  }
0x5c4: {  	v20 =	vld [tilespmem:s25+$0x840]  }
0x5c5: {  	v21 =	vld [tilespmem:s25+$0x850]  }
0x5c6: {  	v22 =	vld [tilespmem:s25+$0x860]  }
0x5c7: {  	v23 =	vld [tilespmem:s25+$0x870]  }
0x5c8: {  	v24 =	vld [tilespmem:s25+$0xC00]  }
0x5c9: {  	v25 =	vld [tilespmem:s25+$0xC10]  }
0x5ca: {  	v26 =	vld [tilespmem:s25+$0xC20]  }
0x5cb: {  	v27 =	vld [tilespmem:s25+$0xC30]  }
0x5cc: {  	v28 =	vld [tilespmem:s25+$0xC40]  }
0x5cd: {  	v29 =	vld [tilespmem:s25+$0xC50]  }
0x5ce: {  	v30 =	vld [tilespmem:s25+$0xC60]  }
0x5cf: {  	v31 =	vld [tilespmem:s25+$0xC70]  }
0x5d0: {  	v32 =	vld [tilespmem:s25+$0x1000]  }
0x5d1: {  	v33 =	vld [tilespmem:s25+$0x1010]  }
0x5d2: {  	v34 =	vld [tilespmem:s25+$0x1020]  }
0x5d3: {  	v35 =	vld [tilespmem:s25+$0x1030]  }
0x5d4: {  	v36 =	vld [tilespmem:s25+$0x1040]  }
0x5d5: {  	v37 =	vld [tilespmem:s25+$0x1050]  }
0x5d6: {  	v38 =	vld [tilespmem:s25+$0x1060]  }
0x5d7: {  	v39 =	vld [tilespmem:s25+$0x1070]  }
0x5d8: {  	v40 =	vld [tilespmem:s25+$0x1400]  }
0x5d9: {  	v41 =	vld [tilespmem:s25+$0x1410]  }
0x5da: {  	v42 =	vld [tilespmem:s25+$0x1420]  }
0x5db: {  	v43 =	vld [tilespmem:s25+$0x1430]  }
0x5dc: {  	v44 =	vld [tilespmem:s25+$0x1440]  }
0x5dd: {  	v45 =	vld [tilespmem:s25+$0x1450]  }
0x5de: {  	v46 =	vld [tilespmem:s25+$0x1460]  }
0x5df: {  	[tilespmem:s25+$0xD770] =	vst.add.f32.msk $0xffff, v0  }
0x5e0: {  	[tilespmem:s25+$0xC300] =	vst.add.f32.msk $0xffff, v1  }
0x5e1: {  	[tilespmem:s25+$0xC310] =	vst.add.f32.msk $0xffff, v2  }
0x5e2: {  	[tilespmem:s25+$0xC320] =	vst.add.f32.msk $0xffff, v3  }
0x5e3: {  	[tilespmem:s25+$0xC330] =	vst.add.f32.msk $0xffff, v4  }
0x5e4: {  	[tilespmem:s25+$0xC340] =	vst.add.f32.msk $0xffff, v63  }
0x5e5: {  	[tilespmem:s25+$0xC350] =	vst.add.f32.msk $0xffff, v5  }
0x5e6: {  	[tilespmem:s25+$0xC360] =	vst.add.f32.msk $0xffff, v6  }
0x5e7: {  	[tilespmem:s25+$0xC370] =	vst.add.f32.msk $0xffff, v7  }
0x5e8: {  	[tilespmem:s25+$0xC700] =	vst.add.f32.msk $0xffff, v8  }
0x5e9: {  	[tilespmem:s25+$0xC710] =	vst.add.f32.msk $0xffff, v9  }
0x5ea: {  	[tilespmem:s25+$0xC720] =	vst.add.f32.msk $0xffff, v10  }
0x5eb: {  	[tilespmem:s25+$0xC730] =	vst.add.f32.msk $0xffff, v11  }
0x5ec: {  	[tilespmem:s25+$0xC740] =	vst.add.f32.msk $0xffff, v12  }
0x5ed: {  	[tilespmem:s25+$0xC750] =	vst.add.f32.msk $0xffff, v13  }
0x5ee: {  	[tilespmem:s25+$0xC760] =	vst.add.f32.msk $0xffff, v14  }
0x5ef: {  	[tilespmem:s25+$0xC770] =	vst.add.f32.msk $0xffff, v15  }
0x5f0: {  	[tilespmem:s25+$0xCB00] =	vst.add.f32.msk $0xffff, v16  }
0x5f1: {  	[tilespmem:s25+$0xCB10] =	vst.add.f32.msk $0xffff, v17  }
0x5f2: {  	[tilespmem:s25+$0xCB20] =	vst.add.f32.msk $0xffff, v18  }
0x5f3: {  	[tilespmem:s25+$0xCB30] =	vst.add.f32.msk $0xffff, v19  }
0x5f4: {  	[tilespmem:s25+$0xCB40] =	vst.add.f32.msk $0xffff, v20  }
0x5f5: {  	[tilespmem:s25+$0xCB50] =	vst.add.f32.msk $0xffff, v21  }
0x5f6: {  	[tilespmem:s25+$0xCB60] =	vst.add.f32.msk $0xffff, v22  }
0x5f7: {  	[tilespmem:s25+$0xCB70] =	vst.add.f32.msk $0xffff, v23  }
0x5f8: {  	[tilespmem:s25+$0xCF00] =	vst.add.f32.msk $0xffff, v24  }
0x5f9: {  	[tilespmem:s25+$0xCF10] =	vst.add.f32.msk $0xffff, v25  }
0x5fa: {  	[tilespmem:s25+$0xCF20] =	vst.add.f32.msk $0xffff, v26  }
0x5fb: {  	[tilespmem:s25+$0xCF30] =	vst.add.f32.msk $0xffff, v27  }
0x5fc: {  	[tilespmem:s25+$0xCF40] =	vst.add.f32.msk $0xffff, v28  }
0x5fd: {  	[tilespmem:s25+$0xCF50] =	vst.add.f32.msk $0xffff, v29  }
0x5fe: {  	[tilespmem:s25+$0xCF60] =	vst.add.f32.msk $0xffff, v30  }
0x5ff: {  	[tilespmem:s25+$0xCF70] =	vst.add.f32.msk $0xffff, v31  }
0x600: {  	[tilespmem:s25+$0xD300] =	vst.add.f32.msk $0xffff, v32  }
0x601: {  	[tilespmem:s25+$0xD310] =	vst.add.f32.msk $0xffff, v33  }
0x602: {  	[tilespmem:s25+$0xD320] =	vst.add.f32.msk $0xffff, v34  }
0x603: {  	[tilespmem:s25+$0xD330] =	vst.add.f32.msk $0xffff, v35  }
0x604: {  	[tilespmem:s25+$0xD340] =	vst.add.f32.msk $0xffff, v36  }
0x605: {  	[tilespmem:s25+$0xD350] =	vst.add.f32.msk $0xffff, v37  }
0x606: {  	[tilespmem:s25+$0xD360] =	vst.add.f32.msk $0xffff, v38  }
0x607: {  	[tilespmem:s25+$0xD370] =	vst.add.f32.msk $0xffff, v39  }
0x608: {  	[tilespmem:s25+$0xD700] =	vst.add.f32.msk $0xffff, v40  }
0x609: {  	[tilespmem:s25+$0xD710] =	vst.add.f32.msk $0xffff, v41  }
0x60a: {  	[tilespmem:s25+$0xD720] =	vst.add.f32.msk $0xffff, v42  }
0x60b: {  	[tilespmem:s25+$0xD730] =	vst.add.f32.msk $0xffff, v43  }
0x60c: {  	[tilespmem:s25+$0xD740] =	vst.add.f32.msk $0xffff, v44  }
0x60d: {  	[tilespmem:s25+$0xD750] =	vst.add.f32.msk $0xffff, v45  }
0x60e: {  	s24 =	sadd.s32 $0x1, s24;
	[tilespmem:s25+$0xD760] =	vst.add.f32.msk $0xffff, v46  }
0x60f: {  	[hbm4b:s12+s3] =	stream.linear.scatter [tilespmem:s20], [sflag:$0x4], $0x6000, $0x38;
	[tilespmem:$0x12300] =	vst v63  }
0x610: {  	p0 =	sne.s32 s24, s13;
	_ =	swait.ge [sflag:s22], $0x6000  }
.Ltmp5:
0x611: {  	[sflag:s22] =	ssyncset.done $0x0;
	(pc) =	sbr.rel @p0 .LBB2_1-.Ltmp5, $4  }
0x612: {  	[sflag:s22] =	ssyncadd.s32 $0xFFFFA000  }
0x613: {  	_ =	swait.ge [sflag:s23], $0x6000  }
0x614: {  	[sflag:s23] =	ssyncset.done $0x0  }
0x615: {  	[sflag:s23] =	ssyncadd.s32 $0xFFFFA000  }
0x616: {  	_ =	sfence.sel $0x180000  }
0x617: {  	[bflag:$0x0] =	sbarrier.arrive $0xFFFF  }
0x618: {  	p0 =	sne.s32 s1, $0x0;
	_ =	strace $0x90000047  }
0x619: {  	s0 =	sadd.s32 @!p0 $0x100000, s0;
	[bflag:$0x2] =	sbarrier.arrive $0xFFFF  }
0x61a: {  	[sflag:s0] =	ssyncadd.tile.s32 @!p0 $0x1;
	_ =	shalt  }
.Lfunc_end2:
_tile_overlayer_lowered:
.L_overlay_start_2:
0x61b: {  	(tag) =	ssettag $0x2  }
0x61c: {  	s0 =	rddreg [dreg:$0x0];
	s2 =	stileid.u32  }
0x61d: {  	s1 =	rddreg [dreg:$0x1];
	p0 =	sne.s32 s2, $0x0  }
0x61e: {  	s3 =	rddreg [dreg:$0x2];
	[bflag:$0x3] =	sbarrier.arrive $0xFFFF;
	s2 =	simm.s32 @!p0 $0x1C05  }
0x61f: {  	[timem:s3], [sflag:s2] =	dma.local @!p0 [hbm:s0], s1  }
0x620: {  	s0 =	simm.s32 @!p0 $0x5  }
0x621: {  	_ =	swait.ge @!p0 [sflag:s0], s1  }
0x622: {  	s1 =	ssub.s32 @!p0 $0x0, s1;
	[sflag:s0] =	ssyncset.done @!p0 $0x0  }
0x623: {  	[sflag:s0] =	ssyncadd.s32 @!p0 s1  }
0x624: {  	[bflag:$0x3] =	sbarrier.arrive $0xFFFF  }
0x625: {  	_ =	shalt  }

</sc_bundles>
